<compile_context>
chip_gen: v7x
topology: tpu7x:2x2x1
jax: 0.10.2.dev20260603
libtpu: 0.0.44.dev20260713+nightly
codegen_flags: <defaults>
</compile_context>

<pallas_src>
import functools

import jax
import jax.numpy as jnp
from jax import lax
from jax.experimental import pallas as pl
from jax.experimental.pallas import tpu as pltpu
from jax.experimental.pallas import tpu_sc as plsc

_VOCAB = 1000000
_D = 64
_B = 4096
_T = 200
_N = _B * _T
_NC = 2
_NS = 16
_NW = _NC * _NS
_PER_W = _N // _NW
_CH = 320
_NCH = _PER_W // _CH
_NB = 4
_SCALE = 8.0

_mesh = plsc.VectorSubcoreMesh(core_axis_name="c", subcore_axis_name="s")


@functools.partial(
    pl.kernel,
    mesh=_mesh,
    out_type=jax.ShapeDtypeStruct((_N, 2 * _D), jnp.float32),
    scratch_types=(
        [pltpu.VMEM((_PER_W,), jnp.int32)]
        + [pltpu.VMEM((_CH, _D), jnp.float32)] * _NB
        + [pltpu.SemaphoreType.DMA] * (2 * _NB)
    ),
    compiler_params=pltpu.CompilerParams(
        use_tc_tiling_on_sc=False, needs_layout_passes=False
    ),
)
def _embed(idx_hbm, table_hbm, out_hbm, idx_v, *scratch):
    bufs = scratch[:_NB]
    gsems = scratch[_NB:2 * _NB]
    ssems = scratch[2 * _NB:]

    wid = lax.axis_index("s") * _NC + lax.axis_index("c")
    base = wid * _PER_W
    pltpu.sync_copy(idx_hbm.at[pl.ds(base, _PER_W)], idx_v)

    def gather_desc(c, b):
        src = table_hbm.at[idx_v.at[pl.ds(c * _CH, _CH)]]
        return pltpu.make_async_copy(src, bufs[b], gsems[b])

    def store_desc(c, b):
        dst = out_hbm.at[pl.ds(base + c * _CH, _CH), pl.ds(0, _D)]
        return pltpu.make_async_copy(bufs[b], dst, ssems[b])

    def scale(b):
        buf = bufs[b]

        def row(r, carry):
            for k in range(_D // 16):
                sl = (r, pl.ds(16 * k, 16))
                buf[sl] = buf[sl] * _SCALE
            return carry

        lax.fori_loop(0, _CH, row, 0, unroll=8)

    def head(c, b):
        gather_desc(c, b).wait()
        scale(b)
        store_desc(c, b).start()

    def tail(c, b):
        nb = (b + 2) % _NB
        store_desc(c - 2, nb).wait()
        gather_desc(c + 2, nb).start()

    gather_desc(0, 0).start()
    gather_desc(1, 1).start()
    head(0, 0)
    gather_desc(2, 2).start()
    head(1, 1)
    gather_desc(3, 3).start()
    head(2, 2)
    tail(2, 2)
    head(3, 3)
    tail(3, 3)

    def step(o, carry):
        c0 = o * _NB
        for u in range(_NB):
            head(c0 + u, u)
            tail(c0 + u, u)
        return carry

    lax.fori_loop(1, _NCH // _NB - 1, step, 0, unroll=False)

    head(_NCH - 4, 0)
    tail(_NCH - 4, 0)
    head(_NCH - 3, 1)
    tail(_NCH - 3, 1)
    head(_NCH - 2, 2)
    head(_NCH - 1, 3)
    store_desc(_NCH - 4, 0).wait()
    store_desc(_NCH - 3, 1).wait()
    store_desc(_NCH - 2, 2).wait()
    store_desc(_NCH - 1, 3).wait()


def kernel(x, table):
    idx = x.reshape(_N)
    outp = _embed(idx, table)
    return outp[:, :_D].reshape(_B, _T, _D)

# --- scband reference (transcript-rebuilt; emitter-appended) ---
"""Pipeline reference for scband-embedding-layer-47605417509461 (READ-ONLY COPY).

The authoritative reference and input builder live on the scoring server;
editing this copy changes nothing except your own understanding.
"""

import jax, jax.numpy as jnp
import numpy as np

VOCAB = 1000000
EMBED_DIM = 64
B = 4096
T = 200

def setup_inputs(seed: int = 0) -> dict:
    key = jax.random.key(seed)
    k1, k2 = jax.random.split(key)
    x = jax.random.randint(k1, (B, T), 0, VOCAB, dtype=jnp.int64) if jax.config.jax_enable_x64 else jax.random.randint(k1, (B, T), 0, VOCAB, dtype=jnp.int32)
    table = jax.random.normal(k2, (VOCAB, EMBED_DIM), dtype=jnp.float32)
    return {"x": x, "table": table}

def reference(x, table):
    # EmbeddingLayer.forward: embed = Embedding(x) * sqrt(embed_dim)
    emb = jnp.take(table, x, axis=0)  # [B, T, C] gather
    embedded = emb * jnp.sqrt(jnp.asarray(EMBED_DIM, dtype=jnp.float32))
    return embedded

if __name__ == "__main__":
    import jax
    _d = setup_inputs()
    print(jax.jit(kernel)(*tuple(_d.values())))

</pallas_src>

<mosaic_0001>
#map = affine_map<(d0, d1) -> (0)>
#map1 = affine_map<(d0, d1) -> (0, 0)>
module attributes {stable_mosaic.version = 14 : i64} {
  func.func @_embed(%arg0: i32, %arg1: i32, %arg2: memref<819200xi32, #tpu.memory_space<hbm>>, %arg3: memref<1000000x64xf32, #tpu.memory_space<hbm>>, %arg4: memref<819200x128xf32, #tpu.memory_space<hbm>>, %arg5: memref<25600xi32, #tpu.memory_space<vmem>>, %arg6: memref<320x64xf32, #tpu.memory_space<vmem>>, %arg7: memref<320x64xf32, #tpu.memory_space<vmem>>, %arg8: memref<320x64xf32, #tpu.memory_space<vmem>>, %arg9: memref<320x64xf32, #tpu.memory_space<vmem>>, %arg10: memref<!tpu.dma_semaphore, #tpu.memory_space<semaphore_mem>>, %arg11: memref<!tpu.dma_semaphore, #tpu.memory_space<semaphore_mem>>, %arg12: memref<!tpu.dma_semaphore, #tpu.memory_space<semaphore_mem>>, %arg13: memref<!tpu.dma_semaphore, #tpu.memory_space<semaphore_mem>>, %arg14: memref<!tpu.dma_semaphore, #tpu.memory_space<semaphore_mem>>, %arg15: memref<!tpu.dma_semaphore, #tpu.memory_space<semaphore_mem>>, %arg16: memref<!tpu.dma_semaphore, #tpu.memory_space<semaphore_mem>>, %arg17: memref<!tpu.dma_semaphore, #tpu.memory_space<semaphore_mem>>) attributes {dimension_semantics = [#tpu.dimension_semantics<core_parallel>, #tpu.dimension_semantics<subcore_parallel>], iteration_bounds = array<i64: 2, 16>, scalar_prefetch = 0 : i64, scratch_operands = 13 : i64, tpu.core_type = #tpu.core_type<sc_vector_subcore>, window_params = [{transform_indices = #map}, {transform_indices = #map1}, {transform_indices = #map1}]} {
    %mul3A = arith.constant 2 : i32
    %mul3A_0 = arith.muli %arg1, %mul3A : i32
    %add3A = arith.addi %mul3A_0, %arg0 : i32
    %mul3A_1 = arith.constant 25600 : i32
    %mul3A_2 = arith.muli %add3A, %mul3A_1 : i32
    "tpu.region"() ({
      %run_scoped3A = tpu.sem_alloc : memref<!tpu.dma_semaphore, #tpu.memory_space<semaphore_mem>>
      %dma_start3A_230 = tpu.memref_slice %arg2[%mul3A_2] : memref<819200xi32, #tpu.memory_space<hbm>> -> memref<25600xi32, #tpu.memory_space<hbm>>
      %dma_start3A_231 = tpu.memref_slice %arg2[%mul3A_2] : memref<819200xi32, #tpu.memory_space<hbm>> -> memref<25600xi32, #tpu.memory_space<hbm>>
      tpu.enqueue_dma source(%dma_start3A_231 : memref<25600xi32, #tpu.memory_space<hbm>>) target(%arg5 : memref<25600xi32, #tpu.memory_space<vmem>>) target_semaphore(%run_scoped3A : memref<!tpu.dma_semaphore, #tpu.memory_space<semaphore_mem>>)
      %dma_wait3A_232 = tpu.memref_slice %arg2[%mul3A_2] : memref<819200xi32, #tpu.memory_space<hbm>> -> memref<25600xi32, #tpu.memory_space<hbm>>
      %dma_wait3A_233 = tpu.memref_slice %arg2[%mul3A_2] : memref<819200xi32, #tpu.memory_space<hbm>> -> memref<25600xi32, #tpu.memory_space<hbm>>
      tpu.wait_dma2 semaphore(%run_scoped3A : memref<!tpu.dma_semaphore, #tpu.memory_space<semaphore_mem>>) src(%dma_wait3A_233 : memref<25600xi32, #tpu.memory_space<hbm>>) dst(%arg5 : memref<25600xi32, #tpu.memory_space<vmem>>)
      tpu.yield
    }) : () -> ()
    %dma_start3A = arith.constant 0 : i32
    %dma_start3A_3 = tpu.memref_slice %arg5[%dma_start3A] : memref<25600xi32, #tpu.memory_space<vmem>> -> memref<320xi32, #tpu.memory_space<vmem>>
    %dma_start3A_4 = arith.constant 0 : i32
    %dma_start3A_5 = arith.constant 0 : i32
    %dma_start3A_6 = tpu.memref_slice %arg3[%dma_start3A_4, %dma_start3A_5] : memref<1000000x64xf32, #tpu.memory_space<hbm>> -> memref<1000000x64xf32, #tpu.memory_space<hbm>>
    tpu.enqueue_indirect_dma source(%dma_start3A_6 : memref<1000000x64xf32, #tpu.memory_space<hbm>>) target(%arg6 : memref<320x64xf32, #tpu.memory_space<vmem>>) offsets(%dma_start3A_3 : memref<320xi32, #tpu.memory_space<vmem>>) semaphore(%arg10 : memref<!tpu.dma_semaphore, #tpu.memory_space<semaphore_mem>>)
    %dma_start3A_7 = arith.constant 320 : i32
    %dma_start3A_8 = tpu.memref_slice %arg5[%dma_start3A_7] : memref<25600xi32, #tpu.memory_space<vmem>> -> memref<320xi32, #tpu.memory_space<vmem>>
    %dma_start3A_9 = arith.constant 0 : i32
    %dma_start3A_10 = arith.constant 0 : i32
    %dma_start3A_11 = tpu.memref_slice %arg3[%dma_start3A_9, %dma_start3A_10] : memref<1000000x64xf32, #tpu.memory_space<hbm>> -> memref<1000000x64xf32, #tpu.memory_space<hbm>>
    tpu.enqueue_indirect_dma source(%dma_start3A_11 : memref<1000000x64xf32, #tpu.memory_space<hbm>>) target(%arg7 : memref<320x64xf32, #tpu.memory_space<vmem>>) offsets(%dma_start3A_8 : memref<320xi32, #tpu.memory_space<vmem>>) semaphore(%arg11 : memref<!tpu.dma_semaphore, #tpu.memory_space<semaphore_mem>>)
    %dma_wait3A = arith.constant 0 : i32
    %dma_wait3A_12 = tpu.memref_slice %arg5[%dma_wait3A] : memref<25600xi32, #tpu.memory_space<vmem>> -> memref<320xi32, #tpu.memory_space<vmem>>
    %dma_wait3A_13 = arith.constant 0 : i32
    %dma_wait3A_14 = arith.constant 0 : i32
    %dma_wait3A_15 = tpu.memref_slice %arg3[%dma_wait3A_13, %dma_wait3A_14] : memref<1000000x64xf32, #tpu.memory_space<hbm>> -> memref<1000000x64xf32, #tpu.memory_space<hbm>>
    tpu.wait_indirect_dma semaphore(%arg10 : memref<!tpu.dma_semaphore, #tpu.memory_space<semaphore_mem>>) src(%dma_wait3A_15 : memref<1000000x64xf32, #tpu.memory_space<hbm>>) dst(%arg6 : memref<320x64xf32, #tpu.memory_space<vmem>>)
    %scan3A = arith.constant 0 : i32
    %scan3A_16 = arith.constant 0 : i32
    %scan3A_17 = arith.constant 320 : i32
    %scan3A_18 = arith.addi %scan3A_16, %scan3A_17 : i32
    %scan3A_19 = arith.constant 8 : i32
    scf.for %scan3A_230 = %scan3A_16 to %scan3A_18 step %scan3A_19  : i32 {
      %get3A = arith.index_cast %scan3A_230 : i32 to index
      %get3A_231 = arith.constant 0 : index
      %get3A_232 = tpu.vector_load %arg6[%get3A, %get3A_231] {strides = array<i32>} : memref<320x64xf32, #tpu.memory_space<vmem>>, vector<16xf32>,
      %mul3A_233 = arith.constant 8.000000e+00 : f32
      %mul3A_234 = vector.broadcast %mul3A_233 : f32 to vector<16xf32>
      %mul3A_235 = arith.mulf %get3A_232, %mul3A_234 : vector<16xf32>
      %swap3A = arith.index_cast %scan3A_230 : i32 to index
      %swap3A_236 = arith.constant 0 : index
      %swap3A_237 = tpu.vector_load %arg6[%swap3A, %swap3A_236] {strides = array<i32>} : memref<320x64xf32, #tpu.memory_space<vmem>>, vector<16xf32>,
      tpu.vector_store %arg6[%swap3A, %swap3A_236], %mul3A_235 {strides = array<i32>} : memref<320x64xf32, #tpu.memory_space<vmem>>, vector<16xf32>,
      %get3A_238 = arith.index_cast %scan3A_230 : i32 to index
      %get3A_239 = arith.constant 16 : index
      %get3A_240 = tpu.vector_load %arg6[%get3A_238, %get3A_239] {strides = array<i32>} : memref<320x64xf32, #tpu.memory_space<vmem>>, vector<16xf32>,
      %mul3A_241 = arith.constant 8.000000e+00 : f32
      %mul3A_242 = vector.broadcast %mul3A_241 : f32 to vector<16xf32>
      %mul3A_243 = arith.mulf %get3A_240, %mul3A_242 : vector<16xf32>
      %swap3A_244 = arith.index_cast %scan3A_230 : i32 to index
      %swap3A_245 = arith.constant 16 : index
      %swap3A_246 = tpu.vector_load %arg6[%swap3A_244, %swap3A_245] {strides = array<i32>} : memref<320x64xf32, #tpu.memory_space<vmem>>, vector<16xf32>,
      tpu.vector_store %arg6[%swap3A_244, %swap3A_245], %mul3A_243 {strides = array<i32>} : memref<320x64xf32, #tpu.memory_space<vmem>>, vector<16xf32>,
      %get3A_247 = arith.index_cast %scan3A_230 : i32 to index
      %get3A_248 = arith.constant 32 : index
      %get3A_249 = tpu.vector_load %arg6[%get3A_247, %get3A_248] {strides = array<i32>} : memref<320x64xf32, #tpu.memory_space<vmem>>, vector<16xf32>,
      %mul3A_250 = arith.constant 8.000000e+00 : f32
      %mul3A_251 = vector.broadcast %mul3A_250 : f32 to vector<16xf32>
      %mul3A_252 = arith.mulf %get3A_249, %mul3A_251 : vector<16xf32>
      %swap3A_253 = arith.index_cast %scan3A_230 : i32 to index
      %swap3A_254 = arith.constant 32 : index
      %swap3A_255 = tpu.vector_load %arg6[%swap3A_253, %swap3A_254] {strides = array<i32>} : memref<320x64xf32, #tpu.memory_space<vmem>>, vector<16xf32>,
      tpu.vector_store %arg6[%swap3A_253, %swap3A_254], %mul3A_252 {strides = array<i32>} : memref<320x64xf32, #tpu.memory_space<vmem>>, vector<16xf32>,
      %get3A_256 = arith.index_cast %scan3A_230 : i32 to index
      %get3A_257 = arith.constant 48 : index
      %get3A_258 = tpu.vector_load %arg6[%get3A_256, %get3A_257] {strides = array<i32>} : memref<320x64xf32, #tpu.memory_space<vmem>>, vector<16xf32>,
      %mul3A_259 = arith.constant 8.000000e+00 : f32
      %mul3A_260 = vector.broadcast %mul3A_259 : f32 to vector<16xf32>
      %mul3A_261 = arith.mulf %get3A_258, %mul3A_260 : vector<16xf32>
      %swap3A_262 = arith.index_cast %scan3A_230 : i32 to index
      %swap3A_263 = arith.constant 48 : index
      %swap3A_264 = tpu.vector_load %arg6[%swap3A_262, %swap3A_263] {strides = array<i32>} : memref<320x64xf32, #tpu.memory_space<vmem>>, vector<16xf32>,
      tpu.vector_store %arg6[%swap3A_262, %swap3A_263], %mul3A_261 {strides = array<i32>} : memref<320x64xf32, #tpu.memory_space<vmem>>, vector<16xf32>,
      %scan3A_265 = arith.constant 1 : i32
      %scan3A_266 = arith.addi %scan3A_230, %scan3A_265 : i32
      %get3A_267 = arith.index_cast %scan3A_266 : i32 to index
      %get3A_268 = arith.constant 0 : index
      %get3A_269 = tpu.vector_load %arg6[%get3A_267, %get3A_268] {strides = array<i32>} : memref<320x64xf32, #tpu.memory_space<vmem>>, vector<16xf32>,
      %mul3A_270 = arith.constant 8.000000e+00 : f32
      %mul3A_271 = vector.broadcast %mul3A_270 : f32 to vector<16xf32>
      %mul3A_272 = arith.mulf %get3A_269, %mul3A_271 : vector<16xf32>
      %swap3A_273 = arith.index_cast %scan3A_266 : i32 to index
      %swap3A_274 = arith.constant 0 : index
      %swap3A_275 = tpu.vector_load %arg6[%swap3A_273, %swap3A_274] {strides = array<i32>} : memref<320x64xf32, #tpu.memory_space<vmem>>, vector<16xf32>,
      tpu.vector_store %arg6[%swap3A_273, %swap3A_274], %mul3A_272 {strides = array<i32>} : memref<320x64xf32, #tpu.memory_space<vmem>>, vector<16xf32>,
      %get3A_276 = arith.index_cast %scan3A_266 : i32 to index
      %get3A_277 = arith.constant 16 : index
      %get3A_278 = tpu.vector_load %arg6[%get3A_276, %get3A_277] {strides = array<i32>} : memref<320x64xf32, #tpu.memory_space<vmem>>, vector<16xf32>,
      %mul3A_279 = arith.constant 8.000000e+00 : f32
      %mul3A_280 = vector.broadcast %mul3A_279 : f32 to vector<16xf32>
      %mul3A_281 = arith.mulf %get3A_278, %mul3A_280 : vector<16xf32>
      %swap3A_282 = arith.index_cast %scan3A_266 : i32 to index
      %swap3A_283 = arith.constant 16 : index
      %swap3A_284 = tpu.vector_load %arg6[%swap3A_282, %swap3A_283] {strides = array<i32>} : memref<320x64xf32, #tpu.memory_space<vmem>>, vector<16xf32>,
      tpu.vector_store %arg6[%swap3A_282, %swap3A_283], %mul3A_281 {strides = array<i32>} : memref<320x64xf32, #tpu.memory_space<vmem>>, vector<16xf32>,
      %get3A_285 = arith.index_cast %scan3A_266 : i32 to index
      %get3A_286 = arith.constant 32 : index
      %get3A_287 = tpu.vector_load %arg6[%get3A_285, %get3A_286] {strides = array<i32>} : memref<320x64xf32, #tpu.memory_space<vmem>>, vector<16xf32>,
      %mul3A_288 = arith.constant 8.000000e+00 : f32
      %mul3A_289 = vector.broadcast %mul3A_288 : f32 to vector<16xf32>
      %mul3A_290 = arith.mulf %get3A_287, %mul3A_289 : vector<16xf32>
      %swap3A_291 = arith.index_cast %scan3A_266 : i32 to index
      %swap3A_292 = arith.constant 32 : index
      %swap3A_293 = tpu.vector_load %arg6[%swap3A_291, %swap3A_292] {strides = array<i32>} : memref<320x64xf32, #tpu.memory_space<vmem>>, vector<16xf32>,
      tpu.vector_store %arg6[%swap3A_291, %swap3A_292], %mul3A_290 {strides = array<i32>} : memref<320x64xf32, #tpu.memory_space<vmem>>, vector<16xf32>,
      %get3A_294 = arith.index_cast %scan3A_266 : i32 to index
      %get3A_295 = arith.constant 48 : index
      %get3A_296 = tpu.vector_load %arg6[%get3A_294, %get3A_295] {strides = array<i32>} : memref<320x64xf32, #tpu.memory_space<vmem>>, vector<16xf32>,
      %mul3A_297 = arith.constant 8.000000e+00 : f32
      %mul3A_298 = vector.broadcast %mul3A_297 : f32 to vector<16xf32>
      %mul3A_299 = arith.mulf %get3A_296, %mul3A_298 : vector<16xf32>
      %swap3A_300 = arith.index_cast %scan3A_266 : i32 to index
      %swap3A_301 = arith.constant 48 : index
      %swap3A_302 = tpu.vector_load %arg6[%swap3A_300, %swap3A_301] {strides = array<i32>} : memref<320x64xf32, #tpu.memory_space<vmem>>, vector<16xf32>,
      tpu.vector_store %arg6[%swap3A_300, %swap3A_301], %mul3A_299 {strides = array<i32>} : memref<320x64xf32, #tpu.memory_space<vmem>>, vector<16xf32>,
      %scan3A_303 = arith.constant 2 : i32
      %scan3A_304 = arith.addi %scan3A_230, %scan3A_303 : i32
      %get3A_305 = arith.index_cast %scan3A_304 : i32 to index
      %get3A_306 = arith.constant 0 : index
      %get3A_307 = tpu.vector_load %arg6[%get3A_305, %get3A_306] {strides = array<i32>} : memref<320x64xf32, #tpu.memory_space<vmem>>, vector<16xf32>,
      %mul3A_308 = arith.constant 8.000000e+00 : f32
      %mul3A_309 = vector.broadcast %mul3A_308 : f32 to vector<16xf32>
      %mul3A_310 = arith.mulf %get3A_307, %mul3A_309 : vector<16xf32>
      %swap3A_311 = arith.index_cast %scan3A_304 : i32 to index
      %swap3A_312 = arith.constant 0 : index
      %swap3A_313 = tpu.vector_load %arg6[%swap3A_311, %swap3A_312] {strides = array<i32>} : memref<320x64xf32, #tpu.memory_space<vmem>>, vector<16xf32>,
      tpu.vector_store %arg6[%swap3A_311, %swap3A_312], %mul3A_310 {strides = array<i32>} : memref<320x64xf32, #tpu.memory_space<vmem>>, vector<16xf32>,
      %get3A_314 = arith.index_cast %scan3A_304 : i32 to index
      %get3A_315 = arith.constant 16 : index
      %get3A_316 = tpu.vector_load %arg6[%get3A_314, %get3A_315] {strides = array<i32>} : memref<320x64xf32, #tpu.memory_space<vmem>>, vector<16xf32>,
      %mul3A_317 = arith.constant 8.000000e+00 : f32
      %mul3A_318 = vector.broadcast %mul3A_317 : f32 to vector<16xf32>
      %mul3A_319 = arith.mulf %get3A_316, %mul3A_318 : vector<16xf32>
      %swap3A_320 = arith.index_cast %scan3A_304 : i32 to index
      %swap3A_321 = arith.constant 16 : index
      %swap3A_322 = tpu.vector_load %arg6[%swap3A_320, %swap3A_321] {strides = array<i32>} : memref<320x64xf32, #tpu.memory_space<vmem>>, vector<16xf32>,
      tpu.vector_store %arg6[%swap3A_320, %swap3A_321], %mul3A_319 {strides = array<i32>} : memref<320x64xf32, #tpu.memory_space<vmem>>, vector<16xf32>,
      %get3A_323 = arith.index_cast %scan3A_304 : i32 to index
      %get3A_324 = arith.constant 32 : index
      %get3A_325 = tpu.vector_load %arg6[%get3A_323, %get3A_324] {strides = array<i32>} : memref<320x64xf32, #tpu.memory_space<vmem>>, vector<16xf32>,
      %mul3A_326 = arith.constant 8.000000e+00 : f32
      %mul3A_327 = vector.broadcast %mul3A_326 : f32 to vector<16xf32>
      %mul3A_328 = arith.mulf %get3A_325, %mul3A_327 : vector<16xf32>
      %swap3A_329 = arith.index_cast %scan3A_304 : i32 to index
      %swap3A_330 = arith.constant 32 : index
      %swap3A_331 = tpu.vector_load %arg6[%swap3A_329, %swap3A_330] {strides = array<i32>} : memref<320x64xf32, #tpu.memory_space<vmem>>, vector<16xf32>,
      tpu.vector_store %arg6[%swap3A_329, %swap3A_330], %mul3A_328 {strides = array<i32>} : memref<320x64xf32, #tpu.memory_space<vmem>>, vector<16xf32>,
      %get3A_332 = arith.index_cast %scan3A_304 : i32 to index
      %get3A_333 = arith.constant 48 : index
      %get3A_334 = tpu.vector_load %arg6[%get3A_332, %get3A_333] {strides = array<i32>} : memref<320x64xf32, #tpu.memory_space<vmem>>, vector<16xf32>,
      %mul3A_335 = arith.constant 8.000000e+00 : f32
      %mul3A_336 = vector.broadcast %mul3A_335 : f32 to vector<16xf32>
      %mul3A_337 = arith.mulf %get3A_334, %mul3A_336 : vector<16xf32>
      %swap3A_338 = arith.index_cast %scan3A_304 : i32 to index
      %swap3A_339 = arith.constant 48 : index
      %swap3A_340 = tpu.vector_load %arg6[%swap3A_338, %swap3A_339] {strides = array<i32>} : memref<320x64xf32, #tpu.memory_space<vmem>>, vector<16xf32>,
      tpu.vector_store %arg6[%swap3A_338, %swap3A_339], %mul3A_337 {strides = array<i32>} : memref<320x64xf32, #tpu.memory_space<vmem>>, vector<16xf32>,
      %scan3A_341 = arith.constant 3 : i32
      %scan3A_342 = arith.addi %scan3A_230, %scan3A_341 : i32
      %get3A_343 = arith.index_cast %scan3A_342 : i32 to index
      %get3A_344 = arith.constant 0 : index
      %get3A_345 = tpu.vector_load %arg6[%get3A_343, %get3A_344] {strides = array<i32>} : memref<320x64xf32, #tpu.memory_space<vmem>>, vector<16xf32>,
      %mul3A_346 = arith.constant 8.000000e+00 : f32
      %mul3A_347 = vector.broadcast %mul3A_346 : f32 to vector<16xf32>
      %mul3A_348 = arith.mulf %get3A_345, %mul3A_347 : vector<16xf32>
      %swap3A_349 = arith.index_cast %scan3A_342 : i32 to index
      %swap3A_350 = arith.constant 0 : index
      %swap3A_351 = tpu.vector_load %arg6[%swap3A_349, %swap3A_350] {strides = array<i32>} : memref<320x64xf32, #tpu.memory_space<vmem>>, vector<16xf32>,
      tpu.vector_store %arg6[%swap3A_349, %swap3A_350], %mul3A_348 {strides = array<i32>} : memref<320x64xf32, #tpu.memory_space<vmem>>, vector<16xf32>,
      %get3A_352 = arith.index_cast %scan3A_342 : i32 to index
      %get3A_353 = arith.constant 16 : index
      %get3A_354 = tpu.vector_load %arg6[%get3A_352, %get3A_353] {strides = array<i32>} : memref<320x64xf32, #tpu.memory_space<vmem>>, vector<16xf32>,
      %mul3A_355 = arith.constant 8.000000e+00 : f32
      %mul3A_356 = vector.broadcast %mul3A_355 : f32 to vector<16xf32>
      %mul3A_357 = arith.mulf %get3A_354, %mul3A_356 : vector<16xf32>
      %swap3A_358 = arith.index_cast %scan3A_342 : i32 to index
      %swap3A_359 = arith.constant 16 : index
      %swap3A_360 = tpu.vector_load %arg6[%swap3A_358, %swap3A_359] {strides = array<i32>} : memref<320x64xf32, #tpu.memory_space<vmem>>, vector<16xf32>,
      tpu.vector_store %arg6[%swap3A_358, %swap3A_359], %mul3A_357 {strides = array<i32>} : memref<320x64xf32, #tpu.memory_space<vmem>>, vector<16xf32>,
      %get3A_361 = arith.index_cast %scan3A_342 : i32 to index
      %get3A_362 = arith.constant 32 : index
      %get3A_363 = tpu.vector_load %arg6[%get3A_361, %get3A_362] {strides = array<i32>} : memref<320x64xf32, #tpu.memory_space<vmem>>, vector<16xf32>,
      %mul3A_364 = arith.constant 8.000000e+00 : f32
      %mul3A_365 = vector.broadcast %mul3A_364 : f32 to vector<16xf32>
      %mul3A_366 = arith.mulf %get3A_363, %mul3A_365 : vector<16xf32>
      %swap3A_367 = arith.index_cast %scan3A_342 : i32 to index
      %swap3A_368 = arith.constant 32 : index
      %swap3A_369 = tpu.vector_load %arg6[%swap3A_367, %swap3A_368] {strides = array<i32>} : memref<320x64xf32, #tpu.memory_space<vmem>>, vector<16xf32>,
      tpu.vector_store %arg6[%swap3A_367, %swap3A_368], %mul3A_366 {strides = array<i32>} : memref<320x64xf32, #tpu.memory_space<vmem>>, vector<16xf32>,
      %get3A_370 = arith.index_cast %scan3A_342 : i32 to index
      %get3A_371 = arith.constant 48 : index
      %get3A_372 = tpu.vector_load %arg6[%get3A_370, %get3A_371] {strides = array<i32>} : memref<320x64xf32, #tpu.memory_space<vmem>>, vector<16xf32>,
      %mul3A_373 = arith.constant 8.000000e+00 : f32
      %mul3A_374 = vector.broadcast %mul3A_373 : f32 to vector<16xf32>
      %mul3A_375 = arith.mulf %get3A_372, %mul3A_374 : vector<16xf32>
      %swap3A_376 = arith.index_cast %scan3A_342 : i32 to index
      %swap3A_377 = arith.constant 48 : index
      %swap3A_378 = tpu.vector_load %arg6[%swap3A_376, %swap3A_377] {strides = array<i32>} : memref<320x64xf32, #tpu.memory_space<vmem>>, vector<16xf32>,
      tpu.vector_store %arg6[%swap3A_376, %swap3A_377], %mul3A_375 {strides = array<i32>} : memref<320x64xf32, #tpu.memory_space<vmem>>, vector<16xf32>,
      %scan3A_379 = arith.constant 4 : i32
      %scan3A_380 = arith.addi %scan3A_230, %scan3A_379 : i32
      %get3A_381 = arith.index_cast %scan3A_380 : i32 to index
      %get3A_382 = arith.constant 0 : index
      %get3A_383 = tpu.vector_load %arg6[%get3A_381, %get3A_382] {strides = array<i32>} : memref<320x64xf32, #tpu.memory_space<vmem>>, vector<16xf32>,
      %mul3A_384 = arith.constant 8.000000e+00 : f32
      %mul3A_385 = vector.broadcast %mul3A_384 : f32 to vector<16xf32>
      %mul3A_386 = arith.mulf %get3A_383, %mul3A_385 : vector<16xf32>
      %swap3A_387 = arith.index_cast %scan3A_380 : i32 to index
      %swap3A_388 = arith.constant 0 : index
      %swap3A_389 = tpu.vector_load %arg6[%swap3A_387, %swap3A_388] {strides = array<i32>} : memref<320x64xf32, #tpu.memory_space<vmem>>, vector<16xf32>,
      tpu.vector_store %arg6[%swap3A_387, %swap3A_388], %mul3A_386 {strides = array<i32>} : memref<320x64xf32, #tpu.memory_space<vmem>>, vector<16xf32>,
      %get3A_390 = arith.index_cast %scan3A_380 : i32 to index
      %get3A_391 = arith.constant 16 : index
      %get3A_392 = tpu.vector_load %arg6[%get3A_390, %get3A_391] {strides = array<i32>} : memref<320x64xf32, #tpu.memory_space<vmem>>, vector<16xf32>,
      %mul3A_393 = arith.constant 8.000000e+00 : f32
      %mul3A_394 = vector.broadcast %mul3A_393 : f32 to vector<16xf32>
      %mul3A_395 = arith.mulf %get3A_392, %mul3A_394 : vector<16xf32>
      %swap3A_396 = arith.index_cast %scan3A_380 : i32 to index
      %swap3A_397 = arith.constant 16 : index
      %swap3A_398 = tpu.vector_load %arg6[%swap3A_396, %swap3A_397] {strides = array<i32>} : memref<320x64xf32, #tpu.memory_space<vmem>>, vector<16xf32>,
      tpu.vector_store %arg6[%swap3A_396, %swap3A_397], %mul3A_395 {strides = array<i32>} : memref<320x64xf32, #tpu.memory_space<vmem>>, vector<16xf32>,
      %get3A_399 = arith.index_cast %scan3A_380 : i32 to index
      %get3A_400 = arith.constant 32 : index
      %get3A_401 = tpu.vector_load %arg6[%get3A_399, %get3A_400] {strides = array<i32>} : memref<320x64xf32, #tpu.memory_space<vmem>>, vector<16xf32>,
      %mul3A_402 = arith.constant 8.000000e+00 : f32
      %mul3A_403 = vector.broadcast %mul3A_402 : f32 to vector<16xf32>
      %mul3A_404 = arith.mulf %get3A_401, %mul3A_403 : vector<16xf32>
      %swap3A_405 = arith.index_cast %scan3A_380 : i32 to index
      %swap3A_406 = arith.constant 32 : index
      %swap3A_407 = tpu.vector_load %arg6[%swap3A_405, %swap3A_406] {strides = array<i32>} : memref<320x64xf32, #tpu.memory_space<vmem>>, vector<16xf32>,
      tpu.vector_store %arg6[%swap3A_405, %swap3A_406], %mul3A_404 {strides = array<i32>} : memref<320x64xf32, #tpu.memory_space<vmem>>, vector<16xf32>,
      %get3A_408 = arith.index_cast %scan3A_380 : i32 to index
      %get3A_409 = arith.constant 48 : index
      %get3A_410 = tpu.vector_load %arg6[%get3A_408, %get3A_409] {strides = array<i32>} : memref<320x64xf32, #tpu.memory_space<vmem>>, vector<16xf32>,
      %mul3A_411 = arith.constant 8.000000e+00 : f32
      %mul3A_412 = vector.broadcast %mul3A_411 : f32 to vector<16xf32>
      %mul3A_413 = arith.mulf %get3A_410, %mul3A_412 : vector<16xf32>
      %swap3A_414 = arith.index_cast %scan3A_380 : i32 to index
      %swap3A_415 = arith.constant 48 : index
      %swap3A_416 = tpu.vector_load %arg6[%swap3A_414, %swap3A_415] {strides = array<i32>} : memref<320x64xf32, #tpu.memory_space<vmem>>, vector<16xf32>,
      tpu.vector_store %arg6[%swap3A_414, %swap3A_415], %mul3A_413 {strides = array<i32>} : memref<320x64xf32, #tpu.memory_space<vmem>>, vector<16xf32>,
      %scan3A_417 = arith.constant 5 : i32
      %scan3A_418 = arith.addi %scan3A_230, %scan3A_417 : i32
      %get3A_419 = arith.index_cast %scan3A_418 : i32 to index
      %get3A_420 = arith.constant 0 : index
      %get3A_421 = tpu.vector_load %arg6[%get3A_419, %get3A_420] {strides = array<i32>} : memref<320x64xf32, #tpu.memory_space<vmem>>, vector<16xf32>,
      %mul3A_422 = arith.constant 8.000000e+00 : f32
      %mul3A_423 = vector.broadcast %mul3A_422 : f32 to vector<16xf32>
      %mul3A_424 = arith.mulf %get3A_421, %mul3A_423 : vector<16xf32>
      %swap3A_425 = arith.index_cast %scan3A_418 : i32 to index
      %swap3A_426 = arith.constant 0 : index
      %swap3A_427 = tpu.vector_load %arg6[%swap3A_425, %swap3A_426] {strides = array<i32>} : memref<320x64xf32, #tpu.memory_space<vmem>>, vector<16xf32>,
      tpu.vector_store %arg6[%swap3A_425, %swap3A_426], %mul3A_424 {strides = array<i32>} : memref<320x64xf32, #tpu.memory_space<vmem>>, vector<16xf32>,
      %get3A_428 = arith.index_cast %scan3A_418 : i32 to index
      %get3A_429 = arith.constant 16 : index
      %get3A_430 = tpu.vector_load %arg6[%get3A_428, %get3A_429] {strides = array<i32>} : memref<320x64xf32, #tpu.memory_space<vmem>>, vector<16xf32>,
      %mul3A_431 = arith.constant 8.000000e+00 : f32
      %mul3A_432 = vector.broadcast %mul3A_431 : f32 to vector<16xf32>
      %mul3A_433 = arith.mulf %get3A_430, %mul3A_432 : vector<16xf32>
      %swap3A_434 = arith.index_cast %scan3A_418 : i32 to index
      %swap3A_435 = arith.constant 16 : index
      %swap3A_436 = tpu.vector_load %arg6[%swap3A_434, %swap3A_435] {strides = array<i32>} : memref<320x64xf32, #tpu.memory_space<vmem>>, vector<16xf32>,
      tpu.vector_store %arg6[%swap3A_434, %swap3A_435], %mul3A_433 {strides = array<i32>} : memref<320x64xf32, #tpu.memory_space<vmem>>, vector<16xf32>,
      %get3A_437 = arith.index_cast %scan3A_418 : i32 to index
      %get3A_438 = arith.constant 32 : index
      %get3A_439 = tpu.vector_load %arg6[%get3A_437, %get3A_438] {strides = array<i32>} : memref<320x64xf32, #tpu.memory_space<vmem>>, vector<16xf32>,
      %mul3A_440 = arith.constant 8.000000e+00 : f32
      %mul3A_441 = vector.broadcast %mul3A_440 : f32 to vector<16xf32>
      %mul3A_442 = arith.mulf %get3A_439, %mul3A_441 : vector<16xf32>
      %swap3A_443 = arith.index_cast %scan3A_418 : i32 to index
      %swap3A_444 = arith.constant 32 : index
      %swap3A_445 = tpu.vector_load %arg6[%swap3A_443, %swap3A_444] {strides = array<i32>} : memref<320x64xf32, #tpu.memory_space<vmem>>, vector<16xf32>,
      tpu.vector_store %arg6[%swap3A_443, %swap3A_444], %mul3A_442 {strides = array<i32>} : memref<320x64xf32, #tpu.memory_space<vmem>>, vector<16xf32>,
      %get3A_446 = arith.index_cast %scan3A_418 : i32 to index
      %get3A_447 = arith.constant 48 : index
      %get3A_448 = tpu.vector_load %arg6[%get3A_446, %get3A_447] {strides = array<i32>} : memref<320x64xf32, #tpu.memory_space<vmem>>, vector<16xf32>,
      %mul3A_449 = arith.constant 8.000000e+00 : f32
      %mul3A_450 = vector.broadcast %mul3A_449 : f32 to vector<16xf32>
      %mul3A_451 = arith.mulf %get3A_448, %mul3A_450 : vector<16xf32>
      %swap3A_452 = arith.index_cast %scan3A_418 : i32 to index
      %swap3A_453 = arith.constant 48 : index
      %swap3A_454 = tpu.vector_load %arg6[%swap3A_452, %swap3A_453] {strides = array<i32>} : memref<320x64xf32, #tpu.memory_space<vmem>>, vector<16xf32>,
      tpu.vector_store %arg6[%swap3A_452, %swap3A_453], %mul3A_451 {strides = array<i32>} : memref<320x64xf32, #tpu.memory_space<vmem>>, vector<16xf32>,
      %scan3A_455 = arith.constant 6 : i32
      %scan3A_456 = arith.addi %scan3A_230, %scan3A_455 : i32
      %get3A_457 = arith.index_cast %scan3A_456 : i32 to index
      %get3A_458 = arith.constant 0 : index
      %get3A_459 = tpu.vector_load %arg6[%get3A_457, %get3A_458] {strides = array<i32>} : memref<320x64xf32, #tpu.memory_space<vmem>>, vector<16xf32>,
      %mul3A_460 = arith.constant 8.000000e+00 : f32
      %mul3A_461 = vector.broadcast %mul3A_460 : f32 to vector<16xf32>
      %mul3A_462 = arith.mulf %get3A_459, %mul3A_461 : vector<16xf32>
      %swap3A_463 = arith.index_cast %scan3A_456 : i32 to index
      %swap3A_464 = arith.constant 0 : index
      %swap3A_465 = tpu.vector_load %arg6[%swap3A_463, %swap3A_464] {strides = array<i32>} : memref<320x64xf32, #tpu.memory_space<vmem>>, vector<16xf32>,
      tpu.vector_store %arg6[%swap3A_463, %swap3A_464], %mul3A_462 {strides = array<i32>} : memref<320x64xf32, #tpu.memory_space<vmem>>, vector<16xf32>,
      %get3A_466 = arith.index_cast %scan3A_456 : i32 to index
      %get3A_467 = arith.constant 16 : index
      %get3A_468 = tpu.vector_load %arg6[%get3A_466, %get3A_467] {strides = array<i32>} : memref<320x64xf32, #tpu.memory_space<vmem>>, vector<16xf32>,
      %mul3A_469 = arith.constant 8.000000e+00 : f32
      %mul3A_470 = vector.broadcast %mul3A_469 : f32 to vector<16xf32>
      %mul3A_471 = arith.mulf %get3A_468, %mul3A_470 : vector<16xf32>
      %swap3A_472 = arith.index_cast %scan3A_456 : i32 to index
      %swap3A_473 = arith.constant 16 : index
      %swap3A_474 = tpu.vector_load %arg6[%swap3A_472, %swap3A_473] {strides = array<i32>} : memref<320x64xf32, #tpu.memory_space<vmem>>, vector<16xf32>,
      tpu.vector_store %arg6[%swap3A_472, %swap3A_473], %mul3A_471 {strides = array<i32>} : memref<320x64xf32, #tpu.memory_space<vmem>>, vector<16xf32>,
      %get3A_475 = arith.index_cast %scan3A_456 : i32 to index
      %get3A_476 = arith.constant 32 : index
      %get3A_477 = tpu.vector_load %arg6[%get3A_475, %get3A_476] {strides = array<i32>} : memref<320x64xf32, #tpu.memory_space<vmem>>, vector<16xf32>,
      %mul3A_478 = arith.constant 8.000000e+00 : f32
      %mul3A_479 = vector.broadcast %mul3A_478 : f32 to vector<16xf32>
      %mul3A_480 = arith.mulf %get3A_477, %mul3A_479 : vector<16xf32>
      %swap3A_481 = arith.index_cast %scan3A_456 : i32 to index
      %swap3A_482 = arith.constant 32 : index
      %swap3A_483 = tpu.vector_load %arg6[%swap3A_481, %swap3A_482] {strides = array<i32>} : memref<320x64xf32, #tpu.memory_space<vmem>>, vector<16xf32>,
      tpu.vector_store %arg6[%swap3A_481, %swap3A_482], %mul3A_480 {strides = array<i32>} : memref<320x64xf32, #tpu.memory_space<vmem>>, vector<16xf32>,
      %get3A_484 = arith.index_cast %scan3A_456 : i32 to index
      %get3A_485 = arith.constant 48 : index
      %get3A_486 = tpu.vector_load %arg6[%get3A_484, %get3A_485] {strides = array<i32>} : memref<320x64xf32, #tpu.memory_space<vmem>>, vector<16xf32>,
      %mul3A_487 = arith.constant 8.000000e+00 : f32
      %mul3A_488 = vector.broadcast %mul3A_487 : f32 to vector<16xf32>
      %mul3A_489 = arith.mulf %get3A_486, %mul3A_488 : vector<16xf32>
      %swap3A_490 = arith.index_cast %scan3A_456 : i32 to index
      %swap3A_491 = arith.constant 48 : index
      %swap3A_492 = tpu.vector_load %arg6[%swap3A_490, %swap3A_491] {strides = array<i32>} : memref<320x64xf32, #tpu.memory_space<vmem>>, vector<16xf32>,
      tpu.vector_store %arg6[%swap3A_490, %swap3A_491], %mul3A_489 {strides = array<i32>} : memref<320x64xf32, #tpu.memory_space<vmem>>, vector<16xf32>,
      %scan3A_493 = arith.constant 7 : i32
      %scan3A_494 = arith.addi %scan3A_230, %scan3A_493 : i32
      %get3A_495 = arith.index_cast %scan3A_494 : i32 to index
      %get3A_496 = arith.constant 0 : index
      %get3A_497 = tpu.vector_load %arg6[%get3A_495, %get3A_496] {strides = array<i32>} : memref<320x64xf32, #tpu.memory_space<vmem>>, vector<16xf32>,
      %mul3A_498 = arith.constant 8.000000e+00 : f32
      %mul3A_499 = vector.broadcast %mul3A_498 : f32 to vector<16xf32>
      %mul3A_500 = arith.mulf %get3A_497, %mul3A_499 : vector<16xf32>
      %swap3A_501 = arith.index_cast %scan3A_494 : i32 to index
      %swap3A_502 = arith.constant 0 : index
      %swap3A_503 = tpu.vector_load %arg6[%swap3A_501, %swap3A_502] {strides = array<i32>} : memref<320x64xf32, #tpu.memory_space<vmem>>, vector<16xf32>,
      tpu.vector_store %arg6[%swap3A_501, %swap3A_502], %mul3A_500 {strides = array<i32>} : memref<320x64xf32, #tpu.memory_space<vmem>>, vector<16xf32>,
      %get3A_504 = arith.index_cast %scan3A_494 : i32 to index
      %get3A_505 = arith.constant 16 : index
      %get3A_506 = tpu.vector_load %arg6[%get3A_504, %get3A_505] {strides = array<i32>} : memref<320x64xf32, #tpu.memory_space<vmem>>, vector<16xf32>,
      %mul3A_507 = arith.constant 8.000000e+00 : f32
      %mul3A_508 = vector.broadcast %mul3A_507 : f32 to vector<16xf32>
      %mul3A_509 = arith.mulf %get3A_506, %mul3A_508 : vector<16xf32>
      %swap3A_510 = arith.index_cast %scan3A_494 : i32 to index
      %swap3A_511 = arith.constant 16 : index
      %swap3A_512 = tpu.vector_load %arg6[%swap3A_510, %swap3A_511] {strides = array<i32>} : memref<320x64xf32, #tpu.memory_space<vmem>>, vector<16xf32>,
      tpu.vector_store %arg6[%swap3A_510, %swap3A_511], %mul3A_509 {strides = array<i32>} : memref<320x64xf32, #tpu.memory_space<vmem>>, vector<16xf32>,
      %get3A_513 = arith.index_cast %scan3A_494 : i32 to index
      %get3A_514 = arith.constant 32 : index
      %get3A_515 = tpu.vector_load %arg6[%get3A_513, %get3A_514] {strides = array<i32>} : memref<320x64xf32, #tpu.memory_space<vmem>>, vector<16xf32>,
      %mul3A_516 = arith.constant 8.000000e+00 : f32
      %mul3A_517 = vector.broadcast %mul3A_516 : f32 to vector<16xf32>
      %mul3A_518 = arith.mulf %get3A_515, %mul3A_517 : vector<16xf32>
      %swap3A_519 = arith.index_cast %scan3A_494 : i32 to index
      %swap3A_520 = arith.constant 32 : index
      %swap3A_521 = tpu.vector_load %arg6[%swap3A_519, %swap3A_520] {strides = array<i32>} : memref<320x64xf32, #tpu.memory_space<vmem>>, vector<16xf32>,
      tpu.vector_store %arg6[%swap3A_519, %swap3A_520], %mul3A_518 {strides = array<i32>} : memref<320x64xf32, #tpu.memory_space<vmem>>, vector<16xf32>,
      %get3A_522 = arith.index_cast %scan3A_494 : i32 to index
      %get3A_523 = arith.constant 48 : index
      %get3A_524 = tpu.vector_load %arg6[%get3A_522, %get3A_523] {strides = array<i32>} : memref<320x64xf32, #tpu.memory_space<vmem>>, vector<16xf32>,
      %mul3A_525 = arith.constant 8.000000e+00 : f32
      %mul3A_526 = vector.broadcast %mul3A_525 : f32 to vector<16xf32>
      %mul3A_527 = arith.mulf %get3A_524, %mul3A_526 : vector<16xf32>
      %swap3A_528 = arith.index_cast %scan3A_494 : i32 to index
      %swap3A_529 = arith.constant 48 : index
      %swap3A_530 = tpu.vector_load %arg6[%swap3A_528, %swap3A_529] {strides = array<i32>} : memref<320x64xf32, #tpu.memory_space<vmem>>, vector<16xf32>,
      tpu.vector_store %arg6[%swap3A_528, %swap3A_529], %mul3A_527 {strides = array<i32>} : memref<320x64xf32, #tpu.memory_space<vmem>>, vector<16xf32>,
    }
    %scan3A_20 = arith.constant 320 : i32
    %add3A_21 = arith.constant 0 : i32
    %add3A_22 = arith.addi %mul3A_2, %add3A_21 : i32
    %dma_start3A_23 = arith.constant 0 : i32
    %dma_start3A_24 = tpu.memref_slice %arg4[%add3A_22, %dma_start3A_23] : memref<819200x128xf32, #tpu.memory_space<hbm>> -> memref<320x64xf32, #tpu.memory_space<hbm>>
    %dma_start3A_25 = arith.constant 0 : i32
    %dma_start3A_26 = tpu.memref_slice %arg4[%add3A_22, %dma_start3A_25] : memref<819200x128xf32, #tpu.memory_space<hbm>> -> memref<320x64xf32, #tpu.memory_space<hbm>>
    tpu.enqueue_dma source(%arg6 : memref<320x64xf32, #tpu.memory_space<vmem>>) target(%dma_start3A_26 : memref<320x64xf32, #tpu.memory_space<hbm>>) target_semaphore(%arg14 : memref<!tpu.dma_semaphore, #tpu.memory_space<semaphore_mem>>)
    %dma_start3A_27 = arith.constant 640 : i32
    %dma_start3A_28 = tpu.memref_slice %arg5[%dma_start3A_27] : memref<25600xi32, #tpu.memory_space<vmem>> -> memref<320xi32, #tpu.memory_space<vmem>>
    %dma_start3A_29 = arith.constant 0 : i32
    %dma_start3A_30 = arith.constant 0 : i32
    %dma_start3A_31 = tpu.memref_slice %arg3[%dma_start3A_29, %dma_start3A_30] : memref<1000000x64xf32, #tpu.memory_space<hbm>> -> memref<1000000x64xf32, #tpu.memory_space<hbm>>
    tpu.enqueue_indirect_dma source(%dma_start3A_31 : memref<1000000x64xf32, #tpu.memory_space<hbm>>) target(%arg8 : memref<320x64xf32, #tpu.memory_space<vmem>>) offsets(%dma_start3A_28 : memref<320xi32, #tpu.memory_space<vmem>>) semaphore(%arg12 : memref<!tpu.dma_semaphore, #tpu.memory_space<semaphore_mem>>)
    %dma_wait3A_32 = arith.constant 320 : i32
    %dma_wait3A_33 = tpu.memref_slice %arg5[%dma_wait3A_32] : memref<25600xi32, #tpu.memory_space<vmem>> -> memref<320xi32, #tpu.memory_space<vmem>>
    %dma_wait3A_34 = arith.constant 0 : i32
    %dma_wait3A_35 = arith.constant 0 : i32
    %dma_wait3A_36 = tpu.memref_slice %arg3[%dma_wait3A_34, %dma_wait3A_35] : memref<1000000x64xf32, #tpu.memory_space<hbm>> -> memref<1000000x64xf32, #tpu.memory_space<hbm>>
    tpu.wait_indirect_dma semaphore(%arg11 : memref<!tpu.dma_semaphore, #tpu.memory_space<semaphore_mem>>) src(%dma_wait3A_36 : memref<1000000x64xf32, #tpu.memory_space<hbm>>) dst(%arg7 : memref<320x64xf32, #tpu.memory_space<vmem>>)
    %scan3A_37 = arith.constant 0 : i32
    %scan3A_38 = arith.constant 0 : i32
    %scan3A_39 = arith.constant 320 : i32
    %scan3A_40 = arith.addi %scan3A_38, %scan3A_39 : i32
    %scan3A_41 = arith.constant 8 : i32
    scf.for %scan3A_230 = %scan3A_38 to %scan3A_40 step %scan3A_41  : i32 {
      %get3A = arith.index_cast %scan3A_230 : i32 to index
      %get3A_231 = arith.constant 0 : index
      %get3A_232 = tpu.vector_load %arg7[%get3A, %get3A_231] {strides = array<i32>} : memref<320x64xf32, #tpu.memory_space<vmem>>, vector<16xf32>,
      %mul3A_233 = arith.constant 8.000000e+00 : f32
      %mul3A_234 = vector.broadcast %mul3A_233 : f32 to vector<16xf32>
      %mul3A_235 = arith.mulf %get3A_232, %mul3A_234 : vector<16xf32>
      %swap3A = arith.index_cast %scan3A_230 : i32 to index
      %swap3A_236 = arith.constant 0 : index
      %swap3A_237 = tpu.vector_load %arg7[%swap3A, %swap3A_236] {strides = array<i32>} : memref<320x64xf32, #tpu.memory_space<vmem>>, vector<16xf32>,
      tpu.vector_store %arg7[%swap3A, %swap3A_236], %mul3A_235 {strides = array<i32>} : memref<320x64xf32, #tpu.memory_space<vmem>>, vector<16xf32>,
      %get3A_238 = arith.index_cast %scan3A_230 : i32 to index
      %get3A_239 = arith.constant 16 : index
      %get3A_240 = tpu.vector_load %arg7[%get3A_238, %get3A_239] {strides = array<i32>} : memref<320x64xf32, #tpu.memory_space<vmem>>, vector<16xf32>,
      %mul3A_241 = arith.constant 8.000000e+00 : f32
      %mul3A_242 = vector.broadcast %mul3A_241 : f32 to vector<16xf32>
      %mul3A_243 = arith.mulf %get3A_240, %mul3A_242 : vector<16xf32>
      %swap3A_244 = arith.index_cast %scan3A_230 : i32 to index
      %swap3A_245 = arith.constant 16 : index
      %swap3A_246 = tpu.vector_load %arg7[%swap3A_244, %swap3A_245] {strides = array<i32>} : memref<320x64xf32, #tpu.memory_space<vmem>>, vector<16xf32>,
      tpu.vector_store %arg7[%swap3A_244, %swap3A_245], %mul3A_243 {strides = array<i32>} : memref<320x64xf32, #tpu.memory_space<vmem>>, vector<16xf32>,
      %get3A_247 = arith.index_cast %scan3A_230 : i32 to index
      %get3A_248 = arith.constant 32 : index
      %get3A_249 = tpu.vector_load %arg7[%get3A_247, %get3A_248] {strides = array<i32>} : memref<320x64xf32, #tpu.memory_space<vmem>>, vector<16xf32>,
      %mul3A_250 = arith.constant 8.000000e+00 : f32
      %mul3A_251 = vector.broadcast %mul3A_250 : f32 to vector<16xf32>
      %mul3A_252 = arith.mulf %get3A_249, %mul3A_251 : vector<16xf32>
      %swap3A_253 = arith.index_cast %scan3A_230 : i32 to index
      %swap3A_254 = arith.constant 32 : index
      %swap3A_255 = tpu.vector_load %arg7[%swap3A_253, %swap3A_254] {strides = array<i32>} : memref<320x64xf32, #tpu.memory_space<vmem>>, vector<16xf32>,
      tpu.vector_store %arg7[%swap3A_253, %swap3A_254], %mul3A_252 {strides = array<i32>} : memref<320x64xf32, #tpu.memory_space<vmem>>, vector<16xf32>,
      %get3A_256 = arith.index_cast %scan3A_230 : i32 to index
      %get3A_257 = arith.constant 48 : index
      %get3A_258 = tpu.vector_load %arg7[%get3A_256, %get3A_257] {strides = array<i32>} : memref<320x64xf32, #tpu.memory_space<vmem>>, vector<16xf32>,
      %mul3A_259 = arith.constant 8.000000e+00 : f32
      %mul3A_260 = vector.broadcast %mul3A_259 : f32 to vector<16xf32>
      %mul3A_261 = arith.mulf %get3A_258, %mul3A_260 : vector<16xf32>
      %swap3A_262 = arith.index_cast %scan3A_230 : i32 to index
      %swap3A_263 = arith.constant 48 : index
      %swap3A_264 = tpu.vector_load %arg7[%swap3A_262, %swap3A_263] {strides = array<i32>} : memref<320x64xf32, #tpu.memory_space<vmem>>, vector<16xf32>,
      tpu.vector_store %arg7[%swap3A_262, %swap3A_263], %mul3A_261 {strides = array<i32>} : memref<320x64xf32, #tpu.memory_space<vmem>>, vector<16xf32>,
      %scan3A_265 = arith.constant 1 : i32
      %scan3A_266 = arith.addi %scan3A_230, %scan3A_265 : i32
      %get3A_267 = arith.index_cast %scan3A_266 : i32 to index
      %get3A_268 = arith.constant 0 : index
      %get3A_269 = tpu.vector_load %arg7[%get3A_267, %get3A_268] {strides = array<i32>} : memref<320x64xf32, #tpu.memory_space<vmem>>, vector<16xf32>,
      %mul3A_270 = arith.constant 8.000000e+00 : f32
      %mul3A_271 = vector.broadcast %mul3A_270 : f32 to vector<16xf32>
      %mul3A_272 = arith.mulf %get3A_269, %mul3A_271 : vector<16xf32>
      %swap3A_273 = arith.index_cast %scan3A_266 : i32 to index
      %swap3A_274 = arith.constant 0 : index
      %swap3A_275 = tpu.vector_load %arg7[%swap3A_273, %swap3A_274] {strides = array<i32>} : memref<320x64xf32, #tpu.memory_space<vmem>>, vector<16xf32>,
      tpu.vector_store %arg7[%swap3A_273, %swap3A_274], %mul3A_272 {strides = array<i32>} : memref<320x64xf32, #tpu.memory_space<vmem>>, vector<16xf32>,
      %get3A_276 = arith.index_cast %scan3A_266 : i32 to index
      %get3A_277 = arith.constant 16 : index
      %get3A_278 = tpu.vector_load %arg7[%get3A_276, %get3A_277] {strides = array<i32>} : memref<320x64xf32, #tpu.memory_space<vmem>>, vector<16xf32>,
      %mul3A_279 = arith.constant 8.000000e+00 : f32
      %mul3A_280 = vector.broadcast %mul3A_279 : f32 to vector<16xf32>
      %mul3A_281 = arith.mulf %get3A_278, %mul3A_280 : vector<16xf32>
      %swap3A_282 = arith.index_cast %scan3A_266 : i32 to index
      %swap3A_283 = arith.constant 16 : index
      %swap3A_284 = tpu.vector_load %arg7[%swap3A_282, %swap3A_283] {strides = array<i32>} : memref<320x64xf32, #tpu.memory_space<vmem>>, vector<16xf32>,
      tpu.vector_store %arg7[%swap3A_282, %swap3A_283], %mul3A_281 {strides = array<i32>} : memref<320x64xf32, #tpu.memory_space<vmem>>, vector<16xf32>,
      %get3A_285 = arith.index_cast %scan3A_266 : i32 to index
      %get3A_286 = arith.constant 32 : index
      %get3A_287 = tpu.vector_load %arg7[%get3A_285, %get3A_286] {strides = array<i32>} : memref<320x64xf32, #tpu.memory_space<vmem>>, vector<16xf32>,
      %mul3A_288 = arith.constant 8.000000e+00 : f32
      %mul3A_289 = vector.broadcast %mul3A_288 : f32 to vector<16xf32>
      %mul3A_290 = arith.mulf %get3A_287, %mul3A_289 : vector<16xf32>
      %swap3A_291 = arith.index_cast %scan3A_266 : i32 to index
      %swap3A_292 = arith.constant 32 : index
      %swap3A_293 = tpu.vector_load %arg7[%swap3A_291, %swap3A_292] {strides = array<i32>} : memref<320x64xf32, #tpu.memory_space<vmem>>, vector<16xf32>,
      tpu.vector_store %arg7[%swap3A_291, %swap3A_292], %mul3A_290 {strides = array<i32>} : memref<320x64xf32, #tpu.memory_space<vmem>>, vector<16xf32>,
      %get3A_294 = arith.index_cast %scan3A_266 : i32 to index
      %get3A_295 = arith.constant 48 : index
      %get3A_296 = tpu.vector_load %arg7[%get3A_294, %get3A_295] {strides = array<i32>} : memref<320x64xf32, #tpu.memory_space<vmem>>, vector<16xf32>,
      %mul3A_297 = arith.constant 8.000000e+00 : f32
      %mul3A_298 = vector.broadcast %mul3A_297 : f32 to vector<16xf32>
      %mul3A_299 = arith.mulf %get3A_296, %mul3A_298 : vector<16xf32>
      %swap3A_300 = arith.index_cast %scan3A_266 : i32 to index
      %swap3A_301 = arith.constant 48 : index
      %swap3A_302 = tpu.vector_load %arg7[%swap3A_300, %swap3A_301] {strides = array<i32>} : memref<320x64xf32, #tpu.memory_space<vmem>>, vector<16xf32>,
      tpu.vector_store %arg7[%swap3A_300, %swap3A_301], %mul3A_299 {strides = array<i32>} : memref<320x64xf32, #tpu.memory_space<vmem>>, vector<16xf32>,
      %scan3A_303 = arith.constant 2 : i32
      %scan3A_304 = arith.addi %scan3A_230, %scan3A_303 : i32
      %get3A_305 = arith.index_cast %scan3A_304 : i32 to index
      %get3A_306 = arith.constant 0 : index
      %get3A_307 = tpu.vector_load %arg7[%get3A_305, %get3A_306] {strides = array<i32>} : memref<320x64xf32, #tpu.memory_space<vmem>>, vector<16xf32>,
      %mul3A_308 = arith.constant 8.000000e+00 : f32
      %mul3A_309 = vector.broadcast %mul3A_308 : f32 to vector<16xf32>
      %mul3A_310 = arith.mulf %get3A_307, %mul3A_309 : vector<16xf32>
      %swap3A_311 = arith.index_cast %scan3A_304 : i32 to index
      %swap3A_312 = arith.constant 0 : index
      %swap3A_313 = tpu.vector_load %arg7[%swap3A_311, %swap3A_312] {strides = array<i32>} : memref<320x64xf32, #tpu.memory_space<vmem>>, vector<16xf32>,
      tpu.vector_store %arg7[%swap3A_311, %swap3A_312], %mul3A_310 {strides = array<i32>} : memref<320x64xf32, #tpu.memory_space<vmem>>, vector<16xf32>,
      %get3A_314 = arith.index_cast %scan3A_304 : i32 to index
      %get3A_315 = arith.constant 16 : index
      %get3A_316 = tpu.vector_load %arg7[%get3A_314, %get3A_315] {strides = array<i32>} : memref<320x64xf32, #tpu.memory_space<vmem>>, vector<16xf32>,
      %mul3A_317 = arith.constant 8.000000e+00 : f32
      %mul3A_318 = vector.broadcast %mul3A_317 : f32 to vector<16xf32>
      %mul3A_319 = arith.mulf %get3A_316, %mul3A_318 : vector<16xf32>
      %swap3A_320 = arith.index_cast %scan3A_304 : i32 to index
      %swap3A_321 = arith.constant 16 : index
      %swap3A_322 = tpu.vector_load %arg7[%swap3A_320, %swap3A_321] {strides = array<i32>} : memref<320x64xf32, #tpu.memory_space<vmem>>, vector<16xf32>,
      tpu.vector_store %arg7[%swap3A_320, %swap3A_321], %mul3A_319 {strides = array<i32>} : memref<320x64xf32, #tpu.memory_space<vmem>>, vector<16xf32>,
      %get3A_323 = arith.index_cast %scan3A_304 : i32 to index
      %get3A_324 = arith.constant 32 : index
      %get3A_325 = tpu.vector_load %arg7[%get3A_323, %get3A_324] {strides = array<i32>} : memref<320x64xf32, #tpu.memory_space<vmem>>, vector<16xf32>,
      %mul3A_326 = arith.constant 8.000000e+00 : f32
      %mul3A_327 = vector.broadcast %mul3A_326 : f32 to vector<16xf32>
      %mul3A_328 = arith.mulf %get3A_325, %mul3A_327 : vector<16xf32>
      %swap3A_329 = arith.index_cast %scan3A_304 : i32 to index
      %swap3A_330 = arith.constant 32 : index
      %swap3A_331 = tpu.vector_load %arg7[%swap3A_329, %swap3A_330] {strides = array<i32>} : memref<320x64xf32, #tpu.memory_space<vmem>>, vector<16xf32>,
      tpu.vector_store %arg7[%swap3A_329, %swap3A_330], %mul3A_328 {strides = array<i32>} : memref<320x64xf32, #tpu.memory_space<vmem>>, vector<16xf32>,
      %get3A_332 = arith.index_cast %scan3A_304 : i32 to index
      %get3A_333 = arith.constant 48 : index
      %get3A_334 = tpu.vector_load %arg7[%get3A_332, %get3A_333] {strides = array<i32>} : memref<320x64xf32, #tpu.memory_space<vmem>>, vector<16xf32>,
      %mul3A_335 = arith.constant 8.000000e+00 : f32
      %mul3A_336 = vector.broadcast %mul3A_335 : f32 to vector<16xf32>
      %mul3A_337 = arith.mulf %get3A_334, %mul3A_336 : vector<16xf32>
      %swap3A_338 = arith.index_cast %scan3A_304 : i32 to index
      %swap3A_339 = arith.constant 48 : index
      %swap3A_340 = tpu.vector_load %arg7[%swap3A_338, %swap3A_339] {strides = array<i32>} : memref<320x64xf32, #tpu.memory_space<vmem>>, vector<16xf32>,
      tpu.vector_store %arg7[%swap3A_338, %swap3A_339], %mul3A_337 {strides = array<i32>} : memref<320x64xf32, #tpu.memory_space<vmem>>, vector<16xf32>,
      %scan3A_341 = arith.constant 3 : i32
      %scan3A_342 = arith.addi %scan3A_230, %scan3A_341 : i32
      %get3A_343 = arith.index_cast %scan3A_342 : i32 to index
      %get3A_344 = arith.constant 0 : index
      %get3A_345 = tpu.vector_load %arg7[%get3A_343, %get3A_344] {strides = array<i32>} : memref<320x64xf32, #tpu.memory_space<vmem>>, vector<16xf32>,
      %mul3A_346 = arith.constant 8.000000e+00 : f32
      %mul3A_347 = vector.broadcast %mul3A_346 : f32 to vector<16xf32>
      %mul3A_348 = arith.mulf %get3A_345, %mul3A_347 : vector<16xf32>
      %swap3A_349 = arith.index_cast %scan3A_342 : i32 to index
      %swap3A_350 = arith.constant 0 : index
      %swap3A_351 = tpu.vector_load %arg7[%swap3A_349, %swap3A_350] {strides = array<i32>} : memref<320x64xf32, #tpu.memory_space<vmem>>, vector<16xf32>,
      tpu.vector_store %arg7[%swap3A_349, %swap3A_350], %mul3A_348 {strides = array<i32>} : memref<320x64xf32, #tpu.memory_space<vmem>>, vector<16xf32>,
      %get3A_352 = arith.index_cast %scan3A_342 : i32 to index
      %get3A_353 = arith.constant 16 : index
      %get3A_354 = tpu.vector_load %arg7[%get3A_352, %get3A_353] {strides = array<i32>} : memref<320x64xf32, #tpu.memory_space<vmem>>, vector<16xf32>,
      %mul3A_355 = arith.constant 8.000000e+00 : f32
      %mul3A_356 = vector.broadcast %mul3A_355 : f32 to vector<16xf32>
      %mul3A_357 = arith.mulf %get3A_354, %mul3A_356 : vector<16xf32>
      %swap3A_358 = arith.index_cast %scan3A_342 : i32 to index
      %swap3A_359 = arith.constant 16 : index
      %swap3A_360 = tpu.vector_load %arg7[%swap3A_358, %swap3A_359] {strides = array<i32>} : memref<320x64xf32, #tpu.memory_space<vmem>>, vector<16xf32>,
      tpu.vector_store %arg7[%swap3A_358, %swap3A_359], %mul3A_357 {strides = array<i32>} : memref<320x64xf32, #tpu.memory_space<vmem>>, vector<16xf32>,
      %get3A_361 = arith.index_cast %scan3A_342 : i32 to index
      %get3A_362 = arith.constant 32 : index
      %get3A_363 = tpu.vector_load %arg7[%get3A_361, %get3A_362] {strides = array<i32>} : memref<320x64xf32, #tpu.memory_space<vmem>>, vector<16xf32>,
      %mul3A_364 = arith.constant 8.000000e+00 : f32
      %mul3A_365 = vector.broadcast %mul3A_364 : f32 to vector<16xf32>
      %mul3A_366 = arith.mulf %get3A_363, %mul3A_365 : vector<16xf32>
      %swap3A_367 = arith.index_cast %scan3A_342 : i32 to index
      %swap3A_368 = arith.constant 32 : index
      %swap3A_369 = tpu.vector_load %arg7[%swap3A_367, %swap3A_368] {strides = array<i32>} : memref<320x64xf32, #tpu.memory_space<vmem>>, vector<16xf32>,
      tpu.vector_store %arg7[%swap3A_367, %swap3A_368], %mul3A_366 {strides = array<i32>} : memref<320x64xf32, #tpu.memory_space<vmem>>, vector<16xf32>,
      %get3A_370 = arith.index_cast %scan3A_342 : i32 to index
      %get3A_371 = arith.constant 48 : index
      %get3A_372 = tpu.vector_load %arg7[%get3A_370, %get3A_371] {strides = array<i32>} : memref<320x64xf32, #tpu.memory_space<vmem>>, vector<16xf32>,
      %mul3A_373 = arith.constant 8.000000e+00 : f32
      %mul3A_374 = vector.broadcast %mul3A_373 : f32 to vector<16xf32>
      %mul3A_375 = arith.mulf %get3A_372, %mul3A_374 : vector<16xf32>
      %swap3A_376 = arith.index_cast %scan3A_342 : i32 to index
      %swap3A_377 = arith.constant 48 : index
      %swap3A_378 = tpu.vector_load %arg7[%swap3A_376, %swap3A_377] {strides = array<i32>} : memref<320x64xf32, #tpu.memory_space<vmem>>, vector<16xf32>,
      tpu.vector_store %arg7[%swap3A_376, %swap3A_377], %mul3A_375 {strides = array<i32>} : memref<320x64xf32, #tpu.memory_space<vmem>>, vector<16xf32>,
      %scan3A_379 = arith.constant 4 : i32
      %scan3A_380 = arith.addi %scan3A_230, %scan3A_379 : i32
      %get3A_381 = arith.index_cast %scan3A_380 : i32 to index
      %get3A_382 = arith.constant 0 : index
      %get3A_383 = tpu.vector_load %arg7[%get3A_381, %get3A_382] {strides = array<i32>} : memref<320x64xf32, #tpu.memory_space<vmem>>, vector<16xf32>,
      %mul3A_384 = arith.constant 8.000000e+00 : f32
      %mul3A_385 = vector.broadcast %mul3A_384 : f32 to vector<16xf32>
      %mul3A_386 = arith.mulf %get3A_383, %mul3A_385 : vector<16xf32>
      %swap3A_387 = arith.index_cast %scan3A_380 : i32 to index
      %swap3A_388 = arith.constant 0 : index
      %swap3A_389 = tpu.vector_load %arg7[%swap3A_387, %swap3A_388] {strides = array<i32>} : memref<320x64xf32, #tpu.memory_space<vmem>>, vector<16xf32>,
      tpu.vector_store %arg7[%swap3A_387, %swap3A_388], %mul3A_386 {strides = array<i32>} : memref<320x64xf32, #tpu.memory_space<vmem>>, vector<16xf32>,
      %get3A_390 = arith.index_cast %scan3A_380 : i32 to index
      %get3A_391 = arith.constant 16 : index
      %get3A_392 = tpu.vector_load %arg7[%get3A_390, %get3A_391] {strides = array<i32>} : memref<320x64xf32, #tpu.memory_space<vmem>>, vector<16xf32>,
      %mul3A_393 = arith.constant 8.000000e+00 : f32
      %mul3A_394 = vector.broadcast %mul3A_393 : f32 to vector<16xf32>
      %mul3A_395 = arith.mulf %get3A_392, %mul3A_394 : vector<16xf32>
      %swap3A_396 = arith.index_cast %scan3A_380 : i32 to index
      %swap3A_397 = arith.constant 16 : index
      %swap3A_398 = tpu.vector_load %arg7[%swap3A_396, %swap3A_397] {strides = array<i32>} : memref<320x64xf32, #tpu.memory_space<vmem>>, vector<16xf32>,
      tpu.vector_store %arg7[%swap3A_396, %swap3A_397], %mul3A_395 {strides = array<i32>} : memref<320x64xf32, #tpu.memory_space<vmem>>, vector<16xf32>,
      %get3A_399 = arith.index_cast %scan3A_380 : i32 to index
      %get3A_400 = arith.constant 32 : index
      %get3A_401 = tpu.vector_load %arg7[%get3A_399, %get3A_400] {strides = array<i32>} : memref<320x64xf32, #tpu.memory_space<vmem>>, vector<16xf32>,
      %mul3A_402 = arith.constant 8.000000e+00 : f32
      %mul3A_403 = vector.broadcast %mul3A_402 : f32 to vector<16xf32>
      %mul3A_404 = arith.mulf %get3A_401, %mul3A_403 : vector<16xf32>
      %swap3A_405 = arith.index_cast %scan3A_380 : i32 to index
      %swap3A_406 = arith.constant 32 : index
      %swap3A_407 = tpu.vector_load %arg7[%swap3A_405, %swap3A_406] {strides = array<i32>} : memref<320x64xf32, #tpu.memory_space<vmem>>, vector<16xf32>,
      tpu.vector_store %arg7[%swap3A_405, %swap3A_406], %mul3A_404 {strides = array<i32>} : memref<320x64xf32, #tpu.memory_space<vmem>>, vector<16xf32>,
      %get3A_408 = arith.index_cast %scan3A_380 : i32 to index
      %get3A_409 = arith.constant 48 : index
      %get3A_410 = tpu.vector_load %arg7[%get3A_408, %get3A_409] {strides = array<i32>} : memref<320x64xf32, #tpu.memory_space<vmem>>, vector<16xf32>,
      %mul3A_411 = arith.constant 8.000000e+00 : f32
      %mul3A_412 = vector.broadcast %mul3A_411 : f32 to vector<16xf32>
      %mul3A_413 = arith.mulf %get3A_410, %mul3A_412 : vector<16xf32>
      %swap3A_414 = arith.index_cast %scan3A_380 : i32 to index
      %swap3A_415 = arith.constant 48 : index
      %swap3A_416 = tpu.vector_load %arg7[%swap3A_414, %swap3A_415] {strides = array<i32>} : memref<320x64xf32, #tpu.memory_space<vmem>>, vector<16xf32>,
      tpu.vector_store %arg7[%swap3A_414, %swap3A_415], %mul3A_413 {strides = array<i32>} : memref<320x64xf32, #tpu.memory_space<vmem>>, vector<16xf32>,
      %scan3A_417 = arith.constant 5 : i32
      %scan3A_418 = arith.addi %scan3A_230, %scan3A_417 : i32
      %get3A_419 = arith.index_cast %scan3A_418 : i32 to index
      %get3A_420 = arith.constant 0 : index
      %get3A_421 = tpu.vector_load %arg7[%get3A_419, %get3A_420] {strides = array<i32>} : memref<320x64xf32, #tpu.memory_space<vmem>>, vector<16xf32>,
      %mul3A_422 = arith.constant 8.000000e+00 : f32
      %mul3A_423 = vector.broadcast %mul3A_422 : f32 to vector<16xf32>
      %mul3A_424 = arith.mulf %get3A_421, %mul3A_423 : vector<16xf32>
      %swap3A_425 = arith.index_cast %scan3A_418 : i32 to index
      %swap3A_426 = arith.constant 0 : index
      %swap3A_427 = tpu.vector_load %arg7[%swap3A_425, %swap3A_426] {strides = array<i32>} : memref<320x64xf32, #tpu.memory_space<vmem>>, vector<16xf32>,
      tpu.vector_store %arg7[%swap3A_425, %swap3A_426], %mul3A_424 {strides = array<i32>} : memref<320x64xf32, #tpu.memory_space<vmem>>, vector<16xf32>,
      %get3A_428 = arith.index_cast %scan3A_418 : i32 to index
      %get3A_429 = arith.constant 16 : index
      %get3A_430 = tpu.vector_load %arg7[%get3A_428, %get3A_429] {strides = array<i32>} : memref<320x64xf32, #tpu.memory_space<vmem>>, vector<16xf32>,
      %mul3A_431 = arith.constant 8.000000e+00 : f32
      %mul3A_432 = vector.broadcast %mul3A_431 : f32 to vector<16xf32>
      %mul3A_433 = arith.mulf %get3A_430, %mul3A_432 : vector<16xf32>
      %swap3A_434 = arith.index_cast %scan3A_418 : i32 to index
      %swap3A_435 = arith.constant 16 : index
      %swap3A_436 = tpu.vector_load %arg7[%swap3A_434, %swap3A_435] {strides = array<i32>} : memref<320x64xf32, #tpu.memory_space<vmem>>, vector<16xf32>,
      tpu.vector_store %arg7[%swap3A_434, %swap3A_435], %mul3A_433 {strides = array<i32>} : memref<320x64xf32, #tpu.memory_space<vmem>>, vector<16xf32>,
      %get3A_437 = arith.index_cast %scan3A_418 : i32 to index
      %get3A_438 = arith.constant 32 : index
      %get3A_439 = tpu.vector_load %arg7[%get3A_437, %get3A_438] {strides = array<i32>} : memref<320x64xf32, #tpu.memory_space<vmem>>, vector<16xf32>,
      %mul3A_440 = arith.constant 8.000000e+00 : f32
      %mul3A_441 = vector.broadcast %mul3A_440 : f32 to vector<16xf32>
      %mul3A_442 = arith.mulf %get3A_439, %mul3A_441 : vector<16xf32>
      %swap3A_443 = arith.index_cast %scan3A_418 : i32 to index
      %swap3A_444 = arith.constant 32 : index
      %swap3A_445 = tpu.vector_load %arg7[%swap3A_443, %swap3A_444] {strides = array<i32>} : memref<320x64xf32, #tpu.memory_space<vmem>>, vector<16xf32>,
      tpu.vector_store %arg7[%swap3A_443, %swap3A_444], %mul3A_442 {strides = array<i32>} : memref<320x64xf32, #tpu.memory_space<vmem>>, vector<16xf32>,
      %get3A_446 = arith.index_cast %scan3A_418 : i32 to index
      %get3A_447 = arith.constant 48 : index
      %get3A_448 = tpu.vector_load %arg7[%get3A_446, %get3A_447] {strides = array<i32>} : memref<320x64xf32, #tpu.memory_space<vmem>>, vector<16xf32>,
      %mul3A_449 = arith.constant 8.000000e+00 : f32
      %mul3A_450 = vector.broadcast %mul3A_449 : f32 to vector<16xf32>
      %mul3A_451 = arith.mulf %get3A_448, %mul3A_450 : vector<16xf32>
      %swap3A_452 = arith.index_cast %scan3A_418 : i32 to index
      %swap3A_453 = arith.constant 48 : index
      %swap3A_454 = tpu.vector_load %arg7[%swap3A_452, %swap3A_453] {strides = array<i32>} : memref<320x64xf32, #tpu.memory_space<vmem>>, vector<16xf32>,
      tpu.vector_store %arg7[%swap3A_452, %swap3A_453], %mul3A_451 {strides = array<i32>} : memref<320x64xf32, #tpu.memory_space<vmem>>, vector<16xf32>,
      %scan3A_455 = arith.constant 6 : i32
      %scan3A_456 = arith.addi %scan3A_230, %scan3A_455 : i32
      %get3A_457 = arith.index_cast %scan3A_456 : i32 to index
      %get3A_458 = arith.constant 0 : index
      %get3A_459 = tpu.vector_load %arg7[%get3A_457, %get3A_458] {strides = array<i32>} : memref<320x64xf32, #tpu.memory_space<vmem>>, vector<16xf32>,
      %mul3A_460 = arith.constant 8.000000e+00 : f32
      %mul3A_461 = vector.broadcast %mul3A_460 : f32 to vector<16xf32>
      %mul3A_462 = arith.mulf %get3A_459, %mul3A_461 : vector<16xf32>
      %swap3A_463 = arith.index_cast %scan3A_456 : i32 to index
      %swap3A_464 = arith.constant 0 : index
      %swap3A_465 = tpu.vector_load %arg7[%swap3A_463, %swap3A_464] {strides = array<i32>} : memref<320x64xf32, #tpu.memory_space<vmem>>, vector<16xf32>,
      tpu.vector_store %arg7[%swap3A_463, %swap3A_464], %mul3A_462 {strides = array<i32>} : memref<320x64xf32, #tpu.memory_space<vmem>>, vector<16xf32>,
      %get3A_466 = arith.index_cast %scan3A_456 : i32 to index
      %get3A_467 = arith.constant 16 : index
      %get3A_468 = tpu.vector_load %arg7[%get3A_466, %get3A_467] {strides = array<i32>} : memref<320x64xf32, #tpu.memory_space<vmem>>, vector<16xf32>,
      %mul3A_469 = arith.constant 8.000000e+00 : f32
      %mul3A_470 = vector.broadcast %mul3A_469 : f32 to vector<16xf32>
      %mul3A_471 = arith.mulf %get3A_468, %mul3A_470 : vector<16xf32>
      %swap3A_472 = arith.index_cast %scan3A_456 : i32 to index
      %swap3A_473 = arith.constant 16 : index
      %swap3A_474 = tpu.vector_load %arg7[%swap3A_472, %swap3A_473] {strides = array<i32>} : memref<320x64xf32, #tpu.memory_space<vmem>>, vector<16xf32>,
      tpu.vector_store %arg7[%swap3A_472, %swap3A_473], %mul3A_471 {strides = array<i32>} : memref<320x64xf32, #tpu.memory_space<vmem>>, vector<16xf32>,
      %get3A_475 = arith.index_cast %scan3A_456 : i32 to index
      %get3A_476 = arith.constant 32 : index
      %get3A_477 = tpu.vector_load %arg7[%get3A_475, %get3A_476] {strides = array<i32>} : memref<320x64xf32, #tpu.memory_space<vmem>>, vector<16xf32>,
      %mul3A_478 = arith.constant 8.000000e+00 : f32
      %mul3A_479 = vector.broadcast %mul3A_478 : f32 to vector<16xf32>
      %mul3A_480 = arith.mulf %get3A_477, %mul3A_479 : vector<16xf32>
      %swap3A_481 = arith.index_cast %scan3A_456 : i32 to index
      %swap3A_482 = arith.constant 32 : index
      %swap3A_483 = tpu.vector_load %arg7[%swap3A_481, %swap3A_482] {strides = array<i32>} : memref<320x64xf32, #tpu.memory_space<vmem>>, vector<16xf32>,
      tpu.vector_store %arg7[%swap3A_481, %swap3A_482], %mul3A_480 {strides = array<i32>} : memref<320x64xf32, #tpu.memory_space<vmem>>, vector<16xf32>,
      %get3A_484 = arith.index_cast %scan3A_456 : i32 to index
      %get3A_485 = arith.constant 48 : index
      %get3A_486 = tpu.vector_load %arg7[%get3A_484, %get3A_485] {strides = array<i32>} : memref<320x64xf32, #tpu.memory_space<vmem>>, vector<16xf32>,
      %mul3A_487 = arith.constant 8.000000e+00 : f32
      %mul3A_488 = vector.broadcast %mul3A_487 : f32 to vector<16xf32>
      %mul3A_489 = arith.mulf %get3A_486, %mul3A_488 : vector<16xf32>
      %swap3A_490 = arith.index_cast %scan3A_456 : i32 to index
      %swap3A_491 = arith.constant 48 : index
      %swap3A_492 = tpu.vector_load %arg7[%swap3A_490, %swap3A_491] {strides = array<i32>} : memref<320x64xf32, #tpu.memory_space<vmem>>, vector<16xf32>,
      tpu.vector_store %arg7[%swap3A_490, %swap3A_491], %mul3A_489 {strides = array<i32>} : memref<320x64xf32, #tpu.memory_space<vmem>>, vector<16xf32>,
      %scan3A_493 = arith.constant 7 : i32
      %scan3A_494 = arith.addi %scan3A_230, %scan3A_493 : i32
      %get3A_495 = arith.index_cast %scan3A_494 : i32 to index
      %get3A_496 = arith.constant 0 : index
      %get3A_497 = tpu.vector_load %arg7[%get3A_495, %get3A_496] {strides = array<i32>} : memref<320x64xf32, #tpu.memory_space<vmem>>, vector<16xf32>,
      %mul3A_498 = arith.constant 8.000000e+00 : f32
      %mul3A_499 = vector.broadcast %mul3A_498 : f32 to vector<16xf32>
      %mul3A_500 = arith.mulf %get3A_497, %mul3A_499 : vector<16xf32>
      %swap3A_501 = arith.index_cast %scan3A_494 : i32 to index
      %swap3A_502 = arith.constant 0 : index
      %swap3A_503 = tpu.vector_load %arg7[%swap3A_501, %swap3A_502] {strides = array<i32>} : memref<320x64xf32, #tpu.memory_space<vmem>>, vector<16xf32>,
      tpu.vector_store %arg7[%swap3A_501, %swap3A_502], %mul3A_500 {strides = array<i32>} : memref<320x64xf32, #tpu.memory_space<vmem>>, vector<16xf32>,
      %get3A_504 = arith.index_cast %scan3A_494 : i32 to index
      %get3A_505 = arith.constant 16 : index
      %get3A_506 = tpu.vector_load %arg7[%get3A_504, %get3A_505] {strides = array<i32>} : memref<320x64xf32, #tpu.memory_space<vmem>>, vector<16xf32>,
      %mul3A_507 = arith.constant 8.000000e+00 : f32
      %mul3A_508 = vector.broadcast %mul3A_507 : f32 to vector<16xf32>
      %mul3A_509 = arith.mulf %get3A_506, %mul3A_508 : vector<16xf32>
      %swap3A_510 = arith.index_cast %scan3A_494 : i32 to index
      %swap3A_511 = arith.constant 16 : index
      %swap3A_512 = tpu.vector_load %arg7[%swap3A_510, %swap3A_511] {strides = array<i32>} : memref<320x64xf32, #tpu.memory_space<vmem>>, vector<16xf32>,
      tpu.vector_store %arg7[%swap3A_510, %swap3A_511], %mul3A_509 {strides = array<i32>} : memref<320x64xf32, #tpu.memory_space<vmem>>, vector<16xf32>,
      %get3A_513 = arith.index_cast %scan3A_494 : i32 to index
      %get3A_514 = arith.constant 32 : index
      %get3A_515 = tpu.vector_load %arg7[%get3A_513, %get3A_514] {strides = array<i32>} : memref<320x64xf32, #tpu.memory_space<vmem>>, vector<16xf32>,
      %mul3A_516 = arith.constant 8.000000e+00 : f32
      %mul3A_517 = vector.broadcast %mul3A_516 : f32 to vector<16xf32>
      %mul3A_518 = arith.mulf %get3A_515, %mul3A_517 : vector<16xf32>
      %swap3A_519 = arith.index_cast %scan3A_494 : i32 to index
      %swap3A_520 = arith.constant 32 : index
      %swap3A_521 = tpu.vector_load %arg7[%swap3A_519, %swap3A_520] {strides = array<i32>} : memref<320x64xf32, #tpu.memory_space<vmem>>, vector<16xf32>,
      tpu.vector_store %arg7[%swap3A_519, %swap3A_520], %mul3A_518 {strides = array<i32>} : memref<320x64xf32, #tpu.memory_space<vmem>>, vector<16xf32>,
      %get3A_522 = arith.index_cast %scan3A_494 : i32 to index
      %get3A_523 = arith.constant 48 : index
      %get3A_524 = tpu.vector_load %arg7[%get3A_522, %get3A_523] {strides = array<i32>} : memref<320x64xf32, #tpu.memory_space<vmem>>, vector<16xf32>,
      %mul3A_525 = arith.constant 8.000000e+00 : f32
      %mul3A_526 = vector.broadcast %mul3A_525 : f32 to vector<16xf32>
      %mul3A_527 = arith.mulf %get3A_524, %mul3A_526 : vector<16xf32>
      %swap3A_528 = arith.index_cast %scan3A_494 : i32 to index
      %swap3A_529 = arith.constant 48 : index
      %swap3A_530 = tpu.vector_load %arg7[%swap3A_528, %swap3A_529] {strides = array<i32>} : memref<320x64xf32, #tpu.memory_space<vmem>>, vector<16xf32>,
      tpu.vector_store %arg7[%swap3A_528, %swap3A_529], %mul3A_527 {strides = array<i32>} : memref<320x64xf32, #tpu.memory_space<vmem>>, vector<16xf32>,
    }
    %scan3A_42 = arith.constant 320 : i32
    %add3A_43 = arith.constant 320 : i32
    %add3A_44 = arith.addi %mul3A_2, %add3A_43 : i32
    %dma_start3A_45 = arith.constant 0 : i32
    %dma_start3A_46 = tpu.memref_slice %arg4[%add3A_44, %dma_start3A_45] : memref<819200x128xf32, #tpu.memory_space<hbm>> -> memref<320x64xf32, #tpu.memory_space<hbm>>
    %dma_start3A_47 = arith.constant 0 : i32
    %dma_start3A_48 = tpu.memref_slice %arg4[%add3A_44, %dma_start3A_47] : memref<819200x128xf32, #tpu.memory_space<hbm>> -> memref<320x64xf32, #tpu.memory_space<hbm>>
    tpu.enqueue_dma source(%arg7 : memref<320x64xf32, #tpu.memory_space<vmem>>) target(%dma_start3A_48 : memref<320x64xf32, #tpu.memory_space<hbm>>) target_semaphore(%arg15 : memref<!tpu.dma_semaphore, #tpu.memory_space<semaphore_mem>>)
    %dma_start3A_49 = arith.constant 960 : i32
    %dma_start3A_50 = tpu.memref_slice %arg5[%dma_start3A_49] : memref<25600xi32, #tpu.memory_space<vmem>> -> memref<320xi32, #tpu.memory_space<vmem>>
    %dma_start3A_51 = arith.constant 0 : i32
    %dma_start3A_52 = arith.constant 0 : i32
    %dma_start3A_53 = tpu.memref_slice %arg3[%dma_start3A_51, %dma_start3A_52] : memref<1000000x64xf32, #tpu.memory_space<hbm>> -> memref<1000000x64xf32, #tpu.memory_space<hbm>>
    tpu.enqueue_indirect_dma source(%dma_start3A_53 : memref<1000000x64xf32, #tpu.memory_space<hbm>>) target(%arg9 : memref<320x64xf32, #tpu.memory_space<vmem>>) offsets(%dma_start3A_50 : memref<320xi32, #tpu.memory_space<vmem>>) semaphore(%arg13 : memref<!tpu.dma_semaphore, #tpu.memory_space<semaphore_mem>>)
    %dma_wait3A_54 = arith.constant 640 : i32
    %dma_wait3A_55 = tpu.memref_slice %arg5[%dma_wait3A_54] : memref<25600xi32, #tpu.memory_space<vmem>> -> memref<320xi32, #tpu.memory_space<vmem>>
    %dma_wait3A_56 = arith.constant 0 : i32
    %dma_wait3A_57 = arith.constant 0 : i32
    %dma_wait3A_58 = tpu.memref_slice %arg3[%dma_wait3A_56, %dma_wait3A_57] : memref<1000000x64xf32, #tpu.memory_space<hbm>> -> memref<1000000x64xf32, #tpu.memory_space<hbm>>
    tpu.wait_indirect_dma semaphore(%arg12 : memref<!tpu.dma_semaphore, #tpu.memory_space<semaphore_mem>>) src(%dma_wait3A_58 : memref<1000000x64xf32, #tpu.memory_space<hbm>>) dst(%arg8 : memref<320x64xf32, #tpu.memory_space<vmem>>)
    %scan3A_59 = arith.constant 0 : i32
    %scan3A_60 = arith.constant 0 : i32
    %scan3A_61 = arith.constant 320 : i32
    %scan3A_62 = arith.addi %scan3A_60, %scan3A_61 : i32
    %scan3A_63 = arith.constant 8 : i32
    scf.for %scan3A_230 = %scan3A_60 to %scan3A_62 step %scan3A_63  : i32 {
      %get3A = arith.index_cast %scan3A_230 : i32 to index
      %get3A_231 = arith.constant 0 : index
      %get3A_232 = tpu.vector_load %arg8[%get3A, %get3A_231] {strides = array<i32>} : memref<320x64xf32, #tpu.memory_space<vmem>>, vector<16xf32>,
      %mul3A_233 = arith.constant 8.000000e+00 : f32
      %mul3A_234 = vector.broadcast %mul3A_233 : f32 to vector<16xf32>
      %mul3A_235 = arith.mulf %get3A_232, %mul3A_234 : vector<16xf32>
      %swap3A = arith.index_cast %scan3A_230 : i32 to index
      %swap3A_236 = arith.constant 0 : index
      %swap3A_237 = tpu.vector_load %arg8[%swap3A, %swap3A_236] {strides = array<i32>} : memref<320x64xf32, #tpu.memory_space<vmem>>, vector<16xf32>,
      tpu.vector_store %arg8[%swap3A, %swap3A_236], %mul3A_235 {strides = array<i32>} : memref<320x64xf32, #tpu.memory_space<vmem>>, vector<16xf32>,
      %get3A_238 = arith.index_cast %scan3A_230 : i32 to index
      %get3A_239 = arith.constant 16 : index
      %get3A_240 = tpu.vector_load %arg8[%get3A_238, %get3A_239] {strides = array<i32>} : memref<320x64xf32, #tpu.memory_space<vmem>>, vector<16xf32>,
      %mul3A_241 = arith.constant 8.000000e+00 : f32
      %mul3A_242 = vector.broadcast %mul3A_241 : f32 to vector<16xf32>
      %mul3A_243 = arith.mulf %get3A_240, %mul3A_242 : vector<16xf32>
      %swap3A_244 = arith.index_cast %scan3A_230 : i32 to index
      %swap3A_245 = arith.constant 16 : index
      %swap3A_246 = tpu.vector_load %arg8[%swap3A_244, %swap3A_245] {strides = array<i32>} : memref<320x64xf32, #tpu.memory_space<vmem>>, vector<16xf32>,
      tpu.vector_store %arg8[%swap3A_244, %swap3A_245], %mul3A_243 {strides = array<i32>} : memref<320x64xf32, #tpu.memory_space<vmem>>, vector<16xf32>,
      %get3A_247 = arith.index_cast %scan3A_230 : i32 to index
      %get3A_248 = arith.constant 32 : index
      %get3A_249 = tpu.vector_load %arg8[%get3A_247, %get3A_248] {strides = array<i32>} : memref<320x64xf32, #tpu.memory_space<vmem>>, vector<16xf32>,
      %mul3A_250 = arith.constant 8.000000e+00 : f32
      %mul3A_251 = vector.broadcast %mul3A_250 : f32 to vector<16xf32>
      %mul3A_252 = arith.mulf %get3A_249, %mul3A_251 : vector<16xf32>
      %swap3A_253 = arith.index_cast %scan3A_230 : i32 to index
      %swap3A_254 = arith.constant 32 : index
      %swap3A_255 = tpu.vector_load %arg8[%swap3A_253, %swap3A_254] {strides = array<i32>} : memref<320x64xf32, #tpu.memory_space<vmem>>, vector<16xf32>,
      tpu.vector_store %arg8[%swap3A_253, %swap3A_254], %mul3A_252 {strides = array<i32>} : memref<320x64xf32, #tpu.memory_space<vmem>>, vector<16xf32>,
      %get3A_256 = arith.index_cast %scan3A_230 : i32 to index
      %get3A_257 = arith.constant 48 : index
      %get3A_258 = tpu.vector_load %arg8[%get3A_256, %get3A_257] {strides = array<i32>} : memref<320x64xf32, #tpu.memory_space<vmem>>, vector<16xf32>,
      %mul3A_259 = arith.constant 8.000000e+00 : f32
      %mul3A_260 = vector.broadcast %mul3A_259 : f32 to vector<16xf32>
      %mul3A_261 = arith.mulf %get3A_258, %mul3A_260 : vector<16xf32>
      %swap3A_262 = arith.index_cast %scan3A_230 : i32 to index
      %swap3A_263 = arith.constant 48 : index
      %swap3A_264 = tpu.vector_load %arg8[%swap3A_262, %swap3A_263] {strides = array<i32>} : memref<320x64xf32, #tpu.memory_space<vmem>>, vector<16xf32>,
      tpu.vector_store %arg8[%swap3A_262, %swap3A_263], %mul3A_261 {strides = array<i32>} : memref<320x64xf32, #tpu.memory_space<vmem>>, vector<16xf32>,
      %scan3A_265 = arith.constant 1 : i32
      %scan3A_266 = arith.addi %scan3A_230, %scan3A_265 : i32
      %get3A_267 = arith.index_cast %scan3A_266 : i32 to index
      %get3A_268 = arith.constant 0 : index
      %get3A_269 = tpu.vector_load %arg8[%get3A_267, %get3A_268] {strides = array<i32>} : memref<320x64xf32, #tpu.memory_space<vmem>>, vector<16xf32>,
      %mul3A_270 = arith.constant 8.000000e+00 : f32
      %mul3A_271 = vector.broadcast %mul3A_270 : f32 to vector<16xf32>
      %mul3A_272 = arith.mulf %get3A_269, %mul3A_271 : vector<16xf32>
      %swap3A_273 = arith.index_cast %scan3A_266 : i32 to index
      %swap3A_274 = arith.constant 0 : index
      %swap3A_275 = tpu.vector_load %arg8[%swap3A_273, %swap3A_274] {strides = array<i32>} : memref<320x64xf32, #tpu.memory_space<vmem>>, vector<16xf32>,
      tpu.vector_store %arg8[%swap3A_273, %swap3A_274], %mul3A_272 {strides = array<i32>} : memref<320x64xf32, #tpu.memory_space<vmem>>, vector<16xf32>,
      %get3A_276 = arith.index_cast %scan3A_266 : i32 to index
      %get3A_277 = arith.constant 16 : index
      %get3A_278 = tpu.vector_load %arg8[%get3A_276, %get3A_277] {strides = array<i32>} : memref<320x64xf32, #tpu.memory_space<vmem>>, vector<16xf32>,
      %mul3A_279 = arith.constant 8.000000e+00 : f32
      %mul3A_280 = vector.broadcast %mul3A_279 : f32 to vector<16xf32>
      %mul3A_281 = arith.mulf %get3A_278, %mul3A_280 : vector<16xf32>
      %swap3A_282 = arith.index_cast %scan3A_266 : i32 to index
      %swap3A_283 = arith.constant 16 : index
      %swap3A_284 = tpu.vector_load %arg8[%swap3A_282, %swap3A_283] {strides = array<i32>} : memref<320x64xf32, #tpu.memory_space<vmem>>, vector<16xf32>,
      tpu.vector_store %arg8[%swap3A_282, %swap3A_283], %mul3A_281 {strides = array<i32>} : memref<320x64xf32, #tpu.memory_space<vmem>>, vector<16xf32>,
      %get3A_285 = arith.index_cast %scan3A_266 : i32 to index
      %get3A_286 = arith.constant 32 : index
      %get3A_287 = tpu.vector_load %arg8[%get3A_285, %get3A_286] {strides = array<i32>} : memref<320x64xf32, #tpu.memory_space<vmem>>, vector<16xf32>,
      %mul3A_288 = arith.constant 8.000000e+00 : f32
      %mul3A_289 = vector.broadcast %mul3A_288 : f32 to vector<16xf32>
      %mul3A_290 = arith.mulf %get3A_287, %mul3A_289 : vector<16xf32>
      %swap3A_291 = arith.index_cast %scan3A_266 : i32 to index
      %swap3A_292 = arith.constant 32 : index
      %swap3A_293 = tpu.vector_load %arg8[%swap3A_291, %swap3A_292] {strides = array<i32>} : memref<320x64xf32, #tpu.memory_space<vmem>>, vector<16xf32>,
      tpu.vector_store %arg8[%swap3A_291, %swap3A_292], %mul3A_290 {strides = array<i32>} : memref<320x64xf32, #tpu.memory_space<vmem>>, vector<16xf32>,
      %get3A_294 = arith.index_cast %scan3A_266 : i32 to index
      %get3A_295 = arith.constant 48 : index
      %get3A_296 = tpu.vector_load %arg8[%get3A_294, %get3A_295] {strides = array<i32>} : memref<320x64xf32, #tpu.memory_space<vmem>>, vector<16xf32>,
      %mul3A_297 = arith.constant 8.000000e+00 : f32
      %mul3A_298 = vector.broadcast %mul3A_297 : f32 to vector<16xf32>
      %mul3A_299 = arith.mulf %get3A_296, %mul3A_298 : vector<16xf32>
      %swap3A_300 = arith.index_cast %scan3A_266 : i32 to index
      %swap3A_301 = arith.constant 48 : index
      %swap3A_302 = tpu.vector_load %arg8[%swap3A_300, %swap3A_301] {strides = array<i32>} : memref<320x64xf32, #tpu.memory_space<vmem>>, vector<16xf32>,
      tpu.vector_store %arg8[%swap3A_300, %swap3A_301], %mul3A_299 {strides = array<i32>} : memref<320x64xf32, #tpu.memory_space<vmem>>, vector<16xf32>,
      %scan3A_303 = arith.constant 2 : i32
      %scan3A_304 = arith.addi %scan3A_230, %scan3A_303 : i32
      %get3A_305 = arith.index_cast %scan3A_304 : i32 to index
      %get3A_306 = arith.constant 0 : index
      %get3A_307 = tpu.vector_load %arg8[%get3A_305, %get3A_306] {strides = array<i32>} : memref<320x64xf32, #tpu.memory_space<vmem>>, vector<16xf32>,
      %mul3A_308 = arith.constant 8.000000e+00 : f32
      %mul3A_309 = vector.broadcast %mul3A_308 : f32 to vector<16xf32>
      %mul3A_310 = arith.mulf %get3A_307, %mul3A_309 : vector<16xf32>
      %swap3A_311 = arith.index_cast %scan3A_304 : i32 to index
      %swap3A_312 = arith.constant 0 : index
      %swap3A_313 = tpu.vector_load %arg8[%swap3A_311, %swap3A_312] {strides = array<i32>} : memref<320x64xf32, #tpu.memory_space<vmem>>, vector<16xf32>,
      tpu.vector_store %arg8[%swap3A_311, %swap3A_312], %mul3A_310 {strides = array<i32>} : memref<320x64xf32, #tpu.memory_space<vmem>>, vector<16xf32>,
      %get3A_314 = arith.index_cast %scan3A_304 : i32 to index
      %get3A_315 = arith.constant 16 : index
      %get3A_316 = tpu.vector_load %arg8[%get3A_314, %get3A_315] {strides = array<i32>} : memref<320x64xf32, #tpu.memory_space<vmem>>, vector<16xf32>,
      %mul3A_317 = arith.constant 8.000000e+00 : f32
      %mul3A_318 = vector.broadcast %mul3A_317 : f32 to vector<16xf32>
      %mul3A_319 = arith.mulf %get3A_316, %mul3A_318 : vector<16xf32>
      %swap3A_320 = arith.index_cast %scan3A_304 : i32 to index
      %swap3A_321 = arith.constant 16 : index
      %swap3A_322 = tpu.vector_load %arg8[%swap3A_320, %swap3A_321] {strides = array<i32>} : memref<320x64xf32, #tpu.memory_space<vmem>>, vector<16xf32>,
      tpu.vector_store %arg8[%swap3A_320, %swap3A_321], %mul3A_319 {strides = array<i32>} : memref<320x64xf32, #tpu.memory_space<vmem>>, vector<16xf32>,
      %get3A_323 = arith.index_cast %scan3A_304 : i32 to index
      %get3A_324 = arith.constant 32 : index
      %get3A_325 = tpu.vector_load %arg8[%get3A_323, %get3A_324] {strides = array<i32>} : memref<320x64xf32, #tpu.memory_space<vmem>>, vector<16xf32>,
      %mul3A_326 = arith.constant 8.000000e+00 : f32
      %mul3A_327 = vector.broadcast %mul3A_326 : f32 to vector<16xf32>
      %mul3A_328 = arith.mulf %get3A_325, %mul3A_327 : vector<16xf32>
      %swap3A_329 = arith.index_cast %scan3A_304 : i32 to index
      %swap3A_330 = arith.constant 32 : index
      %swap3A_331 = tpu.vector_load %arg8[%swap3A_329, %swap3A_330] {strides = array<i32>} : memref<320x64xf32, #tpu.memory_space<vmem>>, vector<16xf32>,
      tpu.vector_store %arg8[%swap3A_329, %swap3A_330], %mul3A_328 {strides = array<i32>} : memref<320x64xf32, #tpu.memory_space<vmem>>, vector<16xf32>,
      %get3A_332 = arith.index_cast %scan3A_304 : i32 to index
      %get3A_333 = arith.constant 48 : index
      %get3A_334 = tpu.vector_load %arg8[%get3A_332, %get3A_333] {strides = array<i32>} : memref<320x64xf32, #tpu.memory_space<vmem>>, vector<16xf32>,
      %mul3A_335 = arith.constant 8.000000e+00 : f32
      %mul3A_336 = vector.broadcast %mul3A_335 : f32 to vector<16xf32>
      %mul3A_337 = arith.mulf %get3A_334, %mul3A_336 : vector<16xf32>
      %swap3A_338 = arith.index_cast %scan3A_304 : i32 to index
      %swap3A_339 = arith.constant 48 : index
      %swap3A_340 = tpu.vector_load %arg8[%swap3A_338, %swap3A_339] {strides = array<i32>} : memref<320x64xf32, #tpu.memory_space<vmem>>, vector<16xf32>,
      tpu.vector_store %arg8[%swap3A_338, %swap3A_339], %mul3A_337 {strides = array<i32>} : memref<320x64xf32, #tpu.memory_space<vmem>>, vector<16xf32>,
      %scan3A_341 = arith.constant 3 : i32
      %scan3A_342 = arith.addi %scan3A_230, %scan3A_341 : i32
      %get3A_343 = arith.index_cast %scan3A_342 : i32 to index
      %get3A_344 = arith.constant 0 : index
      %get3A_345 = tpu.vector_load %arg8[%get3A_343, %get3A_344] {strides = array<i32>} : memref<320x64xf32, #tpu.memory_space<vmem>>, vector<16xf32>,
      %mul3A_346 = arith.constant 8.000000e+00 : f32
      %mul3A_347 = vector.broadcast %mul3A_346 : f32 to vector<16xf32>
      %mul3A_348 = arith.mulf %get3A_345, %mul3A_347 : vector<16xf32>
      %swap3A_349 = arith.index_cast %scan3A_342 : i32 to index
      %swap3A_350 = arith.constant 0 : index
      %swap3A_351 = tpu.vector_load %arg8[%swap3A_349, %swap3A_350] {strides = array<i32>} : memref<320x64xf32, #tpu.memory_space<vmem>>, vector<16xf32>,
      tpu.vector_store %arg8[%swap3A_349, %swap3A_350], %mul3A_348 {strides = array<i32>} : memref<320x64xf32, #tpu.memory_space<vmem>>, vector<16xf32>,
      %get3A_352 = arith.index_cast %scan3A_342 : i32 to index
      %get3A_353 = arith.constant 16 : index
      %get3A_354 = tpu.vector_load %arg8[%get3A_352, %get3A_353] {strides = array<i32>} : memref<320x64xf32, #tpu.memory_space<vmem>>, vector<16xf32>,
      %mul3A_355 = arith.constant 8.000000e+00 : f32
      %mul3A_356 = vector.broadcast %mul3A_355 : f32 to vector<16xf32>
      %mul3A_357 = arith.mulf %get3A_354, %mul3A_356 : vector<16xf32>
      %swap3A_358 = arith.index_cast %scan3A_342 : i32 to index
      %swap3A_359 = arith.constant 16 : index
      %swap3A_360 = tpu.vector_load %arg8[%swap3A_358, %swap3A_359] {strides = array<i32>} : memref<320x64xf32, #tpu.memory_space<vmem>>, vector<16xf32>,
      tpu.vector_store %arg8[%swap3A_358, %swap3A_359], %mul3A_357 {strides = array<i32>} : memref<320x64xf32, #tpu.memory_space<vmem>>, vector<16xf32>,
      %get3A_361 = arith.index_cast %scan3A_342 : i32 to index
      %get3A_362 = arith.constant 32 : index
      %get3A_363 = tpu.vector_load %arg8[%get3A_361, %get3A_362] {strides = array<i32>} : memref<320x64xf32, #tpu.memory_space<vmem>>, vector<16xf32>,
      %mul3A_364 = arith.constant 8.000000e+00 : f32
      %mul3A_365 = vector.broadcast %mul3A_364 : f32 to vector<16xf32>
      %mul3A_366 = arith.mulf %get3A_363, %mul3A_365 : vector<16xf32>
      %swap3A_367 = arith.index_cast %scan3A_342 : i32 to index
      %swap3A_368 = arith.constant 32 : index
      %swap3A_369 = tpu.vector_load %arg8[%swap3A_367, %swap3A_368] {strides = array<i32>} : memref<320x64xf32, #tpu.memory_space<vmem>>, vector<16xf32>,
      tpu.vector_store %arg8[%swap3A_367, %swap3A_368], %mul3A_366 {strides = array<i32>} : memref<320x64xf32, #tpu.memory_space<vmem>>, vector<16xf32>,
      %get3A_370 = arith.index_cast %scan3A_342 : i32 to index
      %get3A_371 = arith.constant 48 : index
      %get3A_372 = tpu.vector_load %arg8[%get3A_370, %get3A_371] {strides = array<i32>} : memref<320x64xf32, #tpu.memory_space<vmem>>, vector<16xf32>,
      %mul3A_373 = arith.constant 8.000000e+00 : f32
      %mul3A_374 = vector.broadcast %mul3A_373 : f32 to vector<16xf32>
      %mul3A_375 = arith.mulf %get3A_372, %mul3A_374 : vector<16xf32>
      %swap3A_376 = arith.index_cast %scan3A_342 : i32 to index
      %swap3A_377 = arith.constant 48 : index
      %swap3A_378 = tpu.vector_load %arg8[%swap3A_376, %swap3A_377] {strides = array<i32>} : memref<320x64xf32, #tpu.memory_space<vmem>>, vector<16xf32>,
      tpu.vector_store %arg8[%swap3A_376, %swap3A_377], %mul3A_375 {strides = array<i32>} : memref<320x64xf32, #tpu.memory_space<vmem>>, vector<16xf32>,
      %scan3A_379 = arith.constant 4 : i32
      %scan3A_380 = arith.addi %scan3A_230, %scan3A_379 : i32
      %get3A_381 = arith.index_cast %scan3A_380 : i32 to index
      %get3A_382 = arith.constant 0 : index
      %get3A_383 = tpu.vector_load %arg8[%get3A_381, %get3A_382] {strides = array<i32>} : memref<320x64xf32, #tpu.memory_space<vmem>>, vector<16xf32>,
      %mul3A_384 = arith.constant 8.000000e+00 : f32
      %mul3A_385 = vector.broadcast %mul3A_384 : f32 to vector<16xf32>
      %mul3A_386 = arith.mulf %get3A_383, %mul3A_385 : vector<16xf32>
      %swap3A_387 = arith.index_cast %scan3A_380 : i32 to index
      %swap3A_388 = arith.constant 0 : index
      %swap3A_389 = tpu.vector_load %arg8[%swap3A_387, %swap3A_388] {strides = array<i32>} : memref<320x64xf32, #tpu.memory_space<vmem>>, vector<16xf32>,
      tpu.vector_store %arg8[%swap3A_387, %swap3A_388], %mul3A_386 {strides = array<i32>} : memref<320x64xf32, #tpu.memory_space<vmem>>, vector<16xf32>,
      %get3A_390 = arith.index_cast %scan3A_380 : i32 to index
      %get3A_391 = arith.constant 16 : index
      %get3A_392 = tpu.vector_load %arg8[%get3A_390, %get3A_391] {strides = array<i32>} : memref<320x64xf32, #tpu.memory_space<vmem>>, vector<16xf32>,
      %mul3A_393 = arith.constant 8.000000e+00 : f32
      %mul3A_394 = vector.broadcast %mul3A_393 : f32 to vector<16xf32>
      %mul3A_395 = arith.mulf %get3A_392, %mul3A_394 : vector<16xf32>
      %swap3A_396 = arith.index_cast %scan3A_380 : i32 to index
      %swap3A_397 = arith.constant 16 : index
      %swap3A_398 = tpu.vector_load %arg8[%swap3A_396, %swap3A_397] {strides = array<i32>} : memref<320x64xf32, #tpu.memory_space<vmem>>, vector<16xf32>,
      tpu.vector_store %arg8[%swap3A_396, %swap3A_397], %mul3A_395 {strides = array<i32>} : memref<320x64xf32, #tpu.memory_space<vmem>>, vector<16xf32>,
      %get3A_399 = arith.index_cast %scan3A_380 : i32 to index
      %get3A_400 = arith.constant 32 : index
      %get3A_401 = tpu.vector_load %arg8[%get3A_399, %get3A_400] {strides = array<i32>} : memref<320x64xf32, #tpu.memory_space<vmem>>, vector<16xf32>,
      %mul3A_402 = arith.constant 8.000000e+00 : f32
      %mul3A_403 = vector.broadcast %mul3A_402 : f32 to vector<16xf32>
      %mul3A_404 = arith.mulf %get3A_401, %mul3A_403 : vector<16xf32>
      %swap3A_405 = arith.index_cast %scan3A_380 : i32 to index
      %swap3A_406 = arith.constant 32 : index
      %swap3A_407 = tpu.vector_load %arg8[%swap3A_405, %swap3A_406] {strides = array<i32>} : memref<320x64xf32, #tpu.memory_space<vmem>>, vector<16xf32>,
      tpu.vector_store %arg8[%swap3A_405, %swap3A_406], %mul3A_404 {strides = array<i32>} : memref<320x64xf32, #tpu.memory_space<vmem>>, vector<16xf32>,
      %get3A_408 = arith.index_cast %scan3A_380 : i32 to index
      %get3A_409 = arith.constant 48 : index
      %get3A_410 = tpu.vector_load %arg8[%get3A_408, %get3A_409] {strides = array<i32>} : memref<320x64xf32, #tpu.memory_space<vmem>>, vector<16xf32>,
      %mul3A_411 = arith.constant 8.000000e+00 : f32
      %mul3A_412 = vector.broadcast %mul3A_411 : f32 to vector<16xf32>
      %mul3A_413 = arith.mulf %get3A_410, %mul3A_412 : vector<16xf32>
      %swap3A_414 = arith.index_cast %scan3A_380 : i32 to index
      %swap3A_415 = arith.constant 48 : index
      %swap3A_416 = tpu.vector_load %arg8[%swap3A_414, %swap3A_415] {strides = array<i32>} : memref<320x64xf32, #tpu.memory_space<vmem>>, vector<16xf32>,
      tpu.vector_store %arg8[%swap3A_414, %swap3A_415], %mul3A_413 {strides = array<i32>} : memref<320x64xf32, #tpu.memory_space<vmem>>, vector<16xf32>,
      %scan3A_417 = arith.constant 5 : i32
      %scan3A_418 = arith.addi %scan3A_230, %scan3A_417 : i32
      %get3A_419 = arith.index_cast %scan3A_418 : i32 to index
      %get3A_420 = arith.constant 0 : index
      %get3A_421 = tpu.vector_load %arg8[%get3A_419, %get3A_420] {strides = array<i32>} : memref<320x64xf32, #tpu.memory_space<vmem>>, vector<16xf32>,
      %mul3A_422 = arith.constant 8.000000e+00 : f32
      %mul3A_423 = vector.broadcast %mul3A_422 : f32 to vector<16xf32>
      %mul3A_424 = arith.mulf %get3A_421, %mul3A_423 : vector<16xf32>
      %swap3A_425 = arith.index_cast %scan3A_418 : i32 to index
      %swap3A_426 = arith.constant 0 : index
      %swap3A_427 = tpu.vector_load %arg8[%swap3A_425, %swap3A_426] {strides = array<i32>} : memref<320x64xf32, #tpu.memory_space<vmem>>, vector<16xf32>,
      tpu.vector_store %arg8[%swap3A_425, %swap3A_426], %mul3A_424 {strides = array<i32>} : memref<320x64xf32, #tpu.memory_space<vmem>>, vector<16xf32>,
      %get3A_428 = arith.index_cast %scan3A_418 : i32 to index
      %get3A_429 = arith.constant 16 : index
      %get3A_430 = tpu.vector_load %arg8[%get3A_428, %get3A_429] {strides = array<i32>} : memref<320x64xf32, #tpu.memory_space<vmem>>, vector<16xf32>,
      %mul3A_431 = arith.constant 8.000000e+00 : f32
      %mul3A_432 = vector.broadcast %mul3A_431 : f32 to vector<16xf32>
      %mul3A_433 = arith.mulf %get3A_430, %mul3A_432 : vector<16xf32>
      %swap3A_434 = arith.index_cast %scan3A_418 : i32 to index
      %swap3A_435 = arith.constant 16 : index
      %swap3A_436 = tpu.vector_load %arg8[%swap3A_434, %swap3A_435] {strides = array<i32>} : memref<320x64xf32, #tpu.memory_space<vmem>>, vector<16xf32>,
      tpu.vector_store %arg8[%swap3A_434, %swap3A_435], %mul3A_433 {strides = array<i32>} : memref<320x64xf32, #tpu.memory_space<vmem>>, vector<16xf32>,
      %get3A_437 = arith.index_cast %scan3A_418 : i32 to index
      %get3A_438 = arith.constant 32 : index
      %get3A_439 = tpu.vector_load %arg8[%get3A_437, %get3A_438] {strides = array<i32>} : memref<320x64xf32, #tpu.memory_space<vmem>>, vector<16xf32>,
      %mul3A_440 = arith.constant 8.000000e+00 : f32
      %mul3A_441 = vector.broadcast %mul3A_440 : f32 to vector<16xf32>
      %mul3A_442 = arith.mulf %get3A_439, %mul3A_441 : vector<16xf32>
      %swap3A_443 = arith.index_cast %scan3A_418 : i32 to index
      %swap3A_444 = arith.constant 32 : index
      %swap3A_445 = tpu.vector_load %arg8[%swap3A_443, %swap3A_444] {strides = array<i32>} : memref<320x64xf32, #tpu.memory_space<vmem>>, vector<16xf32>,
      tpu.vector_store %arg8[%swap3A_443, %swap3A_444], %mul3A_442 {strides = array<i32>} : memref<320x64xf32, #tpu.memory_space<vmem>>, vector<16xf32>,
      %get3A_446 = arith.index_cast %scan3A_418 : i32 to index
      %get3A_447 = arith.constant 48 : index
      %get3A_448 = tpu.vector_load %arg8[%get3A_446, %get3A_447] {strides = array<i32>} : memref<320x64xf32, #tpu.memory_space<vmem>>, vector<16xf32>,
      %mul3A_449 = arith.constant 8.000000e+00 : f32
      %mul3A_450 = vector.broadcast %mul3A_449 : f32 to vector<16xf32>
      %mul3A_451 = arith.mulf %get3A_448, %mul3A_450 : vector<16xf32>
      %swap3A_452 = arith.index_cast %scan3A_418 : i32 to index
      %swap3A_453 = arith.constant 48 : index
      %swap3A_454 = tpu.vector_load %arg8[%swap3A_452, %swap3A_453] {strides = array<i32>} : memref<320x64xf32, #tpu.memory_space<vmem>>, vector<16xf32>,
      tpu.vector_store %arg8[%swap3A_452, %swap3A_453], %mul3A_451 {strides = array<i32>} : memref<320x64xf32, #tpu.memory_space<vmem>>, vector<16xf32>,
      %scan3A_455 = arith.constant 6 : i32
      %scan3A_456 = arith.addi %scan3A_230, %scan3A_455 : i32
      %get3A_457 = arith.index_cast %scan3A_456 : i32 to index
      %get3A_458 = arith.constant 0 : index
      %get3A_459 = tpu.vector_load %arg8[%get3A_457, %get3A_458] {strides = array<i32>} : memref<320x64xf32, #tpu.memory_space<vmem>>, vector<16xf32>,
      %mul3A_460 = arith.constant 8.000000e+00 : f32
      %mul3A_461 = vector.broadcast %mul3A_460 : f32 to vector<16xf32>
      %mul3A_462 = arith.mulf %get3A_459, %mul3A_461 : vector<16xf32>
      %swap3A_463 = arith.index_cast %scan3A_456 : i32 to index
      %swap3A_464 = arith.constant 0 : index
      %swap3A_465 = tpu.vector_load %arg8[%swap3A_463, %swap3A_464] {strides = array<i32>} : memref<320x64xf32, #tpu.memory_space<vmem>>, vector<16xf32>,
      tpu.vector_store %arg8[%swap3A_463, %swap3A_464], %mul3A_462 {strides = array<i32>} : memref<320x64xf32, #tpu.memory_space<vmem>>, vector<16xf32>,
      %get3A_466 = arith.index_cast %scan3A_456 : i32 to index
      %get3A_467 = arith.constant 16 : index
      %get3A_468 = tpu.vector_load %arg8[%get3A_466, %get3A_467] {strides = array<i32>} : memref<320x64xf32, #tpu.memory_space<vmem>>, vector<16xf32>,
      %mul3A_469 = arith.constant 8.000000e+00 : f32
      %mul3A_470 = vector.broadcast %mul3A_469 : f32 to vector<16xf32>
      %mul3A_471 = arith.mulf %get3A_468, %mul3A_470 : vector<16xf32>
      %swap3A_472 = arith.index_cast %scan3A_456 : i32 to index
      %swap3A_473 = arith.constant 16 : index
      %swap3A_474 = tpu.vector_load %arg8[%swap3A_472, %swap3A_473] {strides = array<i32>} : memref<320x64xf32, #tpu.memory_space<vmem>>, vector<16xf32>,
      tpu.vector_store %arg8[%swap3A_472, %swap3A_473], %mul3A_471 {strides = array<i32>} : memref<320x64xf32, #tpu.memory_space<vmem>>, vector<16xf32>,
      %get3A_475 = arith.index_cast %scan3A_456 : i32 to index
      %get3A_476 = arith.constant 32 : index
      %get3A_477 = tpu.vector_load %arg8[%get3A_475, %get3A_476] {strides = array<i32>} : memref<320x64xf32, #tpu.memory_space<vmem>>, vector<16xf32>,
      %mul3A_478 = arith.constant 8.000000e+00 : f32
      %mul3A_479 = vector.broadcast %mul3A_478 : f32 to vector<16xf32>
      %mul3A_480 = arith.mulf %get3A_477, %mul3A_479 : vector<16xf32>
      %swap3A_481 = arith.index_cast %scan3A_456 : i32 to index
      %swap3A_482 = arith.constant 32 : index
      %swap3A_483 = tpu.vector_load %arg8[%swap3A_481, %swap3A_482] {strides = array<i32>} : memref<320x64xf32, #tpu.memory_space<vmem>>, vector<16xf32>,
      tpu.vector_store %arg8[%swap3A_481, %swap3A_482], %mul3A_480 {strides = array<i32>} : memref<320x64xf32, #tpu.memory_space<vmem>>, vector<16xf32>,
      %get3A_484 = arith.index_cast %scan3A_456 : i32 to index
      %get3A_485 = arith.constant 48 : index
      %get3A_486 = tpu.vector_load %arg8[%get3A_484, %get3A_485] {strides = array<i32>} : memref<320x64xf32, #tpu.memory_space<vmem>>, vector<16xf32>,
      %mul3A_487 = arith.constant 8.000000e+00 : f32
      %mul3A_488 = vector.broadcast %mul3A_487 : f32 to vector<16xf32>
      %mul3A_489 = arith.mulf %get3A_486, %mul3A_488 : vector<16xf32>
      %swap3A_490 = arith.index_cast %scan3A_456 : i32 to index
      %swap3A_491 = arith.constant 48 : index
      %swap3A_492 = tpu.vector_load %arg8[%swap3A_490, %swap3A_491] {strides = array<i32>} : memref<320x64xf32, #tpu.memory_space<vmem>>, vector<16xf32>,
      tpu.vector_store %arg8[%swap3A_490, %swap3A_491], %mul3A_489 {strides = array<i32>} : memref<320x64xf32, #tpu.memory_space<vmem>>, vector<16xf32>,
      %scan3A_493 = arith.constant 7 : i32
      %scan3A_494 = arith.addi %scan3A_230, %scan3A_493 : i32
      %get3A_495 = arith.index_cast %scan3A_494 : i32 to index
      %get3A_496 = arith.constant 0 : index
      %get3A_497 = tpu.vector_load %arg8[%get3A_495, %get3A_496] {strides = array<i32>} : memref<320x64xf32, #tpu.memory_space<vmem>>, vector<16xf32>,
      %mul3A_498 = arith.constant 8.000000e+00 : f32
      %mul3A_499 = vector.broadcast %mul3A_498 : f32 to vector<16xf32>
      %mul3A_500 = arith.mulf %get3A_497, %mul3A_499 : vector<16xf32>
      %swap3A_501 = arith.index_cast %scan3A_494 : i32 to index
      %swap3A_502 = arith.constant 0 : index
      %swap3A_503 = tpu.vector_load %arg8[%swap3A_501, %swap3A_502] {strides = array<i32>} : memref<320x64xf32, #tpu.memory_space<vmem>>, vector<16xf32>,
      tpu.vector_store %arg8[%swap3A_501, %swap3A_502], %mul3A_500 {strides = array<i32>} : memref<320x64xf32, #tpu.memory_space<vmem>>, vector<16xf32>,
      %get3A_504 = arith.index_cast %scan3A_494 : i32 to index
      %get3A_505 = arith.constant 16 : index
      %get3A_506 = tpu.vector_load %arg8[%get3A_504, %get3A_505] {strides = array<i32>} : memref<320x64xf32, #tpu.memory_space<vmem>>, vector<16xf32>,
      %mul3A_507 = arith.constant 8.000000e+00 : f32
      %mul3A_508 = vector.broadcast %mul3A_507 : f32 to vector<16xf32>
      %mul3A_509 = arith.mulf %get3A_506, %mul3A_508 : vector<16xf32>
      %swap3A_510 = arith.index_cast %scan3A_494 : i32 to index
      %swap3A_511 = arith.constant 16 : index
      %swap3A_512 = tpu.vector_load %arg8[%swap3A_510, %swap3A_511] {strides = array<i32>} : memref<320x64xf32, #tpu.memory_space<vmem>>, vector<16xf32>,
      tpu.vector_store %arg8[%swap3A_510, %swap3A_511], %mul3A_509 {strides = array<i32>} : memref<320x64xf32, #tpu.memory_space<vmem>>, vector<16xf32>,
      %get3A_513 = arith.index_cast %scan3A_494 : i32 to index
      %get3A_514 = arith.constant 32 : index
      %get3A_515 = tpu.vector_load %arg8[%get3A_513, %get3A_514] {strides = array<i32>} : memref<320x64xf32, #tpu.memory_space<vmem>>, vector<16xf32>,
      %mul3A_516 = arith.constant 8.000000e+00 : f32
      %mul3A_517 = vector.broadcast %mul3A_516 : f32 to vector<16xf32>
      %mul3A_518 = arith.mulf %get3A_515, %mul3A_517 : vector<16xf32>
      %swap3A_519 = arith.index_cast %scan3A_494 : i32 to index
      %swap3A_520 = arith.constant 32 : index
      %swap3A_521 = tpu.vector_load %arg8[%swap3A_519, %swap3A_520] {strides = array<i32>} : memref<320x64xf32, #tpu.memory_space<vmem>>, vector<16xf32>,
      tpu.vector_store %arg8[%swap3A_519, %swap3A_520], %mul3A_518 {strides = array<i32>} : memref<320x64xf32, #tpu.memory_space<vmem>>, vector<16xf32>,
      %get3A_522 = arith.index_cast %scan3A_494 : i32 to index
      %get3A_523 = arith.constant 48 : index
      %get3A_524 = tpu.vector_load %arg8[%get3A_522, %get3A_523] {strides = array<i32>} : memref<320x64xf32, #tpu.memory_space<vmem>>, vector<16xf32>,
      %mul3A_525 = arith.constant 8.000000e+00 : f32
      %mul3A_526 = vector.broadcast %mul3A_525 : f32 to vector<16xf32>
      %mul3A_527 = arith.mulf %get3A_524, %mul3A_526 : vector<16xf32>
      %swap3A_528 = arith.index_cast %scan3A_494 : i32 to index
      %swap3A_529 = arith.constant 48 : index
      %swap3A_530 = tpu.vector_load %arg8[%swap3A_528, %swap3A_529] {strides = array<i32>} : memref<320x64xf32, #tpu.memory_space<vmem>>, vector<16xf32>,
      tpu.vector_store %arg8[%swap3A_528, %swap3A_529], %mul3A_527 {strides = array<i32>} : memref<320x64xf32, #tpu.memory_space<vmem>>, vector<16xf32>,
    }
    %scan3A_64 = arith.constant 320 : i32
    %add3A_65 = arith.constant 640 : i32
    %add3A_66 = arith.addi %mul3A_2, %add3A_65 : i32
    %dma_start3A_67 = arith.constant 0 : i32
    %dma_start3A_68 = tpu.memref_slice %arg4[%add3A_66, %dma_start3A_67] : memref<819200x128xf32, #tpu.memory_space<hbm>> -> memref<320x64xf32, #tpu.memory_space<hbm>>
    %dma_start3A_69 = arith.constant 0 : i32
    %dma_start3A_70 = tpu.memref_slice %arg4[%add3A_66, %dma_start3A_69] : memref<819200x128xf32, #tpu.memory_space<hbm>> -> memref<320x64xf32, #tpu.memory_space<hbm>>
    tpu.enqueue_dma source(%arg8 : memref<320x64xf32, #tpu.memory_space<vmem>>) target(%dma_start3A_70 : memref<320x64xf32, #tpu.memory_space<hbm>>) target_semaphore(%arg16 : memref<!tpu.dma_semaphore, #tpu.memory_space<semaphore_mem>>)
    %add3A_71 = arith.constant 0 : i32
    %add3A_72 = arith.addi %mul3A_2, %add3A_71 : i32
    %dma_wait3A_73 = arith.constant 0 : i32
    %dma_wait3A_74 = tpu.memref_slice %arg4[%add3A_72, %dma_wait3A_73] : memref<819200x128xf32, #tpu.memory_space<hbm>> -> memref<320x64xf32, #tpu.memory_space<hbm>>
    %dma_wait3A_75 = arith.constant 0 : i32
    %dma_wait3A_76 = tpu.memref_slice %arg4[%add3A_72, %dma_wait3A_75] : memref<819200x128xf32, #tpu.memory_space<hbm>> -> memref<320x64xf32, #tpu.memory_space<hbm>>
    tpu.wait_dma2 semaphore(%arg14 : memref<!tpu.dma_semaphore, #tpu.memory_space<semaphore_mem>>) src(%arg6 : memref<320x64xf32, #tpu.memory_space<vmem>>) dst(%dma_wait3A_76 : memref<320x64xf32, #tpu.memory_space<hbm>>)
    %dma_start3A_77 = arith.constant 1280 : i32
    %dma_start3A_78 = tpu.memref_slice %arg5[%dma_start3A_77] : memref<25600xi32, #tpu.memory_space<vmem>> -> memref<320xi32, #tpu.memory_space<vmem>>
    %dma_start3A_79 = arith.constant 0 : i32
    %dma_start3A_80 = arith.constant 0 : i32
    %dma_start3A_81 = tpu.memref_slice %arg3[%dma_start3A_79, %dma_start3A_80] : memref<1000000x64xf32, #tpu.memory_space<hbm>> -> memref<1000000x64xf32, #tpu.memory_space<hbm>>
    tpu.enqueue_indirect_dma source(%dma_start3A_81 : memref<1000000x64xf32, #tpu.memory_space<hbm>>) target(%arg6 : memref<320x64xf32, #tpu.memory_space<vmem>>) offsets(%dma_start3A_78 : memref<320xi32, #tpu.memory_space<vmem>>) semaphore(%arg10 : memref<!tpu.dma_semaphore, #tpu.memory_space<semaphore_mem>>)
    %dma_wait3A_82 = arith.constant 960 : i32
    %dma_wait3A_83 = tpu.memref_slice %arg5[%dma_wait3A_82] : memref<25600xi32, #tpu.memory_space<vmem>> -> memref<320xi32, #tpu.memory_space<vmem>>
    %dma_wait3A_84 = arith.constant 0 : i32
    %dma_wait3A_85 = arith.constant 0 : i32
    %dma_wait3A_86 = tpu.memref_slice %arg3[%dma_wait3A_84, %dma_wait3A_85] : memref<1000000x64xf32, #tpu.memory_space<hbm>> -> memref<1000000x64xf32, #tpu.memory_space<hbm>>
    tpu.wait_indirect_dma semaphore(%arg13 : memref<!tpu.dma_semaphore, #tpu.memory_space<semaphore_mem>>) src(%dma_wait3A_86 : memref<1000000x64xf32, #tpu.memory_space<hbm>>) dst(%arg9 : memref<320x64xf32, #tpu.memory_space<vmem>>)
    %scan3A_87 = arith.constant 0 : i32
    %scan3A_88 = arith.constant 0 : i32
    %scan3A_89 = arith.constant 320 : i32
    %scan3A_90 = arith.addi %scan3A_88, %scan3A_89 : i32
    %scan3A_91 = arith.constant 8 : i32
    scf.for %scan3A_230 = %scan3A_88 to %scan3A_90 step %scan3A_91  : i32 {
      %get3A = arith.index_cast %scan3A_230 : i32 to index
      %get3A_231 = arith.constant 0 : index
      %get3A_232 = tpu.vector_load %arg9[%get3A, %get3A_231] {strides = array<i32>} : memref<320x64xf32, #tpu.memory_space<vmem>>, vector<16xf32>,
      %mul3A_233 = arith.constant 8.000000e+00 : f32
      %mul3A_234 = vector.broadcast %mul3A_233 : f32 to vector<16xf32>
      %mul3A_235 = arith.mulf %get3A_232, %mul3A_234 : vector<16xf32>
      %swap3A = arith.index_cast %scan3A_230 : i32 to index
      %swap3A_236 = arith.constant 0 : index
      %swap3A_237 = tpu.vector_load %arg9[%swap3A, %swap3A_236] {strides = array<i32>} : memref<320x64xf32, #tpu.memory_space<vmem>>, vector<16xf32>,
      tpu.vector_store %arg9[%swap3A, %swap3A_236], %mul3A_235 {strides = array<i32>} : memref<320x64xf32, #tpu.memory_space<vmem>>, vector<16xf32>,
      %get3A_238 = arith.index_cast %scan3A_230 : i32 to index
      %get3A_239 = arith.constant 16 : index
      %get3A_240 = tpu.vector_load %arg9[%get3A_238, %get3A_239] {strides = array<i32>} : memref<320x64xf32, #tpu.memory_space<vmem>>, vector<16xf32>,
      %mul3A_241 = arith.constant 8.000000e+00 : f32
      %mul3A_242 = vector.broadcast %mul3A_241 : f32 to vector<16xf32>
      %mul3A_243 = arith.mulf %get3A_240, %mul3A_242 : vector<16xf32>
      %swap3A_244 = arith.index_cast %scan3A_230 : i32 to index
      %swap3A_245 = arith.constant 16 : index
      %swap3A_246 = tpu.vector_load %arg9[%swap3A_244, %swap3A_245] {strides = array<i32>} : memref<320x64xf32, #tpu.memory_space<vmem>>, vector<16xf32>,
      tpu.vector_store %arg9[%swap3A_244, %swap3A_245], %mul3A_243 {strides = array<i32>} : memref<320x64xf32, #tpu.memory_space<vmem>>, vector<16xf32>,
      %get3A_247 = arith.index_cast %scan3A_230 : i32 to index
      %get3A_248 = arith.constant 32 : index
      %get3A_249 = tpu.vector_load %arg9[%get3A_247, %get3A_248] {strides = array<i32>} : memref<320x64xf32, #tpu.memory_space<vmem>>, vector<16xf32>,
      %mul3A_250 = arith.constant 8.000000e+00 : f32
      %mul3A_251 = vector.broadcast %mul3A_250 : f32 to vector<16xf32>
      %mul3A_252 = arith.mulf %get3A_249, %mul3A_251 : vector<16xf32>
      %swap3A_253 = arith.index_cast %scan3A_230 : i32 to index
      %swap3A_254 = arith.constant 32 : index
      %swap3A_255 = tpu.vector_load %arg9[%swap3A_253, %swap3A_254] {strides = array<i32>} : memref<320x64xf32, #tpu.memory_space<vmem>>, vector<16xf32>,
      tpu.vector_store %arg9[%swap3A_253, %swap3A_254], %mul3A_252 {strides = array<i32>} : memref<320x64xf32, #tpu.memory_space<vmem>>, vector<16xf32>,
      %get3A_256 = arith.index_cast %scan3A_230 : i32 to index
      %get3A_257 = arith.constant 48 : index
      %get3A_258 = tpu.vector_load %arg9[%get3A_256, %get3A_257] {strides = array<i32>} : memref<320x64xf32, #tpu.memory_space<vmem>>, vector<16xf32>,
      %mul3A_259 = arith.constant 8.000000e+00 : f32
      %mul3A_260 = vector.broadcast %mul3A_259 : f32 to vector<16xf32>
      %mul3A_261 = arith.mulf %get3A_258, %mul3A_260 : vector<16xf32>
      %swap3A_262 = arith.index_cast %scan3A_230 : i32 to index
      %swap3A_263 = arith.constant 48 : index
      %swap3A_264 = tpu.vector_load %arg9[%swap3A_262, %swap3A_263] {strides = array<i32>} : memref<320x64xf32, #tpu.memory_space<vmem>>, vector<16xf32>,
      tpu.vector_store %arg9[%swap3A_262, %swap3A_263], %mul3A_261 {strides = array<i32>} : memref<320x64xf32, #tpu.memory_space<vmem>>, vector<16xf32>,
      %scan3A_265 = arith.constant 1 : i32
      %scan3A_266 = arith.addi %scan3A_230, %scan3A_265 : i32
      %get3A_267 = arith.index_cast %scan3A_266 : i32 to index
      %get3A_268 = arith.constant 0 : index
      %get3A_269 = tpu.vector_load %arg9[%get3A_267, %get3A_268] {strides = array<i32>} : memref<320x64xf32, #tpu.memory_space<vmem>>, vector<16xf32>,
      %mul3A_270 = arith.constant 8.000000e+00 : f32
      %mul3A_271 = vector.broadcast %mul3A_270 : f32 to vector<16xf32>
      %mul3A_272 = arith.mulf %get3A_269, %mul3A_271 : vector<16xf32>
      %swap3A_273 = arith.index_cast %scan3A_266 : i32 to index
      %swap3A_274 = arith.constant 0 : index
      %swap3A_275 = tpu.vector_load %arg9[%swap3A_273, %swap3A_274] {strides = array<i32>} : memref<320x64xf32, #tpu.memory_space<vmem>>, vector<16xf32>,
      tpu.vector_store %arg9[%swap3A_273, %swap3A_274], %mul3A_272 {strides = array<i32>} : memref<320x64xf32, #tpu.memory_space<vmem>>, vector<16xf32>,
      %get3A_276 = arith.index_cast %scan3A_266 : i32 to index
      %get3A_277 = arith.constant 16 : index
      %get3A_278 = tpu.vector_load %arg9[%get3A_276, %get3A_277] {strides = array<i32>} : memref<320x64xf32, #tpu.memory_space<vmem>>, vector<16xf32>,
      %mul3A_279 = arith.constant 8.000000e+00 : f32
      %mul3A_280 = vector.broadcast %mul3A_279 : f32 to vector<16xf32>
      %mul3A_281 = arith.mulf %get3A_278, %mul3A_280 : vector<16xf32>
      %swap3A_282 = arith.index_cast %scan3A_266 : i32 to index
      %swap3A_283 = arith.constant 16 : index
      %swap3A_284 = tpu.vector_load %arg9[%swap3A_282, %swap3A_283] {strides = array<i32>} : memref<320x64xf32, #tpu.memory_space<vmem>>, vector<16xf32>,
      tpu.vector_store %arg9[%swap3A_282, %swap3A_283], %mul3A_281 {strides = array<i32>} : memref<320x64xf32, #tpu.memory_space<vmem>>, vector<16xf32>,
      %get3A_285 = arith.index_cast %scan3A_266 : i32 to index
      %get3A_286 = arith.constant 32 : index
      %get3A_287 = tpu.vector_load %arg9[%get3A_285, %get3A_286] {strides = array<i32>} : memref<320x64xf32, #tpu.memory_space<vmem>>, vector<16xf32>,
      %mul3A_288 = arith.constant 8.000000e+00 : f32
      %mul3A_289 = vector.broadcast %mul3A_288 : f32 to vector<16xf32>
      %mul3A_290 = arith.mulf %get3A_287, %mul3A_289 : vector<16xf32>
      %swap3A_291 = arith.index_cast %scan3A_266 : i32 to index
      %swap3A_292 = arith.constant 32 : index
      %swap3A_293 = tpu.vector_load %arg9[%swap3A_291, %swap3A_292] {strides = array<i32>} : memref<320x64xf32, #tpu.memory_space<vmem>>, vector<16xf32>,
      tpu.vector_store %arg9[%swap3A_291, %swap3A_292], %mul3A_290 {strides = array<i32>} : memref<320x64xf32, #tpu.memory_space<vmem>>, vector<16xf32>,
      %get3A_294 = arith.index_cast %scan3A_266 : i32 to index
      %get3A_295 = arith.constant 48 : index
      %get3A_296 = tpu.vector_load %arg9[%get3A_294, %get3A_295] {strides = array<i32>} : memref<320x64xf32, #tpu.memory_space<vmem>>, vector<16xf32>,
      %mul3A_297 = arith.constant 8.000000e+00 : f32
      %mul3A_298 = vector.broadcast %mul3A_297 : f32 to vector<16xf32>
      %mul3A_299 = arith.mulf %get3A_296, %mul3A_298 : vector<16xf32>
      %swap3A_300 = arith.index_cast %scan3A_266 : i32 to index
      %swap3A_301 = arith.constant 48 : index
      %swap3A_302 = tpu.vector_load %arg9[%swap3A_300, %swap3A_301] {strides = array<i32>} : memref<320x64xf32, #tpu.memory_space<vmem>>, vector<16xf32>,
      tpu.vector_store %arg9[%swap3A_300, %swap3A_301], %mul3A_299 {strides = array<i32>} : memref<320x64xf32, #tpu.memory_space<vmem>>, vector<16xf32>,
      %scan3A_303 = arith.constant 2 : i32
      %scan3A_304 = arith.addi %scan3A_230, %scan3A_303 : i32
      %get3A_305 = arith.index_cast %scan3A_304 : i32 to index
      %get3A_306 = arith.constant 0 : index
      %get3A_307 = tpu.vector_load %arg9[%get3A_305, %get3A_306] {strides = array<i32>} : memref<320x64xf32, #tpu.memory_space<vmem>>, vector<16xf32>,
      %mul3A_308 = arith.constant 8.000000e+00 : f32
      %mul3A_309 = vector.broadcast %mul3A_308 : f32 to vector<16xf32>
      %mul3A_310 = arith.mulf %get3A_307, %mul3A_309 : vector<16xf32>
      %swap3A_311 = arith.index_cast %scan3A_304 : i32 to index
      %swap3A_312 = arith.constant 0 : index
      %swap3A_313 = tpu.vector_load %arg9[%swap3A_311, %swap3A_312] {strides = array<i32>} : memref<320x64xf32, #tpu.memory_space<vmem>>, vector<16xf32>,
      tpu.vector_store %arg9[%swap3A_311, %swap3A_312], %mul3A_310 {strides = array<i32>} : memref<320x64xf32, #tpu.memory_space<vmem>>, vector<16xf32>,
      %get3A_314 = arith.index_cast %scan3A_304 : i32 to index
      %get3A_315 = arith.constant 16 : index
      %get3A_316 = tpu.vector_load %arg9[%get3A_314, %get3A_315] {strides = array<i32>} : memref<320x64xf32, #tpu.memory_space<vmem>>, vector<16xf32>,
      %mul3A_317 = arith.constant 8.000000e+00 : f32
      %mul3A_318 = vector.broadcast %mul3A_317 : f32 to vector<16xf32>
      %mul3A_319 = arith.mulf %get3A_316, %mul3A_318 : vector<16xf32>
      %swap3A_320 = arith.index_cast %scan3A_304 : i32 to index
      %swap3A_321 = arith.constant 16 : index
      %swap3A_322 = tpu.vector_load %arg9[%swap3A_320, %swap3A_321] {strides = array<i32>} : memref<320x64xf32, #tpu.memory_space<vmem>>, vector<16xf32>,
      tpu.vector_store %arg9[%swap3A_320, %swap3A_321], %mul3A_319 {strides = array<i32>} : memref<320x64xf32, #tpu.memory_space<vmem>>, vector<16xf32>,
      %get3A_323 = arith.index_cast %scan3A_304 : i32 to index
      %get3A_324 = arith.constant 32 : index
      %get3A_325 = tpu.vector_load %arg9[%get3A_323, %get3A_324] {strides = array<i32>} : memref<320x64xf32, #tpu.memory_space<vmem>>, vector<16xf32>,
      %mul3A_326 = arith.constant 8.000000e+00 : f32
      %mul3A_327 = vector.broadcast %mul3A_326 : f32 to vector<16xf32>
      %mul3A_328 = arith.mulf %get3A_325, %mul3A_327 : vector<16xf32>
      %swap3A_329 = arith.index_cast %scan3A_304 : i32 to index
      %swap3A_330 = arith.constant 32 : index
      %swap3A_331 = tpu.vector_load %arg9[%swap3A_329, %swap3A_330] {strides = array<i32>} : memref<320x64xf32, #tpu.memory_space<vmem>>, vector<16xf32>,
      tpu.vector_store %arg9[%swap3A_329, %swap3A_330], %mul3A_328 {strides = array<i32>} : memref<320x64xf32, #tpu.memory_space<vmem>>, vector<16xf32>,
      %get3A_332 = arith.index_cast %scan3A_304 : i32 to index
      %get3A_333 = arith.constant 48 : index
      %get3A_334 = tpu.vector_load %arg9[%get3A_332, %get3A_333] {strides = array<i32>} : memref<320x64xf32, #tpu.memory_space<vmem>>, vector<16xf32>,
      %mul3A_335 = arith.constant 8.000000e+00 : f32
      %mul3A_336 = vector.broadcast %mul3A_335 : f32 to vector<16xf32>
      %mul3A_337 = arith.mulf %get3A_334, %mul3A_336 : vector<16xf32>
      %swap3A_338 = arith.index_cast %scan3A_304 : i32 to index
      %swap3A_339 = arith.constant 48 : index
      %swap3A_340 = tpu.vector_load %arg9[%swap3A_338, %swap3A_339] {strides = array<i32>} : memref<320x64xf32, #tpu.memory_space<vmem>>, vector<16xf32>,
      tpu.vector_store %arg9[%swap3A_338, %swap3A_339], %mul3A_337 {strides = array<i32>} : memref<320x64xf32, #tpu.memory_space<vmem>>, vector<16xf32>,
      %scan3A_341 = arith.constant 3 : i32
      %scan3A_342 = arith.addi %scan3A_230, %scan3A_341 : i32
      %get3A_343 = arith.index_cast %scan3A_342 : i32 to index
      %get3A_344 = arith.constant 0 : index
      %get3A_345 = tpu.vector_load %arg9[%get3A_343, %get3A_344] {strides = array<i32>} : memref<320x64xf32, #tpu.memory_space<vmem>>, vector<16xf32>,
      %mul3A_346 = arith.constant 8.000000e+00 : f32
      %mul3A_347 = vector.broadcast %mul3A_346 : f32 to vector<16xf32>
      %mul3A_348 = arith.mulf %get3A_345, %mul3A_347 : vector<16xf32>
      %swap3A_349 = arith.index_cast %scan3A_342 : i32 to index
      %swap3A_350 = arith.constant 0 : index
      %swap3A_351 = tpu.vector_load %arg9[%swap3A_349, %swap3A_350] {strides = array<i32>} : memref<320x64xf32, #tpu.memory_space<vmem>>, vector<16xf32>,
      tpu.vector_store %arg9[%swap3A_349, %swap3A_350], %mul3A_348 {strides = array<i32>} : memref<320x64xf32, #tpu.memory_space<vmem>>, vector<16xf32>,
      %get3A_352 = arith.index_cast %scan3A_342 : i32 to index
      %get3A_353 = arith.constant 16 : index
      %get3A_354 = tpu.vector_load %arg9[%get3A_352, %get3A_353] {strides = array<i32>} : memref<320x64xf32, #tpu.memory_space<vmem>>, vector<16xf32>,
      %mul3A_355 = arith.constant 8.000000e+00 : f32
      %mul3A_356 = vector.broadcast %mul3A_355 : f32 to vector<16xf32>
      %mul3A_357 = arith.mulf %get3A_354, %mul3A_356 : vector<16xf32>
      %swap3A_358 = arith.index_cast %scan3A_342 : i32 to index
      %swap3A_359 = arith.constant 16 : index
      %swap3A_360 = tpu.vector_load %arg9[%swap3A_358, %swap3A_359] {strides = array<i32>} : memref<320x64xf32, #tpu.memory_space<vmem>>, vector<16xf32>,
      tpu.vector_store %arg9[%swap3A_358, %swap3A_359], %mul3A_357 {strides = array<i32>} : memref<320x64xf32, #tpu.memory_space<vmem>>, vector<16xf32>,
      %get3A_361 = arith.index_cast %scan3A_342 : i32 to index
      %get3A_362 = arith.constant 32 : index
      %get3A_363 = tpu.vector_load %arg9[%get3A_361, %get3A_362] {strides = array<i32>} : memref<320x64xf32, #tpu.memory_space<vmem>>, vector<16xf32>,
      %mul3A_364 = arith.constant 8.000000e+00 : f32
      %mul3A_365 = vector.broadcast %mul3A_364 : f32 to vector<16xf32>
      %mul3A_366 = arith.mulf %get3A_363, %mul3A_365 : vector<16xf32>
      %swap3A_367 = arith.index_cast %scan3A_342 : i32 to index
      %swap3A_368 = arith.constant 32 : index
      %swap3A_369 = tpu.vector_load %arg9[%swap3A_367, %swap3A_368] {strides = array<i32>} : memref<320x64xf32, #tpu.memory_space<vmem>>, vector<16xf32>,
      tpu.vector_store %arg9[%swap3A_367, %swap3A_368], %mul3A_366 {strides = array<i32>} : memref<320x64xf32, #tpu.memory_space<vmem>>, vector<16xf32>,
      %get3A_370 = arith.index_cast %scan3A_342 : i32 to index
      %get3A_371 = arith.constant 48 : index
      %get3A_372 = tpu.vector_load %arg9[%get3A_370, %get3A_371] {strides = array<i32>} : memref<320x64xf32, #tpu.memory_space<vmem>>, vector<16xf32>,
      %mul3A_373 = arith.constant 8.000000e+00 : f32
      %mul3A_374 = vector.broadcast %mul3A_373 : f32 to vector<16xf32>
      %mul3A_375 = arith.mulf %get3A_372, %mul3A_374 : vector<16xf32>
      %swap3A_376 = arith.index_cast %scan3A_342 : i32 to index
      %swap3A_377 = arith.constant 48 : index
      %swap3A_378 = tpu.vector_load %arg9[%swap3A_376, %swap3A_377] {strides = array<i32>} : memref<320x64xf32, #tpu.memory_space<vmem>>, vector<16xf32>,
      tpu.vector_store %arg9[%swap3A_376, %swap3A_377], %mul3A_375 {strides = array<i32>} : memref<320x64xf32, #tpu.memory_space<vmem>>, vector<16xf32>,
      %scan3A_379 = arith.constant 4 : i32
      %scan3A_380 = arith.addi %scan3A_230, %scan3A_379 : i32
      %get3A_381 = arith.index_cast %scan3A_380 : i32 to index
      %get3A_382 = arith.constant 0 : index
      %get3A_383 = tpu.vector_load %arg9[%get3A_381, %get3A_382] {strides = array<i32>} : memref<320x64xf32, #tpu.memory_space<vmem>>, vector<16xf32>,
      %mul3A_384 = arith.constant 8.000000e+00 : f32
      %mul3A_385 = vector.broadcast %mul3A_384 : f32 to vector<16xf32>
      %mul3A_386 = arith.mulf %get3A_383, %mul3A_385 : vector<16xf32>
      %swap3A_387 = arith.index_cast %scan3A_380 : i32 to index
      %swap3A_388 = arith.constant 0 : index
      %swap3A_389 = tpu.vector_load %arg9[%swap3A_387, %swap3A_388] {strides = array<i32>} : memref<320x64xf32, #tpu.memory_space<vmem>>, vector<16xf32>,
      tpu.vector_store %arg9[%swap3A_387, %swap3A_388], %mul3A_386 {strides = array<i32>} : memref<320x64xf32, #tpu.memory_space<vmem>>, vector<16xf32>,
      %get3A_390 = arith.index_cast %scan3A_380 : i32 to index
      %get3A_391 = arith.constant 16 : index
      %get3A_392 = tpu.vector_load %arg9[%get3A_390, %get3A_391] {strides = array<i32>} : memref<320x64xf32, #tpu.memory_space<vmem>>, vector<16xf32>,
      %mul3A_393 = arith.constant 8.000000e+00 : f32
      %mul3A_394 = vector.broadcast %mul3A_393 : f32 to vector<16xf32>
      %mul3A_395 = arith.mulf %get3A_392, %mul3A_394 : vector<16xf32>
      %swap3A_396 = arith.index_cast %scan3A_380 : i32 to index
      %swap3A_397 = arith.constant 16 : index
      %swap3A_398 = tpu.vector_load %arg9[%swap3A_396, %swap3A_397] {strides = array<i32>} : memref<320x64xf32, #tpu.memory_space<vmem>>, vector<16xf32>,
      tpu.vector_store %arg9[%swap3A_396, %swap3A_397], %mul3A_395 {strides = array<i32>} : memref<320x64xf32, #tpu.memory_space<vmem>>, vector<16xf32>,
      %get3A_399 = arith.index_cast %scan3A_380 : i32 to index
      %get3A_400 = arith.constant 32 : index
      %get3A_401 = tpu.vector_load %arg9[%get3A_399, %get3A_400] {strides = array<i32>} : memref<320x64xf32, #tpu.memory_space<vmem>>, vector<16xf32>,
      %mul3A_402 = arith.constant 8.000000e+00 : f32
      %mul3A_403 = vector.broadcast %mul3A_402 : f32 to vector<16xf32>
      %mul3A_404 = arith.mulf %get3A_401, %mul3A_403 : vector<16xf32>
      %swap3A_405 = arith.index_cast %scan3A_380 : i32 to index
      %swap3A_406 = arith.constant 32 : index
      %swap3A_407 = tpu.vector_load %arg9[%swap3A_405, %swap3A_406] {strides = array<i32>} : memref<320x64xf32, #tpu.memory_space<vmem>>, vector<16xf32>,
      tpu.vector_store %arg9[%swap3A_405, %swap3A_406], %mul3A_404 {strides = array<i32>} : memref<320x64xf32, #tpu.memory_space<vmem>>, vector<16xf32>,
      %get3A_408 = arith.index_cast %scan3A_380 : i32 to index
      %get3A_409 = arith.constant 48 : index
      %get3A_410 = tpu.vector_load %arg9[%get3A_408, %get3A_409] {strides = array<i32>} : memref<320x64xf32, #tpu.memory_space<vmem>>, vector<16xf32>,
      %mul3A_411 = arith.constant 8.000000e+00 : f32
      %mul3A_412 = vector.broadcast %mul3A_411 : f32 to vector<16xf32>
      %mul3A_413 = arith.mulf %get3A_410, %mul3A_412 : vector<16xf32>
      %swap3A_414 = arith.index_cast %scan3A_380 : i32 to index
      %swap3A_415 = arith.constant 48 : index
      %swap3A_416 = tpu.vector_load %arg9[%swap3A_414, %swap3A_415] {strides = array<i32>} : memref<320x64xf32, #tpu.memory_space<vmem>>, vector<16xf32>,
      tpu.vector_store %arg9[%swap3A_414, %swap3A_415], %mul3A_413 {strides = array<i32>} : memref<320x64xf32, #tpu.memory_space<vmem>>, vector<16xf32>,
      %scan3A_417 = arith.constant 5 : i32
      %scan3A_418 = arith.addi %scan3A_230, %scan3A_417 : i32
      %get3A_419 = arith.index_cast %scan3A_418 : i32 to index
      %get3A_420 = arith.constant 0 : index
      %get3A_421 = tpu.vector_load %arg9[%get3A_419, %get3A_420] {strides = array<i32>} : memref<320x64xf32, #tpu.memory_space<vmem>>, vector<16xf32>,
      %mul3A_422 = arith.constant 8.000000e+00 : f32
      %mul3A_423 = vector.broadcast %mul3A_422 : f32 to vector<16xf32>
      %mul3A_424 = arith.mulf %get3A_421, %mul3A_423 : vector<16xf32>
      %swap3A_425 = arith.index_cast %scan3A_418 : i32 to index
      %swap3A_426 = arith.constant 0 : index
      %swap3A_427 = tpu.vector_load %arg9[%swap3A_425, %swap3A_426] {strides = array<i32>} : memref<320x64xf32, #tpu.memory_space<vmem>>, vector<16xf32>,
      tpu.vector_store %arg9[%swap3A_425, %swap3A_426], %mul3A_424 {strides = array<i32>} : memref<320x64xf32, #tpu.memory_space<vmem>>, vector<16xf32>,
      %get3A_428 = arith.index_cast %scan3A_418 : i32 to index
      %get3A_429 = arith.constant 16 : index
      %get3A_430 = tpu.vector_load %arg9[%get3A_428, %get3A_429] {strides = array<i32>} : memref<320x64xf32, #tpu.memory_space<vmem>>, vector<16xf32>,
      %mul3A_431 = arith.constant 8.000000e+00 : f32
      %mul3A_432 = vector.broadcast %mul3A_431 : f32 to vector<16xf32>
      %mul3A_433 = arith.mulf %get3A_430, %mul3A_432 : vector<16xf32>
      %swap3A_434 = arith.index_cast %scan3A_418 : i32 to index
      %swap3A_435 = arith.constant 16 : index
      %swap3A_436 = tpu.vector_load %arg9[%swap3A_434, %swap3A_435] {strides = array<i32>} : memref<320x64xf32, #tpu.memory_space<vmem>>, vector<16xf32>,
      tpu.vector_store %arg9[%swap3A_434, %swap3A_435], %mul3A_433 {strides = array<i32>} : memref<320x64xf32, #tpu.memory_space<vmem>>, vector<16xf32>,
      %get3A_437 = arith.index_cast %scan3A_418 : i32 to index
      %get3A_438 = arith.constant 32 : index
      %get3A_439 = tpu.vector_load %arg9[%get3A_437, %get3A_438] {strides = array<i32>} : memref<320x64xf32, #tpu.memory_space<vmem>>, vector<16xf32>,
      %mul3A_440 = arith.constant 8.000000e+00 : f32
      %mul3A_441 = vector.broadcast %mul3A_440 : f32 to vector<16xf32>
      %mul3A_442 = arith.mulf %get3A_439, %mul3A_441 : vector<16xf32>
      %swap3A_443 = arith.index_cast %scan3A_418 : i32 to index
      %swap3A_444 = arith.constant 32 : index
      %swap3A_445 = tpu.vector_load %arg9[%swap3A_443, %swap3A_444] {strides = array<i32>} : memref<320x64xf32, #tpu.memory_space<vmem>>, vector<16xf32>,
      tpu.vector_store %arg9[%swap3A_443, %swap3A_444], %mul3A_442 {strides = array<i32>} : memref<320x64xf32, #tpu.memory_space<vmem>>, vector<16xf32>,
      %get3A_446 = arith.index_cast %scan3A_418 : i32 to index
      %get3A_447 = arith.constant 48 : index
      %get3A_448 = tpu.vector_load %arg9[%get3A_446, %get3A_447] {strides = array<i32>} : memref<320x64xf32, #tpu.memory_space<vmem>>, vector<16xf32>,
      %mul3A_449 = arith.constant 8.000000e+00 : f32
      %mul3A_450 = vector.broadcast %mul3A_449 : f32 to vector<16xf32>
      %mul3A_451 = arith.mulf %get3A_448, %mul3A_450 : vector<16xf32>
      %swap3A_452 = arith.index_cast %scan3A_418 : i32 to index
      %swap3A_453 = arith.constant 48 : index
      %swap3A_454 = tpu.vector_load %arg9[%swap3A_452, %swap3A_453] {strides = array<i32>} : memref<320x64xf32, #tpu.memory_space<vmem>>, vector<16xf32>,
      tpu.vector_store %arg9[%swap3A_452, %swap3A_453], %mul3A_451 {strides = array<i32>} : memref<320x64xf32, #tpu.memory_space<vmem>>, vector<16xf32>,
      %scan3A_455 = arith.constant 6 : i32
      %scan3A_456 = arith.addi %scan3A_230, %scan3A_455 : i32
      %get3A_457 = arith.index_cast %scan3A_456 : i32 to index
      %get3A_458 = arith.constant 0 : index
      %get3A_459 = tpu.vector_load %arg9[%get3A_457, %get3A_458] {strides = array<i32>} : memref<320x64xf32, #tpu.memory_space<vmem>>, vector<16xf32>,
      %mul3A_460 = arith.constant 8.000000e+00 : f32
      %mul3A_461 = vector.broadcast %mul3A_460 : f32 to vector<16xf32>
      %mul3A_462 = arith.mulf %get3A_459, %mul3A_461 : vector<16xf32>
      %swap3A_463 = arith.index_cast %scan3A_456 : i32 to index
      %swap3A_464 = arith.constant 0 : index
      %swap3A_465 = tpu.vector_load %arg9[%swap3A_463, %swap3A_464] {strides = array<i32>} : memref<320x64xf32, #tpu.memory_space<vmem>>, vector<16xf32>,
      tpu.vector_store %arg9[%swap3A_463, %swap3A_464], %mul3A_462 {strides = array<i32>} : memref<320x64xf32, #tpu.memory_space<vmem>>, vector<16xf32>,
      %get3A_466 = arith.index_cast %scan3A_456 : i32 to index
      %get3A_467 = arith.constant 16 : index
      %get3A_468 = tpu.vector_load %arg9[%get3A_466, %get3A_467] {strides = array<i32>} : memref<320x64xf32, #tpu.memory_space<vmem>>, vector<16xf32>,
      %mul3A_469 = arith.constant 8.000000e+00 : f32
      %mul3A_470 = vector.broadcast %mul3A_469 : f32 to vector<16xf32>
      %mul3A_471 = arith.mulf %get3A_468, %mul3A_470 : vector<16xf32>
      %swap3A_472 = arith.index_cast %scan3A_456 : i32 to index
      %swap3A_473 = arith.constant 16 : index
      %swap3A_474 = tpu.vector_load %arg9[%swap3A_472, %swap3A_473] {strides = array<i32>} : memref<320x64xf32, #tpu.memory_space<vmem>>, vector<16xf32>,
      tpu.vector_store %arg9[%swap3A_472, %swap3A_473], %mul3A_471 {strides = array<i32>} : memref<320x64xf32, #tpu.memory_space<vmem>>, vector<16xf32>,
      %get3A_475 = arith.index_cast %scan3A_456 : i32 to index
      %get3A_476 = arith.constant 32 : index
      %get3A_477 = tpu.vector_load %arg9[%get3A_475, %get3A_476] {strides = array<i32>} : memref<320x64xf32, #tpu.memory_space<vmem>>, vector<16xf32>,
      %mul3A_478 = arith.constant 8.000000e+00 : f32
      %mul3A_479 = vector.broadcast %mul3A_478 : f32 to vector<16xf32>
      %mul3A_480 = arith.mulf %get3A_477, %mul3A_479 : vector<16xf32>
      %swap3A_481 = arith.index_cast %scan3A_456 : i32 to index
      %swap3A_482 = arith.constant 32 : index
      %swap3A_483 = tpu.vector_load %arg9[%swap3A_481, %swap3A_482] {strides = array<i32>} : memref<320x64xf32, #tpu.memory_space<vmem>>, vector<16xf32>,
      tpu.vector_store %arg9[%swap3A_481, %swap3A_482], %mul3A_480 {strides = array<i32>} : memref<320x64xf32, #tpu.memory_space<vmem>>, vector<16xf32>,
      %get3A_484 = arith.index_cast %scan3A_456 : i32 to index
      %get3A_485 = arith.constant 48 : index
      %get3A_486 = tpu.vector_load %arg9[%get3A_484, %get3A_485] {strides = array<i32>} : memref<320x64xf32, #tpu.memory_space<vmem>>, vector<16xf32>,
      %mul3A_487 = arith.constant 8.000000e+00 : f32
      %mul3A_488 = vector.broadcast %mul3A_487 : f32 to vector<16xf32>
      %mul3A_489 = arith.mulf %get3A_486, %mul3A_488 : vector<16xf32>
      %swap3A_490 = arith.index_cast %scan3A_456 : i32 to index
      %swap3A_491 = arith.constant 48 : index
      %swap3A_492 = tpu.vector_load %arg9[%swap3A_490, %swap3A_491] {strides = array<i32>} : memref<320x64xf32, #tpu.memory_space<vmem>>, vector<16xf32>,
      tpu.vector_store %arg9[%swap3A_490, %swap3A_491], %mul3A_489 {strides = array<i32>} : memref<320x64xf32, #tpu.memory_space<vmem>>, vector<16xf32>,
      %scan3A_493 = arith.constant 7 : i32
      %scan3A_494 = arith.addi %scan3A_230, %scan3A_493 : i32
      %get3A_495 = arith.index_cast %scan3A_494 : i32 to index
      %get3A_496 = arith.constant 0 : index
      %get3A_497 = tpu.vector_load %arg9[%get3A_495, %get3A_496] {strides = array<i32>} : memref<320x64xf32, #tpu.memory_space<vmem>>, vector<16xf32>,
      %mul3A_498 = arith.constant 8.000000e+00 : f32
      %mul3A_499 = vector.broadcast %mul3A_498 : f32 to vector<16xf32>
      %mul3A_500 = arith.mulf %get3A_497, %mul3A_499 : vector<16xf32>
      %swap3A_501 = arith.index_cast %scan3A_494 : i32 to index
      %swap3A_502 = arith.constant 0 : index
      %swap3A_503 = tpu.vector_load %arg9[%swap3A_501, %swap3A_502] {strides = array<i32>} : memref<320x64xf32, #tpu.memory_space<vmem>>, vector<16xf32>,
      tpu.vector_store %arg9[%swap3A_501, %swap3A_502], %mul3A_500 {strides = array<i32>} : memref<320x64xf32, #tpu.memory_space<vmem>>, vector<16xf32>,
      %get3A_504 = arith.index_cast %scan3A_494 : i32 to index
      %get3A_505 = arith.constant 16 : index
      %get3A_506 = tpu.vector_load %arg9[%get3A_504, %get3A_505] {strides = array<i32>} : memref<320x64xf32, #tpu.memory_space<vmem>>, vector<16xf32>,
      %mul3A_507 = arith.constant 8.000000e+00 : f32
      %mul3A_508 = vector.broadcast %mul3A_507 : f32 to vector<16xf32>
      %mul3A_509 = arith.mulf %get3A_506, %mul3A_508 : vector<16xf32>
      %swap3A_510 = arith.index_cast %scan3A_494 : i32 to index
      %swap3A_511 = arith.constant 16 : index
      %swap3A_512 = tpu.vector_load %arg9[%swap3A_510, %swap3A_511] {strides = array<i32>} : memref<320x64xf32, #tpu.memory_space<vmem>>, vector<16xf32>,
      tpu.vector_store %arg9[%swap3A_510, %swap3A_511], %mul3A_509 {strides = array<i32>} : memref<320x64xf32, #tpu.memory_space<vmem>>, vector<16xf32>,
      %get3A_513 = arith.index_cast %scan3A_494 : i32 to index
      %get3A_514 = arith.constant 32 : index
      %get3A_515 = tpu.vector_load %arg9[%get3A_513, %get3A_514] {strides = array<i32>} : memref<320x64xf32, #tpu.memory_space<vmem>>, vector<16xf32>,
      %mul3A_516 = arith.constant 8.000000e+00 : f32
      %mul3A_517 = vector.broadcast %mul3A_516 : f32 to vector<16xf32>
      %mul3A_518 = arith.mulf %get3A_515, %mul3A_517 : vector<16xf32>
      %swap3A_519 = arith.index_cast %scan3A_494 : i32 to index
      %swap3A_520 = arith.constant 32 : index
      %swap3A_521 = tpu.vector_load %arg9[%swap3A_519, %swap3A_520] {strides = array<i32>} : memref<320x64xf32, #tpu.memory_space<vmem>>, vector<16xf32>,
      tpu.vector_store %arg9[%swap3A_519, %swap3A_520], %mul3A_518 {strides = array<i32>} : memref<320x64xf32, #tpu.memory_space<vmem>>, vector<16xf32>,
      %get3A_522 = arith.index_cast %scan3A_494 : i32 to index
      %get3A_523 = arith.constant 48 : index
      %get3A_524 = tpu.vector_load %arg9[%get3A_522, %get3A_523] {strides = array<i32>} : memref<320x64xf32, #tpu.memory_space<vmem>>, vector<16xf32>,
      %mul3A_525 = arith.constant 8.000000e+00 : f32
      %mul3A_526 = vector.broadcast %mul3A_525 : f32 to vector<16xf32>
      %mul3A_527 = arith.mulf %get3A_524, %mul3A_526 : vector<16xf32>
      %swap3A_528 = arith.index_cast %scan3A_494 : i32 to index
      %swap3A_529 = arith.constant 48 : index
      %swap3A_530 = tpu.vector_load %arg9[%swap3A_528, %swap3A_529] {strides = array<i32>} : memref<320x64xf32, #tpu.memory_space<vmem>>, vector<16xf32>,
      tpu.vector_store %arg9[%swap3A_528, %swap3A_529], %mul3A_527 {strides = array<i32>} : memref<320x64xf32, #tpu.memory_space<vmem>>, vector<16xf32>,
    }
    %scan3A_92 = arith.constant 320 : i32
    %add3A_93 = arith.constant 960 : i32
    %add3A_94 = arith.addi %mul3A_2, %add3A_93 : i32
    %dma_start3A_95 = arith.constant 0 : i32
    %dma_start3A_96 = tpu.memref_slice %arg4[%add3A_94, %dma_start3A_95] : memref<819200x128xf32, #tpu.memory_space<hbm>> -> memref<320x64xf32, #tpu.memory_space<hbm>>
    %dma_start3A_97 = arith.constant 0 : i32
    %dma_start3A_98 = tpu.memref_slice %arg4[%add3A_94, %dma_start3A_97] : memref<819200x128xf32, #tpu.memory_space<hbm>> -> memref<320x64xf32, #tpu.memory_space<hbm>>
    tpu.enqueue_dma source(%arg9 : memref<320x64xf32, #tpu.memory_space<vmem>>) target(%dma_start3A_98 : memref<320x64xf32, #tpu.memory_space<hbm>>) target_semaphore(%arg17 : memref<!tpu.dma_semaphore, #tpu.memory_space<semaphore_mem>>)
    %add3A_99 = arith.constant 320 : i32
    %add3A_100 = arith.addi %mul3A_2, %add3A_99 : i32
    %dma_wait3A_101 = arith.constant 0 : i32
    %dma_wait3A_102 = tpu.memref_slice %arg4[%add3A_100, %dma_wait3A_101] : memref<819200x128xf32, #tpu.memory_space<hbm>> -> memref<320x64xf32, #tpu.memory_space<hbm>>
    %dma_wait3A_103 = arith.constant 0 : i32
    %dma_wait3A_104 = tpu.memref_slice %arg4[%add3A_100, %dma_wait3A_103] : memref<819200x128xf32, #tpu.memory_space<hbm>> -> memref<320x64xf32, #tpu.memory_space<hbm>>
    tpu.wait_dma2 semaphore(%arg15 : memref<!tpu.dma_semaphore, #tpu.memory_space<semaphore_mem>>) src(%arg7 : memref<320x64xf32, #tpu.memory_space<vmem>>) dst(%dma_wait3A_104 : memref<320x64xf32, #tpu.memory_space<hbm>>)
    %dma_start3A_105 = arith.constant 1600 : i32
    %dma_start3A_106 = tpu.memref_slice %arg5[%dma_start3A_105] : memref<25600xi32, #tpu.memory_space<vmem>> -> memref<320xi32, #tpu.memory_space<vmem>>
    %dma_start3A_107 = arith.constant 0 : i32
    %dma_start3A_108 = arith.constant 0 : i32
    %dma_start3A_109 = tpu.memref_slice %arg3[%dma_start3A_107, %dma_start3A_108] : memref<1000000x64xf32, #tpu.memory_space<hbm>> -> memref<1000000x64xf32, #tpu.memory_space<hbm>>
    tpu.enqueue_indirect_dma source(%dma_start3A_109 : memref<1000000x64xf32, #tpu.memory_space<hbm>>) target(%arg7 : memref<320x64xf32, #tpu.memory_space<vmem>>) offsets(%dma_start3A_106 : memref<320xi32, #tpu.memory_space<vmem>>) semaphore(%arg11 : memref<!tpu.dma_semaphore, #tpu.memory_space<semaphore_mem>>)
    %scan3A_110 = arith.constant 0 : i32
    %scan3A_111 = arith.constant 1 : i32
    %scan3A_112 = arith.constant 18 : i32
    %scan3A_113 = arith.addi %scan3A_111, %scan3A_112 : i32
    %scan3A_114 = arith.constant 1 : i32
    scf.for %scan3A_230 = %scan3A_111 to %scan3A_113 step %scan3A_114  : i32 {
      %mul3A_231 = arith.constant 4 : i32
      %mul3A_232 = arith.muli %scan3A_230, %mul3A_231 : i32
      %add3A_233 = arith.constant 0 : i32
      %add3A_234 = arith.addi %mul3A_232, %add3A_233 : i32
      %mul3A_235 = arith.constant 320 : i32
      %mul3A_236 = arith.muli %add3A_234, %mul3A_235 : i32
      %dma_wait3A_237 = tpu.memref_slice %arg5[%mul3A_236] : memref<25600xi32, #tpu.memory_space<vmem>> -> memref<320xi32, #tpu.memory_space<vmem>>
      %dma_wait3A_238 = arith.constant 0 : i32
      %dma_wait3A_239 = arith.constant 0 : i32
      %dma_wait3A_240 = tpu.memref_slice %arg3[%dma_wait3A_238, %dma_wait3A_239] : memref<1000000x64xf32, #tpu.memory_space<hbm>> -> memref<1000000x64xf32, #tpu.memory_space<hbm>>
      tpu.wait_indirect_dma semaphore(%arg10 : memref<!tpu.dma_semaphore, #tpu.memory_space<semaphore_mem>>) src(%dma_wait3A_240 : memref<1000000x64xf32, #tpu.memory_space<hbm>>) dst(%arg6 : memref<320x64xf32, #tpu.memory_space<vmem>>)
      %scan3A_241 = arith.constant 0 : i32
      %scan3A_242 = arith.constant 0 : i32
      %scan3A_243 = arith.constant 320 : i32
      %scan3A_244 = arith.addi %scan3A_242, %scan3A_243 : i32
      %scan3A_245 = arith.constant 8 : i32
      scf.for %scan3A_392 = %scan3A_242 to %scan3A_244 step %scan3A_245  : i32 {
        %get3A = arith.index_cast %scan3A_392 : i32 to index
        %get3A_393 = arith.constant 0 : index
        %get3A_394 = tpu.vector_load %arg6[%get3A, %get3A_393] {strides = array<i32>} : memref<320x64xf32, #tpu.memory_space<vmem>>, vector<16xf32>,
        %mul3A_395 = arith.constant 8.000000e+00 : f32
        %mul3A_396 = vector.broadcast %mul3A_395 : f32 to vector<16xf32>
        %mul3A_397 = arith.mulf %get3A_394, %mul3A_396 : vector<16xf32>
        %swap3A = arith.index_cast %scan3A_392 : i32 to index
        %swap3A_398 = arith.constant 0 : index
        %swap3A_399 = tpu.vector_load %arg6[%swap3A, %swap3A_398] {strides = array<i32>} : memref<320x64xf32, #tpu.memory_space<vmem>>, vector<16xf32>,
        tpu.vector_store %arg6[%swap3A, %swap3A_398], %mul3A_397 {strides = array<i32>} : memref<320x64xf32, #tpu.memory_space<vmem>>, vector<16xf32>,
        %get3A_400 = arith.index_cast %scan3A_392 : i32 to index
        %get3A_401 = arith.constant 16 : index
        %get3A_402 = tpu.vector_load %arg6[%get3A_400, %get3A_401] {strides = array<i32>} : memref<320x64xf32, #tpu.memory_space<vmem>>, vector<16xf32>,
        %mul3A_403 = arith.constant 8.000000e+00 : f32
        %mul3A_404 = vector.broadcast %mul3A_403 : f32 to vector<16xf32>
        %mul3A_405 = arith.mulf %get3A_402, %mul3A_404 : vector<16xf32>
        %swap3A_406 = arith.index_cast %scan3A_392 : i32 to index
        %swap3A_407 = arith.constant 16 : index
        %swap3A_408 = tpu.vector_load %arg6[%swap3A_406, %swap3A_407] {strides = array<i32>} : memref<320x64xf32, #tpu.memory_space<vmem>>, vector<16xf32>,
        tpu.vector_store %arg6[%swap3A_406, %swap3A_407], %mul3A_405 {strides = array<i32>} : memref<320x64xf32, #tpu.memory_space<vmem>>, vector<16xf32>,
        %get3A_409 = arith.index_cast %scan3A_392 : i32 to index
        %get3A_410 = arith.constant 32 : index
        %get3A_411 = tpu.vector_load %arg6[%get3A_409, %get3A_410] {strides = array<i32>} : memref<320x64xf32, #tpu.memory_space<vmem>>, vector<16xf32>,
        %mul3A_412 = arith.constant 8.000000e+00 : f32
        %mul3A_413 = vector.broadcast %mul3A_412 : f32 to vector<16xf32>
        %mul3A_414 = arith.mulf %get3A_411, %mul3A_413 : vector<16xf32>
        %swap3A_415 = arith.index_cast %scan3A_392 : i32 to index
        %swap3A_416 = arith.constant 32 : index
        %swap3A_417 = tpu.vector_load %arg6[%swap3A_415, %swap3A_416] {strides = array<i32>} : memref<320x64xf32, #tpu.memory_space<vmem>>, vector<16xf32>,
        tpu.vector_store %arg6[%swap3A_415, %swap3A_416], %mul3A_414 {strides = array<i32>} : memref<320x64xf32, #tpu.memory_space<vmem>>, vector<16xf32>,
        %get3A_418 = arith.index_cast %scan3A_392 : i32 to index
        %get3A_419 = arith.constant 48 : index
        %get3A_420 = tpu.vector_load %arg6[%get3A_418, %get3A_419] {strides = array<i32>} : memref<320x64xf32, #tpu.memory_space<vmem>>, vector<16xf32>,
        %mul3A_421 = arith.constant 8.000000e+00 : f32
        %mul3A_422 = vector.broadcast %mul3A_421 : f32 to vector<16xf32>
        %mul3A_423 = arith.mulf %get3A_420, %mul3A_422 : vector<16xf32>
        %swap3A_424 = arith.index_cast %scan3A_392 : i32 to index
        %swap3A_425 = arith.constant 48 : index
        %swap3A_426 = tpu.vector_load %arg6[%swap3A_424, %swap3A_425] {strides = array<i32>} : memref<320x64xf32, #tpu.memory_space<vmem>>, vector<16xf32>,
        tpu.vector_store %arg6[%swap3A_424, %swap3A_425], %mul3A_423 {strides = array<i32>} : memref<320x64xf32, #tpu.memory_space<vmem>>, vector<16xf32>,
        %scan3A_427 = arith.constant 1 : i32
        %scan3A_428 = arith.addi %scan3A_392, %scan3A_427 : i32
        %get3A_429 = arith.index_cast %scan3A_428 : i32 to index
        %get3A_430 = arith.constant 0 : index
        %get3A_431 = tpu.vector_load %arg6[%get3A_429, %get3A_430] {strides = array<i32>} : memref<320x64xf32, #tpu.memory_space<vmem>>, vector<16xf32>,
        %mul3A_432 = arith.constant 8.000000e+00 : f32
        %mul3A_433 = vector.broadcast %mul3A_432 : f32 to vector<16xf32>
        %mul3A_434 = arith.mulf %get3A_431, %mul3A_433 : vector<16xf32>
        %swap3A_435 = arith.index_cast %scan3A_428 : i32 to index
        %swap3A_436 = arith.constant 0 : index
        %swap3A_437 = tpu.vector_load %arg6[%swap3A_435, %swap3A_436] {strides = array<i32>} : memref<320x64xf32, #tpu.memory_space<vmem>>, vector<16xf32>,
        tpu.vector_store %arg6[%swap3A_435, %swap3A_436], %mul3A_434 {strides = array<i32>} : memref<320x64xf32, #tpu.memory_space<vmem>>, vector<16xf32>,
        %get3A_438 = arith.index_cast %scan3A_428 : i32 to index
        %get3A_439 = arith.constant 16 : index
        %get3A_440 = tpu.vector_load %arg6[%get3A_438, %get3A_439] {strides = array<i32>} : memref<320x64xf32, #tpu.memory_space<vmem>>, vector<16xf32>,
        %mul3A_441 = arith.constant 8.000000e+00 : f32
        %mul3A_442 = vector.broadcast %mul3A_441 : f32 to vector<16xf32>
        %mul3A_443 = arith.mulf %get3A_440, %mul3A_442 : vector<16xf32>
        %swap3A_444 = arith.index_cast %scan3A_428 : i32 to index
        %swap3A_445 = arith.constant 16 : index
        %swap3A_446 = tpu.vector_load %arg6[%swap3A_444, %swap3A_445] {strides = array<i32>} : memref<320x64xf32, #tpu.memory_space<vmem>>, vector<16xf32>,
        tpu.vector_store %arg6[%swap3A_444, %swap3A_445], %mul3A_443 {strides = array<i32>} : memref<320x64xf32, #tpu.memory_space<vmem>>, vector<16xf32>,
        %get3A_447 = arith.index_cast %scan3A_428 : i32 to index
        %get3A_448 = arith.constant 32 : index
        %get3A_449 = tpu.vector_load %arg6[%get3A_447, %get3A_448] {strides = array<i32>} : memref<320x64xf32, #tpu.memory_space<vmem>>, vector<16xf32>,
        %mul3A_450 = arith.constant 8.000000e+00 : f32
        %mul3A_451 = vector.broadcast %mul3A_450 : f32 to vector<16xf32>
        %mul3A_452 = arith.mulf %get3A_449, %mul3A_451 : vector<16xf32>
        %swap3A_453 = arith.index_cast %scan3A_428 : i32 to index
        %swap3A_454 = arith.constant 32 : index
        %swap3A_455 = tpu.vector_load %arg6[%swap3A_453, %swap3A_454] {strides = array<i32>} : memref<320x64xf32, #tpu.memory_space<vmem>>, vector<16xf32>,
        tpu.vector_store %arg6[%swap3A_453, %swap3A_454], %mul3A_452 {strides = array<i32>} : memref<320x64xf32, #tpu.memory_space<vmem>>, vector<16xf32>,
        %get3A_456 = arith.index_cast %scan3A_428 : i32 to index
        %get3A_457 = arith.constant 48 : index
        %get3A_458 = tpu.vector_load %arg6[%get3A_456, %get3A_457] {strides = array<i32>} : memref<320x64xf32, #tpu.memory_space<vmem>>, vector<16xf32>,
        %mul3A_459 = arith.constant 8.000000e+00 : f32
        %mul3A_460 = vector.broadcast %mul3A_459 : f32 to vector<16xf32>
        %mul3A_461 = arith.mulf %get3A_458, %mul3A_460 : vector<16xf32>
        %swap3A_462 = arith.index_cast %scan3A_428 : i32 to index
        %swap3A_463 = arith.constant 48 : index
        %swap3A_464 = tpu.vector_load %arg6[%swap3A_462, %swap3A_463] {strides = array<i32>} : memref<320x64xf32, #tpu.memory_space<vmem>>, vector<16xf32>,
        tpu.vector_store %arg6[%swap3A_462, %swap3A_463], %mul3A_461 {strides = array<i32>} : memref<320x64xf32, #tpu.memory_space<vmem>>, vector<16xf32>,
        %scan3A_465 = arith.constant 2 : i32
        %scan3A_466 = arith.addi %scan3A_392, %scan3A_465 : i32
        %get3A_467 = arith.index_cast %scan3A_466 : i32 to index
        %get3A_468 = arith.constant 0 : index
        %get3A_469 = tpu.vector_load %arg6[%get3A_467, %get3A_468] {strides = array<i32>} : memref<320x64xf32, #tpu.memory_space<vmem>>, vector<16xf32>,
        %mul3A_470 = arith.constant 8.000000e+00 : f32
        %mul3A_471 = vector.broadcast %mul3A_470 : f32 to vector<16xf32>
        %mul3A_472 = arith.mulf %get3A_469, %mul3A_471 : vector<16xf32>
        %swap3A_473 = arith.index_cast %scan3A_466 : i32 to index
        %swap3A_474 = arith.constant 0 : index
        %swap3A_475 = tpu.vector_load %arg6[%swap3A_473, %swap3A_474] {strides = array<i32>} : memref<320x64xf32, #tpu.memory_space<vmem>>, vector<16xf32>,
        tpu.vector_store %arg6[%swap3A_473, %swap3A_474], %mul3A_472 {strides = array<i32>} : memref<320x64xf32, #tpu.memory_space<vmem>>, vector<16xf32>,
        %get3A_476 = arith.index_cast %scan3A_466 : i32 to index
        %get3A_477 = arith.constant 16 : index
        %get3A_478 = tpu.vector_load %arg6[%get3A_476, %get3A_477] {strides = array<i32>} : memref<320x64xf32, #tpu.memory_space<vmem>>, vector<16xf32>,
        %mul3A_479 = arith.constant 8.000000e+00 : f32
        %mul3A_480 = vector.broadcast %mul3A_479 : f32 to vector<16xf32>
        %mul3A_481 = arith.mulf %get3A_478, %mul3A_480 : vector<16xf32>
        %swap3A_482 = arith.index_cast %scan3A_466 : i32 to index
        %swap3A_483 = arith.constant 16 : index
        %swap3A_484 = tpu.vector_load %arg6[%swap3A_482, %swap3A_483] {strides = array<i32>} : memref<320x64xf32, #tpu.memory_space<vmem>>, vector<16xf32>,
        tpu.vector_store %arg6[%swap3A_482, %swap3A_483], %mul3A_481 {strides = array<i32>} : memref<320x64xf32, #tpu.memory_space<vmem>>, vector<16xf32>,
        %get3A_485 = arith.index_cast %scan3A_466 : i32 to index
        %get3A_486 = arith.constant 32 : index
        %get3A_487 = tpu.vector_load %arg6[%get3A_485, %get3A_486] {strides = array<i32>} : memref<320x64xf32, #tpu.memory_space<vmem>>, vector<16xf32>,
        %mul3A_488 = arith.constant 8.000000e+00 : f32
        %mul3A_489 = vector.broadcast %mul3A_488 : f32 to vector<16xf32>
        %mul3A_490 = arith.mulf %get3A_487, %mul3A_489 : vector<16xf32>
        %swap3A_491 = arith.index_cast %scan3A_466 : i32 to index
        %swap3A_492 = arith.constant 32 : index
        %swap3A_493 = tpu.vector_load %arg6[%swap3A_491, %swap3A_492] {strides = array<i32>} : memref<320x64xf32, #tpu.memory_space<vmem>>, vector<16xf32>,
        tpu.vector_store %arg6[%swap3A_491, %swap3A_492], %mul3A_490 {strides = array<i32>} : memref<320x64xf32, #tpu.memory_space<vmem>>, vector<16xf32>,
        %get3A_494 = arith.index_cast %scan3A_466 : i32 to index
        %get3A_495 = arith.constant 48 : index
        %get3A_496 = tpu.vector_load %arg6[%get3A_494, %get3A_495] {strides = array<i32>} : memref<320x64xf32, #tpu.memory_space<vmem>>, vector<16xf32>,
        %mul3A_497 = arith.constant 8.000000e+00 : f32
        %mul3A_498 = vector.broadcast %mul3A_497 : f32 to vector<16xf32>
        %mul3A_499 = arith.mulf %get3A_496, %mul3A_498 : vector<16xf32>
        %swap3A_500 = arith.index_cast %scan3A_466 : i32 to index
        %swap3A_501 = arith.constant 48 : index
        %swap3A_502 = tpu.vector_load %arg6[%swap3A_500, %swap3A_501] {strides = array<i32>} : memref<320x64xf32, #tpu.memory_space<vmem>>, vector<16xf32>,
        tpu.vector_store %arg6[%swap3A_500, %swap3A_501], %mul3A_499 {strides = array<i32>} : memref<320x64xf32, #tpu.memory_space<vmem>>, vector<16xf32>,
        %scan3A_503 = arith.constant 3 : i32
        %scan3A_504 = arith.addi %scan3A_392, %scan3A_503 : i32
        %get3A_505 = arith.index_cast %scan3A_504 : i32 to index
        %get3A_506 = arith.constant 0 : index
        %get3A_507 = tpu.vector_load %arg6[%get3A_505, %get3A_506] {strides = array<i32>} : memref<320x64xf32, #tpu.memory_space<vmem>>, vector<16xf32>,
        %mul3A_508 = arith.constant 8.000000e+00 : f32
        %mul3A_509 = vector.broadcast %mul3A_508 : f32 to vector<16xf32>
        %mul3A_510 = arith.mulf %get3A_507, %mul3A_509 : vector<16xf32>
        %swap3A_511 = arith.index_cast %scan3A_504 : i32 to index
        %swap3A_512 = arith.constant 0 : index
        %swap3A_513 = tpu.vector_load %arg6[%swap3A_511, %swap3A_512] {strides = array<i32>} : memref<320x64xf32, #tpu.memory_space<vmem>>, vector<16xf32>,
        tpu.vector_store %arg6[%swap3A_511, %swap3A_512], %mul3A_510 {strides = array<i32>} : memref<320x64xf32, #tpu.memory_space<vmem>>, vector<16xf32>,
        %get3A_514 = arith.index_cast %scan3A_504 : i32 to index
        %get3A_515 = arith.constant 16 : index
        %get3A_516 = tpu.vector_load %arg6[%get3A_514, %get3A_515] {strides = array<i32>} : memref<320x64xf32, #tpu.memory_space<vmem>>, vector<16xf32>,
        %mul3A_517 = arith.constant 8.000000e+00 : f32
        %mul3A_518 = vector.broadcast %mul3A_517 : f32 to vector<16xf32>
        %mul3A_519 = arith.mulf %get3A_516, %mul3A_518 : vector<16xf32>
        %swap3A_520 = arith.index_cast %scan3A_504 : i32 to index
        %swap3A_521 = arith.constant 16 : index
        %swap3A_522 = tpu.vector_load %arg6[%swap3A_520, %swap3A_521] {strides = array<i32>} : memref<320x64xf32, #tpu.memory_space<vmem>>, vector<16xf32>,
        tpu.vector_store %arg6[%swap3A_520, %swap3A_521], %mul3A_519 {strides = array<i32>} : memref<320x64xf32, #tpu.memory_space<vmem>>, vector<16xf32>,
        %get3A_523 = arith.index_cast %scan3A_504 : i32 to index
        %get3A_524 = arith.constant 32 : index
        %get3A_525 = tpu.vector_load %arg6[%get3A_523, %get3A_524] {strides = array<i32>} : memref<320x64xf32, #tpu.memory_space<vmem>>, vector<16xf32>,
        %mul3A_526 = arith.constant 8.000000e+00 : f32
        %mul3A_527 = vector.broadcast %mul3A_526 : f32 to vector<16xf32>
        %mul3A_528 = arith.mulf %get3A_525, %mul3A_527 : vector<16xf32>
        %swap3A_529 = arith.index_cast %scan3A_504 : i32 to index
        %swap3A_530 = arith.constant 32 : index
        %swap3A_531 = tpu.vector_load %arg6[%swap3A_529, %swap3A_530] {strides = array<i32>} : memref<320x64xf32, #tpu.memory_space<vmem>>, vector<16xf32>,
        tpu.vector_store %arg6[%swap3A_529, %swap3A_530], %mul3A_528 {strides = array<i32>} : memref<320x64xf32, #tpu.memory_space<vmem>>, vector<16xf32>,
        %get3A_532 = arith.index_cast %scan3A_504 : i32 to index
        %get3A_533 = arith.constant 48 : index
        %get3A_534 = tpu.vector_load %arg6[%get3A_532, %get3A_533] {strides = array<i32>} : memref<320x64xf32, #tpu.memory_space<vmem>>, vector<16xf32>,
        %mul3A_535 = arith.constant 8.000000e+00 : f32
        %mul3A_536 = vector.broadcast %mul3A_535 : f32 to vector<16xf32>
        %mul3A_537 = arith.mulf %get3A_534, %mul3A_536 : vector<16xf32>
        %swap3A_538 = arith.index_cast %scan3A_504 : i32 to index
        %swap3A_539 = arith.constant 48 : index
        %swap3A_540 = tpu.vector_load %arg6[%swap3A_538, %swap3A_539] {strides = array<i32>} : memref<320x64xf32, #tpu.memory_space<vmem>>, vector<16xf32>,
        tpu.vector_store %arg6[%swap3A_538, %swap3A_539], %mul3A_537 {strides = array<i32>} : memref<320x64xf32, #tpu.memory_space<vmem>>, vector<16xf32>,
        %scan3A_541 = arith.constant 4 : i32
        %scan3A_542 = arith.addi %scan3A_392, %scan3A_541 : i32
        %get3A_543 = arith.index_cast %scan3A_542 : i32 to index
        %get3A_544 = arith.constant 0 : index
        %get3A_545 = tpu.vector_load %arg6[%get3A_543, %get3A_544] {strides = array<i32>} : memref<320x64xf32, #tpu.memory_space<vmem>>, vector<16xf32>,
        %mul3A_546 = arith.constant 8.000000e+00 : f32
        %mul3A_547 = vector.broadcast %mul3A_546 : f32 to vector<16xf32>
        %mul3A_548 = arith.mulf %get3A_545, %mul3A_547 : vector<16xf32>
        %swap3A_549 = arith.index_cast %scan3A_542 : i32 to index
        %swap3A_550 = arith.constant 0 : index
        %swap3A_551 = tpu.vector_load %arg6[%swap3A_549, %swap3A_550] {strides = array<i32>} : memref<320x64xf32, #tpu.memory_space<vmem>>, vector<16xf32>,
        tpu.vector_store %arg6[%swap3A_549, %swap3A_550], %mul3A_548 {strides = array<i32>} : memref<320x64xf32, #tpu.memory_space<vmem>>, vector<16xf32>,
        %get3A_552 = arith.index_cast %scan3A_542 : i32 to index
        %get3A_553 = arith.constant 16 : index
        %get3A_554 = tpu.vector_load %arg6[%get3A_552, %get3A_553] {strides = array<i32>} : memref<320x64xf32, #tpu.memory_space<vmem>>, vector<16xf32>,
        %mul3A_555 = arith.constant 8.000000e+00 : f32
        %mul3A_556 = vector.broadcast %mul3A_555 : f32 to vector<16xf32>
        %mul3A_557 = arith.mulf %get3A_554, %mul3A_556 : vector<16xf32>
        %swap3A_558 = arith.index_cast %scan3A_542 : i32 to index
        %swap3A_559 = arith.constant 16 : index
        %swap3A_560 = tpu.vector_load %arg6[%swap3A_558, %swap3A_559] {strides = array<i32>} : memref<320x64xf32, #tpu.memory_space<vmem>>, vector<16xf32>,
        tpu.vector_store %arg6[%swap3A_558, %swap3A_559], %mul3A_557 {strides = array<i32>} : memref<320x64xf32, #tpu.memory_space<vmem>>, vector<16xf32>,
        %get3A_561 = arith.index_cast %scan3A_542 : i32 to index
        %get3A_562 = arith.constant 32 : index
        %get3A_563 = tpu.vector_load %arg6[%get3A_561, %get3A_562] {strides = array<i32>} : memref<320x64xf32, #tpu.memory_space<vmem>>, vector<16xf32>,
        %mul3A_564 = arith.constant 8.000000e+00 : f32
        %mul3A_565 = vector.broadcast %mul3A_564 : f32 to vector<16xf32>
        %mul3A_566 = arith.mulf %get3A_563, %mul3A_565 : vector<16xf32>
        %swap3A_567 = arith.index_cast %scan3A_542 : i32 to index
        %swap3A_568 = arith.constant 32 : index
        %swap3A_569 = tpu.vector_load %arg6[%swap3A_567, %swap3A_568] {strides = array<i32>} : memref<320x64xf32, #tpu.memory_space<vmem>>, vector<16xf32>,
        tpu.vector_store %arg6[%swap3A_567, %swap3A_568], %mul3A_566 {strides = array<i32>} : memref<320x64xf32, #tpu.memory_space<vmem>>, vector<16xf32>,
        %get3A_570 = arith.index_cast %scan3A_542 : i32 to index
        %get3A_571 = arith.constant 48 : index
        %get3A_572 = tpu.vector_load %arg6[%get3A_570, %get3A_571] {strides = array<i32>} : memref<320x64xf32, #tpu.memory_space<vmem>>, vector<16xf32>,
        %mul3A_573 = arith.constant 8.000000e+00 : f32
        %mul3A_574 = vector.broadcast %mul3A_573 : f32 to vector<16xf32>
        %mul3A_575 = arith.mulf %get3A_572, %mul3A_574 : vector<16xf32>
        %swap3A_576 = arith.index_cast %scan3A_542 : i32 to index
        %swap3A_577 = arith.constant 48 : index
        %swap3A_578 = tpu.vector_load %arg6[%swap3A_576, %swap3A_577] {strides = array<i32>} : memref<320x64xf32, #tpu.memory_space<vmem>>, vector<16xf32>,
        tpu.vector_store %arg6[%swap3A_576, %swap3A_577], %mul3A_575 {strides = array<i32>} : memref<320x64xf32, #tpu.memory_space<vmem>>, vector<16xf32>,
        %scan3A_579 = arith.constant 5 : i32
        %scan3A_580 = arith.addi %scan3A_392, %scan3A_579 : i32
        %get3A_581 = arith.index_cast %scan3A_580 : i32 to index
        %get3A_582 = arith.constant 0 : index
        %get3A_583 = tpu.vector_load %arg6[%get3A_581, %get3A_582] {strides = array<i32>} : memref<320x64xf32, #tpu.memory_space<vmem>>, vector<16xf32>,
        %mul3A_584 = arith.constant 8.000000e+00 : f32
        %mul3A_585 = vector.broadcast %mul3A_584 : f32 to vector<16xf32>
        %mul3A_586 = arith.mulf %get3A_583, %mul3A_585 : vector<16xf32>
        %swap3A_587 = arith.index_cast %scan3A_580 : i32 to index
        %swap3A_588 = arith.constant 0 : index
        %swap3A_589 = tpu.vector_load %arg6[%swap3A_587, %swap3A_588] {strides = array<i32>} : memref<320x64xf32, #tpu.memory_space<vmem>>, vector<16xf32>,
        tpu.vector_store %arg6[%swap3A_587, %swap3A_588], %mul3A_586 {strides = array<i32>} : memref<320x64xf32, #tpu.memory_space<vmem>>, vector<16xf32>,
        %get3A_590 = arith.index_cast %scan3A_580 : i32 to index
        %get3A_591 = arith.constant 16 : index
        %get3A_592 = tpu.vector_load %arg6[%get3A_590, %get3A_591] {strides = array<i32>} : memref<320x64xf32, #tpu.memory_space<vmem>>, vector<16xf32>,
        %mul3A_593 = arith.constant 8.000000e+00 : f32
        %mul3A_594 = vector.broadcast %mul3A_593 : f32 to vector<16xf32>
        %mul3A_595 = arith.mulf %get3A_592, %mul3A_594 : vector<16xf32>
        %swap3A_596 = arith.index_cast %scan3A_580 : i32 to index
        %swap3A_597 = arith.constant 16 : index
        %swap3A_598 = tpu.vector_load %arg6[%swap3A_596, %swap3A_597] {strides = array<i32>} : memref<320x64xf32, #tpu.memory_space<vmem>>, vector<16xf32>,
        tpu.vector_store %arg6[%swap3A_596, %swap3A_597], %mul3A_595 {strides = array<i32>} : memref<320x64xf32, #tpu.memory_space<vmem>>, vector<16xf32>,
        %get3A_599 = arith.index_cast %scan3A_580 : i32 to index
        %get3A_600 = arith.constant 32 : index
        %get3A_601 = tpu.vector_load %arg6[%get3A_599, %get3A_600] {strides = array<i32>} : memref<320x64xf32, #tpu.memory_space<vmem>>, vector<16xf32>,
        %mul3A_602 = arith.constant 8.000000e+00 : f32
        %mul3A_603 = vector.broadcast %mul3A_602 : f32 to vector<16xf32>
        %mul3A_604 = arith.mulf %get3A_601, %mul3A_603 : vector<16xf32>
        %swap3A_605 = arith.index_cast %scan3A_580 : i32 to index
        %swap3A_606 = arith.constant 32 : index
        %swap3A_607 = tpu.vector_load %arg6[%swap3A_605, %swap3A_606] {strides = array<i32>} : memref<320x64xf32, #tpu.memory_space<vmem>>, vector<16xf32>,
        tpu.vector_store %arg6[%swap3A_605, %swap3A_606], %mul3A_604 {strides = array<i32>} : memref<320x64xf32, #tpu.memory_space<vmem>>, vector<16xf32>,
        %get3A_608 = arith.index_cast %scan3A_580 : i32 to index
        %get3A_609 = arith.constant 48 : index
        %get3A_610 = tpu.vector_load %arg6[%get3A_608, %get3A_609] {strides = array<i32>} : memref<320x64xf32, #tpu.memory_space<vmem>>, vector<16xf32>,
        %mul3A_611 = arith.constant 8.000000e+00 : f32
        %mul3A_612 = vector.broadcast %mul3A_611 : f32 to vector<16xf32>
        %mul3A_613 = arith.mulf %get3A_610, %mul3A_612 : vector<16xf32>
        %swap3A_614 = arith.index_cast %scan3A_580 : i32 to index
        %swap3A_615 = arith.constant 48 : index
        %swap3A_616 = tpu.vector_load %arg6[%swap3A_614, %swap3A_615] {strides = array<i32>} : memref<320x64xf32, #tpu.memory_space<vmem>>, vector<16xf32>,
        tpu.vector_store %arg6[%swap3A_614, %swap3A_615], %mul3A_613 {strides = array<i32>} : memref<320x64xf32, #tpu.memory_space<vmem>>, vector<16xf32>,
        %scan3A_617 = arith.constant 6 : i32
        %scan3A_618 = arith.addi %scan3A_392, %scan3A_617 : i32
        %get3A_619 = arith.index_cast %scan3A_618 : i32 to index
        %get3A_620 = arith.constant 0 : index
        %get3A_621 = tpu.vector_load %arg6[%get3A_619, %get3A_620] {strides = array<i32>} : memref<320x64xf32, #tpu.memory_space<vmem>>, vector<16xf32>,
        %mul3A_622 = arith.constant 8.000000e+00 : f32
        %mul3A_623 = vector.broadcast %mul3A_622 : f32 to vector<16xf32>
        %mul3A_624 = arith.mulf %get3A_621, %mul3A_623 : vector<16xf32>
        %swap3A_625 = arith.index_cast %scan3A_618 : i32 to index
        %swap3A_626 = arith.constant 0 : index
        %swap3A_627 = tpu.vector_load %arg6[%swap3A_625, %swap3A_626] {strides = array<i32>} : memref<320x64xf32, #tpu.memory_space<vmem>>, vector<16xf32>,
        tpu.vector_store %arg6[%swap3A_625, %swap3A_626], %mul3A_624 {strides = array<i32>} : memref<320x64xf32, #tpu.memory_space<vmem>>, vector<16xf32>,
        %get3A_628 = arith.index_cast %scan3A_618 : i32 to index
        %get3A_629 = arith.constant 16 : index
        %get3A_630 = tpu.vector_load %arg6[%get3A_628, %get3A_629] {strides = array<i32>} : memref<320x64xf32, #tpu.memory_space<vmem>>, vector<16xf32>,
        %mul3A_631 = arith.constant 8.000000e+00 : f32
        %mul3A_632 = vector.broadcast %mul3A_631 : f32 to vector<16xf32>
        %mul3A_633 = arith.mulf %get3A_630, %mul3A_632 : vector<16xf32>
        %swap3A_634 = arith.index_cast %scan3A_618 : i32 to index
        %swap3A_635 = arith.constant 16 : index
        %swap3A_636 = tpu.vector_load %arg6[%swap3A_634, %swap3A_635] {strides = array<i32>} : memref<320x64xf32, #tpu.memory_space<vmem>>, vector<16xf32>,
        tpu.vector_store %arg6[%swap3A_634, %swap3A_635], %mul3A_633 {strides = array<i32>} : memref<320x64xf32, #tpu.memory_space<vmem>>, vector<16xf32>,
        %get3A_637 = arith.index_cast %scan3A_618 : i32 to index
        %get3A_638 = arith.constant 32 : index
        %get3A_639 = tpu.vector_load %arg6[%get3A_637, %get3A_638] {strides = array<i32>} : memref<320x64xf32, #tpu.memory_space<vmem>>, vector<16xf32>,
        %mul3A_640 = arith.constant 8.000000e+00 : f32
        %mul3A_641 = vector.broadcast %mul3A_640 : f32 to vector<16xf32>
        %mul3A_642 = arith.mulf %get3A_639, %mul3A_641 : vector<16xf32>
        %swap3A_643 = arith.index_cast %scan3A_618 : i32 to index
        %swap3A_644 = arith.constant 32 : index
        %swap3A_645 = tpu.vector_load %arg6[%swap3A_643, %swap3A_644] {strides = array<i32>} : memref<320x64xf32, #tpu.memory_space<vmem>>, vector<16xf32>,
        tpu.vector_store %arg6[%swap3A_643, %swap3A_644], %mul3A_642 {strides = array<i32>} : memref<320x64xf32, #tpu.memory_space<vmem>>, vector<16xf32>,
        %get3A_646 = arith.index_cast %scan3A_618 : i32 to index
        %get3A_647 = arith.constant 48 : index
        %get3A_648 = tpu.vector_load %arg6[%get3A_646, %get3A_647] {strides = array<i32>} : memref<320x64xf32, #tpu.memory_space<vmem>>, vector<16xf32>,
        %mul3A_649 = arith.constant 8.000000e+00 : f32
        %mul3A_650 = vector.broadcast %mul3A_649 : f32 to vector<16xf32>
        %mul3A_651 = arith.mulf %get3A_648, %mul3A_650 : vector<16xf32>
        %swap3A_652 = arith.index_cast %scan3A_618 : i32 to index
        %swap3A_653 = arith.constant 48 : index
        %swap3A_654 = tpu.vector_load %arg6[%swap3A_652, %swap3A_653] {strides = array<i32>} : memref<320x64xf32, #tpu.memory_space<vmem>>, vector<16xf32>,
        tpu.vector_store %arg6[%swap3A_652, %swap3A_653], %mul3A_651 {strides = array<i32>} : memref<320x64xf32, #tpu.memory_space<vmem>>, vector<16xf32>,
        %scan3A_655 = arith.constant 7 : i32
        %scan3A_656 = arith.addi %scan3A_392, %scan3A_655 : i32
        %get3A_657 = arith.index_cast %scan3A_656 : i32 to index
        %get3A_658 = arith.constant 0 : index
        %get3A_659 = tpu.vector_load %arg6[%get3A_657, %get3A_658] {strides = array<i32>} : memref<320x64xf32, #tpu.memory_space<vmem>>, vector<16xf32>,
        %mul3A_660 = arith.constant 8.000000e+00 : f32
        %mul3A_661 = vector.broadcast %mul3A_660 : f32 to vector<16xf32>
        %mul3A_662 = arith.mulf %get3A_659, %mul3A_661 : vector<16xf32>
        %swap3A_663 = arith.index_cast %scan3A_656 : i32 to index
        %swap3A_664 = arith.constant 0 : index
        %swap3A_665 = tpu.vector_load %arg6[%swap3A_663, %swap3A_664] {strides = array<i32>} : memref<320x64xf32, #tpu.memory_space<vmem>>, vector<16xf32>,
        tpu.vector_store %arg6[%swap3A_663, %swap3A_664], %mul3A_662 {strides = array<i32>} : memref<320x64xf32, #tpu.memory_space<vmem>>, vector<16xf32>,
        %get3A_666 = arith.index_cast %scan3A_656 : i32 to index
        %get3A_667 = arith.constant 16 : index
        %get3A_668 = tpu.vector_load %arg6[%get3A_666, %get3A_667] {strides = array<i32>} : memref<320x64xf32, #tpu.memory_space<vmem>>, vector<16xf32>,
        %mul3A_669 = arith.constant 8.000000e+00 : f32
        %mul3A_670 = vector.broadcast %mul3A_669 : f32 to vector<16xf32>
        %mul3A_671 = arith.mulf %get3A_668, %mul3A_670 : vector<16xf32>
        %swap3A_672 = arith.index_cast %scan3A_656 : i32 to index
        %swap3A_673 = arith.constant 16 : index
        %swap3A_674 = tpu.vector_load %arg6[%swap3A_672, %swap3A_673] {strides = array<i32>} : memref<320x64xf32, #tpu.memory_space<vmem>>, vector<16xf32>,
        tpu.vector_store %arg6[%swap3A_672, %swap3A_673], %mul3A_671 {strides = array<i32>} : memref<320x64xf32, #tpu.memory_space<vmem>>, vector<16xf32>,
        %get3A_675 = arith.index_cast %scan3A_656 : i32 to index
        %get3A_676 = arith.constant 32 : index
        %get3A_677 = tpu.vector_load %arg6[%get3A_675, %get3A_676] {strides = array<i32>} : memref<320x64xf32, #tpu.memory_space<vmem>>, vector<16xf32>,
        %mul3A_678 = arith.constant 8.000000e+00 : f32
        %mul3A_679 = vector.broadcast %mul3A_678 : f32 to vector<16xf32>
        %mul3A_680 = arith.mulf %get3A_677, %mul3A_679 : vector<16xf32>
        %swap3A_681 = arith.index_cast %scan3A_656 : i32 to index
        %swap3A_682 = arith.constant 32 : index
        %swap3A_683 = tpu.vector_load %arg6[%swap3A_681, %swap3A_682] {strides = array<i32>} : memref<320x64xf32, #tpu.memory_space<vmem>>, vector<16xf32>,
        tpu.vector_store %arg6[%swap3A_681, %swap3A_682], %mul3A_680 {strides = array<i32>} : memref<320x64xf32, #tpu.memory_space<vmem>>, vector<16xf32>,
        %get3A_684 = arith.index_cast %scan3A_656 : i32 to index
        %get3A_685 = arith.constant 48 : index
        %get3A_686 = tpu.vector_load %arg6[%get3A_684, %get3A_685] {strides = array<i32>} : memref<320x64xf32, #tpu.memory_space<vmem>>, vector<16xf32>,
        %mul3A_687 = arith.constant 8.000000e+00 : f32
        %mul3A_688 = vector.broadcast %mul3A_687 : f32 to vector<16xf32>
        %mul3A_689 = arith.mulf %get3A_686, %mul3A_688 : vector<16xf32>
        %swap3A_690 = arith.index_cast %scan3A_656 : i32 to index
        %swap3A_691 = arith.constant 48 : index
        %swap3A_692 = tpu.vector_load %arg6[%swap3A_690, %swap3A_691] {strides = array<i32>} : memref<320x64xf32, #tpu.memory_space<vmem>>, vector<16xf32>,
        tpu.vector_store %arg6[%swap3A_690, %swap3A_691], %mul3A_689 {strides = array<i32>} : memref<320x64xf32, #tpu.memory_space<vmem>>, vector<16xf32>,
      }
      %scan3A_246 = arith.constant 320 : i32
      %mul3A_247 = arith.constant 320 : i32
      %mul3A_248 = arith.muli %add3A_234, %mul3A_247 : i32
      %add3A_249 = arith.addi %mul3A_2, %mul3A_248 : i32
      %dma_start3A_250 = arith.constant 0 : i32
      %dma_start3A_251 = tpu.memref_slice %arg4[%add3A_249, %dma_start3A_250] : memref<819200x128xf32, #tpu.memory_space<hbm>> -> memref<320x64xf32, #tpu.memory_space<hbm>>
      %dma_start3A_252 = arith.constant 0 : i32
      %dma_start3A_253 = tpu.memref_slice %arg4[%add3A_249, %dma_start3A_252] : memref<819200x128xf32, #tpu.memory_space<hbm>> -> memref<320x64xf32, #tpu.memory_space<hbm>>
      tpu.enqueue_dma source(%arg6 : memref<320x64xf32, #tpu.memory_space<vmem>>) target(%dma_start3A_253 : memref<320x64xf32, #tpu.memory_space<hbm>>) target_semaphore(%arg14 : memref<!tpu.dma_semaphore, #tpu.memory_space<semaphore_mem>>)
      %add3A_254 = arith.constant 0 : i32
      %add3A_255 = arith.addi %mul3A_232, %add3A_254 : i32
      %sub3A = arith.constant 2 : i32
      %sub3A_256 = arith.subi %add3A_255, %sub3A : i32
      %mul3A_257 = arith.constant 320 : i32
      %mul3A_258 = arith.muli %sub3A_256, %mul3A_257 : i32
      %add3A_259 = arith.addi %mul3A_2, %mul3A_258 : i32
      %dma_wait3A_260 = arith.constant 0 : i32
      %dma_wait3A_261 = tpu.memref_slice %arg4[%add3A_259, %dma_wait3A_260] : memref<819200x128xf32, #tpu.memory_space<hbm>> -> memref<320x64xf32, #tpu.memory_space<hbm>>
      %dma_wait3A_262 = arith.constant 0 : i32
      %dma_wait3A_263 = tpu.memref_slice %arg4[%add3A_259, %dma_wait3A_262] : memref<819200x128xf32, #tpu.memory_space<hbm>> -> memref<320x64xf32, #tpu.memory_space<hbm>>
      tpu.wait_dma2 semaphore(%arg16 : memref<!tpu.dma_semaphore, #tpu.memory_space<semaphore_mem>>) src(%arg8 : memref<320x64xf32, #tpu.memory_space<vmem>>) dst(%dma_wait3A_263 : memref<320x64xf32, #tpu.memory_space<hbm>>)
      %add3A_264 = arith.constant 2 : i32
      %add3A_265 = arith.addi %add3A_255, %add3A_264 : i32
      %mul3A_266 = arith.constant 320 : i32
      %mul3A_267 = arith.muli %add3A_265, %mul3A_266 : i32
      %dma_start3A_268 = tpu.memref_slice %arg5[%mul3A_267] : memref<25600xi32, #tpu.memory_space<vmem>> -> memref<320xi32, #tpu.memory_space<vmem>>
      %dma_start3A_269 = arith.constant 0 : i32
      %dma_start3A_270 = arith.constant 0 : i32
      %dma_start3A_271 = tpu.memref_slice %arg3[%dma_start3A_269, %dma_start3A_270] : memref<1000000x64xf32, #tpu.memory_space<hbm>> -> memref<1000000x64xf32, #tpu.memory_space<hbm>>
      tpu.enqueue_indirect_dma source(%dma_start3A_271 : memref<1000000x64xf32, #tpu.memory_space<hbm>>) target(%arg8 : memref<320x64xf32, #tpu.memory_space<vmem>>) offsets(%dma_start3A_268 : memref<320xi32, #tpu.memory_space<vmem>>) semaphore(%arg12 : memref<!tpu.dma_semaphore, #tpu.memory_space<semaphore_mem>>)
      %add3A_272 = arith.constant 1 : i32
      %add3A_273 = arith.addi %mul3A_232, %add3A_272 : i32
      %mul3A_274 = arith.constant 320 : i32
      %mul3A_275 = arith.muli %add3A_273, %mul3A_274 : i32
      %dma_wait3A_276 = tpu.memref_slice %arg5[%mul3A_275] : memref<25600xi32, #tpu.memory_space<vmem>> -> memref<320xi32, #tpu.memory_space<vmem>>
      %dma_wait3A_277 = arith.constant 0 : i32
      %dma_wait3A_278 = arith.constant 0 : i32
      %dma_wait3A_279 = tpu.memref_slice %arg3[%dma_wait3A_277, %dma_wait3A_278] : memref<1000000x64xf32, #tpu.memory_space<hbm>> -> memref<1000000x64xf32, #tpu.memory_space<hbm>>
      tpu.wait_indirect_dma semaphore(%arg11 : memref<!tpu.dma_semaphore, #tpu.memory_space<semaphore_mem>>) src(%dma_wait3A_279 : memref<1000000x64xf32, #tpu.memory_space<hbm>>) dst(%arg7 : memref<320x64xf32, #tpu.memory_space<vmem>>)
      %scan3A_280 = arith.constant 0 : i32
      %scan3A_281 = arith.constant 0 : i32
      %scan3A_282 = arith.constant 320 : i32
      %scan3A_283 = arith.addi %scan3A_281, %scan3A_282 : i32
      %scan3A_284 = arith.constant 8 : i32
      scf.for %scan3A_392 = %scan3A_281 to %scan3A_283 step %scan3A_284  : i32 {
        %get3A = arith.index_cast %scan3A_392 : i32 to index
        %get3A_393 = arith.constant 0 : index
        %get3A_394 = tpu.vector_load %arg7[%get3A, %get3A_393] {strides = array<i32>} : memref<320x64xf32, #tpu.memory_space<vmem>>, vector<16xf32>,
        %mul3A_395 = arith.constant 8.000000e+00 : f32
        %mul3A_396 = vector.broadcast %mul3A_395 : f32 to vector<16xf32>
        %mul3A_397 = arith.mulf %get3A_394, %mul3A_396 : vector<16xf32>
        %swap3A = arith.index_cast %scan3A_392 : i32 to index
        %swap3A_398 = arith.constant 0 : index
        %swap3A_399 = tpu.vector_load %arg7[%swap3A, %swap3A_398] {strides = array<i32>} : memref<320x64xf32, #tpu.memory_space<vmem>>, vector<16xf32>,
        tpu.vector_store %arg7[%swap3A, %swap3A_398], %mul3A_397 {strides = array<i32>} : memref<320x64xf32, #tpu.memory_space<vmem>>, vector<16xf32>,
        %get3A_400 = arith.index_cast %scan3A_392 : i32 to index
        %get3A_401 = arith.constant 16 : index
        %get3A_402 = tpu.vector_load %arg7[%get3A_400, %get3A_401] {strides = array<i32>} : memref<320x64xf32, #tpu.memory_space<vmem>>, vector<16xf32>,
        %mul3A_403 = arith.constant 8.000000e+00 : f32
        %mul3A_404 = vector.broadcast %mul3A_403 : f32 to vector<16xf32>
        %mul3A_405 = arith.mulf %get3A_402, %mul3A_404 : vector<16xf32>
        %swap3A_406 = arith.index_cast %scan3A_392 : i32 to index
        %swap3A_407 = arith.constant 16 : index
        %swap3A_408 = tpu.vector_load %arg7[%swap3A_406, %swap3A_407] {strides = array<i32>} : memref<320x64xf32, #tpu.memory_space<vmem>>, vector<16xf32>,
        tpu.vector_store %arg7[%swap3A_406, %swap3A_407], %mul3A_405 {strides = array<i32>} : memref<320x64xf32, #tpu.memory_space<vmem>>, vector<16xf32>,
        %get3A_409 = arith.index_cast %scan3A_392 : i32 to index
        %get3A_410 = arith.constant 32 : index
        %get3A_411 = tpu.vector_load %arg7[%get3A_409, %get3A_410] {strides = array<i32>} : memref<320x64xf32, #tpu.memory_space<vmem>>, vector<16xf32>,
        %mul3A_412 = arith.constant 8.000000e+00 : f32
        %mul3A_413 = vector.broadcast %mul3A_412 : f32 to vector<16xf32>
        %mul3A_414 = arith.mulf %get3A_411, %mul3A_413 : vector<16xf32>
        %swap3A_415 = arith.index_cast %scan3A_392 : i32 to index
        %swap3A_416 = arith.constant 32 : index
        %swap3A_417 = tpu.vector_load %arg7[%swap3A_415, %swap3A_416] {strides = array<i32>} : memref<320x64xf32, #tpu.memory_space<vmem>>, vector<16xf32>,
        tpu.vector_store %arg7[%swap3A_415, %swap3A_416], %mul3A_414 {strides = array<i32>} : memref<320x64xf32, #tpu.memory_space<vmem>>, vector<16xf32>,
        %get3A_418 = arith.index_cast %scan3A_392 : i32 to index
        %get3A_419 = arith.constant 48 : index
        %get3A_420 = tpu.vector_load %arg7[%get3A_418, %get3A_419] {strides = array<i32>} : memref<320x64xf32, #tpu.memory_space<vmem>>, vector<16xf32>,
        %mul3A_421 = arith.constant 8.000000e+00 : f32
        %mul3A_422 = vector.broadcast %mul3A_421 : f32 to vector<16xf32>
        %mul3A_423 = arith.mulf %get3A_420, %mul3A_422 : vector<16xf32>
        %swap3A_424 = arith.index_cast %scan3A_392 : i32 to index
        %swap3A_425 = arith.constant 48 : index
        %swap3A_426 = tpu.vector_load %arg7[%swap3A_424, %swap3A_425] {strides = array<i32>} : memref<320x64xf32, #tpu.memory_space<vmem>>, vector<16xf32>,
        tpu.vector_store %arg7[%swap3A_424, %swap3A_425], %mul3A_423 {strides = array<i32>} : memref<320x64xf32, #tpu.memory_space<vmem>>, vector<16xf32>,
        %scan3A_427 = arith.constant 1 : i32
        %scan3A_428 = arith.addi %scan3A_392, %scan3A_427 : i32
        %get3A_429 = arith.index_cast %scan3A_428 : i32 to index
        %get3A_430 = arith.constant 0 : index
        %get3A_431 = tpu.vector_load %arg7[%get3A_429, %get3A_430] {strides = array<i32>} : memref<320x64xf32, #tpu.memory_space<vmem>>, vector<16xf32>,
        %mul3A_432 = arith.constant 8.000000e+00 : f32
        %mul3A_433 = vector.broadcast %mul3A_432 : f32 to vector<16xf32>
        %mul3A_434 = arith.mulf %get3A_431, %mul3A_433 : vector<16xf32>
        %swap3A_435 = arith.index_cast %scan3A_428 : i32 to index
        %swap3A_436 = arith.constant 0 : index
        %swap3A_437 = tpu.vector_load %arg7[%swap3A_435, %swap3A_436] {strides = array<i32>} : memref<320x64xf32, #tpu.memory_space<vmem>>, vector<16xf32>,
        tpu.vector_store %arg7[%swap3A_435, %swap3A_436], %mul3A_434 {strides = array<i32>} : memref<320x64xf32, #tpu.memory_space<vmem>>, vector<16xf32>,
        %get3A_438 = arith.index_cast %scan3A_428 : i32 to index
        %get3A_439 = arith.constant 16 : index
        %get3A_440 = tpu.vector_load %arg7[%get3A_438, %get3A_439] {strides = array<i32>} : memref<320x64xf32, #tpu.memory_space<vmem>>, vector<16xf32>,
        %mul3A_441 = arith.constant 8.000000e+00 : f32
        %mul3A_442 = vector.broadcast %mul3A_441 : f32 to vector<16xf32>
        %mul3A_443 = arith.mulf %get3A_440, %mul3A_442 : vector<16xf32>
        %swap3A_444 = arith.index_cast %scan3A_428 : i32 to index
        %swap3A_445 = arith.constant 16 : index
        %swap3A_446 = tpu.vector_load %arg7[%swap3A_444, %swap3A_445] {strides = array<i32>} : memref<320x64xf32, #tpu.memory_space<vmem>>, vector<16xf32>,
        tpu.vector_store %arg7[%swap3A_444, %swap3A_445], %mul3A_443 {strides = array<i32>} : memref<320x64xf32, #tpu.memory_space<vmem>>, vector<16xf32>,
        %get3A_447 = arith.index_cast %scan3A_428 : i32 to index
        %get3A_448 = arith.constant 32 : index
        %get3A_449 = tpu.vector_load %arg7[%get3A_447, %get3A_448] {strides = array<i32>} : memref<320x64xf32, #tpu.memory_space<vmem>>, vector<16xf32>,
        %mul3A_450 = arith.constant 8.000000e+00 : f32
        %mul3A_451 = vector.broadcast %mul3A_450 : f32 to vector<16xf32>
        %mul3A_452 = arith.mulf %get3A_449, %mul3A_451 : vector<16xf32>
        %swap3A_453 = arith.index_cast %scan3A_428 : i32 to index
        %swap3A_454 = arith.constant 32 : index
        %swap3A_455 = tpu.vector_load %arg7[%swap3A_453, %swap3A_454] {strides = array<i32>} : memref<320x64xf32, #tpu.memory_space<vmem>>, vector<16xf32>,
        tpu.vector_store %arg7[%swap3A_453, %swap3A_454], %mul3A_452 {strides = array<i32>} : memref<320x64xf32, #tpu.memory_space<vmem>>, vector<16xf32>,
        %get3A_456 = arith.index_cast %scan3A_428 : i32 to index
        %get3A_457 = arith.constant 48 : index
        %get3A_458 = tpu.vector_load %arg7[%get3A_456, %get3A_457] {strides = array<i32>} : memref<320x64xf32, #tpu.memory_space<vmem>>, vector<16xf32>,
        %mul3A_459 = arith.constant 8.000000e+00 : f32
        %mul3A_460 = vector.broadcast %mul3A_459 : f32 to vector<16xf32>
        %mul3A_461 = arith.mulf %get3A_458, %mul3A_460 : vector<16xf32>
        %swap3A_462 = arith.index_cast %scan3A_428 : i32 to index
        %swap3A_463 = arith.constant 48 : index
        %swap3A_464 = tpu.vector_load %arg7[%swap3A_462, %swap3A_463] {strides = array<i32>} : memref<320x64xf32, #tpu.memory_space<vmem>>, vector<16xf32>,
        tpu.vector_store %arg7[%swap3A_462, %swap3A_463], %mul3A_461 {strides = array<i32>} : memref<320x64xf32, #tpu.memory_space<vmem>>, vector<16xf32>,
        %scan3A_465 = arith.constant 2 : i32
        %scan3A_466 = arith.addi %scan3A_392, %scan3A_465 : i32
        %get3A_467 = arith.index_cast %scan3A_466 : i32 to index
        %get3A_468 = arith.constant 0 : index
        %get3A_469 = tpu.vector_load %arg7[%get3A_467, %get3A_468] {strides = array<i32>} : memref<320x64xf32, #tpu.memory_space<vmem>>, vector<16xf32>,
        %mul3A_470 = arith.constant 8.000000e+00 : f32
        %mul3A_471 = vector.broadcast %mul3A_470 : f32 to vector<16xf32>
        %mul3A_472 = arith.mulf %get3A_469, %mul3A_471 : vector<16xf32>
        %swap3A_473 = arith.index_cast %scan3A_466 : i32 to index
        %swap3A_474 = arith.constant 0 : index
        %swap3A_475 = tpu.vector_load %arg7[%swap3A_473, %swap3A_474] {strides = array<i32>} : memref<320x64xf32, #tpu.memory_space<vmem>>, vector<16xf32>,
        tpu.vector_store %arg7[%swap3A_473, %swap3A_474], %mul3A_472 {strides = array<i32>} : memref<320x64xf32, #tpu.memory_space<vmem>>, vector<16xf32>,
        %get3A_476 = arith.index_cast %scan3A_466 : i32 to index
        %get3A_477 = arith.constant 16 : index
        %get3A_478 = tpu.vector_load %arg7[%get3A_476, %get3A_477] {strides = array<i32>} : memref<320x64xf32, #tpu.memory_space<vmem>>, vector<16xf32>,
        %mul3A_479 = arith.constant 8.000000e+00 : f32
        %mul3A_480 = vector.broadcast %mul3A_479 : f32 to vector<16xf32>
        %mul3A_481 = arith.mulf %get3A_478, %mul3A_480 : vector<16xf32>
        %swap3A_482 = arith.index_cast %scan3A_466 : i32 to index
        %swap3A_483 = arith.constant 16 : index
        %swap3A_484 = tpu.vector_load %arg7[%swap3A_482, %swap3A_483] {strides = array<i32>} : memref<320x64xf32, #tpu.memory_space<vmem>>, vector<16xf32>,
        tpu.vector_store %arg7[%swap3A_482, %swap3A_483], %mul3A_481 {strides = array<i32>} : memref<320x64xf32, #tpu.memory_space<vmem>>, vector<16xf32>,
        %get3A_485 = arith.index_cast %scan3A_466 : i32 to index
        %get3A_486 = arith.constant 32 : index
        %get3A_487 = tpu.vector_load %arg7[%get3A_485, %get3A_486] {strides = array<i32>} : memref<320x64xf32, #tpu.memory_space<vmem>>, vector<16xf32>,
        %mul3A_488 = arith.constant 8.000000e+00 : f32
        %mul3A_489 = vector.broadcast %mul3A_488 : f32 to vector<16xf32>
        %mul3A_490 = arith.mulf %get3A_487, %mul3A_489 : vector<16xf32>
        %swap3A_491 = arith.index_cast %scan3A_466 : i32 to index
        %swap3A_492 = arith.constant 32 : index
        %swap3A_493 = tpu.vector_load %arg7[%swap3A_491, %swap3A_492] {strides = array<i32>} : memref<320x64xf32, #tpu.memory_space<vmem>>, vector<16xf32>,
        tpu.vector_store %arg7[%swap3A_491, %swap3A_492], %mul3A_490 {strides = array<i32>} : memref<320x64xf32, #tpu.memory_space<vmem>>, vector<16xf32>,
        %get3A_494 = arith.index_cast %scan3A_466 : i32 to index
        %get3A_495 = arith.constant 48 : index
        %get3A_496 = tpu.vector_load %arg7[%get3A_494, %get3A_495] {strides = array<i32>} : memref<320x64xf32, #tpu.memory_space<vmem>>, vector<16xf32>,
        %mul3A_497 = arith.constant 8.000000e+00 : f32
        %mul3A_498 = vector.broadcast %mul3A_497 : f32 to vector<16xf32>
        %mul3A_499 = arith.mulf %get3A_496, %mul3A_498 : vector<16xf32>
        %swap3A_500 = arith.index_cast %scan3A_466 : i32 to index
        %swap3A_501 = arith.constant 48 : index
        %swap3A_502 = tpu.vector_load %arg7[%swap3A_500, %swap3A_501] {strides = array<i32>} : memref<320x64xf32, #tpu.memory_space<vmem>>, vector<16xf32>,
        tpu.vector_store %arg7[%swap3A_500, %swap3A_501], %mul3A_499 {strides = array<i32>} : memref<320x64xf32, #tpu.memory_space<vmem>>, vector<16xf32>,
        %scan3A_503 = arith.constant 3 : i32
        %scan3A_504 = arith.addi %scan3A_392, %scan3A_503 : i32
        %get3A_505 = arith.index_cast %scan3A_504 : i32 to index
        %get3A_506 = arith.constant 0 : index
        %get3A_507 = tpu.vector_load %arg7[%get3A_505, %get3A_506] {strides = array<i32>} : memref<320x64xf32, #tpu.memory_space<vmem>>, vector<16xf32>,
        %mul3A_508 = arith.constant 8.000000e+00 : f32
        %mul3A_509 = vector.broadcast %mul3A_508 : f32 to vector<16xf32>
        %mul3A_510 = arith.mulf %get3A_507, %mul3A_509 : vector<16xf32>
        %swap3A_511 = arith.index_cast %scan3A_504 : i32 to index
        %swap3A_512 = arith.constant 0 : index
        %swap3A_513 = tpu.vector_load %arg7[%swap3A_511, %swap3A_512] {strides = array<i32>} : memref<320x64xf32, #tpu.memory_space<vmem>>, vector<16xf32>,
        tpu.vector_store %arg7[%swap3A_511, %swap3A_512], %mul3A_510 {strides = array<i32>} : memref<320x64xf32, #tpu.memory_space<vmem>>, vector<16xf32>,
        %get3A_514 = arith.index_cast %scan3A_504 : i32 to index
        %get3A_515 = arith.constant 16 : index
        %get3A_516 = tpu.vector_load %arg7[%get3A_514, %get3A_515] {strides = array<i32>} : memref<320x64xf32, #tpu.memory_space<vmem>>, vector<16xf32>,
        %mul3A_517 = arith.constant 8.000000e+00 : f32
        %mul3A_518 = vector.broadcast %mul3A_517 : f32 to vector<16xf32>
        %mul3A_519 = arith.mulf %get3A_516, %mul3A_518 : vector<16xf32>
        %swap3A_520 = arith.index_cast %scan3A_504 : i32 to index
        %swap3A_521 = arith.constant 16 : index
        %swap3A_522 = tpu.vector_load %arg7[%swap3A_520, %swap3A_521] {strides = array<i32>} : memref<320x64xf32, #tpu.memory_space<vmem>>, vector<16xf32>,
        tpu.vector_store %arg7[%swap3A_520, %swap3A_521], %mul3A_519 {strides = array<i32>} : memref<320x64xf32, #tpu.memory_space<vmem>>, vector<16xf32>,
        %get3A_523 = arith.index_cast %scan3A_504 : i32 to index
        %get3A_524 = arith.constant 32 : index
        %get3A_525 = tpu.vector_load %arg7[%get3A_523, %get3A_524] {strides = array<i32>} : memref<320x64xf32, #tpu.memory_space<vmem>>, vector<16xf32>,
        %mul3A_526 = arith.constant 8.000000e+00 : f32
        %mul3A_527 = vector.broadcast %mul3A_526 : f32 to vector<16xf32>
        %mul3A_528 = arith.mulf %get3A_525, %mul3A_527 : vector<16xf32>
        %swap3A_529 = arith.index_cast %scan3A_504 : i32 to index
        %swap3A_530 = arith.constant 32 : index
        %swap3A_531 = tpu.vector_load %arg7[%swap3A_529, %swap3A_530] {strides = array<i32>} : memref<320x64xf32, #tpu.memory_space<vmem>>, vector<16xf32>,
        tpu.vector_store %arg7[%swap3A_529, %swap3A_530], %mul3A_528 {strides = array<i32>} : memref<320x64xf32, #tpu.memory_space<vmem>>, vector<16xf32>,
        %get3A_532 = arith.index_cast %scan3A_504 : i32 to index
        %get3A_533 = arith.constant 48 : index
        %get3A_534 = tpu.vector_load %arg7[%get3A_532, %get3A_533] {strides = array<i32>} : memref<320x64xf32, #tpu.memory_space<vmem>>, vector<16xf32>,
        %mul3A_535 = arith.constant 8.000000e+00 : f32
        %mul3A_536 = vector.broadcast %mul3A_535 : f32 to vector<16xf32>
        %mul3A_537 = arith.mulf %get3A_534, %mul3A_536 : vector<16xf32>
        %swap3A_538 = arith.index_cast %scan3A_504 : i32 to index
        %swap3A_539 = arith.constant 48 : index
        %swap3A_540 = tpu.vector_load %arg7[%swap3A_538, %swap3A_539] {strides = array<i32>} : memref<320x64xf32, #tpu.memory_space<vmem>>, vector<16xf32>,
        tpu.vector_store %arg7[%swap3A_538, %swap3A_539], %mul3A_537 {strides = array<i32>} : memref<320x64xf32, #tpu.memory_space<vmem>>, vector<16xf32>,
        %scan3A_541 = arith.constant 4 : i32
        %scan3A_542 = arith.addi %scan3A_392, %scan3A_541 : i32
        %get3A_543 = arith.index_cast %scan3A_542 : i32 to index
        %get3A_544 = arith.constant 0 : index
        %get3A_545 = tpu.vector_load %arg7[%get3A_543, %get3A_544] {strides = array<i32>} : memref<320x64xf32, #tpu.memory_space<vmem>>, vector<16xf32>,
        %mul3A_546 = arith.constant 8.000000e+00 : f32
        %mul3A_547 = vector.broadcast %mul3A_546 : f32 to vector<16xf32>
        %mul3A_548 = arith.mulf %get3A_545, %mul3A_547 : vector<16xf32>
        %swap3A_549 = arith.index_cast %scan3A_542 : i32 to index
        %swap3A_550 = arith.constant 0 : index
        %swap3A_551 = tpu.vector_load %arg7[%swap3A_549, %swap3A_550] {strides = array<i32>} : memref<320x64xf32, #tpu.memory_space<vmem>>, vector<16xf32>,
        tpu.vector_store %arg7[%swap3A_549, %swap3A_550], %mul3A_548 {strides = array<i32>} : memref<320x64xf32, #tpu.memory_space<vmem>>, vector<16xf32>,
        %get3A_552 = arith.index_cast %scan3A_542 : i32 to index
        %get3A_553 = arith.constant 16 : index
        %get3A_554 = tpu.vector_load %arg7[%get3A_552, %get3A_553] {strides = array<i32>} : memref<320x64xf32, #tpu.memory_space<vmem>>, vector<16xf32>,
        %mul3A_555 = arith.constant 8.000000e+00 : f32
        %mul3A_556 = vector.broadcast %mul3A_555 : f32 to vector<16xf32>
        %mul3A_557 = arith.mulf %get3A_554, %mul3A_556 : vector<16xf32>
        %swap3A_558 = arith.index_cast %scan3A_542 : i32 to index
        %swap3A_559 = arith.constant 16 : index
        %swap3A_560 = tpu.vector_load %arg7[%swap3A_558, %swap3A_559] {strides = array<i32>} : memref<320x64xf32, #tpu.memory_space<vmem>>, vector<16xf32>,
        tpu.vector_store %arg7[%swap3A_558, %swap3A_559], %mul3A_557 {strides = array<i32>} : memref<320x64xf32, #tpu.memory_space<vmem>>, vector<16xf32>,
        %get3A_561 = arith.index_cast %scan3A_542 : i32 to index
        %get3A_562 = arith.constant 32 : index
        %get3A_563 = tpu.vector_load %arg7[%get3A_561, %get3A_562] {strides = array<i32>} : memref<320x64xf32, #tpu.memory_space<vmem>>, vector<16xf32>,
        %mul3A_564 = arith.constant 8.000000e+00 : f32
        %mul3A_565 = vector.broadcast %mul3A_564 : f32 to vector<16xf32>
        %mul3A_566 = arith.mulf %get3A_563, %mul3A_565 : vector<16xf32>
        %swap3A_567 = arith.index_cast %scan3A_542 : i32 to index
        %swap3A_568 = arith.constant 32 : index
        %swap3A_569 = tpu.vector_load %arg7[%swap3A_567, %swap3A_568] {strides = array<i32>} : memref<320x64xf32, #tpu.memory_space<vmem>>, vector<16xf32>,
        tpu.vector_store %arg7[%swap3A_567, %swap3A_568], %mul3A_566 {strides = array<i32>} : memref<320x64xf32, #tpu.memory_space<vmem>>, vector<16xf32>,
        %get3A_570 = arith.index_cast %scan3A_542 : i32 to index
        %get3A_571 = arith.constant 48 : index
        %get3A_572 = tpu.vector_load %arg7[%get3A_570, %get3A_571] {strides = array<i32>} : memref<320x64xf32, #tpu.memory_space<vmem>>, vector<16xf32>,
        %mul3A_573 = arith.constant 8.000000e+00 : f32
        %mul3A_574 = vector.broadcast %mul3A_573 : f32 to vector<16xf32>
        %mul3A_575 = arith.mulf %get3A_572, %mul3A_574 : vector<16xf32>
        %swap3A_576 = arith.index_cast %scan3A_542 : i32 to index
        %swap3A_577 = arith.constant 48 : index
        %swap3A_578 = tpu.vector_load %arg7[%swap3A_576, %swap3A_577] {strides = array<i32>} : memref<320x64xf32, #tpu.memory_space<vmem>>, vector<16xf32>,
        tpu.vector_store %arg7[%swap3A_576, %swap3A_577], %mul3A_575 {strides = array<i32>} : memref<320x64xf32, #tpu.memory_space<vmem>>, vector<16xf32>,
        %scan3A_579 = arith.constant 5 : i32
        %scan3A_580 = arith.addi %scan3A_392, %scan3A_579 : i32
        %get3A_581 = arith.index_cast %scan3A_580 : i32 to index
        %get3A_582 = arith.constant 0 : index
        %get3A_583 = tpu.vector_load %arg7[%get3A_581, %get3A_582] {strides = array<i32>} : memref<320x64xf32, #tpu.memory_space<vmem>>, vector<16xf32>,
        %mul3A_584 = arith.constant 8.000000e+00 : f32
        %mul3A_585 = vector.broadcast %mul3A_584 : f32 to vector<16xf32>
        %mul3A_586 = arith.mulf %get3A_583, %mul3A_585 : vector<16xf32>
        %swap3A_587 = arith.index_cast %scan3A_580 : i32 to index
        %swap3A_588 = arith.constant 0 : index
        %swap3A_589 = tpu.vector_load %arg7[%swap3A_587, %swap3A_588] {strides = array<i32>} : memref<320x64xf32, #tpu.memory_space<vmem>>, vector<16xf32>,
        tpu.vector_store %arg7[%swap3A_587, %swap3A_588], %mul3A_586 {strides = array<i32>} : memref<320x64xf32, #tpu.memory_space<vmem>>, vector<16xf32>,
        %get3A_590 = arith.index_cast %scan3A_580 : i32 to index
        %get3A_591 = arith.constant 16 : index
        %get3A_592 = tpu.vector_load %arg7[%get3A_590, %get3A_591] {strides = array<i32>} : memref<320x64xf32, #tpu.memory_space<vmem>>, vector<16xf32>,
        %mul3A_593 = arith.constant 8.000000e+00 : f32
        %mul3A_594 = vector.broadcast %mul3A_593 : f32 to vector<16xf32>
        %mul3A_595 = arith.mulf %get3A_592, %mul3A_594 : vector<16xf32>
        %swap3A_596 = arith.index_cast %scan3A_580 : i32 to index
        %swap3A_597 = arith.constant 16 : index
        %swap3A_598 = tpu.vector_load %arg7[%swap3A_596, %swap3A_597] {strides = array<i32>} : memref<320x64xf32, #tpu.memory_space<vmem>>, vector<16xf32>,
        tpu.vector_store %arg7[%swap3A_596, %swap3A_597], %mul3A_595 {strides = array<i32>} : memref<320x64xf32, #tpu.memory_space<vmem>>, vector<16xf32>,
        %get3A_599 = arith.index_cast %scan3A_580 : i32 to index
        %get3A_600 = arith.constant 32 : index
        %get3A_601 = tpu.vector_load %arg7[%get3A_599, %get3A_600] {strides = array<i32>} : memref<320x64xf32, #tpu.memory_space<vmem>>, vector<16xf32>,
        %mul3A_602 = arith.constant 8.000000e+00 : f32
        %mul3A_603 = vector.broadcast %mul3A_602 : f32 to vector<16xf32>
        %mul3A_604 = arith.mulf %get3A_601, %mul3A_603 : vector<16xf32>
        %swap3A_605 = arith.index_cast %scan3A_580 : i32 to index
        %swap3A_606 = arith.constant 32 : index
        %swap3A_607 = tpu.vector_load %arg7[%swap3A_605, %swap3A_606] {strides = array<i32>} : memref<320x64xf32, #tpu.memory_space<vmem>>, vector<16xf32>,
        tpu.vector_store %arg7[%swap3A_605, %swap3A_606], %mul3A_604 {strides = array<i32>} : memref<320x64xf32, #tpu.memory_space<vmem>>, vector<16xf32>,
        %get3A_608 = arith.index_cast %scan3A_580 : i32 to index
        %get3A_609 = arith.constant 48 : index
        %get3A_610 = tpu.vector_load %arg7[%get3A_608, %get3A_609] {strides = array<i32>} : memref<320x64xf32, #tpu.memory_space<vmem>>, vector<16xf32>,
        %mul3A_611 = arith.constant 8.000000e+00 : f32
        %mul3A_612 = vector.broadcast %mul3A_611 : f32 to vector<16xf32>
        %mul3A_613 = arith.mulf %get3A_610, %mul3A_612 : vector<16xf32>
        %swap3A_614 = arith.index_cast %scan3A_580 : i32 to index
        %swap3A_615 = arith.constant 48 : index
        %swap3A_616 = tpu.vector_load %arg7[%swap3A_614, %swap3A_615] {strides = array<i32>} : memref<320x64xf32, #tpu.memory_space<vmem>>, vector<16xf32>,
        tpu.vector_store %arg7[%swap3A_614, %swap3A_615], %mul3A_613 {strides = array<i32>} : memref<320x64xf32, #tpu.memory_space<vmem>>, vector<16xf32>,
        %scan3A_617 = arith.constant 6 : i32
        %scan3A_618 = arith.addi %scan3A_392, %scan3A_617 : i32
        %get3A_619 = arith.index_cast %scan3A_618 : i32 to index
        %get3A_620 = arith.constant 0 : index
        %get3A_621 = tpu.vector_load %arg7[%get3A_619, %get3A_620] {strides = array<i32>} : memref<320x64xf32, #tpu.memory_space<vmem>>, vector<16xf32>,
        %mul3A_622 = arith.constant 8.000000e+00 : f32
        %mul3A_623 = vector.broadcast %mul3A_622 : f32 to vector<16xf32>
        %mul3A_624 = arith.mulf %get3A_621, %mul3A_623 : vector<16xf32>
        %swap3A_625 = arith.index_cast %scan3A_618 : i32 to index
        %swap3A_626 = arith.constant 0 : index
        %swap3A_627 = tpu.vector_load %arg7[%swap3A_625, %swap3A_626] {strides = array<i32>} : memref<320x64xf32, #tpu.memory_space<vmem>>, vector<16xf32>,
        tpu.vector_store %arg7[%swap3A_625, %swap3A_626], %mul3A_624 {strides = array<i32>} : memref<320x64xf32, #tpu.memory_space<vmem>>, vector<16xf32>,
        %get3A_628 = arith.index_cast %scan3A_618 : i32 to index
        %get3A_629 = arith.constant 16 : index
        %get3A_630 = tpu.vector_load %arg7[%get3A_628, %get3A_629] {strides = array<i32>} : memref<320x64xf32, #tpu.memory_space<vmem>>, vector<16xf32>,
        %mul3A_631 = arith.constant 8.000000e+00 : f32
        %mul3A_632 = vector.broadcast %mul3A_631 : f32 to vector<16xf32>
        %mul3A_633 = arith.mulf %get3A_630, %mul3A_632 : vector<16xf32>
        %swap3A_634 = arith.index_cast %scan3A_618 : i32 to index
        %swap3A_635 = arith.constant 16 : index
        %swap3A_636 = tpu.vector_load %arg7[%swap3A_634, %swap3A_635] {strides = array<i32>} : memref<320x64xf32, #tpu.memory_space<vmem>>, vector<16xf32>,
        tpu.vector_store %arg7[%swap3A_634, %swap3A_635], %mul3A_633 {strides = array<i32>} : memref<320x64xf32, #tpu.memory_space<vmem>>, vector<16xf32>,
        %get3A_637 = arith.index_cast %scan3A_618 : i32 to index
        %get3A_638 = arith.constant 32 : index
        %get3A_639 = tpu.vector_load %arg7[%get3A_637, %get3A_638] {strides = array<i32>} : memref<320x64xf32, #tpu.memory_space<vmem>>, vector<16xf32>,
        %mul3A_640 = arith.constant 8.000000e+00 : f32
        %mul3A_641 = vector.broadcast %mul3A_640 : f32 to vector<16xf32>
        %mul3A_642 = arith.mulf %get3A_639, %mul3A_641 : vector<16xf32>
        %swap3A_643 = arith.index_cast %scan3A_618 : i32 to index
        %swap3A_644 = arith.constant 32 : index
        %swap3A_645 = tpu.vector_load %arg7[%swap3A_643, %swap3A_644] {strides = array<i32>} : memref<320x64xf32, #tpu.memory_space<vmem>>, vector<16xf32>,
        tpu.vector_store %arg7[%swap3A_643, %swap3A_644], %mul3A_642 {strides = array<i32>} : memref<320x64xf32, #tpu.memory_space<vmem>>, vector<16xf32>,
        %get3A_646 = arith.index_cast %scan3A_618 : i32 to index
        %get3A_647 = arith.constant 48 : index
        %get3A_648 = tpu.vector_load %arg7[%get3A_646, %get3A_647] {strides = array<i32>} : memref<320x64xf32, #tpu.memory_space<vmem>>, vector<16xf32>,
        %mul3A_649 = arith.constant 8.000000e+00 : f32
        %mul3A_650 = vector.broadcast %mul3A_649 : f32 to vector<16xf32>
        %mul3A_651 = arith.mulf %get3A_648, %mul3A_650 : vector<16xf32>
        %swap3A_652 = arith.index_cast %scan3A_618 : i32 to index
        %swap3A_653 = arith.constant 48 : index
        %swap3A_654 = tpu.vector_load %arg7[%swap3A_652, %swap3A_653] {strides = array<i32>} : memref<320x64xf32, #tpu.memory_space<vmem>>, vector<16xf32>,
        tpu.vector_store %arg7[%swap3A_652, %swap3A_653], %mul3A_651 {strides = array<i32>} : memref<320x64xf32, #tpu.memory_space<vmem>>, vector<16xf32>,
        %scan3A_655 = arith.constant 7 : i32
        %scan3A_656 = arith.addi %scan3A_392, %scan3A_655 : i32
        %get3A_657 = arith.index_cast %scan3A_656 : i32 to index
        %get3A_658 = arith.constant 0 : index
        %get3A_659 = tpu.vector_load %arg7[%get3A_657, %get3A_658] {strides = array<i32>} : memref<320x64xf32, #tpu.memory_space<vmem>>, vector<16xf32>,
        %mul3A_660 = arith.constant 8.000000e+00 : f32
        %mul3A_661 = vector.broadcast %mul3A_660 : f32 to vector<16xf32>
        %mul3A_662 = arith.mulf %get3A_659, %mul3A_661 : vector<16xf32>
        %swap3A_663 = arith.index_cast %scan3A_656 : i32 to index
        %swap3A_664 = arith.constant 0 : index
        %swap3A_665 = tpu.vector_load %arg7[%swap3A_663, %swap3A_664] {strides = array<i32>} : memref<320x64xf32, #tpu.memory_space<vmem>>, vector<16xf32>,
        tpu.vector_store %arg7[%swap3A_663, %swap3A_664], %mul3A_662 {strides = array<i32>} : memref<320x64xf32, #tpu.memory_space<vmem>>, vector<16xf32>,
        %get3A_666 = arith.index_cast %scan3A_656 : i32 to index
        %get3A_667 = arith.constant 16 : index
        %get3A_668 = tpu.vector_load %arg7[%get3A_666, %get3A_667] {strides = array<i32>} : memref<320x64xf32, #tpu.memory_space<vmem>>, vector<16xf32>,
        %mul3A_669 = arith.constant 8.000000e+00 : f32
        %mul3A_670 = vector.broadcast %mul3A_669 : f32 to vector<16xf32>
        %mul3A_671 = arith.mulf %get3A_668, %mul3A_670 : vector<16xf32>
        %swap3A_672 = arith.index_cast %scan3A_656 : i32 to index
        %swap3A_673 = arith.constant 16 : index
        %swap3A_674 = tpu.vector_load %arg7[%swap3A_672, %swap3A_673] {strides = array<i32>} : memref<320x64xf32, #tpu.memory_space<vmem>>, vector<16xf32>,
        tpu.vector_store %arg7[%swap3A_672, %swap3A_673], %mul3A_671 {strides = array<i32>} : memref<320x64xf32, #tpu.memory_space<vmem>>, vector<16xf32>,
        %get3A_675 = arith.index_cast %scan3A_656 : i32 to index
        %get3A_676 = arith.constant 32 : index
        %get3A_677 = tpu.vector_load %arg7[%get3A_675, %get3A_676] {strides = array<i32>} : memref<320x64xf32, #tpu.memory_space<vmem>>, vector<16xf32>,
        %mul3A_678 = arith.constant 8.000000e+00 : f32
        %mul3A_679 = vector.broadcast %mul3A_678 : f32 to vector<16xf32>
        %mul3A_680 = arith.mulf %get3A_677, %mul3A_679 : vector<16xf32>
        %swap3A_681 = arith.index_cast %scan3A_656 : i32 to index
        %swap3A_682 = arith.constant 32 : index
        %swap3A_683 = tpu.vector_load %arg7[%swap3A_681, %swap3A_682] {strides = array<i32>} : memref<320x64xf32, #tpu.memory_space<vmem>>, vector<16xf32>,
        tpu.vector_store %arg7[%swap3A_681, %swap3A_682], %mul3A_680 {strides = array<i32>} : memref<320x64xf32, #tpu.memory_space<vmem>>, vector<16xf32>,
        %get3A_684 = arith.index_cast %scan3A_656 : i32 to index
        %get3A_685 = arith.constant 48 : index
        %get3A_686 = tpu.vector_load %arg7[%get3A_684, %get3A_685] {strides = array<i32>} : memref<320x64xf32, #tpu.memory_space<vmem>>, vector<16xf32>,
        %mul3A_687 = arith.constant 8.000000e+00 : f32
        %mul3A_688 = vector.broadcast %mul3A_687 : f32 to vector<16xf32>
        %mul3A_689 = arith.mulf %get3A_686, %mul3A_688 : vector<16xf32>
        %swap3A_690 = arith.index_cast %scan3A_656 : i32 to index
        %swap3A_691 = arith.constant 48 : index
        %swap3A_692 = tpu.vector_load %arg7[%swap3A_690, %swap3A_691] {strides = array<i32>} : memref<320x64xf32, #tpu.memory_space<vmem>>, vector<16xf32>,
        tpu.vector_store %arg7[%swap3A_690, %swap3A_691], %mul3A_689 {strides = array<i32>} : memref<320x64xf32, #tpu.memory_space<vmem>>, vector<16xf32>,
      }
      %scan3A_285 = arith.constant 320 : i32
      %mul3A_286 = arith.constant 320 : i32
      %mul3A_287 = arith.muli %add3A_273, %mul3A_286 : i32
      %add3A_288 = arith.addi %mul3A_2, %mul3A_287 : i32
      %dma_start3A_289 = arith.constant 0 : i32
      %dma_start3A_290 = tpu.memref_slice %arg4[%add3A_288, %dma_start3A_289] : memref<819200x128xf32, #tpu.memory_space<hbm>> -> memref<320x64xf32, #tpu.memory_space<hbm>>
      %dma_start3A_291 = arith.constant 0 : i32
      %dma_start3A_292 = tpu.memref_slice %arg4[%add3A_288, %dma_start3A_291] : memref<819200x128xf32, #tpu.memory_space<hbm>> -> memref<320x64xf32, #tpu.memory_space<hbm>>
      tpu.enqueue_dma source(%arg7 : memref<320x64xf32, #tpu.memory_space<vmem>>) target(%dma_start3A_292 : memref<320x64xf32, #tpu.memory_space<hbm>>) target_semaphore(%arg15 : memref<!tpu.dma_semaphore, #tpu.memory_space<semaphore_mem>>)
      %add3A_293 = arith.constant 1 : i32
      %add3A_294 = arith.addi %mul3A_232, %add3A_293 : i32
      %sub3A_295 = arith.constant 2 : i32
      %sub3A_296 = arith.subi %add3A_294, %sub3A_295 : i32
      %mul3A_297 = arith.constant 320 : i32
      %mul3A_298 = arith.muli %sub3A_296, %mul3A_297 : i32
      %add3A_299 = arith.addi %mul3A_2, %mul3A_298 : i32
      %dma_wait3A_300 = arith.constant 0 : i32
      %dma_wait3A_301 = tpu.memref_slice %arg4[%add3A_299, %dma_wait3A_300] : memref<819200x128xf32, #tpu.memory_space<hbm>> -> memref<320x64xf32, #tpu.memory_space<hbm>>
      %dma_wait3A_302 = arith.constant 0 : i32
      %dma_wait3A_303 = tpu.memref_slice %arg4[%add3A_299, %dma_wait3A_302] : memref<819200x128xf32, #tpu.memory_space<hbm>> -> memref<320x64xf32, #tpu.memory_space<hbm>>
      tpu.wait_dma2 semaphore(%arg17 : memref<!tpu.dma_semaphore, #tpu.memory_space<semaphore_mem>>) src(%arg9 : memref<320x64xf32, #tpu.memory_space<vmem>>) dst(%dma_wait3A_303 : memref<320x64xf32, #tpu.memory_space<hbm>>)
      %add3A_304 = arith.constant 2 : i32
      %add3A_305 = arith.addi %add3A_294, %add3A_304 : i32
      %mul3A_306 = arith.constant 320 : i32
      %mul3A_307 = arith.muli %add3A_305, %mul3A_306 : i32
      %dma_start3A_308 = tpu.memref_slice %arg5[%mul3A_307] : memref<25600xi32, #tpu.memory_space<vmem>> -> memref<320xi32, #tpu.memory_space<vmem>>
      %dma_start3A_309 = arith.constant 0 : i32
      %dma_start3A_310 = arith.constant 0 : i32
      %dma_start3A_311 = tpu.memref_slice %arg3[%dma_start3A_309, %dma_start3A_310] : memref<1000000x64xf32, #tpu.memory_space<hbm>> -> memref<1000000x64xf32, #tpu.memory_space<hbm>>
      tpu.enqueue_indirect_dma source(%dma_start3A_311 : memref<1000000x64xf32, #tpu.memory_space<hbm>>) target(%arg9 : memref<320x64xf32, #tpu.memory_space<vmem>>) offsets(%dma_start3A_308 : memref<320xi32, #tpu.memory_space<vmem>>) semaphore(%arg13 : memref<!tpu.dma_semaphore, #tpu.memory_space<semaphore_mem>>)
      %add3A_312 = arith.constant 2 : i32
      %add3A_313 = arith.addi %mul3A_232, %add3A_312 : i32
      %mul3A_314 = arith.constant 320 : i32
      %mul3A_315 = arith.muli %add3A_313, %mul3A_314 : i32
      %dma_wait3A_316 = tpu.memref_slice %arg5[%mul3A_315] : memref<25600xi32, #tpu.memory_space<vmem>> -> memref<320xi32, #tpu.memory_space<vmem>>
      %dma_wait3A_317 = arith.constant 0 : i32
      %dma_wait3A_318 = arith.constant 0 : i32
      %dma_wait3A_319 = tpu.memref_slice %arg3[%dma_wait3A_317, %dma_wait3A_318] : memref<1000000x64xf32, #tpu.memory_space<hbm>> -> memref<1000000x64xf32, #tpu.memory_space<hbm>>
      tpu.wait_indirect_dma semaphore(%arg12 : memref<!tpu.dma_semaphore, #tpu.memory_space<semaphore_mem>>) src(%dma_wait3A_319 : memref<1000000x64xf32, #tpu.memory_space<hbm>>) dst(%arg8 : memref<320x64xf32, #tpu.memory_space<vmem>>)
      %scan3A_320 = arith.constant 0 : i32
      %scan3A_321 = arith.constant 0 : i32
      %scan3A_322 = arith.constant 320 : i32
      %scan3A_323 = arith.addi %scan3A_321, %scan3A_322 : i32
      %scan3A_324 = arith.constant 8 : i32
      scf.for %scan3A_392 = %scan3A_321 to %scan3A_323 step %scan3A_324  : i32 {
        %get3A = arith.index_cast %scan3A_392 : i32 to index
        %get3A_393 = arith.constant 0 : index
        %get3A_394 = tpu.vector_load %arg8[%get3A, %get3A_393] {strides = array<i32>} : memref<320x64xf32, #tpu.memory_space<vmem>>, vector<16xf32>,
        %mul3A_395 = arith.constant 8.000000e+00 : f32
        %mul3A_396 = vector.broadcast %mul3A_395 : f32 to vector<16xf32>
        %mul3A_397 = arith.mulf %get3A_394, %mul3A_396 : vector<16xf32>
        %swap3A = arith.index_cast %scan3A_392 : i32 to index
        %swap3A_398 = arith.constant 0 : index
        %swap3A_399 = tpu.vector_load %arg8[%swap3A, %swap3A_398] {strides = array<i32>} : memref<320x64xf32, #tpu.memory_space<vmem>>, vector<16xf32>,
        tpu.vector_store %arg8[%swap3A, %swap3A_398], %mul3A_397 {strides = array<i32>} : memref<320x64xf32, #tpu.memory_space<vmem>>, vector<16xf32>,
        %get3A_400 = arith.index_cast %scan3A_392 : i32 to index
        %get3A_401 = arith.constant 16 : index
        %get3A_402 = tpu.vector_load %arg8[%get3A_400, %get3A_401] {strides = array<i32>} : memref<320x64xf32, #tpu.memory_space<vmem>>, vector<16xf32>,
        %mul3A_403 = arith.constant 8.000000e+00 : f32
        %mul3A_404 = vector.broadcast %mul3A_403 : f32 to vector<16xf32>
        %mul3A_405 = arith.mulf %get3A_402, %mul3A_404 : vector<16xf32>
        %swap3A_406 = arith.index_cast %scan3A_392 : i32 to index
        %swap3A_407 = arith.constant 16 : index
        %swap3A_408 = tpu.vector_load %arg8[%swap3A_406, %swap3A_407] {strides = array<i32>} : memref<320x64xf32, #tpu.memory_space<vmem>>, vector<16xf32>,
        tpu.vector_store %arg8[%swap3A_406, %swap3A_407], %mul3A_405 {strides = array<i32>} : memref<320x64xf32, #tpu.memory_space<vmem>>, vector<16xf32>,
        %get3A_409 = arith.index_cast %scan3A_392 : i32 to index
        %get3A_410 = arith.constant 32 : index
        %get3A_411 = tpu.vector_load %arg8[%get3A_409, %get3A_410] {strides = array<i32>} : memref<320x64xf32, #tpu.memory_space<vmem>>, vector<16xf32>,
        %mul3A_412 = arith.constant 8.000000e+00 : f32
        %mul3A_413 = vector.broadcast %mul3A_412 : f32 to vector<16xf32>
        %mul3A_414 = arith.mulf %get3A_411, %mul3A_413 : vector<16xf32>
        %swap3A_415 = arith.index_cast %scan3A_392 : i32 to index
        %swap3A_416 = arith.constant 32 : index
        %swap3A_417 = tpu.vector_load %arg8[%swap3A_415, %swap3A_416] {strides = array<i32>} : memref<320x64xf32, #tpu.memory_space<vmem>>, vector<16xf32>,
        tpu.vector_store %arg8[%swap3A_415, %swap3A_416], %mul3A_414 {strides = array<i32>} : memref<320x64xf32, #tpu.memory_space<vmem>>, vector<16xf32>,
        %get3A_418 = arith.index_cast %scan3A_392 : i32 to index
        %get3A_419 = arith.constant 48 : index
        %get3A_420 = tpu.vector_load %arg8[%get3A_418, %get3A_419] {strides = array<i32>} : memref<320x64xf32, #tpu.memory_space<vmem>>, vector<16xf32>,
        %mul3A_421 = arith.constant 8.000000e+00 : f32
        %mul3A_422 = vector.broadcast %mul3A_421 : f32 to vector<16xf32>
        %mul3A_423 = arith.mulf %get3A_420, %mul3A_422 : vector<16xf32>
        %swap3A_424 = arith.index_cast %scan3A_392 : i32 to index
        %swap3A_425 = arith.constant 48 : index
        %swap3A_426 = tpu.vector_load %arg8[%swap3A_424, %swap3A_425] {strides = array<i32>} : memref<320x64xf32, #tpu.memory_space<vmem>>, vector<16xf32>,
        tpu.vector_store %arg8[%swap3A_424, %swap3A_425], %mul3A_423 {strides = array<i32>} : memref<320x64xf32, #tpu.memory_space<vmem>>, vector<16xf32>,
        %scan3A_427 = arith.constant 1 : i32
        %scan3A_428 = arith.addi %scan3A_392, %scan3A_427 : i32
        %get3A_429 = arith.index_cast %scan3A_428 : i32 to index
        %get3A_430 = arith.constant 0 : index
        %get3A_431 = tpu.vector_load %arg8[%get3A_429, %get3A_430] {strides = array<i32>} : memref<320x64xf32, #tpu.memory_space<vmem>>, vector<16xf32>,
        %mul3A_432 = arith.constant 8.000000e+00 : f32
        %mul3A_433 = vector.broadcast %mul3A_432 : f32 to vector<16xf32>
        %mul3A_434 = arith.mulf %get3A_431, %mul3A_433 : vector<16xf32>
        %swap3A_435 = arith.index_cast %scan3A_428 : i32 to index
        %swap3A_436 = arith.constant 0 : index
        %swap3A_437 = tpu.vector_load %arg8[%swap3A_435, %swap3A_436] {strides = array<i32>} : memref<320x64xf32, #tpu.memory_space<vmem>>, vector<16xf32>,
        tpu.vector_store %arg8[%swap3A_435, %swap3A_436], %mul3A_434 {strides = array<i32>} : memref<320x64xf32, #tpu.memory_space<vmem>>, vector<16xf32>,
        %get3A_438 = arith.index_cast %scan3A_428 : i32 to index
        %get3A_439 = arith.constant 16 : index
        %get3A_440 = tpu.vector_load %arg8[%get3A_438, %get3A_439] {strides = array<i32>} : memref<320x64xf32, #tpu.memory_space<vmem>>, vector<16xf32>,
        %mul3A_441 = arith.constant 8.000000e+00 : f32
        %mul3A_442 = vector.broadcast %mul3A_441 : f32 to vector<16xf32>
        %mul3A_443 = arith.mulf %get3A_440, %mul3A_442 : vector<16xf32>
        %swap3A_444 = arith.index_cast %scan3A_428 : i32 to index
        %swap3A_445 = arith.constant 16 : index
        %swap3A_446 = tpu.vector_load %arg8[%swap3A_444, %swap3A_445] {strides = array<i32>} : memref<320x64xf32, #tpu.memory_space<vmem>>, vector<16xf32>,
        tpu.vector_store %arg8[%swap3A_444, %swap3A_445], %mul3A_443 {strides = array<i32>} : memref<320x64xf32, #tpu.memory_space<vmem>>, vector<16xf32>,
        %get3A_447 = arith.index_cast %scan3A_428 : i32 to index
        %get3A_448 = arith.constant 32 : index
        %get3A_449 = tpu.vector_load %arg8[%get3A_447, %get3A_448] {strides = array<i32>} : memref<320x64xf32, #tpu.memory_space<vmem>>, vector<16xf32>,
        %mul3A_450 = arith.constant 8.000000e+00 : f32
        %mul3A_451 = vector.broadcast %mul3A_450 : f32 to vector<16xf32>
        %mul3A_452 = arith.mulf %get3A_449, %mul3A_451 : vector<16xf32>
        %swap3A_453 = arith.index_cast %scan3A_428 : i32 to index
        %swap3A_454 = arith.constant 32 : index
        %swap3A_455 = tpu.vector_load %arg8[%swap3A_453, %swap3A_454] {strides = array<i32>} : memref<320x64xf32, #tpu.memory_space<vmem>>, vector<16xf32>,
        tpu.vector_store %arg8[%swap3A_453, %swap3A_454], %mul3A_452 {strides = array<i32>} : memref<320x64xf32, #tpu.memory_space<vmem>>, vector<16xf32>,
        %get3A_456 = arith.index_cast %scan3A_428 : i32 to index
        %get3A_457 = arith.constant 48 : index
        %get3A_458 = tpu.vector_load %arg8[%get3A_456, %get3A_457] {strides = array<i32>} : memref<320x64xf32, #tpu.memory_space<vmem>>, vector<16xf32>,
        %mul3A_459 = arith.constant 8.000000e+00 : f32
        %mul3A_460 = vector.broadcast %mul3A_459 : f32 to vector<16xf32>
        %mul3A_461 = arith.mulf %get3A_458, %mul3A_460 : vector<16xf32>
        %swap3A_462 = arith.index_cast %scan3A_428 : i32 to index
        %swap3A_463 = arith.constant 48 : index
        %swap3A_464 = tpu.vector_load %arg8[%swap3A_462, %swap3A_463] {strides = array<i32>} : memref<320x64xf32, #tpu.memory_space<vmem>>, vector<16xf32>,
        tpu.vector_store %arg8[%swap3A_462, %swap3A_463], %mul3A_461 {strides = array<i32>} : memref<320x64xf32, #tpu.memory_space<vmem>>, vector<16xf32>,
        %scan3A_465 = arith.constant 2 : i32
        %scan3A_466 = arith.addi %scan3A_392, %scan3A_465 : i32
        %get3A_467 = arith.index_cast %scan3A_466 : i32 to index
        %get3A_468 = arith.constant 0 : index
        %get3A_469 = tpu.vector_load %arg8[%get3A_467, %get3A_468] {strides = array<i32>} : memref<320x64xf32, #tpu.memory_space<vmem>>, vector<16xf32>,
        %mul3A_470 = arith.constant 8.000000e+00 : f32
        %mul3A_471 = vector.broadcast %mul3A_470 : f32 to vector<16xf32>
        %mul3A_472 = arith.mulf %get3A_469, %mul3A_471 : vector<16xf32>
        %swap3A_473 = arith.index_cast %scan3A_466 : i32 to index
        %swap3A_474 = arith.constant 0 : index
        %swap3A_475 = tpu.vector_load %arg8[%swap3A_473, %swap3A_474] {strides = array<i32>} : memref<320x64xf32, #tpu.memory_space<vmem>>, vector<16xf32>,
        tpu.vector_store %arg8[%swap3A_473, %swap3A_474], %mul3A_472 {strides = array<i32>} : memref<320x64xf32, #tpu.memory_space<vmem>>, vector<16xf32>,
        %get3A_476 = arith.index_cast %scan3A_466 : i32 to index
        %get3A_477 = arith.constant 16 : index
        %get3A_478 = tpu.vector_load %arg8[%get3A_476, %get3A_477] {strides = array<i32>} : memref<320x64xf32, #tpu.memory_space<vmem>>, vector<16xf32>,
        %mul3A_479 = arith.constant 8.000000e+00 : f32
        %mul3A_480 = vector.broadcast %mul3A_479 : f32 to vector<16xf32>
        %mul3A_481 = arith.mulf %get3A_478, %mul3A_480 : vector<16xf32>
        %swap3A_482 = arith.index_cast %scan3A_466 : i32 to index
        %swap3A_483 = arith.constant 16 : index
        %swap3A_484 = tpu.vector_load %arg8[%swap3A_482, %swap3A_483] {strides = array<i32>} : memref<320x64xf32, #tpu.memory_space<vmem>>, vector<16xf32>,
        tpu.vector_store %arg8[%swap3A_482, %swap3A_483], %mul3A_481 {strides = array<i32>} : memref<320x64xf32, #tpu.memory_space<vmem>>, vector<16xf32>,
        %get3A_485 = arith.index_cast %scan3A_466 : i32 to index
        %get3A_486 = arith.constant 32 : index
        %get3A_487 = tpu.vector_load %arg8[%get3A_485, %get3A_486] {strides = array<i32>} : memref<320x64xf32, #tpu.memory_space<vmem>>, vector<16xf32>,
        %mul3A_488 = arith.constant 8.000000e+00 : f32
        %mul3A_489 = vector.broadcast %mul3A_488 : f32 to vector<16xf32>
        %mul3A_490 = arith.mulf %get3A_487, %mul3A_489 : vector<16xf32>
        %swap3A_491 = arith.index_cast %scan3A_466 : i32 to index
        %swap3A_492 = arith.constant 32 : index
        %swap3A_493 = tpu.vector_load %arg8[%swap3A_491, %swap3A_492] {strides = array<i32>} : memref<320x64xf32, #tpu.memory_space<vmem>>, vector<16xf32>,
        tpu.vector_store %arg8[%swap3A_491, %swap3A_492], %mul3A_490 {strides = array<i32>} : memref<320x64xf32, #tpu.memory_space<vmem>>, vector<16xf32>,
        %get3A_494 = arith.index_cast %scan3A_466 : i32 to index
        %get3A_495 = arith.constant 48 : index
        %get3A_496 = tpu.vector_load %arg8[%get3A_494, %get3A_495] {strides = array<i32>} : memref<320x64xf32, #tpu.memory_space<vmem>>, vector<16xf32>,
        %mul3A_497 = arith.constant 8.000000e+00 : f32
        %mul3A_498 = vector.broadcast %mul3A_497 : f32 to vector<16xf32>
        %mul3A_499 = arith.mulf %get3A_496, %mul3A_498 : vector<16xf32>
        %swap3A_500 = arith.index_cast %scan3A_466 : i32 to index
        %swap3A_501 = arith.constant 48 : index
        %swap3A_502 = tpu.vector_load %arg8[%swap3A_500, %swap3A_501] {strides = array<i32>} : memref<320x64xf32, #tpu.memory_space<vmem>>, vector<16xf32>,
        tpu.vector_store %arg8[%swap3A_500, %swap3A_501], %mul3A_499 {strides = array<i32>} : memref<320x64xf32, #tpu.memory_space<vmem>>, vector<16xf32>,
        %scan3A_503 = arith.constant 3 : i32
        %scan3A_504 = arith.addi %scan3A_392, %scan3A_503 : i32
        %get3A_505 = arith.index_cast %scan3A_504 : i32 to index
        %get3A_506 = arith.constant 0 : index
        %get3A_507 = tpu.vector_load %arg8[%get3A_505, %get3A_506] {strides = array<i32>} : memref<320x64xf32, #tpu.memory_space<vmem>>, vector<16xf32>,
        %mul3A_508 = arith.constant 8.000000e+00 : f32
        %mul3A_509 = vector.broadcast %mul3A_508 : f32 to vector<16xf32>
        %mul3A_510 = arith.mulf %get3A_507, %mul3A_509 : vector<16xf32>
        %swap3A_511 = arith.index_cast %scan3A_504 : i32 to index
        %swap3A_512 = arith.constant 0 : index
        %swap3A_513 = tpu.vector_load %arg8[%swap3A_511, %swap3A_512] {strides = array<i32>} : memref<320x64xf32, #tpu.memory_space<vmem>>, vector<16xf32>,
        tpu.vector_store %arg8[%swap3A_511, %swap3A_512], %mul3A_510 {strides = array<i32>} : memref<320x64xf32, #tpu.memory_space<vmem>>, vector<16xf32>,
        %get3A_514 = arith.index_cast %scan3A_504 : i32 to index
        %get3A_515 = arith.constant 16 : index
        %get3A_516 = tpu.vector_load %arg8[%get3A_514, %get3A_515] {strides = array<i32>} : memref<320x64xf32, #tpu.memory_space<vmem>>, vector<16xf32>,
        %mul3A_517 = arith.constant 8.000000e+00 : f32
        %mul3A_518 = vector.broadcast %mul3A_517 : f32 to vector<16xf32>
        %mul3A_519 = arith.mulf %get3A_516, %mul3A_518 : vector<16xf32>
        %swap3A_520 = arith.index_cast %scan3A_504 : i32 to index
        %swap3A_521 = arith.constant 16 : index
        %swap3A_522 = tpu.vector_load %arg8[%swap3A_520, %swap3A_521] {strides = array<i32>} : memref<320x64xf32, #tpu.memory_space<vmem>>, vector<16xf32>,
        tpu.vector_store %arg8[%swap3A_520, %swap3A_521], %mul3A_519 {strides = array<i32>} : memref<320x64xf32, #tpu.memory_space<vmem>>, vector<16xf32>,
        %get3A_523 = arith.index_cast %scan3A_504 : i32 to index
        %get3A_524 = arith.constant 32 : index
        %get3A_525 = tpu.vector_load %arg8[%get3A_523, %get3A_524] {strides = array<i32>} : memref<320x64xf32, #tpu.memory_space<vmem>>, vector<16xf32>,
        %mul3A_526 = arith.constant 8.000000e+00 : f32
        %mul3A_527 = vector.broadcast %mul3A_526 : f32 to vector<16xf32>
        %mul3A_528 = arith.mulf %get3A_525, %mul3A_527 : vector<16xf32>
        %swap3A_529 = arith.index_cast %scan3A_504 : i32 to index
        %swap3A_530 = arith.constant 32 : index
        %swap3A_531 = tpu.vector_load %arg8[%swap3A_529, %swap3A_530] {strides = array<i32>} : memref<320x64xf32, #tpu.memory_space<vmem>>, vector<16xf32>,
        tpu.vector_store %arg8[%swap3A_529, %swap3A_530], %mul3A_528 {strides = array<i32>} : memref<320x64xf32, #tpu.memory_space<vmem>>, vector<16xf32>,
        %get3A_532 = arith.index_cast %scan3A_504 : i32 to index
        %get3A_533 = arith.constant 48 : index
        %get3A_534 = tpu.vector_load %arg8[%get3A_532, %get3A_533] {strides = array<i32>} : memref<320x64xf32, #tpu.memory_space<vmem>>, vector<16xf32>,
        %mul3A_535 = arith.constant 8.000000e+00 : f32
        %mul3A_536 = vector.broadcast %mul3A_535 : f32 to vector<16xf32>
        %mul3A_537 = arith.mulf %get3A_534, %mul3A_536 : vector<16xf32>
        %swap3A_538 = arith.index_cast %scan3A_504 : i32 to index
        %swap3A_539 = arith.constant 48 : index
        %swap3A_540 = tpu.vector_load %arg8[%swap3A_538, %swap3A_539] {strides = array<i32>} : memref<320x64xf32, #tpu.memory_space<vmem>>, vector<16xf32>,
        tpu.vector_store %arg8[%swap3A_538, %swap3A_539], %mul3A_537 {strides = array<i32>} : memref<320x64xf32, #tpu.memory_space<vmem>>, vector<16xf32>,
        %scan3A_541 = arith.constant 4 : i32
        %scan3A_542 = arith.addi %scan3A_392, %scan3A_541 : i32
        %get3A_543 = arith.index_cast %scan3A_542 : i32 to index
        %get3A_544 = arith.constant 0 : index
        %get3A_545 = tpu.vector_load %arg8[%get3A_543, %get3A_544] {strides = array<i32>} : memref<320x64xf32, #tpu.memory_space<vmem>>, vector<16xf32>,
        %mul3A_546 = arith.constant 8.000000e+00 : f32
        %mul3A_547 = vector.broadcast %mul3A_546 : f32 to vector<16xf32>
        %mul3A_548 = arith.mulf %get3A_545, %mul3A_547 : vector<16xf32>
        %swap3A_549 = arith.index_cast %scan3A_542 : i32 to index
        %swap3A_550 = arith.constant 0 : index
        %swap3A_551 = tpu.vector_load %arg8[%swap3A_549, %swap3A_550] {strides = array<i32>} : memref<320x64xf32, #tpu.memory_space<vmem>>, vector<16xf32>,
        tpu.vector_store %arg8[%swap3A_549, %swap3A_550], %mul3A_548 {strides = array<i32>} : memref<320x64xf32, #tpu.memory_space<vmem>>, vector<16xf32>,
        %get3A_552 = arith.index_cast %scan3A_542 : i32 to index
        %get3A_553 = arith.constant 16 : index
        %get3A_554 = tpu.vector_load %arg8[%get3A_552, %get3A_553] {strides = array<i32>} : memref<320x64xf32, #tpu.memory_space<vmem>>, vector<16xf32>,
        %mul3A_555 = arith.constant 8.000000e+00 : f32
        %mul3A_556 = vector.broadcast %mul3A_555 : f32 to vector<16xf32>
        %mul3A_557 = arith.mulf %get3A_554, %mul3A_556 : vector<16xf32>
        %swap3A_558 = arith.index_cast %scan3A_542 : i32 to index
        %swap3A_559 = arith.constant 16 : index
        %swap3A_560 = tpu.vector_load %arg8[%swap3A_558, %swap3A_559] {strides = array<i32>} : memref<320x64xf32, #tpu.memory_space<vmem>>, vector<16xf32>,
        tpu.vector_store %arg8[%swap3A_558, %swap3A_559], %mul3A_557 {strides = array<i32>} : memref<320x64xf32, #tpu.memory_space<vmem>>, vector<16xf32>,
        %get3A_561 = arith.index_cast %scan3A_542 : i32 to index
        %get3A_562 = arith.constant 32 : index
        %get3A_563 = tpu.vector_load %arg8[%get3A_561, %get3A_562] {strides = array<i32>} : memref<320x64xf32, #tpu.memory_space<vmem>>, vector<16xf32>,
        %mul3A_564 = arith.constant 8.000000e+00 : f32
        %mul3A_565 = vector.broadcast %mul3A_564 : f32 to vector<16xf32>
        %mul3A_566 = arith.mulf %get3A_563, %mul3A_565 : vector<16xf32>
        %swap3A_567 = arith.index_cast %scan3A_542 : i32 to index
        %swap3A_568 = arith.constant 32 : index
        %swap3A_569 = tpu.vector_load %arg8[%swap3A_567, %swap3A_568] {strides = array<i32>} : memref<320x64xf32, #tpu.memory_space<vmem>>, vector<16xf32>,
        tpu.vector_store %arg8[%swap3A_567, %swap3A_568], %mul3A_566 {strides = array<i32>} : memref<320x64xf32, #tpu.memory_space<vmem>>, vector<16xf32>,
        %get3A_570 = arith.index_cast %scan3A_542 : i32 to index
        %get3A_571 = arith.constant 48 : index
        %get3A_572 = tpu.vector_load %arg8[%get3A_570, %get3A_571] {strides = array<i32>} : memref<320x64xf32, #tpu.memory_space<vmem>>, vector<16xf32>,
        %mul3A_573 = arith.constant 8.000000e+00 : f32
        %mul3A_574 = vector.broadcast %mul3A_573 : f32 to vector<16xf32>
        %mul3A_575 = arith.mulf %get3A_572, %mul3A_574 : vector<16xf32>
        %swap3A_576 = arith.index_cast %scan3A_542 : i32 to index
        %swap3A_577 = arith.constant 48 : index
        %swap3A_578 = tpu.vector_load %arg8[%swap3A_576, %swap3A_577] {strides = array<i32>} : memref<320x64xf32, #tpu.memory_space<vmem>>, vector<16xf32>,
        tpu.vector_store %arg8[%swap3A_576, %swap3A_577], %mul3A_575 {strides = array<i32>} : memref<320x64xf32, #tpu.memory_space<vmem>>, vector<16xf32>,
        %scan3A_579 = arith.constant 5 : i32
        %scan3A_580 = arith.addi %scan3A_392, %scan3A_579 : i32
        %get3A_581 = arith.index_cast %scan3A_580 : i32 to index
        %get3A_582 = arith.constant 0 : index
        %get3A_583 = tpu.vector_load %arg8[%get3A_581, %get3A_582] {strides = array<i32>} : memref<320x64xf32, #tpu.memory_space<vmem>>, vector<16xf32>,
        %mul3A_584 = arith.constant 8.000000e+00 : f32
        %mul3A_585 = vector.broadcast %mul3A_584 : f32 to vector<16xf32>
        %mul3A_586 = arith.mulf %get3A_583, %mul3A_585 : vector<16xf32>
        %swap3A_587 = arith.index_cast %scan3A_580 : i32 to index
        %swap3A_588 = arith.constant 0 : index
        %swap3A_589 = tpu.vector_load %arg8[%swap3A_587, %swap3A_588] {strides = array<i32>} : memref<320x64xf32, #tpu.memory_space<vmem>>, vector<16xf32>,
        tpu.vector_store %arg8[%swap3A_587, %swap3A_588], %mul3A_586 {strides = array<i32>} : memref<320x64xf32, #tpu.memory_space<vmem>>, vector<16xf32>,
        %get3A_590 = arith.index_cast %scan3A_580 : i32 to index
        %get3A_591 = arith.constant 16 : index
        %get3A_592 = tpu.vector_load %arg8[%get3A_590, %get3A_591] {strides = array<i32>} : memref<320x64xf32, #tpu.memory_space<vmem>>, vector<16xf32>,
        %mul3A_593 = arith.constant 8.000000e+00 : f32
        %mul3A_594 = vector.broadcast %mul3A_593 : f32 to vector<16xf32>
        %mul3A_595 = arith.mulf %get3A_592, %mul3A_594 : vector<16xf32>
        %swap3A_596 = arith.index_cast %scan3A_580 : i32 to index
        %swap3A_597 = arith.constant 16 : index
        %swap3A_598 = tpu.vector_load %arg8[%swap3A_596, %swap3A_597] {strides = array<i32>} : memref<320x64xf32, #tpu.memory_space<vmem>>, vector<16xf32>,
        tpu.vector_store %arg8[%swap3A_596, %swap3A_597], %mul3A_595 {strides = array<i32>} : memref<320x64xf32, #tpu.memory_space<vmem>>, vector<16xf32>,
        %get3A_599 = arith.index_cast %scan3A_580 : i32 to index
        %get3A_600 = arith.constant 32 : index
        %get3A_601 = tpu.vector_load %arg8[%get3A_599, %get3A_600] {strides = array<i32>} : memref<320x64xf32, #tpu.memory_space<vmem>>, vector<16xf32>,
        %mul3A_602 = arith.constant 8.000000e+00 : f32
        %mul3A_603 = vector.broadcast %mul3A_602 : f32 to vector<16xf32>
        %mul3A_604 = arith.mulf %get3A_601, %mul3A_603 : vector<16xf32>
        %swap3A_605 = arith.index_cast %scan3A_580 : i32 to index
        %swap3A_606 = arith.constant 32 : index
        %swap3A_607 = tpu.vector_load %arg8[%swap3A_605, %swap3A_606] {strides = array<i32>} : memref<320x64xf32, #tpu.memory_space<vmem>>, vector<16xf32>,
        tpu.vector_store %arg8[%swap3A_605, %swap3A_606], %mul3A_604 {strides = array<i32>} : memref<320x64xf32, #tpu.memory_space<vmem>>, vector<16xf32>,
        %get3A_608 = arith.index_cast %scan3A_580 : i32 to index
        %get3A_609 = arith.constant 48 : index
        %get3A_610 = tpu.vector_load %arg8[%get3A_608, %get3A_609] {strides = array<i32>} : memref<320x64xf32, #tpu.memory_space<vmem>>, vector<16xf32>,
        %mul3A_611 = arith.constant 8.000000e+00 : f32
        %mul3A_612 = vector.broadcast %mul3A_611 : f32 to vector<16xf32>
        %mul3A_613 = arith.mulf %get3A_610, %mul3A_612 : vector<16xf32>
        %swap3A_614 = arith.index_cast %scan3A_580 : i32 to index
        %swap3A_615 = arith.constant 48 : index
        %swap3A_616 = tpu.vector_load %arg8[%swap3A_614, %swap3A_615] {strides = array<i32>} : memref<320x64xf32, #tpu.memory_space<vmem>>, vector<16xf32>,
        tpu.vector_store %arg8[%swap3A_614, %swap3A_615], %mul3A_613 {strides = array<i32>} : memref<320x64xf32, #tpu.memory_space<vmem>>, vector<16xf32>,
        %scan3A_617 = arith.constant 6 : i32
        %scan3A_618 = arith.addi %scan3A_392, %scan3A_617 : i32
        %get3A_619 = arith.index_cast %scan3A_618 : i32 to index
        %get3A_620 = arith.constant 0 : index
        %get3A_621 = tpu.vector_load %arg8[%get3A_619, %get3A_620] {strides = array<i32>} : memref<320x64xf32, #tpu.memory_space<vmem>>, vector<16xf32>,
        %mul3A_622 = arith.constant 8.000000e+00 : f32
        %mul3A_623 = vector.broadcast %mul3A_622 : f32 to vector<16xf32>
        %mul3A_624 = arith.mulf %get3A_621, %mul3A_623 : vector<16xf32>
        %swap3A_625 = arith.index_cast %scan3A_618 : i32 to index
        %swap3A_626 = arith.constant 0 : index
        %swap3A_627 = tpu.vector_load %arg8[%swap3A_625, %swap3A_626] {strides = array<i32>} : memref<320x64xf32, #tpu.memory_space<vmem>>, vector<16xf32>,
        tpu.vector_store %arg8[%swap3A_625, %swap3A_626], %mul3A_624 {strides = array<i32>} : memref<320x64xf32, #tpu.memory_space<vmem>>, vector<16xf32>,
        %get3A_628 = arith.index_cast %scan3A_618 : i32 to index
        %get3A_629 = arith.constant 16 : index
        %get3A_630 = tpu.vector_load %arg8[%get3A_628, %get3A_629] {strides = array<i32>} : memref<320x64xf32, #tpu.memory_space<vmem>>, vector<16xf32>,
        %mul3A_631 = arith.constant 8.000000e+00 : f32
        %mul3A_632 = vector.broadcast %mul3A_631 : f32 to vector<16xf32>
        %mul3A_633 = arith.mulf %get3A_630, %mul3A_632 : vector<16xf32>
        %swap3A_634 = arith.index_cast %scan3A_618 : i32 to index
        %swap3A_635 = arith.constant 16 : index
        %swap3A_636 = tpu.vector_load %arg8[%swap3A_634, %swap3A_635] {strides = array<i32>} : memref<320x64xf32, #tpu.memory_space<vmem>>, vector<16xf32>,
        tpu.vector_store %arg8[%swap3A_634, %swap3A_635], %mul3A_633 {strides = array<i32>} : memref<320x64xf32, #tpu.memory_space<vmem>>, vector<16xf32>,
        %get3A_637 = arith.index_cast %scan3A_618 : i32 to index
        %get3A_638 = arith.constant 32 : index
        %get3A_639 = tpu.vector_load %arg8[%get3A_637, %get3A_638] {strides = array<i32>} : memref<320x64xf32, #tpu.memory_space<vmem>>, vector<16xf32>,
        %mul3A_640 = arith.constant 8.000000e+00 : f32
        %mul3A_641 = vector.broadcast %mul3A_640 : f32 to vector<16xf32>
        %mul3A_642 = arith.mulf %get3A_639, %mul3A_641 : vector<16xf32>
        %swap3A_643 = arith.index_cast %scan3A_618 : i32 to index
        %swap3A_644 = arith.constant 32 : index
        %swap3A_645 = tpu.vector_load %arg8[%swap3A_643, %swap3A_644] {strides = array<i32>} : memref<320x64xf32, #tpu.memory_space<vmem>>, vector<16xf32>,
        tpu.vector_store %arg8[%swap3A_643, %swap3A_644], %mul3A_642 {strides = array<i32>} : memref<320x64xf32, #tpu.memory_space<vmem>>, vector<16xf32>,
        %get3A_646 = arith.index_cast %scan3A_618 : i32 to index
        %get3A_647 = arith.constant 48 : index
        %get3A_648 = tpu.vector_load %arg8[%get3A_646, %get3A_647] {strides = array<i32>} : memref<320x64xf32, #tpu.memory_space<vmem>>, vector<16xf32>,
        %mul3A_649 = arith.constant 8.000000e+00 : f32
        %mul3A_650 = vector.broadcast %mul3A_649 : f32 to vector<16xf32>
        %mul3A_651 = arith.mulf %get3A_648, %mul3A_650 : vector<16xf32>
        %swap3A_652 = arith.index_cast %scan3A_618 : i32 to index
        %swap3A_653 = arith.constant 48 : index
        %swap3A_654 = tpu.vector_load %arg8[%swap3A_652, %swap3A_653] {strides = array<i32>} : memref<320x64xf32, #tpu.memory_space<vmem>>, vector<16xf32>,
        tpu.vector_store %arg8[%swap3A_652, %swap3A_653], %mul3A_651 {strides = array<i32>} : memref<320x64xf32, #tpu.memory_space<vmem>>, vector<16xf32>,
        %scan3A_655 = arith.constant 7 : i32
        %scan3A_656 = arith.addi %scan3A_392, %scan3A_655 : i32
        %get3A_657 = arith.index_cast %scan3A_656 : i32 to index
        %get3A_658 = arith.constant 0 : index
        %get3A_659 = tpu.vector_load %arg8[%get3A_657, %get3A_658] {strides = array<i32>} : memref<320x64xf32, #tpu.memory_space<vmem>>, vector<16xf32>,
        %mul3A_660 = arith.constant 8.000000e+00 : f32
        %mul3A_661 = vector.broadcast %mul3A_660 : f32 to vector<16xf32>
        %mul3A_662 = arith.mulf %get3A_659, %mul3A_661 : vector<16xf32>
        %swap3A_663 = arith.index_cast %scan3A_656 : i32 to index
        %swap3A_664 = arith.constant 0 : index
        %swap3A_665 = tpu.vector_load %arg8[%swap3A_663, %swap3A_664] {strides = array<i32>} : memref<320x64xf32, #tpu.memory_space<vmem>>, vector<16xf32>,
        tpu.vector_store %arg8[%swap3A_663, %swap3A_664], %mul3A_662 {strides = array<i32>} : memref<320x64xf32, #tpu.memory_space<vmem>>, vector<16xf32>,
        %get3A_666 = arith.index_cast %scan3A_656 : i32 to index
        %get3A_667 = arith.constant 16 : index
        %get3A_668 = tpu.vector_load %arg8[%get3A_666, %get3A_667] {strides = array<i32>} : memref<320x64xf32, #tpu.memory_space<vmem>>, vector<16xf32>,
        %mul3A_669 = arith.constant 8.000000e+00 : f32
        %mul3A_670 = vector.broadcast %mul3A_669 : f32 to vector<16xf32>
        %mul3A_671 = arith.mulf %get3A_668, %mul3A_670 : vector<16xf32>
        %swap3A_672 = arith.index_cast %scan3A_656 : i32 to index
        %swap3A_673 = arith.constant 16 : index
        %swap3A_674 = tpu.vector_load %arg8[%swap3A_672, %swap3A_673] {strides = array<i32>} : memref<320x64xf32, #tpu.memory_space<vmem>>, vector<16xf32>,
        tpu.vector_store %arg8[%swap3A_672, %swap3A_673], %mul3A_671 {strides = array<i32>} : memref<320x64xf32, #tpu.memory_space<vmem>>, vector<16xf32>,
        %get3A_675 = arith.index_cast %scan3A_656 : i32 to index
        %get3A_676 = arith.constant 32 : index
        %get3A_677 = tpu.vector_load %arg8[%get3A_675, %get3A_676] {strides = array<i32>} : memref<320x64xf32, #tpu.memory_space<vmem>>, vector<16xf32>,
        %mul3A_678 = arith.constant 8.000000e+00 : f32
        %mul3A_679 = vector.broadcast %mul3A_678 : f32 to vector<16xf32>
        %mul3A_680 = arith.mulf %get3A_677, %mul3A_679 : vector<16xf32>
        %swap3A_681 = arith.index_cast %scan3A_656 : i32 to index
        %swap3A_682 = arith.constant 32 : index
        %swap3A_683 = tpu.vector_load %arg8[%swap3A_681, %swap3A_682] {strides = array<i32>} : memref<320x64xf32, #tpu.memory_space<vmem>>, vector<16xf32>,
        tpu.vector_store %arg8[%swap3A_681, %swap3A_682], %mul3A_680 {strides = array<i32>} : memref<320x64xf32, #tpu.memory_space<vmem>>, vector<16xf32>,
        %get3A_684 = arith.index_cast %scan3A_656 : i32 to index
        %get3A_685 = arith.constant 48 : index
        %get3A_686 = tpu.vector_load %arg8[%get3A_684, %get3A_685] {strides = array<i32>} : memref<320x64xf32, #tpu.memory_space<vmem>>, vector<16xf32>,
        %mul3A_687 = arith.constant 8.000000e+00 : f32
        %mul3A_688 = vector.broadcast %mul3A_687 : f32 to vector<16xf32>
        %mul3A_689 = arith.mulf %get3A_686, %mul3A_688 : vector<16xf32>
        %swap3A_690 = arith.index_cast %scan3A_656 : i32 to index
        %swap3A_691 = arith.constant 48 : index
        %swap3A_692 = tpu.vector_load %arg8[%swap3A_690, %swap3A_691] {strides = array<i32>} : memref<320x64xf32, #tpu.memory_space<vmem>>, vector<16xf32>,
        tpu.vector_store %arg8[%swap3A_690, %swap3A_691], %mul3A_689 {strides = array<i32>} : memref<320x64xf32, #tpu.memory_space<vmem>>, vector<16xf32>,
      }
      %scan3A_325 = arith.constant 320 : i32
      %mul3A_326 = arith.constant 320 : i32
      %mul3A_327 = arith.muli %add3A_313, %mul3A_326 : i32
      %add3A_328 = arith.addi %mul3A_2, %mul3A_327 : i32
      %dma_start3A_329 = arith.constant 0 : i32
      %dma_start3A_330 = tpu.memref_slice %arg4[%add3A_328, %dma_start3A_329] : memref<819200x128xf32, #tpu.memory_space<hbm>> -> memref<320x64xf32, #tpu.memory_space<hbm>>
      %dma_start3A_331 = arith.constant 0 : i32
      %dma_start3A_332 = tpu.memref_slice %arg4[%add3A_328, %dma_start3A_331] : memref<819200x128xf32, #tpu.memory_space<hbm>> -> memref<320x64xf32, #tpu.memory_space<hbm>>
      tpu.enqueue_dma source(%arg8 : memref<320x64xf32, #tpu.memory_space<vmem>>) target(%dma_start3A_332 : memref<320x64xf32, #tpu.memory_space<hbm>>) target_semaphore(%arg16 : memref<!tpu.dma_semaphore, #tpu.memory_space<semaphore_mem>>)
      %add3A_333 = arith.constant 2 : i32
      %add3A_334 = arith.addi %mul3A_232, %add3A_333 : i32
      %sub3A_335 = arith.constant 2 : i32
      %sub3A_336 = arith.subi %add3A_334, %sub3A_335 : i32
      %mul3A_337 = arith.constant 320 : i32
      %mul3A_338 = arith.muli %sub3A_336, %mul3A_337 : i32
      %add3A_339 = arith.addi %mul3A_2, %mul3A_338 : i32
      %dma_wait3A_340 = arith.constant 0 : i32
      %dma_wait3A_341 = tpu.memref_slice %arg4[%add3A_339, %dma_wait3A_340] : memref<819200x128xf32, #tpu.memory_space<hbm>> -> memref<320x64xf32, #tpu.memory_space<hbm>>
      %dma_wait3A_342 = arith.constant 0 : i32
      %dma_wait3A_343 = tpu.memref_slice %arg4[%add3A_339, %dma_wait3A_342] : memref<819200x128xf32, #tpu.memory_space<hbm>> -> memref<320x64xf32, #tpu.memory_space<hbm>>
      tpu.wait_dma2 semaphore(%arg14 : memref<!tpu.dma_semaphore, #tpu.memory_space<semaphore_mem>>) src(%arg6 : memref<320x64xf32, #tpu.memory_space<vmem>>) dst(%dma_wait3A_343 : memref<320x64xf32, #tpu.memory_space<hbm>>)
      %add3A_344 = arith.constant 2 : i32
      %add3A_345 = arith.addi %add3A_334, %add3A_344 : i32
      %mul3A_346 = arith.constant 320 : i32
      %mul3A_347 = arith.muli %add3A_345, %mul3A_346 : i32
      %dma_start3A_348 = tpu.memref_slice %arg5[%mul3A_347] : memref<25600xi32, #tpu.memory_space<vmem>> -> memref<320xi32, #tpu.memory_space<vmem>>
      %dma_start3A_349 = arith.constant 0 : i32
      %dma_start3A_350 = arith.constant 0 : i32
      %dma_start3A_351 = tpu.memref_slice %arg3[%dma_start3A_349, %dma_start3A_350] : memref<1000000x64xf32, #tpu.memory_space<hbm>> -> memref<1000000x64xf32, #tpu.memory_space<hbm>>
      tpu.enqueue_indirect_dma source(%dma_start3A_351 : memref<1000000x64xf32, #tpu.memory_space<hbm>>) target(%arg6 : memref<320x64xf32, #tpu.memory_space<vmem>>) offsets(%dma_start3A_348 : memref<320xi32, #tpu.memory_space<vmem>>) semaphore(%arg10 : memref<!tpu.dma_semaphore, #tpu.memory_space<semaphore_mem>>)
      %add3A_352 = arith.constant 3 : i32
      %add3A_353 = arith.addi %mul3A_232, %add3A_352 : i32
      %mul3A_354 = arith.constant 320 : i32
      %mul3A_355 = arith.muli %add3A_353, %mul3A_354 : i32
      %dma_wait3A_356 = tpu.memref_slice %arg5[%mul3A_355] : memref<25600xi32, #tpu.memory_space<vmem>> -> memref<320xi32, #tpu.memory_space<vmem>>
      %dma_wait3A_357 = arith.constant 0 : i32
      %dma_wait3A_358 = arith.constant 0 : i32
      %dma_wait3A_359 = tpu.memref_slice %arg3[%dma_wait3A_357, %dma_wait3A_358] : memref<1000000x64xf32, #tpu.memory_space<hbm>> -> memref<1000000x64xf32, #tpu.memory_space<hbm>>
      tpu.wait_indirect_dma semaphore(%arg13 : memref<!tpu.dma_semaphore, #tpu.memory_space<semaphore_mem>>) src(%dma_wait3A_359 : memref<1000000x64xf32, #tpu.memory_space<hbm>>) dst(%arg9 : memref<320x64xf32, #tpu.memory_space<vmem>>)
      %scan3A_360 = arith.constant 0 : i32
      %scan3A_361 = arith.constant 0 : i32
      %scan3A_362 = arith.constant 320 : i32
      %scan3A_363 = arith.addi %scan3A_361, %scan3A_362 : i32
      %scan3A_364 = arith.constant 8 : i32
      scf.for %scan3A_392 = %scan3A_361 to %scan3A_363 step %scan3A_364  : i32 {
        %get3A = arith.index_cast %scan3A_392 : i32 to index
        %get3A_393 = arith.constant 0 : index
        %get3A_394 = tpu.vector_load %arg9[%get3A, %get3A_393] {strides = array<i32>} : memref<320x64xf32, #tpu.memory_space<vmem>>, vector<16xf32>,
        %mul3A_395 = arith.constant 8.000000e+00 : f32
        %mul3A_396 = vector.broadcast %mul3A_395 : f32 to vector<16xf32>
        %mul3A_397 = arith.mulf %get3A_394, %mul3A_396 : vector<16xf32>
        %swap3A = arith.index_cast %scan3A_392 : i32 to index
        %swap3A_398 = arith.constant 0 : index
        %swap3A_399 = tpu.vector_load %arg9[%swap3A, %swap3A_398] {strides = array<i32>} : memref<320x64xf32, #tpu.memory_space<vmem>>, vector<16xf32>,
        tpu.vector_store %arg9[%swap3A, %swap3A_398], %mul3A_397 {strides = array<i32>} : memref<320x64xf32, #tpu.memory_space<vmem>>, vector<16xf32>,
        %get3A_400 = arith.index_cast %scan3A_392 : i32 to index
        %get3A_401 = arith.constant 16 : index
        %get3A_402 = tpu.vector_load %arg9[%get3A_400, %get3A_401] {strides = array<i32>} : memref<320x64xf32, #tpu.memory_space<vmem>>, vector<16xf32>,
        %mul3A_403 = arith.constant 8.000000e+00 : f32
        %mul3A_404 = vector.broadcast %mul3A_403 : f32 to vector<16xf32>
        %mul3A_405 = arith.mulf %get3A_402, %mul3A_404 : vector<16xf32>
        %swap3A_406 = arith.index_cast %scan3A_392 : i32 to index
        %swap3A_407 = arith.constant 16 : index
        %swap3A_408 = tpu.vector_load %arg9[%swap3A_406, %swap3A_407] {strides = array<i32>} : memref<320x64xf32, #tpu.memory_space<vmem>>, vector<16xf32>,
        tpu.vector_store %arg9[%swap3A_406, %swap3A_407], %mul3A_405 {strides = array<i32>} : memref<320x64xf32, #tpu.memory_space<vmem>>, vector<16xf32>,
        %get3A_409 = arith.index_cast %scan3A_392 : i32 to index
        %get3A_410 = arith.constant 32 : index
        %get3A_411 = tpu.vector_load %arg9[%get3A_409, %get3A_410] {strides = array<i32>} : memref<320x64xf32, #tpu.memory_space<vmem>>, vector<16xf32>,
        %mul3A_412 = arith.constant 8.000000e+00 : f32
        %mul3A_413 = vector.broadcast %mul3A_412 : f32 to vector<16xf32>
        %mul3A_414 = arith.mulf %get3A_411, %mul3A_413 : vector<16xf32>
        %swap3A_415 = arith.index_cast %scan3A_392 : i32 to index
        %swap3A_416 = arith.constant 32 : index
        %swap3A_417 = tpu.vector_load %arg9[%swap3A_415, %swap3A_416] {strides = array<i32>} : memref<320x64xf32, #tpu.memory_space<vmem>>, vector<16xf32>,
        tpu.vector_store %arg9[%swap3A_415, %swap3A_416], %mul3A_414 {strides = array<i32>} : memref<320x64xf32, #tpu.memory_space<vmem>>, vector<16xf32>,
        %get3A_418 = arith.index_cast %scan3A_392 : i32 to index
        %get3A_419 = arith.constant 48 : index
        %get3A_420 = tpu.vector_load %arg9[%get3A_418, %get3A_419] {strides = array<i32>} : memref<320x64xf32, #tpu.memory_space<vmem>>, vector<16xf32>,
        %mul3A_421 = arith.constant 8.000000e+00 : f32
        %mul3A_422 = vector.broadcast %mul3A_421 : f32 to vector<16xf32>
        %mul3A_423 = arith.mulf %get3A_420, %mul3A_422 : vector<16xf32>
        %swap3A_424 = arith.index_cast %scan3A_392 : i32 to index
        %swap3A_425 = arith.constant 48 : index
        %swap3A_426 = tpu.vector_load %arg9[%swap3A_424, %swap3A_425] {strides = array<i32>} : memref<320x64xf32, #tpu.memory_space<vmem>>, vector<16xf32>,
        tpu.vector_store %arg9[%swap3A_424, %swap3A_425], %mul3A_423 {strides = array<i32>} : memref<320x64xf32, #tpu.memory_space<vmem>>, vector<16xf32>,
        %scan3A_427 = arith.constant 1 : i32
        %scan3A_428 = arith.addi %scan3A_392, %scan3A_427 : i32
        %get3A_429 = arith.index_cast %scan3A_428 : i32 to index
        %get3A_430 = arith.constant 0 : index
        %get3A_431 = tpu.vector_load %arg9[%get3A_429, %get3A_430] {strides = array<i32>} : memref<320x64xf32, #tpu.memory_space<vmem>>, vector<16xf32>,
        %mul3A_432 = arith.constant 8.000000e+00 : f32
        %mul3A_433 = vector.broadcast %mul3A_432 : f32 to vector<16xf32>
        %mul3A_434 = arith.mulf %get3A_431, %mul3A_433 : vector<16xf32>
        %swap3A_435 = arith.index_cast %scan3A_428 : i32 to index
        %swap3A_436 = arith.constant 0 : index
        %swap3A_437 = tpu.vector_load %arg9[%swap3A_435, %swap3A_436] {strides = array<i32>} : memref<320x64xf32, #tpu.memory_space<vmem>>, vector<16xf32>,
        tpu.vector_store %arg9[%swap3A_435, %swap3A_436], %mul3A_434 {strides = array<i32>} : memref<320x64xf32, #tpu.memory_space<vmem>>, vector<16xf32>,
        %get3A_438 = arith.index_cast %scan3A_428 : i32 to index
        %get3A_439 = arith.constant 16 : index
        %get3A_440 = tpu.vector_load %arg9[%get3A_438, %get3A_439] {strides = array<i32>} : memref<320x64xf32, #tpu.memory_space<vmem>>, vector<16xf32>,
        %mul3A_441 = arith.constant 8.000000e+00 : f32
        %mul3A_442 = vector.broadcast %mul3A_441 : f32 to vector<16xf32>
        %mul3A_443 = arith.mulf %get3A_440, %mul3A_442 : vector<16xf32>
        %swap3A_444 = arith.index_cast %scan3A_428 : i32 to index
        %swap3A_445 = arith.constant 16 : index
        %swap3A_446 = tpu.vector_load %arg9[%swap3A_444, %swap3A_445] {strides = array<i32>} : memref<320x64xf32, #tpu.memory_space<vmem>>, vector<16xf32>,
        tpu.vector_store %arg9[%swap3A_444, %swap3A_445], %mul3A_443 {strides = array<i32>} : memref<320x64xf32, #tpu.memory_space<vmem>>, vector<16xf32>,
        %get3A_447 = arith.index_cast %scan3A_428 : i32 to index
        %get3A_448 = arith.constant 32 : index
        %get3A_449 = tpu.vector_load %arg9[%get3A_447, %get3A_448] {strides = array<i32>} : memref<320x64xf32, #tpu.memory_space<vmem>>, vector<16xf32>,
        %mul3A_450 = arith.constant 8.000000e+00 : f32
        %mul3A_451 = vector.broadcast %mul3A_450 : f32 to vector<16xf32>
        %mul3A_452 = arith.mulf %get3A_449, %mul3A_451 : vector<16xf32>
        %swap3A_453 = arith.index_cast %scan3A_428 : i32 to index
        %swap3A_454 = arith.constant 32 : index
        %swap3A_455 = tpu.vector_load %arg9[%swap3A_453, %swap3A_454] {strides = array<i32>} : memref<320x64xf32, #tpu.memory_space<vmem>>, vector<16xf32>,
        tpu.vector_store %arg9[%swap3A_453, %swap3A_454], %mul3A_452 {strides = array<i32>} : memref<320x64xf32, #tpu.memory_space<vmem>>, vector<16xf32>,
        %get3A_456 = arith.index_cast %scan3A_428 : i32 to index
        %get3A_457 = arith.constant 48 : index
        %get3A_458 = tpu.vector_load %arg9[%get3A_456, %get3A_457] {strides = array<i32>} : memref<320x64xf32, #tpu.memory_space<vmem>>, vector<16xf32>,
        %mul3A_459 = arith.constant 8.000000e+00 : f32
        %mul3A_460 = vector.broadcast %mul3A_459 : f32 to vector<16xf32>
        %mul3A_461 = arith.mulf %get3A_458, %mul3A_460 : vector<16xf32>
        %swap3A_462 = arith.index_cast %scan3A_428 : i32 to index
        %swap3A_463 = arith.constant 48 : index
        %swap3A_464 = tpu.vector_load %arg9[%swap3A_462, %swap3A_463] {strides = array<i32>} : memref<320x64xf32, #tpu.memory_space<vmem>>, vector<16xf32>,
        tpu.vector_store %arg9[%swap3A_462, %swap3A_463], %mul3A_461 {strides = array<i32>} : memref<320x64xf32, #tpu.memory_space<vmem>>, vector<16xf32>,
        %scan3A_465 = arith.constant 2 : i32
        %scan3A_466 = arith.addi %scan3A_392, %scan3A_465 : i32
        %get3A_467 = arith.index_cast %scan3A_466 : i32 to index
        %get3A_468 = arith.constant 0 : index
        %get3A_469 = tpu.vector_load %arg9[%get3A_467, %get3A_468] {strides = array<i32>} : memref<320x64xf32, #tpu.memory_space<vmem>>, vector<16xf32>,
        %mul3A_470 = arith.constant 8.000000e+00 : f32
        %mul3A_471 = vector.broadcast %mul3A_470 : f32 to vector<16xf32>
        %mul3A_472 = arith.mulf %get3A_469, %mul3A_471 : vector<16xf32>
        %swap3A_473 = arith.index_cast %scan3A_466 : i32 to index
        %swap3A_474 = arith.constant 0 : index
        %swap3A_475 = tpu.vector_load %arg9[%swap3A_473, %swap3A_474] {strides = array<i32>} : memref<320x64xf32, #tpu.memory_space<vmem>>, vector<16xf32>,
        tpu.vector_store %arg9[%swap3A_473, %swap3A_474], %mul3A_472 {strides = array<i32>} : memref<320x64xf32, #tpu.memory_space<vmem>>, vector<16xf32>,
        %get3A_476 = arith.index_cast %scan3A_466 : i32 to index
        %get3A_477 = arith.constant 16 : index
        %get3A_478 = tpu.vector_load %arg9[%get3A_476, %get3A_477] {strides = array<i32>} : memref<320x64xf32, #tpu.memory_space<vmem>>, vector<16xf32>,
        %mul3A_479 = arith.constant 8.000000e+00 : f32
        %mul3A_480 = vector.broadcast %mul3A_479 : f32 to vector<16xf32>
        %mul3A_481 = arith.mulf %get3A_478, %mul3A_480 : vector<16xf32>
        %swap3A_482 = arith.index_cast %scan3A_466 : i32 to index
        %swap3A_483 = arith.constant 16 : index
        %swap3A_484 = tpu.vector_load %arg9[%swap3A_482, %swap3A_483] {strides = array<i32>} : memref<320x64xf32, #tpu.memory_space<vmem>>, vector<16xf32>,
        tpu.vector_store %arg9[%swap3A_482, %swap3A_483], %mul3A_481 {strides = array<i32>} : memref<320x64xf32, #tpu.memory_space<vmem>>, vector<16xf32>,
        %get3A_485 = arith.index_cast %scan3A_466 : i32 to index
        %get3A_486 = arith.constant 32 : index
        %get3A_487 = tpu.vector_load %arg9[%get3A_485, %get3A_486] {strides = array<i32>} : memref<320x64xf32, #tpu.memory_space<vmem>>, vector<16xf32>,
        %mul3A_488 = arith.constant 8.000000e+00 : f32
        %mul3A_489 = vector.broadcast %mul3A_488 : f32 to vector<16xf32>
        %mul3A_490 = arith.mulf %get3A_487, %mul3A_489 : vector<16xf32>
        %swap3A_491 = arith.index_cast %scan3A_466 : i32 to index
        %swap3A_492 = arith.constant 32 : index
        %swap3A_493 = tpu.vector_load %arg9[%swap3A_491, %swap3A_492] {strides = array<i32>} : memref<320x64xf32, #tpu.memory_space<vmem>>, vector<16xf32>,
        tpu.vector_store %arg9[%swap3A_491, %swap3A_492], %mul3A_490 {strides = array<i32>} : memref<320x64xf32, #tpu.memory_space<vmem>>, vector<16xf32>,
        %get3A_494 = arith.index_cast %scan3A_466 : i32 to index
        %get3A_495 = arith.constant 48 : index
        %get3A_496 = tpu.vector_load %arg9[%get3A_494, %get3A_495] {strides = array<i32>} : memref<320x64xf32, #tpu.memory_space<vmem>>, vector<16xf32>,
        %mul3A_497 = arith.constant 8.000000e+00 : f32
        %mul3A_498 = vector.broadcast %mul3A_497 : f32 to vector<16xf32>
        %mul3A_499 = arith.mulf %get3A_496, %mul3A_498 : vector<16xf32>
        %swap3A_500 = arith.index_cast %scan3A_466 : i32 to index
        %swap3A_501 = arith.constant 48 : index
        %swap3A_502 = tpu.vector_load %arg9[%swap3A_500, %swap3A_501] {strides = array<i32>} : memref<320x64xf32, #tpu.memory_space<vmem>>, vector<16xf32>,
        tpu.vector_store %arg9[%swap3A_500, %swap3A_501], %mul3A_499 {strides = array<i32>} : memref<320x64xf32, #tpu.memory_space<vmem>>, vector<16xf32>,
        %scan3A_503 = arith.constant 3 : i32
        %scan3A_504 = arith.addi %scan3A_392, %scan3A_503 : i32
        %get3A_505 = arith.index_cast %scan3A_504 : i32 to index
        %get3A_506 = arith.constant 0 : index
        %get3A_507 = tpu.vector_load %arg9[%get3A_505, %get3A_506] {strides = array<i32>} : memref<320x64xf32, #tpu.memory_space<vmem>>, vector<16xf32>,
        %mul3A_508 = arith.constant 8.000000e+00 : f32
        %mul3A_509 = vector.broadcast %mul3A_508 : f32 to vector<16xf32>
        %mul3A_510 = arith.mulf %get3A_507, %mul3A_509 : vector<16xf32>
        %swap3A_511 = arith.index_cast %scan3A_504 : i32 to index
        %swap3A_512 = arith.constant 0 : index
        %swap3A_513 = tpu.vector_load %arg9[%swap3A_511, %swap3A_512] {strides = array<i32>} : memref<320x64xf32, #tpu.memory_space<vmem>>, vector<16xf32>,
        tpu.vector_store %arg9[%swap3A_511, %swap3A_512], %mul3A_510 {strides = array<i32>} : memref<320x64xf32, #tpu.memory_space<vmem>>, vector<16xf32>,
        %get3A_514 = arith.index_cast %scan3A_504 : i32 to index
        %get3A_515 = arith.constant 16 : index
        %get3A_516 = tpu.vector_load %arg9[%get3A_514, %get3A_515] {strides = array<i32>} : memref<320x64xf32, #tpu.memory_space<vmem>>, vector<16xf32>,
        %mul3A_517 = arith.constant 8.000000e+00 : f32
        %mul3A_518 = vector.broadcast %mul3A_517 : f32 to vector<16xf32>
        %mul3A_519 = arith.mulf %get3A_516, %mul3A_518 : vector<16xf32>
        %swap3A_520 = arith.index_cast %scan3A_504 : i32 to index
        %swap3A_521 = arith.constant 16 : index
        %swap3A_522 = tpu.vector_load %arg9[%swap3A_520, %swap3A_521] {strides = array<i32>} : memref<320x64xf32, #tpu.memory_space<vmem>>, vector<16xf32>,
        tpu.vector_store %arg9[%swap3A_520, %swap3A_521], %mul3A_519 {strides = array<i32>} : memref<320x64xf32, #tpu.memory_space<vmem>>, vector<16xf32>,
        %get3A_523 = arith.index_cast %scan3A_504 : i32 to index
        %get3A_524 = arith.constant 32 : index
        %get3A_525 = tpu.vector_load %arg9[%get3A_523, %get3A_524] {strides = array<i32>} : memref<320x64xf32, #tpu.memory_space<vmem>>, vector<16xf32>,
        %mul3A_526 = arith.constant 8.000000e+00 : f32
        %mul3A_527 = vector.broadcast %mul3A_526 : f32 to vector<16xf32>
        %mul3A_528 = arith.mulf %get3A_525, %mul3A_527 : vector<16xf32>
        %swap3A_529 = arith.index_cast %scan3A_504 : i32 to index
        %swap3A_530 = arith.constant 32 : index
        %swap3A_531 = tpu.vector_load %arg9[%swap3A_529, %swap3A_530] {strides = array<i32>} : memref<320x64xf32, #tpu.memory_space<vmem>>, vector<16xf32>,
        tpu.vector_store %arg9[%swap3A_529, %swap3A_530], %mul3A_528 {strides = array<i32>} : memref<320x64xf32, #tpu.memory_space<vmem>>, vector<16xf32>,
        %get3A_532 = arith.index_cast %scan3A_504 : i32 to index
        %get3A_533 = arith.constant 48 : index
        %get3A_534 = tpu.vector_load %arg9[%get3A_532, %get3A_533] {strides = array<i32>} : memref<320x64xf32, #tpu.memory_space<vmem>>, vector<16xf32>,
        %mul3A_535 = arith.constant 8.000000e+00 : f32
        %mul3A_536 = vector.broadcast %mul3A_535 : f32 to vector<16xf32>
        %mul3A_537 = arith.mulf %get3A_534, %mul3A_536 : vector<16xf32>
        %swap3A_538 = arith.index_cast %scan3A_504 : i32 to index
        %swap3A_539 = arith.constant 48 : index
        %swap3A_540 = tpu.vector_load %arg9[%swap3A_538, %swap3A_539] {strides = array<i32>} : memref<320x64xf32, #tpu.memory_space<vmem>>, vector<16xf32>,
        tpu.vector_store %arg9[%swap3A_538, %swap3A_539], %mul3A_537 {strides = array<i32>} : memref<320x64xf32, #tpu.memory_space<vmem>>, vector<16xf32>,
        %scan3A_541 = arith.constant 4 : i32
        %scan3A_542 = arith.addi %scan3A_392, %scan3A_541 : i32
        %get3A_543 = arith.index_cast %scan3A_542 : i32 to index
        %get3A_544 = arith.constant 0 : index
        %get3A_545 = tpu.vector_load %arg9[%get3A_543, %get3A_544] {strides = array<i32>} : memref<320x64xf32, #tpu.memory_space<vmem>>, vector<16xf32>,
        %mul3A_546 = arith.constant 8.000000e+00 : f32
        %mul3A_547 = vector.broadcast %mul3A_546 : f32 to vector<16xf32>
        %mul3A_548 = arith.mulf %get3A_545, %mul3A_547 : vector<16xf32>
        %swap3A_549 = arith.index_cast %scan3A_542 : i32 to index
        %swap3A_550 = arith.constant 0 : index
        %swap3A_551 = tpu.vector_load %arg9[%swap3A_549, %swap3A_550] {strides = array<i32>} : memref<320x64xf32, #tpu.memory_space<vmem>>, vector<16xf32>,
        tpu.vector_store %arg9[%swap3A_549, %swap3A_550], %mul3A_548 {strides = array<i32>} : memref<320x64xf32, #tpu.memory_space<vmem>>, vector<16xf32>,
        %get3A_552 = arith.index_cast %scan3A_542 : i32 to index
        %get3A_553 = arith.constant 16 : index
        %get3A_554 = tpu.vector_load %arg9[%get3A_552, %get3A_553] {strides = array<i32>} : memref<320x64xf32, #tpu.memory_space<vmem>>, vector<16xf32>,
        %mul3A_555 = arith.constant 8.000000e+00 : f32
        %mul3A_556 = vector.broadcast %mul3A_555 : f32 to vector<16xf32>
        %mul3A_557 = arith.mulf %get3A_554, %mul3A_556 : vector<16xf32>
        %swap3A_558 = arith.index_cast %scan3A_542 : i32 to index
        %swap3A_559 = arith.constant 16 : index
        %swap3A_560 = tpu.vector_load %arg9[%swap3A_558, %swap3A_559] {strides = array<i32>} : memref<320x64xf32, #tpu.memory_space<vmem>>, vector<16xf32>,
        tpu.vector_store %arg9[%swap3A_558, %swap3A_559], %mul3A_557 {strides = array<i32>} : memref<320x64xf32, #tpu.memory_space<vmem>>, vector<16xf32>,
        %get3A_561 = arith.index_cast %scan3A_542 : i32 to index
        %get3A_562 = arith.constant 32 : index
        %get3A_563 = tpu.vector_load %arg9[%get3A_561, %get3A_562] {strides = array<i32>} : memref<320x64xf32, #tpu.memory_space<vmem>>, vector<16xf32>,
        %mul3A_564 = arith.constant 8.000000e+00 : f32
        %mul3A_565 = vector.broadcast %mul3A_564 : f32 to vector<16xf32>
        %mul3A_566 = arith.mulf %get3A_563, %mul3A_565 : vector<16xf32>
        %swap3A_567 = arith.index_cast %scan3A_542 : i32 to index
        %swap3A_568 = arith.constant 32 : index
        %swap3A_569 = tpu.vector_load %arg9[%swap3A_567, %swap3A_568] {strides = array<i32>} : memref<320x64xf32, #tpu.memory_space<vmem>>, vector<16xf32>,
        tpu.vector_store %arg9[%swap3A_567, %swap3A_568], %mul3A_566 {strides = array<i32>} : memref<320x64xf32, #tpu.memory_space<vmem>>, vector<16xf32>,
        %get3A_570 = arith.index_cast %scan3A_542 : i32 to index
        %get3A_571 = arith.constant 48 : index
        %get3A_572 = tpu.vector_load %arg9[%get3A_570, %get3A_571] {strides = array<i32>} : memref<320x64xf32, #tpu.memory_space<vmem>>, vector<16xf32>,
        %mul3A_573 = arith.constant 8.000000e+00 : f32
        %mul3A_574 = vector.broadcast %mul3A_573 : f32 to vector<16xf32>
        %mul3A_575 = arith.mulf %get3A_572, %mul3A_574 : vector<16xf32>
        %swap3A_576 = arith.index_cast %scan3A_542 : i32 to index
        %swap3A_577 = arith.constant 48 : index
        %swap3A_578 = tpu.vector_load %arg9[%swap3A_576, %swap3A_577] {strides = array<i32>} : memref<320x64xf32, #tpu.memory_space<vmem>>, vector<16xf32>,
        tpu.vector_store %arg9[%swap3A_576, %swap3A_577], %mul3A_575 {strides = array<i32>} : memref<320x64xf32, #tpu.memory_space<vmem>>, vector<16xf32>,
        %scan3A_579 = arith.constant 5 : i32
        %scan3A_580 = arith.addi %scan3A_392, %scan3A_579 : i32
        %get3A_581 = arith.index_cast %scan3A_580 : i32 to index
        %get3A_582 = arith.constant 0 : index
        %get3A_583 = tpu.vector_load %arg9[%get3A_581, %get3A_582] {strides = array<i32>} : memref<320x64xf32, #tpu.memory_space<vmem>>, vector<16xf32>,
        %mul3A_584 = arith.constant 8.000000e+00 : f32
        %mul3A_585 = vector.broadcast %mul3A_584 : f32 to vector<16xf32>
        %mul3A_586 = arith.mulf %get3A_583, %mul3A_585 : vector<16xf32>
        %swap3A_587 = arith.index_cast %scan3A_580 : i32 to index
        %swap3A_588 = arith.constant 0 : index
        %swap3A_589 = tpu.vector_load %arg9[%swap3A_587, %swap3A_588] {strides = array<i32>} : memref<320x64xf32, #tpu.memory_space<vmem>>, vector<16xf32>,
        tpu.vector_store %arg9[%swap3A_587, %swap3A_588], %mul3A_586 {strides = array<i32>} : memref<320x64xf32, #tpu.memory_space<vmem>>, vector<16xf32>,
        %get3A_590 = arith.index_cast %scan3A_580 : i32 to index
        %get3A_591 = arith.constant 16 : index
        %get3A_592 = tpu.vector_load %arg9[%get3A_590, %get3A_591] {strides = array<i32>} : memref<320x64xf32, #tpu.memory_space<vmem>>, vector<16xf32>,
        %mul3A_593 = arith.constant 8.000000e+00 : f32
        %mul3A_594 = vector.broadcast %mul3A_593 : f32 to vector<16xf32>
        %mul3A_595 = arith.mulf %get3A_592, %mul3A_594 : vector<16xf32>
        %swap3A_596 = arith.index_cast %scan3A_580 : i32 to index
        %swap3A_597 = arith.constant 16 : index
        %swap3A_598 = tpu.vector_load %arg9[%swap3A_596, %swap3A_597] {strides = array<i32>} : memref<320x64xf32, #tpu.memory_space<vmem>>, vector<16xf32>,
        tpu.vector_store %arg9[%swap3A_596, %swap3A_597], %mul3A_595 {strides = array<i32>} : memref<320x64xf32, #tpu.memory_space<vmem>>, vector<16xf32>,
        %get3A_599 = arith.index_cast %scan3A_580 : i32 to index
        %get3A_600 = arith.constant 32 : index
        %get3A_601 = tpu.vector_load %arg9[%get3A_599, %get3A_600] {strides = array<i32>} : memref<320x64xf32, #tpu.memory_space<vmem>>, vector<16xf32>,
        %mul3A_602 = arith.constant 8.000000e+00 : f32
        %mul3A_603 = vector.broadcast %mul3A_602 : f32 to vector<16xf32>
        %mul3A_604 = arith.mulf %get3A_601, %mul3A_603 : vector<16xf32>
        %swap3A_605 = arith.index_cast %scan3A_580 : i32 to index
        %swap3A_606 = arith.constant 32 : index
        %swap3A_607 = tpu.vector_load %arg9[%swap3A_605, %swap3A_606] {strides = array<i32>} : memref<320x64xf32, #tpu.memory_space<vmem>>, vector<16xf32>,
        tpu.vector_store %arg9[%swap3A_605, %swap3A_606], %mul3A_604 {strides = array<i32>} : memref<320x64xf32, #tpu.memory_space<vmem>>, vector<16xf32>,
        %get3A_608 = arith.index_cast %scan3A_580 : i32 to index
        %get3A_609 = arith.constant 48 : index
        %get3A_610 = tpu.vector_load %arg9[%get3A_608, %get3A_609] {strides = array<i32>} : memref<320x64xf32, #tpu.memory_space<vmem>>, vector<16xf32>,
        %mul3A_611 = arith.constant 8.000000e+00 : f32
        %mul3A_612 = vector.broadcast %mul3A_611 : f32 to vector<16xf32>
        %mul3A_613 = arith.mulf %get3A_610, %mul3A_612 : vector<16xf32>
        %swap3A_614 = arith.index_cast %scan3A_580 : i32 to index
        %swap3A_615 = arith.constant 48 : index
        %swap3A_616 = tpu.vector_load %arg9[%swap3A_614, %swap3A_615] {strides = array<i32>} : memref<320x64xf32, #tpu.memory_space<vmem>>, vector<16xf32>,
        tpu.vector_store %arg9[%swap3A_614, %swap3A_615], %mul3A_613 {strides = array<i32>} : memref<320x64xf32, #tpu.memory_space<vmem>>, vector<16xf32>,
        %scan3A_617 = arith.constant 6 : i32
        %scan3A_618 = arith.addi %scan3A_392, %scan3A_617 : i32
        %get3A_619 = arith.index_cast %scan3A_618 : i32 to index
        %get3A_620 = arith.constant 0 : index
        %get3A_621 = tpu.vector_load %arg9[%get3A_619, %get3A_620] {strides = array<i32>} : memref<320x64xf32, #tpu.memory_space<vmem>>, vector<16xf32>,
        %mul3A_622 = arith.constant 8.000000e+00 : f32
        %mul3A_623 = vector.broadcast %mul3A_622 : f32 to vector<16xf32>
        %mul3A_624 = arith.mulf %get3A_621, %mul3A_623 : vector<16xf32>
        %swap3A_625 = arith.index_cast %scan3A_618 : i32 to index
        %swap3A_626 = arith.constant 0 : index
        %swap3A_627 = tpu.vector_load %arg9[%swap3A_625, %swap3A_626] {strides = array<i32>} : memref<320x64xf32, #tpu.memory_space<vmem>>, vector<16xf32>,
        tpu.vector_store %arg9[%swap3A_625, %swap3A_626], %mul3A_624 {strides = array<i32>} : memref<320x64xf32, #tpu.memory_space<vmem>>, vector<16xf32>,
        %get3A_628 = arith.index_cast %scan3A_618 : i32 to index
        %get3A_629 = arith.constant 16 : index
        %get3A_630 = tpu.vector_load %arg9[%get3A_628, %get3A_629] {strides = array<i32>} : memref<320x64xf32, #tpu.memory_space<vmem>>, vector<16xf32>,
        %mul3A_631 = arith.constant 8.000000e+00 : f32
        %mul3A_632 = vector.broadcast %mul3A_631 : f32 to vector<16xf32>
        %mul3A_633 = arith.mulf %get3A_630, %mul3A_632 : vector<16xf32>
        %swap3A_634 = arith.index_cast %scan3A_618 : i32 to index
        %swap3A_635 = arith.constant 16 : index
        %swap3A_636 = tpu.vector_load %arg9[%swap3A_634, %swap3A_635] {strides = array<i32>} : memref<320x64xf32, #tpu.memory_space<vmem>>, vector<16xf32>,
        tpu.vector_store %arg9[%swap3A_634, %swap3A_635], %mul3A_633 {strides = array<i32>} : memref<320x64xf32, #tpu.memory_space<vmem>>, vector<16xf32>,
        %get3A_637 = arith.index_cast %scan3A_618 : i32 to index
        %get3A_638 = arith.constant 32 : index
        %get3A_639 = tpu.vector_load %arg9[%get3A_637, %get3A_638] {strides = array<i32>} : memref<320x64xf32, #tpu.memory_space<vmem>>, vector<16xf32>,
        %mul3A_640 = arith.constant 8.000000e+00 : f32
        %mul3A_641 = vector.broadcast %mul3A_640 : f32 to vector<16xf32>
        %mul3A_642 = arith.mulf %get3A_639, %mul3A_641 : vector<16xf32>
        %swap3A_643 = arith.index_cast %scan3A_618 : i32 to index
        %swap3A_644 = arith.constant 32 : index
        %swap3A_645 = tpu.vector_load %arg9[%swap3A_643, %swap3A_644] {strides = array<i32>} : memref<320x64xf32, #tpu.memory_space<vmem>>, vector<16xf32>,
        tpu.vector_store %arg9[%swap3A_643, %swap3A_644], %mul3A_642 {strides = array<i32>} : memref<320x64xf32, #tpu.memory_space<vmem>>, vector<16xf32>,
        %get3A_646 = arith.index_cast %scan3A_618 : i32 to index
        %get3A_647 = arith.constant 48 : index
        %get3A_648 = tpu.vector_load %arg9[%get3A_646, %get3A_647] {strides = array<i32>} : memref<320x64xf32, #tpu.memory_space<vmem>>, vector<16xf32>,
        %mul3A_649 = arith.constant 8.000000e+00 : f32
        %mul3A_650 = vector.broadcast %mul3A_649 : f32 to vector<16xf32>
        %mul3A_651 = arith.mulf %get3A_648, %mul3A_650 : vector<16xf32>
        %swap3A_652 = arith.index_cast %scan3A_618 : i32 to index
        %swap3A_653 = arith.constant 48 : index
        %swap3A_654 = tpu.vector_load %arg9[%swap3A_652, %swap3A_653] {strides = array<i32>} : memref<320x64xf32, #tpu.memory_space<vmem>>, vector<16xf32>,
        tpu.vector_store %arg9[%swap3A_652, %swap3A_653], %mul3A_651 {strides = array<i32>} : memref<320x64xf32, #tpu.memory_space<vmem>>, vector<16xf32>,
        %scan3A_655 = arith.constant 7 : i32
        %scan3A_656 = arith.addi %scan3A_392, %scan3A_655 : i32
        %get3A_657 = arith.index_cast %scan3A_656 : i32 to index
        %get3A_658 = arith.constant 0 : index
        %get3A_659 = tpu.vector_load %arg9[%get3A_657, %get3A_658] {strides = array<i32>} : memref<320x64xf32, #tpu.memory_space<vmem>>, vector<16xf32>,
        %mul3A_660 = arith.constant 8.000000e+00 : f32
        %mul3A_661 = vector.broadcast %mul3A_660 : f32 to vector<16xf32>
        %mul3A_662 = arith.mulf %get3A_659, %mul3A_661 : vector<16xf32>
        %swap3A_663 = arith.index_cast %scan3A_656 : i32 to index
        %swap3A_664 = arith.constant 0 : index
        %swap3A_665 = tpu.vector_load %arg9[%swap3A_663, %swap3A_664] {strides = array<i32>} : memref<320x64xf32, #tpu.memory_space<vmem>>, vector<16xf32>,
        tpu.vector_store %arg9[%swap3A_663, %swap3A_664], %mul3A_662 {strides = array<i32>} : memref<320x64xf32, #tpu.memory_space<vmem>>, vector<16xf32>,
        %get3A_666 = arith.index_cast %scan3A_656 : i32 to index
        %get3A_667 = arith.constant 16 : index
        %get3A_668 = tpu.vector_load %arg9[%get3A_666, %get3A_667] {strides = array<i32>} : memref<320x64xf32, #tpu.memory_space<vmem>>, vector<16xf32>,
        %mul3A_669 = arith.constant 8.000000e+00 : f32
        %mul3A_670 = vector.broadcast %mul3A_669 : f32 to vector<16xf32>
        %mul3A_671 = arith.mulf %get3A_668, %mul3A_670 : vector<16xf32>
        %swap3A_672 = arith.index_cast %scan3A_656 : i32 to index
        %swap3A_673 = arith.constant 16 : index
        %swap3A_674 = tpu.vector_load %arg9[%swap3A_672, %swap3A_673] {strides = array<i32>} : memref<320x64xf32, #tpu.memory_space<vmem>>, vector<16xf32>,
        tpu.vector_store %arg9[%swap3A_672, %swap3A_673], %mul3A_671 {strides = array<i32>} : memref<320x64xf32, #tpu.memory_space<vmem>>, vector<16xf32>,
        %get3A_675 = arith.index_cast %scan3A_656 : i32 to index
        %get3A_676 = arith.constant 32 : index
        %get3A_677 = tpu.vector_load %arg9[%get3A_675, %get3A_676] {strides = array<i32>} : memref<320x64xf32, #tpu.memory_space<vmem>>, vector<16xf32>,
        %mul3A_678 = arith.constant 8.000000e+00 : f32
        %mul3A_679 = vector.broadcast %mul3A_678 : f32 to vector<16xf32>
        %mul3A_680 = arith.mulf %get3A_677, %mul3A_679 : vector<16xf32>
        %swap3A_681 = arith.index_cast %scan3A_656 : i32 to index
        %swap3A_682 = arith.constant 32 : index
        %swap3A_683 = tpu.vector_load %arg9[%swap3A_681, %swap3A_682] {strides = array<i32>} : memref<320x64xf32, #tpu.memory_space<vmem>>, vector<16xf32>,
        tpu.vector_store %arg9[%swap3A_681, %swap3A_682], %mul3A_680 {strides = array<i32>} : memref<320x64xf32, #tpu.memory_space<vmem>>, vector<16xf32>,
        %get3A_684 = arith.index_cast %scan3A_656 : i32 to index
        %get3A_685 = arith.constant 48 : index
        %get3A_686 = tpu.vector_load %arg9[%get3A_684, %get3A_685] {strides = array<i32>} : memref<320x64xf32, #tpu.memory_space<vmem>>, vector<16xf32>,
        %mul3A_687 = arith.constant 8.000000e+00 : f32
        %mul3A_688 = vector.broadcast %mul3A_687 : f32 to vector<16xf32>
        %mul3A_689 = arith.mulf %get3A_686, %mul3A_688 : vector<16xf32>
        %swap3A_690 = arith.index_cast %scan3A_656 : i32 to index
        %swap3A_691 = arith.constant 48 : index
        %swap3A_692 = tpu.vector_load %arg9[%swap3A_690, %swap3A_691] {strides = array<i32>} : memref<320x64xf32, #tpu.memory_space<vmem>>, vector<16xf32>,
        tpu.vector_store %arg9[%swap3A_690, %swap3A_691], %mul3A_689 {strides = array<i32>} : memref<320x64xf32, #tpu.memory_space<vmem>>, vector<16xf32>,
      }
      %scan3A_365 = arith.constant 320 : i32
      %mul3A_366 = arith.constant 320 : i32
      %mul3A_367 = arith.muli %add3A_353, %mul3A_366 : i32
      %add3A_368 = arith.addi %mul3A_2, %mul3A_367 : i32
      %dma_start3A_369 = arith.constant 0 : i32
      %dma_start3A_370 = tpu.memref_slice %arg4[%add3A_368, %dma_start3A_369] : memref<819200x128xf32, #tpu.memory_space<hbm>> -> memref<320x64xf32, #tpu.memory_space<hbm>>
      %dma_start3A_371 = arith.constant 0 : i32
      %dma_start3A_372 = tpu.memref_slice %arg4[%add3A_368, %dma_start3A_371] : memref<819200x128xf32, #tpu.memory_space<hbm>> -> memref<320x64xf32, #tpu.memory_space<hbm>>
      tpu.enqueue_dma source(%arg9 : memref<320x64xf32, #tpu.memory_space<vmem>>) target(%dma_start3A_372 : memref<320x64xf32, #tpu.memory_space<hbm>>) target_semaphore(%arg17 : memref<!tpu.dma_semaphore, #tpu.memory_space<semaphore_mem>>)
      %add3A_373 = arith.constant 3 : i32
      %add3A_374 = arith.addi %mul3A_232, %add3A_373 : i32
      %sub3A_375 = arith.constant 2 : i32
      %sub3A_376 = arith.subi %add3A_374, %sub3A_375 : i32
      %mul3A_377 = arith.constant 320 : i32
      %mul3A_378 = arith.muli %sub3A_376, %mul3A_377 : i32
      %add3A_379 = arith.addi %mul3A_2, %mul3A_378 : i32
      %dma_wait3A_380 = arith.constant 0 : i32
      %dma_wait3A_381 = tpu.memref_slice %arg4[%add3A_379, %dma_wait3A_380] : memref<819200x128xf32, #tpu.memory_space<hbm>> -> memref<320x64xf32, #tpu.memory_space<hbm>>
      %dma_wait3A_382 = arith.constant 0 : i32
      %dma_wait3A_383 = tpu.memref_slice %arg4[%add3A_379, %dma_wait3A_382] : memref<819200x128xf32, #tpu.memory_space<hbm>> -> memref<320x64xf32, #tpu.memory_space<hbm>>
      tpu.wait_dma2 semaphore(%arg15 : memref<!tpu.dma_semaphore, #tpu.memory_space<semaphore_mem>>) src(%arg7 : memref<320x64xf32, #tpu.memory_space<vmem>>) dst(%dma_wait3A_383 : memref<320x64xf32, #tpu.memory_space<hbm>>)
      %add3A_384 = arith.constant 2 : i32
      %add3A_385 = arith.addi %add3A_374, %add3A_384 : i32
      %mul3A_386 = arith.constant 320 : i32
      %mul3A_387 = arith.muli %add3A_385, %mul3A_386 : i32
      %dma_start3A_388 = tpu.memref_slice %arg5[%mul3A_387] : memref<25600xi32, #tpu.memory_space<vmem>> -> memref<320xi32, #tpu.memory_space<vmem>>
      %dma_start3A_389 = arith.constant 0 : i32
      %dma_start3A_390 = arith.constant 0 : i32
      %dma_start3A_391 = tpu.memref_slice %arg3[%dma_start3A_389, %dma_start3A_390] : memref<1000000x64xf32, #tpu.memory_space<hbm>> -> memref<1000000x64xf32, #tpu.memory_space<hbm>>
      tpu.enqueue_indirect_dma source(%dma_start3A_391 : memref<1000000x64xf32, #tpu.memory_space<hbm>>) target(%arg7 : memref<320x64xf32, #tpu.memory_space<vmem>>) offsets(%dma_start3A_388 : memref<320xi32, #tpu.memory_space<vmem>>) semaphore(%arg11 : memref<!tpu.dma_semaphore, #tpu.memory_space<semaphore_mem>>)
    }
    %scan3A_115 = arith.constant 18 : i32
    %dma_wait3A_116 = arith.constant 24320 : i32
    %dma_wait3A_117 = tpu.memref_slice %arg5[%dma_wait3A_116] : memref<25600xi32, #tpu.memory_space<vmem>> -> memref<320xi32, #tpu.memory_space<vmem>>
    %dma_wait3A_118 = arith.constant 0 : i32
    %dma_wait3A_119 = arith.constant 0 : i32
    %dma_wait3A_120 = tpu.memref_slice %arg3[%dma_wait3A_118, %dma_wait3A_119] : memref<1000000x64xf32, #tpu.memory_space<hbm>> -> memref<1000000x64xf32, #tpu.memory_space<hbm>>
    tpu.wait_indirect_dma semaphore(%arg10 : memref<!tpu.dma_semaphore, #tpu.memory_space<semaphore_mem>>) src(%dma_wait3A_120 : memref<1000000x64xf32, #tpu.memory_space<hbm>>) dst(%arg6 : memref<320x64xf32, #tpu.memory_space<vmem>>)
    %scan3A_121 = arith.constant 0 : i32
    %scan3A_122 = arith.constant 0 : i32
    %scan3A_123 = arith.constant 320 : i32
    %scan3A_124 = arith.addi %scan3A_122, %scan3A_123 : i32
    %scan3A_125 = arith.constant 8 : i32
    scf.for %scan3A_230 = %scan3A_122 to %scan3A_124 step %scan3A_125  : i32 {
      %get3A = arith.index_cast %scan3A_230 : i32 to index
      %get3A_231 = arith.constant 0 : index
      %get3A_232 = tpu.vector_load %arg6[%get3A, %get3A_231] {strides = array<i32>} : memref<320x64xf32, #tpu.memory_space<vmem>>, vector<16xf32>,
      %mul3A_233 = arith.constant 8.000000e+00 : f32
      %mul3A_234 = vector.broadcast %mul3A_233 : f32 to vector<16xf32>
      %mul3A_235 = arith.mulf %get3A_232, %mul3A_234 : vector<16xf32>
      %swap3A = arith.index_cast %scan3A_230 : i32 to index
      %swap3A_236 = arith.constant 0 : index
      %swap3A_237 = tpu.vector_load %arg6[%swap3A, %swap3A_236] {strides = array<i32>} : memref<320x64xf32, #tpu.memory_space<vmem>>, vector<16xf32>,
      tpu.vector_store %arg6[%swap3A, %swap3A_236], %mul3A_235 {strides = array<i32>} : memref<320x64xf32, #tpu.memory_space<vmem>>, vector<16xf32>,
      %get3A_238 = arith.index_cast %scan3A_230 : i32 to index
      %get3A_239 = arith.constant 16 : index
      %get3A_240 = tpu.vector_load %arg6[%get3A_238, %get3A_239] {strides = array<i32>} : memref<320x64xf32, #tpu.memory_space<vmem>>, vector<16xf32>,
      %mul3A_241 = arith.constant 8.000000e+00 : f32
      %mul3A_242 = vector.broadcast %mul3A_241 : f32 to vector<16xf32>
      %mul3A_243 = arith.mulf %get3A_240, %mul3A_242 : vector<16xf32>
      %swap3A_244 = arith.index_cast %scan3A_230 : i32 to index
      %swap3A_245 = arith.constant 16 : index
      %swap3A_246 = tpu.vector_load %arg6[%swap3A_244, %swap3A_245] {strides = array<i32>} : memref<320x64xf32, #tpu.memory_space<vmem>>, vector<16xf32>,
      tpu.vector_store %arg6[%swap3A_244, %swap3A_245], %mul3A_243 {strides = array<i32>} : memref<320x64xf32, #tpu.memory_space<vmem>>, vector<16xf32>,
      %get3A_247 = arith.index_cast %scan3A_230 : i32 to index
      %get3A_248 = arith.constant 32 : index
      %get3A_249 = tpu.vector_load %arg6[%get3A_247, %get3A_248] {strides = array<i32>} : memref<320x64xf32, #tpu.memory_space<vmem>>, vector<16xf32>,
      %mul3A_250 = arith.constant 8.000000e+00 : f32
      %mul3A_251 = vector.broadcast %mul3A_250 : f32 to vector<16xf32>
      %mul3A_252 = arith.mulf %get3A_249, %mul3A_251 : vector<16xf32>
      %swap3A_253 = arith.index_cast %scan3A_230 : i32 to index
      %swap3A_254 = arith.constant 32 : index
      %swap3A_255 = tpu.vector_load %arg6[%swap3A_253, %swap3A_254] {strides = array<i32>} : memref<320x64xf32, #tpu.memory_space<vmem>>, vector<16xf32>,
      tpu.vector_store %arg6[%swap3A_253, %swap3A_254], %mul3A_252 {strides = array<i32>} : memref<320x64xf32, #tpu.memory_space<vmem>>, vector<16xf32>,
      %get3A_256 = arith.index_cast %scan3A_230 : i32 to index
      %get3A_257 = arith.constant 48 : index
      %get3A_258 = tpu.vector_load %arg6[%get3A_256, %get3A_257] {strides = array<i32>} : memref<320x64xf32, #tpu.memory_space<vmem>>, vector<16xf32>,
      %mul3A_259 = arith.constant 8.000000e+00 : f32
      %mul3A_260 = vector.broadcast %mul3A_259 : f32 to vector<16xf32>
      %mul3A_261 = arith.mulf %get3A_258, %mul3A_260 : vector<16xf32>
      %swap3A_262 = arith.index_cast %scan3A_230 : i32 to index
      %swap3A_263 = arith.constant 48 : index
      %swap3A_264 = tpu.vector_load %arg6[%swap3A_262, %swap3A_263] {strides = array<i32>} : memref<320x64xf32, #tpu.memory_space<vmem>>, vector<16xf32>,
      tpu.vector_store %arg6[%swap3A_262, %swap3A_263], %mul3A_261 {strides = array<i32>} : memref<320x64xf32, #tpu.memory_space<vmem>>, vector<16xf32>,
      %scan3A_265 = arith.constant 1 : i32
      %scan3A_266 = arith.addi %scan3A_230, %scan3A_265 : i32
      %get3A_267 = arith.index_cast %scan3A_266 : i32 to index
      %get3A_268 = arith.constant 0 : index
      %get3A_269 = tpu.vector_load %arg6[%get3A_267, %get3A_268] {strides = array<i32>} : memref<320x64xf32, #tpu.memory_space<vmem>>, vector<16xf32>,
      %mul3A_270 = arith.constant 8.000000e+00 : f32
      %mul3A_271 = vector.broadcast %mul3A_270 : f32 to vector<16xf32>
      %mul3A_272 = arith.mulf %get3A_269, %mul3A_271 : vector<16xf32>
      %swap3A_273 = arith.index_cast %scan3A_266 : i32 to index
      %swap3A_274 = arith.constant 0 : index
      %swap3A_275 = tpu.vector_load %arg6[%swap3A_273, %swap3A_274] {strides = array<i32>} : memref<320x64xf32, #tpu.memory_space<vmem>>, vector<16xf32>,
      tpu.vector_store %arg6[%swap3A_273, %swap3A_274], %mul3A_272 {strides = array<i32>} : memref<320x64xf32, #tpu.memory_space<vmem>>, vector<16xf32>,
      %get3A_276 = arith.index_cast %scan3A_266 : i32 to index
      %get3A_277 = arith.constant 16 : index
      %get3A_278 = tpu.vector_load %arg6[%get3A_276, %get3A_277] {strides = array<i32>} : memref<320x64xf32, #tpu.memory_space<vmem>>, vector<16xf32>,
      %mul3A_279 = arith.constant 8.000000e+00 : f32
      %mul3A_280 = vector.broadcast %mul3A_279 : f32 to vector<16xf32>
      %mul3A_281 = arith.mulf %get3A_278, %mul3A_280 : vector<16xf32>
      %swap3A_282 = arith.index_cast %scan3A_266 : i32 to index
      %swap3A_283 = arith.constant 16 : index
      %swap3A_284 = tpu.vector_load %arg6[%swap3A_282, %swap3A_283] {strides = array<i32>} : memref<320x64xf32, #tpu.memory_space<vmem>>, vector<16xf32>,
      tpu.vector_store %arg6[%swap3A_282, %swap3A_283], %mul3A_281 {strides = array<i32>} : memref<320x64xf32, #tpu.memory_space<vmem>>, vector<16xf32>,
      %get3A_285 = arith.index_cast %scan3A_266 : i32 to index
      %get3A_286 = arith.constant 32 : index
      %get3A_287 = tpu.vector_load %arg6[%get3A_285, %get3A_286] {strides = array<i32>} : memref<320x64xf32, #tpu.memory_space<vmem>>, vector<16xf32>,
      %mul3A_288 = arith.constant 8.000000e+00 : f32
      %mul3A_289 = vector.broadcast %mul3A_288 : f32 to vector<16xf32>
      %mul3A_290 = arith.mulf %get3A_287, %mul3A_289 : vector<16xf32>
      %swap3A_291 = arith.index_cast %scan3A_266 : i32 to index
      %swap3A_292 = arith.constant 32 : index
      %swap3A_293 = tpu.vector_load %arg6[%swap3A_291, %swap3A_292] {strides = array<i32>} : memref<320x64xf32, #tpu.memory_space<vmem>>, vector<16xf32>,
      tpu.vector_store %arg6[%swap3A_291, %swap3A_292], %mul3A_290 {strides = array<i32>} : memref<320x64xf32, #tpu.memory_space<vmem>>, vector<16xf32>,
      %get3A_294 = arith.index_cast %scan3A_266 : i32 to index
      %get3A_295 = arith.constant 48 : index
      %get3A_296 = tpu.vector_load %arg6[%get3A_294, %get3A_295] {strides = array<i32>} : memref<320x64xf32, #tpu.memory_space<vmem>>, vector<16xf32>,
      %mul3A_297 = arith.constant 8.000000e+00 : f32
      %mul3A_298 = vector.broadcast %mul3A_297 : f32 to vector<16xf32>
      %mul3A_299 = arith.mulf %get3A_296, %mul3A_298 : vector<16xf32>
      %swap3A_300 = arith.index_cast %scan3A_266 : i32 to index
      %swap3A_301 = arith.constant 48 : index
      %swap3A_302 = tpu.vector_load %arg6[%swap3A_300, %swap3A_301] {strides = array<i32>} : memref<320x64xf32, #tpu.memory_space<vmem>>, vector<16xf32>,
      tpu.vector_store %arg6[%swap3A_300, %swap3A_301], %mul3A_299 {strides = array<i32>} : memref<320x64xf32, #tpu.memory_space<vmem>>, vector<16xf32>,
      %scan3A_303 = arith.constant 2 : i32
      %scan3A_304 = arith.addi %scan3A_230, %scan3A_303 : i32
      %get3A_305 = arith.index_cast %scan3A_304 : i32 to index
      %get3A_306 = arith.constant 0 : index
      %get3A_307 = tpu.vector_load %arg6[%get3A_305, %get3A_306] {strides = array<i32>} : memref<320x64xf32, #tpu.memory_space<vmem>>, vector<16xf32>,
      %mul3A_308 = arith.constant 8.000000e+00 : f32
      %mul3A_309 = vector.broadcast %mul3A_308 : f32 to vector<16xf32>
      %mul3A_310 = arith.mulf %get3A_307, %mul3A_309 : vector<16xf32>
      %swap3A_311 = arith.index_cast %scan3A_304 : i32 to index
      %swap3A_312 = arith.constant 0 : index
      %swap3A_313 = tpu.vector_load %arg6[%swap3A_311, %swap3A_312] {strides = array<i32>} : memref<320x64xf32, #tpu.memory_space<vmem>>, vector<16xf32>,
      tpu.vector_store %arg6[%swap3A_311, %swap3A_312], %mul3A_310 {strides = array<i32>} : memref<320x64xf32, #tpu.memory_space<vmem>>, vector<16xf32>,
      %get3A_314 = arith.index_cast %scan3A_304 : i32 to index
      %get3A_315 = arith.constant 16 : index
      %get3A_316 = tpu.vector_load %arg6[%get3A_314, %get3A_315] {strides = array<i32>} : memref<320x64xf32, #tpu.memory_space<vmem>>, vector<16xf32>,
      %mul3A_317 = arith.constant 8.000000e+00 : f32
      %mul3A_318 = vector.broadcast %mul3A_317 : f32 to vector<16xf32>
      %mul3A_319 = arith.mulf %get3A_316, %mul3A_318 : vector<16xf32>
      %swap3A_320 = arith.index_cast %scan3A_304 : i32 to index
      %swap3A_321 = arith.constant 16 : index
      %swap3A_322 = tpu.vector_load %arg6[%swap3A_320, %swap3A_321] {strides = array<i32>} : memref<320x64xf32, #tpu.memory_space<vmem>>, vector<16xf32>,
      tpu.vector_store %arg6[%swap3A_320, %swap3A_321], %mul3A_319 {strides = array<i32>} : memref<320x64xf32, #tpu.memory_space<vmem>>, vector<16xf32>,
      %get3A_323 = arith.index_cast %scan3A_304 : i32 to index
      %get3A_324 = arith.constant 32 : index
      %get3A_325 = tpu.vector_load %arg6[%get3A_323, %get3A_324] {strides = array<i32>} : memref<320x64xf32, #tpu.memory_space<vmem>>, vector<16xf32>,
      %mul3A_326 = arith.constant 8.000000e+00 : f32
      %mul3A_327 = vector.broadcast %mul3A_326 : f32 to vector<16xf32>
      %mul3A_328 = arith.mulf %get3A_325, %mul3A_327 : vector<16xf32>
      %swap3A_329 = arith.index_cast %scan3A_304 : i32 to index
      %swap3A_330 = arith.constant 32 : index
      %swap3A_331 = tpu.vector_load %arg6[%swap3A_329, %swap3A_330] {strides = array<i32>} : memref<320x64xf32, #tpu.memory_space<vmem>>, vector<16xf32>,
      tpu.vector_store %arg6[%swap3A_329, %swap3A_330], %mul3A_328 {strides = array<i32>} : memref<320x64xf32, #tpu.memory_space<vmem>>, vector<16xf32>,
      %get3A_332 = arith.index_cast %scan3A_304 : i32 to index
      %get3A_333 = arith.constant 48 : index
      %get3A_334 = tpu.vector_load %arg6[%get3A_332, %get3A_333] {strides = array<i32>} : memref<320x64xf32, #tpu.memory_space<vmem>>, vector<16xf32>,
      %mul3A_335 = arith.constant 8.000000e+00 : f32
      %mul3A_336 = vector.broadcast %mul3A_335 : f32 to vector<16xf32>
      %mul3A_337 = arith.mulf %get3A_334, %mul3A_336 : vector<16xf32>
      %swap3A_338 = arith.index_cast %scan3A_304 : i32 to index
      %swap3A_339 = arith.constant 48 : index
      %swap3A_340 = tpu.vector_load %arg6[%swap3A_338, %swap3A_339] {strides = array<i32>} : memref<320x64xf32, #tpu.memory_space<vmem>>, vector<16xf32>,
      tpu.vector_store %arg6[%swap3A_338, %swap3A_339], %mul3A_337 {strides = array<i32>} : memref<320x64xf32, #tpu.memory_space<vmem>>, vector<16xf32>,
      %scan3A_341 = arith.constant 3 : i32
      %scan3A_342 = arith.addi %scan3A_230, %scan3A_341 : i32
      %get3A_343 = arith.index_cast %scan3A_342 : i32 to index
      %get3A_344 = arith.constant 0 : index
      %get3A_345 = tpu.vector_load %arg6[%get3A_343, %get3A_344] {strides = array<i32>} : memref<320x64xf32, #tpu.memory_space<vmem>>, vector<16xf32>,
      %mul3A_346 = arith.constant 8.000000e+00 : f32
      %mul3A_347 = vector.broadcast %mul3A_346 : f32 to vector<16xf32>
      %mul3A_348 = arith.mulf %get3A_345, %mul3A_347 : vector<16xf32>
      %swap3A_349 = arith.index_cast %scan3A_342 : i32 to index
      %swap3A_350 = arith.constant 0 : index
      %swap3A_351 = tpu.vector_load %arg6[%swap3A_349, %swap3A_350] {strides = array<i32>} : memref<320x64xf32, #tpu.memory_space<vmem>>, vector<16xf32>,
      tpu.vector_store %arg6[%swap3A_349, %swap3A_350], %mul3A_348 {strides = array<i32>} : memref<320x64xf32, #tpu.memory_space<vmem>>, vector<16xf32>,
      %get3A_352 = arith.index_cast %scan3A_342 : i32 to index
      %get3A_353 = arith.constant 16 : index
      %get3A_354 = tpu.vector_load %arg6[%get3A_352, %get3A_353] {strides = array<i32>} : memref<320x64xf32, #tpu.memory_space<vmem>>, vector<16xf32>,
      %mul3A_355 = arith.constant 8.000000e+00 : f32
      %mul3A_356 = vector.broadcast %mul3A_355 : f32 to vector<16xf32>
      %mul3A_357 = arith.mulf %get3A_354, %mul3A_356 : vector<16xf32>
      %swap3A_358 = arith.index_cast %scan3A_342 : i32 to index
      %swap3A_359 = arith.constant 16 : index
      %swap3A_360 = tpu.vector_load %arg6[%swap3A_358, %swap3A_359] {strides = array<i32>} : memref<320x64xf32, #tpu.memory_space<vmem>>, vector<16xf32>,
      tpu.vector_store %arg6[%swap3A_358, %swap3A_359], %mul3A_357 {strides = array<i32>} : memref<320x64xf32, #tpu.memory_space<vmem>>, vector<16xf32>,
      %get3A_361 = arith.index_cast %scan3A_342 : i32 to index
      %get3A_362 = arith.constant 32 : index
      %get3A_363 = tpu.vector_load %arg6[%get3A_361, %get3A_362] {strides = array<i32>} : memref<320x64xf32, #tpu.memory_space<vmem>>, vector<16xf32>,
      %mul3A_364 = arith.constant 8.000000e+00 : f32
      %mul3A_365 = vector.broadcast %mul3A_364 : f32 to vector<16xf32>
      %mul3A_366 = arith.mulf %get3A_363, %mul3A_365 : vector<16xf32>
      %swap3A_367 = arith.index_cast %scan3A_342 : i32 to index
      %swap3A_368 = arith.constant 32 : index
      %swap3A_369 = tpu.vector_load %arg6[%swap3A_367, %swap3A_368] {strides = array<i32>} : memref<320x64xf32, #tpu.memory_space<vmem>>, vector<16xf32>,
      tpu.vector_store %arg6[%swap3A_367, %swap3A_368], %mul3A_366 {strides = array<i32>} : memref<320x64xf32, #tpu.memory_space<vmem>>, vector<16xf32>,
      %get3A_370 = arith.index_cast %scan3A_342 : i32 to index
      %get3A_371 = arith.constant 48 : index
      %get3A_372 = tpu.vector_load %arg6[%get3A_370, %get3A_371] {strides = array<i32>} : memref<320x64xf32, #tpu.memory_space<vmem>>, vector<16xf32>,
      %mul3A_373 = arith.constant 8.000000e+00 : f32
      %mul3A_374 = vector.broadcast %mul3A_373 : f32 to vector<16xf32>
      %mul3A_375 = arith.mulf %get3A_372, %mul3A_374 : vector<16xf32>
      %swap3A_376 = arith.index_cast %scan3A_342 : i32 to index
      %swap3A_377 = arith.constant 48 : index
      %swap3A_378 = tpu.vector_load %arg6[%swap3A_376, %swap3A_377] {strides = array<i32>} : memref<320x64xf32, #tpu.memory_space<vmem>>, vector<16xf32>,
      tpu.vector_store %arg6[%swap3A_376, %swap3A_377], %mul3A_375 {strides = array<i32>} : memref<320x64xf32, #tpu.memory_space<vmem>>, vector<16xf32>,
      %scan3A_379 = arith.constant 4 : i32
      %scan3A_380 = arith.addi %scan3A_230, %scan3A_379 : i32
      %get3A_381 = arith.index_cast %scan3A_380 : i32 to index
      %get3A_382 = arith.constant 0 : index
      %get3A_383 = tpu.vector_load %arg6[%get3A_381, %get3A_382] {strides = array<i32>} : memref<320x64xf32, #tpu.memory_space<vmem>>, vector<16xf32>,
      %mul3A_384 = arith.constant 8.000000e+00 : f32
      %mul3A_385 = vector.broadcast %mul3A_384 : f32 to vector<16xf32>
      %mul3A_386 = arith.mulf %get3A_383, %mul3A_385 : vector<16xf32>
      %swap3A_387 = arith.index_cast %scan3A_380 : i32 to index
      %swap3A_388 = arith.constant 0 : index
      %swap3A_389 = tpu.vector_load %arg6[%swap3A_387, %swap3A_388] {strides = array<i32>} : memref<320x64xf32, #tpu.memory_space<vmem>>, vector<16xf32>,
      tpu.vector_store %arg6[%swap3A_387, %swap3A_388], %mul3A_386 {strides = array<i32>} : memref<320x64xf32, #tpu.memory_space<vmem>>, vector<16xf32>,
      %get3A_390 = arith.index_cast %scan3A_380 : i32 to index
      %get3A_391 = arith.constant 16 : index
      %get3A_392 = tpu.vector_load %arg6[%get3A_390, %get3A_391] {strides = array<i32>} : memref<320x64xf32, #tpu.memory_space<vmem>>, vector<16xf32>,
      %mul3A_393 = arith.constant 8.000000e+00 : f32
      %mul3A_394 = vector.broadcast %mul3A_393 : f32 to vector<16xf32>
      %mul3A_395 = arith.mulf %get3A_392, %mul3A_394 : vector<16xf32>
      %swap3A_396 = arith.index_cast %scan3A_380 : i32 to index
      %swap3A_397 = arith.constant 16 : index
      %swap3A_398 = tpu.vector_load %arg6[%swap3A_396, %swap3A_397] {strides = array<i32>} : memref<320x64xf32, #tpu.memory_space<vmem>>, vector<16xf32>,
      tpu.vector_store %arg6[%swap3A_396, %swap3A_397], %mul3A_395 {strides = array<i32>} : memref<320x64xf32, #tpu.memory_space<vmem>>, vector<16xf32>,
      %get3A_399 = arith.index_cast %scan3A_380 : i32 to index
      %get3A_400 = arith.constant 32 : index
      %get3A_401 = tpu.vector_load %arg6[%get3A_399, %get3A_400] {strides = array<i32>} : memref<320x64xf32, #tpu.memory_space<vmem>>, vector<16xf32>,
      %mul3A_402 = arith.constant 8.000000e+00 : f32
      %mul3A_403 = vector.broadcast %mul3A_402 : f32 to vector<16xf32>
      %mul3A_404 = arith.mulf %get3A_401, %mul3A_403 : vector<16xf32>
      %swap3A_405 = arith.index_cast %scan3A_380 : i32 to index
      %swap3A_406 = arith.constant 32 : index
      %swap3A_407 = tpu.vector_load %arg6[%swap3A_405, %swap3A_406] {strides = array<i32>} : memref<320x64xf32, #tpu.memory_space<vmem>>, vector<16xf32>,
      tpu.vector_store %arg6[%swap3A_405, %swap3A_406], %mul3A_404 {strides = array<i32>} : memref<320x64xf32, #tpu.memory_space<vmem>>, vector<16xf32>,
      %get3A_408 = arith.index_cast %scan3A_380 : i32 to index
      %get3A_409 = arith.constant 48 : index
      %get3A_410 = tpu.vector_load %arg6[%get3A_408, %get3A_409] {strides = array<i32>} : memref<320x64xf32, #tpu.memory_space<vmem>>, vector<16xf32>,
      %mul3A_411 = arith.constant 8.000000e+00 : f32
      %mul3A_412 = vector.broadcast %mul3A_411 : f32 to vector<16xf32>
      %mul3A_413 = arith.mulf %get3A_410, %mul3A_412 : vector<16xf32>
      %swap3A_414 = arith.index_cast %scan3A_380 : i32 to index
      %swap3A_415 = arith.constant 48 : index
      %swap3A_416 = tpu.vector_load %arg6[%swap3A_414, %swap3A_415] {strides = array<i32>} : memref<320x64xf32, #tpu.memory_space<vmem>>, vector<16xf32>,
      tpu.vector_store %arg6[%swap3A_414, %swap3A_415], %mul3A_413 {strides = array<i32>} : memref<320x64xf32, #tpu.memory_space<vmem>>, vector<16xf32>,
      %scan3A_417 = arith.constant 5 : i32
      %scan3A_418 = arith.addi %scan3A_230, %scan3A_417 : i32
      %get3A_419 = arith.index_cast %scan3A_418 : i32 to index
      %get3A_420 = arith.constant 0 : index
      %get3A_421 = tpu.vector_load %arg6[%get3A_419, %get3A_420] {strides = array<i32>} : memref<320x64xf32, #tpu.memory_space<vmem>>, vector<16xf32>,
      %mul3A_422 = arith.constant 8.000000e+00 : f32
      %mul3A_423 = vector.broadcast %mul3A_422 : f32 to vector<16xf32>
      %mul3A_424 = arith.mulf %get3A_421, %mul3A_423 : vector<16xf32>
      %swap3A_425 = arith.index_cast %scan3A_418 : i32 to index
      %swap3A_426 = arith.constant 0 : index
      %swap3A_427 = tpu.vector_load %arg6[%swap3A_425, %swap3A_426] {strides = array<i32>} : memref<320x64xf32, #tpu.memory_space<vmem>>, vector<16xf32>,
      tpu.vector_store %arg6[%swap3A_425, %swap3A_426], %mul3A_424 {strides = array<i32>} : memref<320x64xf32, #tpu.memory_space<vmem>>, vector<16xf32>,
      %get3A_428 = arith.index_cast %scan3A_418 : i32 to index
      %get3A_429 = arith.constant 16 : index
      %get3A_430 = tpu.vector_load %arg6[%get3A_428, %get3A_429] {strides = array<i32>} : memref<320x64xf32, #tpu.memory_space<vmem>>, vector<16xf32>,
      %mul3A_431 = arith.constant 8.000000e+00 : f32
      %mul3A_432 = vector.broadcast %mul3A_431 : f32 to vector<16xf32>
      %mul3A_433 = arith.mulf %get3A_430, %mul3A_432 : vector<16xf32>
      %swap3A_434 = arith.index_cast %scan3A_418 : i32 to index
      %swap3A_435 = arith.constant 16 : index
      %swap3A_436 = tpu.vector_load %arg6[%swap3A_434, %swap3A_435] {strides = array<i32>} : memref<320x64xf32, #tpu.memory_space<vmem>>, vector<16xf32>,
      tpu.vector_store %arg6[%swap3A_434, %swap3A_435], %mul3A_433 {strides = array<i32>} : memref<320x64xf32, #tpu.memory_space<vmem>>, vector<16xf32>,
      %get3A_437 = arith.index_cast %scan3A_418 : i32 to index
      %get3A_438 = arith.constant 32 : index
      %get3A_439 = tpu.vector_load %arg6[%get3A_437, %get3A_438] {strides = array<i32>} : memref<320x64xf32, #tpu.memory_space<vmem>>, vector<16xf32>,
      %mul3A_440 = arith.constant 8.000000e+00 : f32
      %mul3A_441 = vector.broadcast %mul3A_440 : f32 to vector<16xf32>
      %mul3A_442 = arith.mulf %get3A_439, %mul3A_441 : vector<16xf32>
      %swap3A_443 = arith.index_cast %scan3A_418 : i32 to index
      %swap3A_444 = arith.constant 32 : index
      %swap3A_445 = tpu.vector_load %arg6[%swap3A_443, %swap3A_444] {strides = array<i32>} : memref<320x64xf32, #tpu.memory_space<vmem>>, vector<16xf32>,
      tpu.vector_store %arg6[%swap3A_443, %swap3A_444], %mul3A_442 {strides = array<i32>} : memref<320x64xf32, #tpu.memory_space<vmem>>, vector<16xf32>,
      %get3A_446 = arith.index_cast %scan3A_418 : i32 to index
      %get3A_447 = arith.constant 48 : index
      %get3A_448 = tpu.vector_load %arg6[%get3A_446, %get3A_447] {strides = array<i32>} : memref<320x64xf32, #tpu.memory_space<vmem>>, vector<16xf32>,
      %mul3A_449 = arith.constant 8.000000e+00 : f32
      %mul3A_450 = vector.broadcast %mul3A_449 : f32 to vector<16xf32>
      %mul3A_451 = arith.mulf %get3A_448, %mul3A_450 : vector<16xf32>
      %swap3A_452 = arith.index_cast %scan3A_418 : i32 to index
      %swap3A_453 = arith.constant 48 : index
      %swap3A_454 = tpu.vector_load %arg6[%swap3A_452, %swap3A_453] {strides = array<i32>} : memref<320x64xf32, #tpu.memory_space<vmem>>, vector<16xf32>,
      tpu.vector_store %arg6[%swap3A_452, %swap3A_453], %mul3A_451 {strides = array<i32>} : memref<320x64xf32, #tpu.memory_space<vmem>>, vector<16xf32>,
      %scan3A_455 = arith.constant 6 : i32
      %scan3A_456 = arith.addi %scan3A_230, %scan3A_455 : i32
      %get3A_457 = arith.index_cast %scan3A_456 : i32 to index
      %get3A_458 = arith.constant 0 : index
      %get3A_459 = tpu.vector_load %arg6[%get3A_457, %get3A_458] {strides = array<i32>} : memref<320x64xf32, #tpu.memory_space<vmem>>, vector<16xf32>,
      %mul3A_460 = arith.constant 8.000000e+00 : f32
      %mul3A_461 = vector.broadcast %mul3A_460 : f32 to vector<16xf32>
      %mul3A_462 = arith.mulf %get3A_459, %mul3A_461 : vector<16xf32>
      %swap3A_463 = arith.index_cast %scan3A_456 : i32 to index
      %swap3A_464 = arith.constant 0 : index
      %swap3A_465 = tpu.vector_load %arg6[%swap3A_463, %swap3A_464] {strides = array<i32>} : memref<320x64xf32, #tpu.memory_space<vmem>>, vector<16xf32>,
      tpu.vector_store %arg6[%swap3A_463, %swap3A_464], %mul3A_462 {strides = array<i32>} : memref<320x64xf32, #tpu.memory_space<vmem>>, vector<16xf32>,
      %get3A_466 = arith.index_cast %scan3A_456 : i32 to index
      %get3A_467 = arith.constant 16 : index
      %get3A_468 = tpu.vector_load %arg6[%get3A_466, %get3A_467] {strides = array<i32>} : memref<320x64xf32, #tpu.memory_space<vmem>>, vector<16xf32>,
      %mul3A_469 = arith.constant 8.000000e+00 : f32
      %mul3A_470 = vector.broadcast %mul3A_469 : f32 to vector<16xf32>
      %mul3A_471 = arith.mulf %get3A_468, %mul3A_470 : vector<16xf32>
      %swap3A_472 = arith.index_cast %scan3A_456 : i32 to index
      %swap3A_473 = arith.constant 16 : index
      %swap3A_474 = tpu.vector_load %arg6[%swap3A_472, %swap3A_473] {strides = array<i32>} : memref<320x64xf32, #tpu.memory_space<vmem>>, vector<16xf32>,
      tpu.vector_store %arg6[%swap3A_472, %swap3A_473], %mul3A_471 {strides = array<i32>} : memref<320x64xf32, #tpu.memory_space<vmem>>, vector<16xf32>,
      %get3A_475 = arith.index_cast %scan3A_456 : i32 to index
      %get3A_476 = arith.constant 32 : index
      %get3A_477 = tpu.vector_load %arg6[%get3A_475, %get3A_476] {strides = array<i32>} : memref<320x64xf32, #tpu.memory_space<vmem>>, vector<16xf32>,
      %mul3A_478 = arith.constant 8.000000e+00 : f32
      %mul3A_479 = vector.broadcast %mul3A_478 : f32 to vector<16xf32>
      %mul3A_480 = arith.mulf %get3A_477, %mul3A_479 : vector<16xf32>
      %swap3A_481 = arith.index_cast %scan3A_456 : i32 to index
      %swap3A_482 = arith.constant 32 : index
      %swap3A_483 = tpu.vector_load %arg6[%swap3A_481, %swap3A_482] {strides = array<i32>} : memref<320x64xf32, #tpu.memory_space<vmem>>, vector<16xf32>,
      tpu.vector_store %arg6[%swap3A_481, %swap3A_482], %mul3A_480 {strides = array<i32>} : memref<320x64xf32, #tpu.memory_space<vmem>>, vector<16xf32>,
      %get3A_484 = arith.index_cast %scan3A_456 : i32 to index
      %get3A_485 = arith.constant 48 : index
      %get3A_486 = tpu.vector_load %arg6[%get3A_484, %get3A_485] {strides = array<i32>} : memref<320x64xf32, #tpu.memory_space<vmem>>, vector<16xf32>,
      %mul3A_487 = arith.constant 8.000000e+00 : f32
      %mul3A_488 = vector.broadcast %mul3A_487 : f32 to vector<16xf32>
      %mul3A_489 = arith.mulf %get3A_486, %mul3A_488 : vector<16xf32>
      %swap3A_490 = arith.index_cast %scan3A_456 : i32 to index
      %swap3A_491 = arith.constant 48 : index
      %swap3A_492 = tpu.vector_load %arg6[%swap3A_490, %swap3A_491] {strides = array<i32>} : memref<320x64xf32, #tpu.memory_space<vmem>>, vector<16xf32>,
      tpu.vector_store %arg6[%swap3A_490, %swap3A_491], %mul3A_489 {strides = array<i32>} : memref<320x64xf32, #tpu.memory_space<vmem>>, vector<16xf32>,
      %scan3A_493 = arith.constant 7 : i32
      %scan3A_494 = arith.addi %scan3A_230, %scan3A_493 : i32
      %get3A_495 = arith.index_cast %scan3A_494 : i32 to index
      %get3A_496 = arith.constant 0 : index
      %get3A_497 = tpu.vector_load %arg6[%get3A_495, %get3A_496] {strides = array<i32>} : memref<320x64xf32, #tpu.memory_space<vmem>>, vector<16xf32>,
      %mul3A_498 = arith.constant 8.000000e+00 : f32
      %mul3A_499 = vector.broadcast %mul3A_498 : f32 to vector<16xf32>
      %mul3A_500 = arith.mulf %get3A_497, %mul3A_499 : vector<16xf32>
      %swap3A_501 = arith.index_cast %scan3A_494 : i32 to index
      %swap3A_502 = arith.constant 0 : index
      %swap3A_503 = tpu.vector_load %arg6[%swap3A_501, %swap3A_502] {strides = array<i32>} : memref<320x64xf32, #tpu.memory_space<vmem>>, vector<16xf32>,
      tpu.vector_store %arg6[%swap3A_501, %swap3A_502], %mul3A_500 {strides = array<i32>} : memref<320x64xf32, #tpu.memory_space<vmem>>, vector<16xf32>,
      %get3A_504 = arith.index_cast %scan3A_494 : i32 to index
      %get3A_505 = arith.constant 16 : index
      %get3A_506 = tpu.vector_load %arg6[%get3A_504, %get3A_505] {strides = array<i32>} : memref<320x64xf32, #tpu.memory_space<vmem>>, vector<16xf32>,
      %mul3A_507 = arith.constant 8.000000e+00 : f32
      %mul3A_508 = vector.broadcast %mul3A_507 : f32 to vector<16xf32>
      %mul3A_509 = arith.mulf %get3A_506, %mul3A_508 : vector<16xf32>
      %swap3A_510 = arith.index_cast %scan3A_494 : i32 to index
      %swap3A_511 = arith.constant 16 : index
      %swap3A_512 = tpu.vector_load %arg6[%swap3A_510, %swap3A_511] {strides = array<i32>} : memref<320x64xf32, #tpu.memory_space<vmem>>, vector<16xf32>,
      tpu.vector_store %arg6[%swap3A_510, %swap3A_511], %mul3A_509 {strides = array<i32>} : memref<320x64xf32, #tpu.memory_space<vmem>>, vector<16xf32>,
      %get3A_513 = arith.index_cast %scan3A_494 : i32 to index
      %get3A_514 = arith.constant 32 : index
      %get3A_515 = tpu.vector_load %arg6[%get3A_513, %get3A_514] {strides = array<i32>} : memref<320x64xf32, #tpu.memory_space<vmem>>, vector<16xf32>,
      %mul3A_516 = arith.constant 8.000000e+00 : f32
      %mul3A_517 = vector.broadcast %mul3A_516 : f32 to vector<16xf32>
      %mul3A_518 = arith.mulf %get3A_515, %mul3A_517 : vector<16xf32>
      %swap3A_519 = arith.index_cast %scan3A_494 : i32 to index
      %swap3A_520 = arith.constant 32 : index
      %swap3A_521 = tpu.vector_load %arg6[%swap3A_519, %swap3A_520] {strides = array<i32>} : memref<320x64xf32, #tpu.memory_space<vmem>>, vector<16xf32>,
      tpu.vector_store %arg6[%swap3A_519, %swap3A_520], %mul3A_518 {strides = array<i32>} : memref<320x64xf32, #tpu.memory_space<vmem>>, vector<16xf32>,
      %get3A_522 = arith.index_cast %scan3A_494 : i32 to index
      %get3A_523 = arith.constant 48 : index
      %get3A_524 = tpu.vector_load %arg6[%get3A_522, %get3A_523] {strides = array<i32>} : memref<320x64xf32, #tpu.memory_space<vmem>>, vector<16xf32>,
      %mul3A_525 = arith.constant 8.000000e+00 : f32
      %mul3A_526 = vector.broadcast %mul3A_525 : f32 to vector<16xf32>
      %mul3A_527 = arith.mulf %get3A_524, %mul3A_526 : vector<16xf32>
      %swap3A_528 = arith.index_cast %scan3A_494 : i32 to index
      %swap3A_529 = arith.constant 48 : index
      %swap3A_530 = tpu.vector_load %arg6[%swap3A_528, %swap3A_529] {strides = array<i32>} : memref<320x64xf32, #tpu.memory_space<vmem>>, vector<16xf32>,
      tpu.vector_store %arg6[%swap3A_528, %swap3A_529], %mul3A_527 {strides = array<i32>} : memref<320x64xf32, #tpu.memory_space<vmem>>, vector<16xf32>,
    }
    %scan3A_126 = arith.constant 320 : i32
    %add3A_127 = arith.constant 24320 : i32
    %add3A_128 = arith.addi %mul3A_2, %add3A_127 : i32
    %dma_start3A_129 = arith.constant 0 : i32
    %dma_start3A_130 = tpu.memref_slice %arg4[%add3A_128, %dma_start3A_129] : memref<819200x128xf32, #tpu.memory_space<hbm>> -> memref<320x64xf32, #tpu.memory_space<hbm>>
    %dma_start3A_131 = arith.constant 0 : i32
    %dma_start3A_132 = tpu.memref_slice %arg4[%add3A_128, %dma_start3A_131] : memref<819200x128xf32, #tpu.memory_space<hbm>> -> memref<320x64xf32, #tpu.memory_space<hbm>>
    tpu.enqueue_dma source(%arg6 : memref<320x64xf32, #tpu.memory_space<vmem>>) target(%dma_start3A_132 : memref<320x64xf32, #tpu.memory_space<hbm>>) target_semaphore(%arg14 : memref<!tpu.dma_semaphore, #tpu.memory_space<semaphore_mem>>)
    %add3A_133 = arith.constant 23680 : i32
    %add3A_134 = arith.addi %mul3A_2, %add3A_133 : i32
    %dma_wait3A_135 = arith.constant 0 : i32
    %dma_wait3A_136 = tpu.memref_slice %arg4[%add3A_134, %dma_wait3A_135] : memref<819200x128xf32, #tpu.memory_space<hbm>> -> memref<320x64xf32, #tpu.memory_space<hbm>>
    %dma_wait3A_137 = arith.constant 0 : i32
    %dma_wait3A_138 = tpu.memref_slice %arg4[%add3A_134, %dma_wait3A_137] : memref<819200x128xf32, #tpu.memory_space<hbm>> -> memref<320x64xf32, #tpu.memory_space<hbm>>
    tpu.wait_dma2 semaphore(%arg16 : memref<!tpu.dma_semaphore, #tpu.memory_space<semaphore_mem>>) src(%arg8 : memref<320x64xf32, #tpu.memory_space<vmem>>) dst(%dma_wait3A_138 : memref<320x64xf32, #tpu.memory_space<hbm>>)
    %dma_start3A_139 = arith.constant 24960 : i32
    %dma_start3A_140 = tpu.memref_slice %arg5[%dma_start3A_139] : memref<25600xi32, #tpu.memory_space<vmem>> -> memref<320xi32, #tpu.memory_space<vmem>>
    %dma_start3A_141 = arith.constant 0 : i32
    %dma_start3A_142 = arith.constant 0 : i32
    %dma_start3A_143 = tpu.memref_slice %arg3[%dma_start3A_141, %dma_start3A_142] : memref<1000000x64xf32, #tpu.memory_space<hbm>> -> memref<1000000x64xf32, #tpu.memory_space<hbm>>
    tpu.enqueue_indirect_dma source(%dma_start3A_143 : memref<1000000x64xf32, #tpu.memory_space<hbm>>) target(%arg8 : memref<320x64xf32, #tpu.memory_space<vmem>>) offsets(%dma_start3A_140 : memref<320xi32, #tpu.memory_space<vmem>>) semaphore(%arg12 : memref<!tpu.dma_semaphore, #tpu.memory_space<semaphore_mem>>)
    %dma_wait3A_144 = arith.constant 24640 : i32
    %dma_wait3A_145 = tpu.memref_slice %arg5[%dma_wait3A_144] : memref<25600xi32, #tpu.memory_space<vmem>> -> memref<320xi32, #tpu.memory_space<vmem>>
    %dma_wait3A_146 = arith.constant 0 : i32
    %dma_wait3A_147 = arith.constant 0 : i32
    %dma_wait3A_148 = tpu.memref_slice %arg3[%dma_wait3A_146, %dma_wait3A_147] : memref<1000000x64xf32, #tpu.memory_space<hbm>> -> memref<1000000x64xf32, #tpu.memory_space<hbm>>
    tpu.wait_indirect_dma semaphore(%arg11 : memref<!tpu.dma_semaphore, #tpu.memory_space<semaphore_mem>>) src(%dma_wait3A_148 : memref<1000000x64xf32, #tpu.memory_space<hbm>>) dst(%arg7 : memref<320x64xf32, #tpu.memory_space<vmem>>)
    %scan3A_149 = arith.constant 0 : i32
    %scan3A_150 = arith.constant 0 : i32
    %scan3A_151 = arith.constant 320 : i32
    %scan3A_152 = arith.addi %scan3A_150, %scan3A_151 : i32
    %scan3A_153 = arith.constant 8 : i32
    scf.for %scan3A_230 = %scan3A_150 to %scan3A_152 step %scan3A_153  : i32 {
      %get3A = arith.index_cast %scan3A_230 : i32 to index
      %get3A_231 = arith.constant 0 : index
      %get3A_232 = tpu.vector_load %arg7[%get3A, %get3A_231] {strides = array<i32>} : memref<320x64xf32, #tpu.memory_space<vmem>>, vector<16xf32>,
      %mul3A_233 = arith.constant 8.000000e+00 : f32
      %mul3A_234 = vector.broadcast %mul3A_233 : f32 to vector<16xf32>
      %mul3A_235 = arith.mulf %get3A_232, %mul3A_234 : vector<16xf32>
      %swap3A = arith.index_cast %scan3A_230 : i32 to index
      %swap3A_236 = arith.constant 0 : index
      %swap3A_237 = tpu.vector_load %arg7[%swap3A, %swap3A_236] {strides = array<i32>} : memref<320x64xf32, #tpu.memory_space<vmem>>, vector<16xf32>,
      tpu.vector_store %arg7[%swap3A, %swap3A_236], %mul3A_235 {strides = array<i32>} : memref<320x64xf32, #tpu.memory_space<vmem>>, vector<16xf32>,
      %get3A_238 = arith.index_cast %scan3A_230 : i32 to index
      %get3A_239 = arith.constant 16 : index
      %get3A_240 = tpu.vector_load %arg7[%get3A_238, %get3A_239] {strides = array<i32>} : memref<320x64xf32, #tpu.memory_space<vmem>>, vector<16xf32>,
      %mul3A_241 = arith.constant 8.000000e+00 : f32
      %mul3A_242 = vector.broadcast %mul3A_241 : f32 to vector<16xf32>
      %mul3A_243 = arith.mulf %get3A_240, %mul3A_242 : vector<16xf32>
      %swap3A_244 = arith.index_cast %scan3A_230 : i32 to index
      %swap3A_245 = arith.constant 16 : index
      %swap3A_246 = tpu.vector_load %arg7[%swap3A_244, %swap3A_245] {strides = array<i32>} : memref<320x64xf32, #tpu.memory_space<vmem>>, vector<16xf32>,
      tpu.vector_store %arg7[%swap3A_244, %swap3A_245], %mul3A_243 {strides = array<i32>} : memref<320x64xf32, #tpu.memory_space<vmem>>, vector<16xf32>,
      %get3A_247 = arith.index_cast %scan3A_230 : i32 to index
      %get3A_248 = arith.constant 32 : index
      %get3A_249 = tpu.vector_load %arg7[%get3A_247, %get3A_248] {strides = array<i32>} : memref<320x64xf32, #tpu.memory_space<vmem>>, vector<16xf32>,
      %mul3A_250 = arith.constant 8.000000e+00 : f32
      %mul3A_251 = vector.broadcast %mul3A_250 : f32 to vector<16xf32>
      %mul3A_252 = arith.mulf %get3A_249, %mul3A_251 : vector<16xf32>
      %swap3A_253 = arith.index_cast %scan3A_230 : i32 to index
      %swap3A_254 = arith.constant 32 : index
      %swap3A_255 = tpu.vector_load %arg7[%swap3A_253, %swap3A_254] {strides = array<i32>} : memref<320x64xf32, #tpu.memory_space<vmem>>, vector<16xf32>,
      tpu.vector_store %arg7[%swap3A_253, %swap3A_254], %mul3A_252 {strides = array<i32>} : memref<320x64xf32, #tpu.memory_space<vmem>>, vector<16xf32>,
      %get3A_256 = arith.index_cast %scan3A_230 : i32 to index
      %get3A_257 = arith.constant 48 : index
      %get3A_258 = tpu.vector_load %arg7[%get3A_256, %get3A_257] {strides = array<i32>} : memref<320x64xf32, #tpu.memory_space<vmem>>, vector<16xf32>,
      %mul3A_259 = arith.constant 8.000000e+00 : f32
      %mul3A_260 = vector.broadcast %mul3A_259 : f32 to vector<16xf32>
      %mul3A_261 = arith.mulf %get3A_258, %mul3A_260 : vector<16xf32>
      %swap3A_262 = arith.index_cast %scan3A_230 : i32 to index
      %swap3A_263 = arith.constant 48 : index
      %swap3A_264 = tpu.vector_load %arg7[%swap3A_262, %swap3A_263] {strides = array<i32>} : memref<320x64xf32, #tpu.memory_space<vmem>>, vector<16xf32>,
      tpu.vector_store %arg7[%swap3A_262, %swap3A_263], %mul3A_261 {strides = array<i32>} : memref<320x64xf32, #tpu.memory_space<vmem>>, vector<16xf32>,
      %scan3A_265 = arith.constant 1 : i32
      %scan3A_266 = arith.addi %scan3A_230, %scan3A_265 : i32
      %get3A_267 = arith.index_cast %scan3A_266 : i32 to index
      %get3A_268 = arith.constant 0 : index
      %get3A_269 = tpu.vector_load %arg7[%get3A_267, %get3A_268] {strides = array<i32>} : memref<320x64xf32, #tpu.memory_space<vmem>>, vector<16xf32>,
      %mul3A_270 = arith.constant 8.000000e+00 : f32
      %mul3A_271 = vector.broadcast %mul3A_270 : f32 to vector<16xf32>
      %mul3A_272 = arith.mulf %get3A_269, %mul3A_271 : vector<16xf32>
      %swap3A_273 = arith.index_cast %scan3A_266 : i32 to index
      %swap3A_274 = arith.constant 0 : index
      %swap3A_275 = tpu.vector_load %arg7[%swap3A_273, %swap3A_274] {strides = array<i32>} : memref<320x64xf32, #tpu.memory_space<vmem>>, vector<16xf32>,
      tpu.vector_store %arg7[%swap3A_273, %swap3A_274], %mul3A_272 {strides = array<i32>} : memref<320x64xf32, #tpu.memory_space<vmem>>, vector<16xf32>,
      %get3A_276 = arith.index_cast %scan3A_266 : i32 to index
      %get3A_277 = arith.constant 16 : index
      %get3A_278 = tpu.vector_load %arg7[%get3A_276, %get3A_277] {strides = array<i32>} : memref<320x64xf32, #tpu.memory_space<vmem>>, vector<16xf32>,
      %mul3A_279 = arith.constant 8.000000e+00 : f32
      %mul3A_280 = vector.broadcast %mul3A_279 : f32 to vector<16xf32>
      %mul3A_281 = arith.mulf %get3A_278, %mul3A_280 : vector<16xf32>
      %swap3A_282 = arith.index_cast %scan3A_266 : i32 to index
      %swap3A_283 = arith.constant 16 : index
      %swap3A_284 = tpu.vector_load %arg7[%swap3A_282, %swap3A_283] {strides = array<i32>} : memref<320x64xf32, #tpu.memory_space<vmem>>, vector<16xf32>,
      tpu.vector_store %arg7[%swap3A_282, %swap3A_283], %mul3A_281 {strides = array<i32>} : memref<320x64xf32, #tpu.memory_space<vmem>>, vector<16xf32>,
      %get3A_285 = arith.index_cast %scan3A_266 : i32 to index
      %get3A_286 = arith.constant 32 : index
      %get3A_287 = tpu.vector_load %arg7[%get3A_285, %get3A_286] {strides = array<i32>} : memref<320x64xf32, #tpu.memory_space<vmem>>, vector<16xf32>,
      %mul3A_288 = arith.constant 8.000000e+00 : f32
      %mul3A_289 = vector.broadcast %mul3A_288 : f32 to vector<16xf32>
      %mul3A_290 = arith.mulf %get3A_287, %mul3A_289 : vector<16xf32>
      %swap3A_291 = arith.index_cast %scan3A_266 : i32 to index
      %swap3A_292 = arith.constant 32 : index
      %swap3A_293 = tpu.vector_load %arg7[%swap3A_291, %swap3A_292] {strides = array<i32>} : memref<320x64xf32, #tpu.memory_space<vmem>>, vector<16xf32>,
      tpu.vector_store %arg7[%swap3A_291, %swap3A_292], %mul3A_290 {strides = array<i32>} : memref<320x64xf32, #tpu.memory_space<vmem>>, vector<16xf32>,
      %get3A_294 = arith.index_cast %scan3A_266 : i32 to index
      %get3A_295 = arith.constant 48 : index
      %get3A_296 = tpu.vector_load %arg7[%get3A_294, %get3A_295] {strides = array<i32>} : memref<320x64xf32, #tpu.memory_space<vmem>>, vector<16xf32>,
      %mul3A_297 = arith.constant 8.000000e+00 : f32
      %mul3A_298 = vector.broadcast %mul3A_297 : f32 to vector<16xf32>
      %mul3A_299 = arith.mulf %get3A_296, %mul3A_298 : vector<16xf32>
      %swap3A_300 = arith.index_cast %scan3A_266 : i32 to index
      %swap3A_301 = arith.constant 48 : index
      %swap3A_302 = tpu.vector_load %arg7[%swap3A_300, %swap3A_301] {strides = array<i32>} : memref<320x64xf32, #tpu.memory_space<vmem>>, vector<16xf32>,
      tpu.vector_store %arg7[%swap3A_300, %swap3A_301], %mul3A_299 {strides = array<i32>} : memref<320x64xf32, #tpu.memory_space<vmem>>, vector<16xf32>,
      %scan3A_303 = arith.constant 2 : i32
      %scan3A_304 = arith.addi %scan3A_230, %scan3A_303 : i32
      %get3A_305 = arith.index_cast %scan3A_304 : i32 to index
      %get3A_306 = arith.constant 0 : index
      %get3A_307 = tpu.vector_load %arg7[%get3A_305, %get3A_306] {strides = array<i32>} : memref<320x64xf32, #tpu.memory_space<vmem>>, vector<16xf32>,
      %mul3A_308 = arith.constant 8.000000e+00 : f32
      %mul3A_309 = vector.broadcast %mul3A_308 : f32 to vector<16xf32>
      %mul3A_310 = arith.mulf %get3A_307, %mul3A_309 : vector<16xf32>
      %swap3A_311 = arith.index_cast %scan3A_304 : i32 to index
      %swap3A_312 = arith.constant 0 : index
      %swap3A_313 = tpu.vector_load %arg7[%swap3A_311, %swap3A_312] {strides = array<i32>} : memref<320x64xf32, #tpu.memory_space<vmem>>, vector<16xf32>,
      tpu.vector_store %arg7[%swap3A_311, %swap3A_312], %mul3A_310 {strides = array<i32>} : memref<320x64xf32, #tpu.memory_space<vmem>>, vector<16xf32>,
      %get3A_314 = arith.index_cast %scan3A_304 : i32 to index
      %get3A_315 = arith.constant 16 : index
      %get3A_316 = tpu.vector_load %arg7[%get3A_314, %get3A_315] {strides = array<i32>} : memref<320x64xf32, #tpu.memory_space<vmem>>, vector<16xf32>,
      %mul3A_317 = arith.constant 8.000000e+00 : f32
      %mul3A_318 = vector.broadcast %mul3A_317 : f32 to vector<16xf32>
      %mul3A_319 = arith.mulf %get3A_316, %mul3A_318 : vector<16xf32>
      %swap3A_320 = arith.index_cast %scan3A_304 : i32 to index
      %swap3A_321 = arith.constant 16 : index
      %swap3A_322 = tpu.vector_load %arg7[%swap3A_320, %swap3A_321] {strides = array<i32>} : memref<320x64xf32, #tpu.memory_space<vmem>>, vector<16xf32>,
      tpu.vector_store %arg7[%swap3A_320, %swap3A_321], %mul3A_319 {strides = array<i32>} : memref<320x64xf32, #tpu.memory_space<vmem>>, vector<16xf32>,
      %get3A_323 = arith.index_cast %scan3A_304 : i32 to index
      %get3A_324 = arith.constant 32 : index
      %get3A_325 = tpu.vector_load %arg7[%get3A_323, %get3A_324] {strides = array<i32>} : memref<320x64xf32, #tpu.memory_space<vmem>>, vector<16xf32>,
      %mul3A_326 = arith.constant 8.000000e+00 : f32
      %mul3A_327 = vector.broadcast %mul3A_326 : f32 to vector<16xf32>
      %mul3A_328 = arith.mulf %get3A_325, %mul3A_327 : vector<16xf32>
      %swap3A_329 = arith.index_cast %scan3A_304 : i32 to index
      %swap3A_330 = arith.constant 32 : index
      %swap3A_331 = tpu.vector_load %arg7[%swap3A_329, %swap3A_330] {strides = array<i32>} : memref<320x64xf32, #tpu.memory_space<vmem>>, vector<16xf32>,
      tpu.vector_store %arg7[%swap3A_329, %swap3A_330], %mul3A_328 {strides = array<i32>} : memref<320x64xf32, #tpu.memory_space<vmem>>, vector<16xf32>,
      %get3A_332 = arith.index_cast %scan3A_304 : i32 to index
      %get3A_333 = arith.constant 48 : index
      %get3A_334 = tpu.vector_load %arg7[%get3A_332, %get3A_333] {strides = array<i32>} : memref<320x64xf32, #tpu.memory_space<vmem>>, vector<16xf32>,
      %mul3A_335 = arith.constant 8.000000e+00 : f32
      %mul3A_336 = vector.broadcast %mul3A_335 : f32 to vector<16xf32>
      %mul3A_337 = arith.mulf %get3A_334, %mul3A_336 : vector<16xf32>
      %swap3A_338 = arith.index_cast %scan3A_304 : i32 to index
      %swap3A_339 = arith.constant 48 : index
      %swap3A_340 = tpu.vector_load %arg7[%swap3A_338, %swap3A_339] {strides = array<i32>} : memref<320x64xf32, #tpu.memory_space<vmem>>, vector<16xf32>,
      tpu.vector_store %arg7[%swap3A_338, %swap3A_339], %mul3A_337 {strides = array<i32>} : memref<320x64xf32, #tpu.memory_space<vmem>>, vector<16xf32>,
      %scan3A_341 = arith.constant 3 : i32
      %scan3A_342 = arith.addi %scan3A_230, %scan3A_341 : i32
      %get3A_343 = arith.index_cast %scan3A_342 : i32 to index
      %get3A_344 = arith.constant 0 : index
      %get3A_345 = tpu.vector_load %arg7[%get3A_343, %get3A_344] {strides = array<i32>} : memref<320x64xf32, #tpu.memory_space<vmem>>, vector<16xf32>,
      %mul3A_346 = arith.constant 8.000000e+00 : f32
      %mul3A_347 = vector.broadcast %mul3A_346 : f32 to vector<16xf32>
      %mul3A_348 = arith.mulf %get3A_345, %mul3A_347 : vector<16xf32>
      %swap3A_349 = arith.index_cast %scan3A_342 : i32 to index
      %swap3A_350 = arith.constant 0 : index
      %swap3A_351 = tpu.vector_load %arg7[%swap3A_349, %swap3A_350] {strides = array<i32>} : memref<320x64xf32, #tpu.memory_space<vmem>>, vector<16xf32>,
      tpu.vector_store %arg7[%swap3A_349, %swap3A_350], %mul3A_348 {strides = array<i32>} : memref<320x64xf32, #tpu.memory_space<vmem>>, vector<16xf32>,
      %get3A_352 = arith.index_cast %scan3A_342 : i32 to index
      %get3A_353 = arith.constant 16 : index
      %get3A_354 = tpu.vector_load %arg7[%get3A_352, %get3A_353] {strides = array<i32>} : memref<320x64xf32, #tpu.memory_space<vmem>>, vector<16xf32>,
      %mul3A_355 = arith.constant 8.000000e+00 : f32
      %mul3A_356 = vector.broadcast %mul3A_355 : f32 to vector<16xf32>
      %mul3A_357 = arith.mulf %get3A_354, %mul3A_356 : vector<16xf32>
      %swap3A_358 = arith.index_cast %scan3A_342 : i32 to index
      %swap3A_359 = arith.constant 16 : index
      %swap3A_360 = tpu.vector_load %arg7[%swap3A_358, %swap3A_359] {strides = array<i32>} : memref<320x64xf32, #tpu.memory_space<vmem>>, vector<16xf32>,
      tpu.vector_store %arg7[%swap3A_358, %swap3A_359], %mul3A_357 {strides = array<i32>} : memref<320x64xf32, #tpu.memory_space<vmem>>, vector<16xf32>,
      %get3A_361 = arith.index_cast %scan3A_342 : i32 to index
      %get3A_362 = arith.constant 32 : index
      %get3A_363 = tpu.vector_load %arg7[%get3A_361, %get3A_362] {strides = array<i32>} : memref<320x64xf32, #tpu.memory_space<vmem>>, vector<16xf32>,
      %mul3A_364 = arith.constant 8.000000e+00 : f32
      %mul3A_365 = vector.broadcast %mul3A_364 : f32 to vector<16xf32>
      %mul3A_366 = arith.mulf %get3A_363, %mul3A_365 : vector<16xf32>
      %swap3A_367 = arith.index_cast %scan3A_342 : i32 to index
      %swap3A_368 = arith.constant 32 : index
      %swap3A_369 = tpu.vector_load %arg7[%swap3A_367, %swap3A_368] {strides = array<i32>} : memref<320x64xf32, #tpu.memory_space<vmem>>, vector<16xf32>,
      tpu.vector_store %arg7[%swap3A_367, %swap3A_368], %mul3A_366 {strides = array<i32>} : memref<320x64xf32, #tpu.memory_space<vmem>>, vector<16xf32>,
      %get3A_370 = arith.index_cast %scan3A_342 : i32 to index
      %get3A_371 = arith.constant 48 : index
      %get3A_372 = tpu.vector_load %arg7[%get3A_370, %get3A_371] {strides = array<i32>} : memref<320x64xf32, #tpu.memory_space<vmem>>, vector<16xf32>,
      %mul3A_373 = arith.constant 8.000000e+00 : f32
      %mul3A_374 = vector.broadcast %mul3A_373 : f32 to vector<16xf32>
      %mul3A_375 = arith.mulf %get3A_372, %mul3A_374 : vector<16xf32>
      %swap3A_376 = arith.index_cast %scan3A_342 : i32 to index
      %swap3A_377 = arith.constant 48 : index
      %swap3A_378 = tpu.vector_load %arg7[%swap3A_376, %swap3A_377] {strides = array<i32>} : memref<320x64xf32, #tpu.memory_space<vmem>>, vector<16xf32>,
      tpu.vector_store %arg7[%swap3A_376, %swap3A_377], %mul3A_375 {strides = array<i32>} : memref<320x64xf32, #tpu.memory_space<vmem>>, vector<16xf32>,
      %scan3A_379 = arith.constant 4 : i32
      %scan3A_380 = arith.addi %scan3A_230, %scan3A_379 : i32
      %get3A_381 = arith.index_cast %scan3A_380 : i32 to index
      %get3A_382 = arith.constant 0 : index
      %get3A_383 = tpu.vector_load %arg7[%get3A_381, %get3A_382] {strides = array<i32>} : memref<320x64xf32, #tpu.memory_space<vmem>>, vector<16xf32>,
      %mul3A_384 = arith.constant 8.000000e+00 : f32
      %mul3A_385 = vector.broadcast %mul3A_384 : f32 to vector<16xf32>
      %mul3A_386 = arith.mulf %get3A_383, %mul3A_385 : vector<16xf32>
      %swap3A_387 = arith.index_cast %scan3A_380 : i32 to index
      %swap3A_388 = arith.constant 0 : index
      %swap3A_389 = tpu.vector_load %arg7[%swap3A_387, %swap3A_388] {strides = array<i32>} : memref<320x64xf32, #tpu.memory_space<vmem>>, vector<16xf32>,
      tpu.vector_store %arg7[%swap3A_387, %swap3A_388], %mul3A_386 {strides = array<i32>} : memref<320x64xf32, #tpu.memory_space<vmem>>, vector<16xf32>,
      %get3A_390 = arith.index_cast %scan3A_380 : i32 to index
      %get3A_391 = arith.constant 16 : index
      %get3A_392 = tpu.vector_load %arg7[%get3A_390, %get3A_391] {strides = array<i32>} : memref<320x64xf32, #tpu.memory_space<vmem>>, vector<16xf32>,
      %mul3A_393 = arith.constant 8.000000e+00 : f32
      %mul3A_394 = vector.broadcast %mul3A_393 : f32 to vector<16xf32>
      %mul3A_395 = arith.mulf %get3A_392, %mul3A_394 : vector<16xf32>
      %swap3A_396 = arith.index_cast %scan3A_380 : i32 to index
      %swap3A_397 = arith.constant 16 : index
      %swap3A_398 = tpu.vector_load %arg7[%swap3A_396, %swap3A_397] {strides = array<i32>} : memref<320x64xf32, #tpu.memory_space<vmem>>, vector<16xf32>,
      tpu.vector_store %arg7[%swap3A_396, %swap3A_397], %mul3A_395 {strides = array<i32>} : memref<320x64xf32, #tpu.memory_space<vmem>>, vector<16xf32>,
      %get3A_399 = arith.index_cast %scan3A_380 : i32 to index
      %get3A_400 = arith.constant 32 : index
      %get3A_401 = tpu.vector_load %arg7[%get3A_399, %get3A_400] {strides = array<i32>} : memref<320x64xf32, #tpu.memory_space<vmem>>, vector<16xf32>,
      %mul3A_402 = arith.constant 8.000000e+00 : f32
      %mul3A_403 = vector.broadcast %mul3A_402 : f32 to vector<16xf32>
      %mul3A_404 = arith.mulf %get3A_401, %mul3A_403 : vector<16xf32>
      %swap3A_405 = arith.index_cast %scan3A_380 : i32 to index
      %swap3A_406 = arith.constant 32 : index
      %swap3A_407 = tpu.vector_load %arg7[%swap3A_405, %swap3A_406] {strides = array<i32>} : memref<320x64xf32, #tpu.memory_space<vmem>>, vector<16xf32>,
      tpu.vector_store %arg7[%swap3A_405, %swap3A_406], %mul3A_404 {strides = array<i32>} : memref<320x64xf32, #tpu.memory_space<vmem>>, vector<16xf32>,
      %get3A_408 = arith.index_cast %scan3A_380 : i32 to index
      %get3A_409 = arith.constant 48 : index
      %get3A_410 = tpu.vector_load %arg7[%get3A_408, %get3A_409] {strides = array<i32>} : memref<320x64xf32, #tpu.memory_space<vmem>>, vector<16xf32>,
      %mul3A_411 = arith.constant 8.000000e+00 : f32
      %mul3A_412 = vector.broadcast %mul3A_411 : f32 to vector<16xf32>
      %mul3A_413 = arith.mulf %get3A_410, %mul3A_412 : vector<16xf32>
      %swap3A_414 = arith.index_cast %scan3A_380 : i32 to index
      %swap3A_415 = arith.constant 48 : index
      %swap3A_416 = tpu.vector_load %arg7[%swap3A_414, %swap3A_415] {strides = array<i32>} : memref<320x64xf32, #tpu.memory_space<vmem>>, vector<16xf32>,
      tpu.vector_store %arg7[%swap3A_414, %swap3A_415], %mul3A_413 {strides = array<i32>} : memref<320x64xf32, #tpu.memory_space<vmem>>, vector<16xf32>,
      %scan3A_417 = arith.constant 5 : i32
      %scan3A_418 = arith.addi %scan3A_230, %scan3A_417 : i32
      %get3A_419 = arith.index_cast %scan3A_418 : i32 to index
      %get3A_420 = arith.constant 0 : index
      %get3A_421 = tpu.vector_load %arg7[%get3A_419, %get3A_420] {strides = array<i32>} : memref<320x64xf32, #tpu.memory_space<vmem>>, vector<16xf32>,
      %mul3A_422 = arith.constant 8.000000e+00 : f32
      %mul3A_423 = vector.broadcast %mul3A_422 : f32 to vector<16xf32>
      %mul3A_424 = arith.mulf %get3A_421, %mul3A_423 : vector<16xf32>
      %swap3A_425 = arith.index_cast %scan3A_418 : i32 to index
      %swap3A_426 = arith.constant 0 : index
      %swap3A_427 = tpu.vector_load %arg7[%swap3A_425, %swap3A_426] {strides = array<i32>} : memref<320x64xf32, #tpu.memory_space<vmem>>, vector<16xf32>,
      tpu.vector_store %arg7[%swap3A_425, %swap3A_426], %mul3A_424 {strides = array<i32>} : memref<320x64xf32, #tpu.memory_space<vmem>>, vector<16xf32>,
      %get3A_428 = arith.index_cast %scan3A_418 : i32 to index
      %get3A_429 = arith.constant 16 : index
      %get3A_430 = tpu.vector_load %arg7[%get3A_428, %get3A_429] {strides = array<i32>} : memref<320x64xf32, #tpu.memory_space<vmem>>, vector<16xf32>,
      %mul3A_431 = arith.constant 8.000000e+00 : f32
      %mul3A_432 = vector.broadcast %mul3A_431 : f32 to vector<16xf32>
      %mul3A_433 = arith.mulf %get3A_430, %mul3A_432 : vector<16xf32>
      %swap3A_434 = arith.index_cast %scan3A_418 : i32 to index
      %swap3A_435 = arith.constant 16 : index
      %swap3A_436 = tpu.vector_load %arg7[%swap3A_434, %swap3A_435] {strides = array<i32>} : memref<320x64xf32, #tpu.memory_space<vmem>>, vector<16xf32>,
      tpu.vector_store %arg7[%swap3A_434, %swap3A_435], %mul3A_433 {strides = array<i32>} : memref<320x64xf32, #tpu.memory_space<vmem>>, vector<16xf32>,
      %get3A_437 = arith.index_cast %scan3A_418 : i32 to index
      %get3A_438 = arith.constant 32 : index
      %get3A_439 = tpu.vector_load %arg7[%get3A_437, %get3A_438] {strides = array<i32>} : memref<320x64xf32, #tpu.memory_space<vmem>>, vector<16xf32>,
      %mul3A_440 = arith.constant 8.000000e+00 : f32
      %mul3A_441 = vector.broadcast %mul3A_440 : f32 to vector<16xf32>
      %mul3A_442 = arith.mulf %get3A_439, %mul3A_441 : vector<16xf32>
      %swap3A_443 = arith.index_cast %scan3A_418 : i32 to index
      %swap3A_444 = arith.constant 32 : index
      %swap3A_445 = tpu.vector_load %arg7[%swap3A_443, %swap3A_444] {strides = array<i32>} : memref<320x64xf32, #tpu.memory_space<vmem>>, vector<16xf32>,
      tpu.vector_store %arg7[%swap3A_443, %swap3A_444], %mul3A_442 {strides = array<i32>} : memref<320x64xf32, #tpu.memory_space<vmem>>, vector<16xf32>,
      %get3A_446 = arith.index_cast %scan3A_418 : i32 to index
      %get3A_447 = arith.constant 48 : index
      %get3A_448 = tpu.vector_load %arg7[%get3A_446, %get3A_447] {strides = array<i32>} : memref<320x64xf32, #tpu.memory_space<vmem>>, vector<16xf32>,
      %mul3A_449 = arith.constant 8.000000e+00 : f32
      %mul3A_450 = vector.broadcast %mul3A_449 : f32 to vector<16xf32>
      %mul3A_451 = arith.mulf %get3A_448, %mul3A_450 : vector<16xf32>
      %swap3A_452 = arith.index_cast %scan3A_418 : i32 to index
      %swap3A_453 = arith.constant 48 : index
      %swap3A_454 = tpu.vector_load %arg7[%swap3A_452, %swap3A_453] {strides = array<i32>} : memref<320x64xf32, #tpu.memory_space<vmem>>, vector<16xf32>,
      tpu.vector_store %arg7[%swap3A_452, %swap3A_453], %mul3A_451 {strides = array<i32>} : memref<320x64xf32, #tpu.memory_space<vmem>>, vector<16xf32>,
      %scan3A_455 = arith.constant 6 : i32
      %scan3A_456 = arith.addi %scan3A_230, %scan3A_455 : i32
      %get3A_457 = arith.index_cast %scan3A_456 : i32 to index
      %get3A_458 = arith.constant 0 : index
      %get3A_459 = tpu.vector_load %arg7[%get3A_457, %get3A_458] {strides = array<i32>} : memref<320x64xf32, #tpu.memory_space<vmem>>, vector<16xf32>,
      %mul3A_460 = arith.constant 8.000000e+00 : f32
      %mul3A_461 = vector.broadcast %mul3A_460 : f32 to vector<16xf32>
      %mul3A_462 = arith.mulf %get3A_459, %mul3A_461 : vector<16xf32>
      %swap3A_463 = arith.index_cast %scan3A_456 : i32 to index
      %swap3A_464 = arith.constant 0 : index
      %swap3A_465 = tpu.vector_load %arg7[%swap3A_463, %swap3A_464] {strides = array<i32>} : memref<320x64xf32, #tpu.memory_space<vmem>>, vector<16xf32>,
      tpu.vector_store %arg7[%swap3A_463, %swap3A_464], %mul3A_462 {strides = array<i32>} : memref<320x64xf32, #tpu.memory_space<vmem>>, vector<16xf32>,
      %get3A_466 = arith.index_cast %scan3A_456 : i32 to index
      %get3A_467 = arith.constant 16 : index
      %get3A_468 = tpu.vector_load %arg7[%get3A_466, %get3A_467] {strides = array<i32>} : memref<320x64xf32, #tpu.memory_space<vmem>>, vector<16xf32>,
      %mul3A_469 = arith.constant 8.000000e+00 : f32
      %mul3A_470 = vector.broadcast %mul3A_469 : f32 to vector<16xf32>
      %mul3A_471 = arith.mulf %get3A_468, %mul3A_470 : vector<16xf32>
      %swap3A_472 = arith.index_cast %scan3A_456 : i32 to index
      %swap3A_473 = arith.constant 16 : index
      %swap3A_474 = tpu.vector_load %arg7[%swap3A_472, %swap3A_473] {strides = array<i32>} : memref<320x64xf32, #tpu.memory_space<vmem>>, vector<16xf32>,
      tpu.vector_store %arg7[%swap3A_472, %swap3A_473], %mul3A_471 {strides = array<i32>} : memref<320x64xf32, #tpu.memory_space<vmem>>, vector<16xf32>,
      %get3A_475 = arith.index_cast %scan3A_456 : i32 to index
      %get3A_476 = arith.constant 32 : index
      %get3A_477 = tpu.vector_load %arg7[%get3A_475, %get3A_476] {strides = array<i32>} : memref<320x64xf32, #tpu.memory_space<vmem>>, vector<16xf32>,
      %mul3A_478 = arith.constant 8.000000e+00 : f32
      %mul3A_479 = vector.broadcast %mul3A_478 : f32 to vector<16xf32>
      %mul3A_480 = arith.mulf %get3A_477, %mul3A_479 : vector<16xf32>
      %swap3A_481 = arith.index_cast %scan3A_456 : i32 to index
      %swap3A_482 = arith.constant 32 : index
      %swap3A_483 = tpu.vector_load %arg7[%swap3A_481, %swap3A_482] {strides = array<i32>} : memref<320x64xf32, #tpu.memory_space<vmem>>, vector<16xf32>,
      tpu.vector_store %arg7[%swap3A_481, %swap3A_482], %mul3A_480 {strides = array<i32>} : memref<320x64xf32, #tpu.memory_space<vmem>>, vector<16xf32>,
      %get3A_484 = arith.index_cast %scan3A_456 : i32 to index
      %get3A_485 = arith.constant 48 : index
      %get3A_486 = tpu.vector_load %arg7[%get3A_484, %get3A_485] {strides = array<i32>} : memref<320x64xf32, #tpu.memory_space<vmem>>, vector<16xf32>,
      %mul3A_487 = arith.constant 8.000000e+00 : f32
      %mul3A_488 = vector.broadcast %mul3A_487 : f32 to vector<16xf32>
      %mul3A_489 = arith.mulf %get3A_486, %mul3A_488 : vector<16xf32>
      %swap3A_490 = arith.index_cast %scan3A_456 : i32 to index
      %swap3A_491 = arith.constant 48 : index
      %swap3A_492 = tpu.vector_load %arg7[%swap3A_490, %swap3A_491] {strides = array<i32>} : memref<320x64xf32, #tpu.memory_space<vmem>>, vector<16xf32>,
      tpu.vector_store %arg7[%swap3A_490, %swap3A_491], %mul3A_489 {strides = array<i32>} : memref<320x64xf32, #tpu.memory_space<vmem>>, vector<16xf32>,
      %scan3A_493 = arith.constant 7 : i32
      %scan3A_494 = arith.addi %scan3A_230, %scan3A_493 : i32
      %get3A_495 = arith.index_cast %scan3A_494 : i32 to index
      %get3A_496 = arith.constant 0 : index
      %get3A_497 = tpu.vector_load %arg7[%get3A_495, %get3A_496] {strides = array<i32>} : memref<320x64xf32, #tpu.memory_space<vmem>>, vector<16xf32>,
      %mul3A_498 = arith.constant 8.000000e+00 : f32
      %mul3A_499 = vector.broadcast %mul3A_498 : f32 to vector<16xf32>
      %mul3A_500 = arith.mulf %get3A_497, %mul3A_499 : vector<16xf32>
      %swap3A_501 = arith.index_cast %scan3A_494 : i32 to index
      %swap3A_502 = arith.constant 0 : index
      %swap3A_503 = tpu.vector_load %arg7[%swap3A_501, %swap3A_502] {strides = array<i32>} : memref<320x64xf32, #tpu.memory_space<vmem>>, vector<16xf32>,
      tpu.vector_store %arg7[%swap3A_501, %swap3A_502], %mul3A_500 {strides = array<i32>} : memref<320x64xf32, #tpu.memory_space<vmem>>, vector<16xf32>,
      %get3A_504 = arith.index_cast %scan3A_494 : i32 to index
      %get3A_505 = arith.constant 16 : index
      %get3A_506 = tpu.vector_load %arg7[%get3A_504, %get3A_505] {strides = array<i32>} : memref<320x64xf32, #tpu.memory_space<vmem>>, vector<16xf32>,
      %mul3A_507 = arith.constant 8.000000e+00 : f32
      %mul3A_508 = vector.broadcast %mul3A_507 : f32 to vector<16xf32>
      %mul3A_509 = arith.mulf %get3A_506, %mul3A_508 : vector<16xf32>
      %swap3A_510 = arith.index_cast %scan3A_494 : i32 to index
      %swap3A_511 = arith.constant 16 : index
      %swap3A_512 = tpu.vector_load %arg7[%swap3A_510, %swap3A_511] {strides = array<i32>} : memref<320x64xf32, #tpu.memory_space<vmem>>, vector<16xf32>,
      tpu.vector_store %arg7[%swap3A_510, %swap3A_511], %mul3A_509 {strides = array<i32>} : memref<320x64xf32, #tpu.memory_space<vmem>>, vector<16xf32>,
      %get3A_513 = arith.index_cast %scan3A_494 : i32 to index
      %get3A_514 = arith.constant 32 : index
      %get3A_515 = tpu.vector_load %arg7[%get3A_513, %get3A_514] {strides = array<i32>} : memref<320x64xf32, #tpu.memory_space<vmem>>, vector<16xf32>,
      %mul3A_516 = arith.constant 8.000000e+00 : f32
      %mul3A_517 = vector.broadcast %mul3A_516 : f32 to vector<16xf32>
      %mul3A_518 = arith.mulf %get3A_515, %mul3A_517 : vector<16xf32>
      %swap3A_519 = arith.index_cast %scan3A_494 : i32 to index
      %swap3A_520 = arith.constant 32 : index
      %swap3A_521 = tpu.vector_load %arg7[%swap3A_519, %swap3A_520] {strides = array<i32>} : memref<320x64xf32, #tpu.memory_space<vmem>>, vector<16xf32>,
      tpu.vector_store %arg7[%swap3A_519, %swap3A_520], %mul3A_518 {strides = array<i32>} : memref<320x64xf32, #tpu.memory_space<vmem>>, vector<16xf32>,
      %get3A_522 = arith.index_cast %scan3A_494 : i32 to index
      %get3A_523 = arith.constant 48 : index
      %get3A_524 = tpu.vector_load %arg7[%get3A_522, %get3A_523] {strides = array<i32>} : memref<320x64xf32, #tpu.memory_space<vmem>>, vector<16xf32>,
      %mul3A_525 = arith.constant 8.000000e+00 : f32
      %mul3A_526 = vector.broadcast %mul3A_525 : f32 to vector<16xf32>
      %mul3A_527 = arith.mulf %get3A_524, %mul3A_526 : vector<16xf32>
      %swap3A_528 = arith.index_cast %scan3A_494 : i32 to index
      %swap3A_529 = arith.constant 48 : index
      %swap3A_530 = tpu.vector_load %arg7[%swap3A_528, %swap3A_529] {strides = array<i32>} : memref<320x64xf32, #tpu.memory_space<vmem>>, vector<16xf32>,
      tpu.vector_store %arg7[%swap3A_528, %swap3A_529], %mul3A_527 {strides = array<i32>} : memref<320x64xf32, #tpu.memory_space<vmem>>, vector<16xf32>,
    }
    %scan3A_154 = arith.constant 320 : i32
    %add3A_155 = arith.constant 24640 : i32
    %add3A_156 = arith.addi %mul3A_2, %add3A_155 : i32
    %dma_start3A_157 = arith.constant 0 : i32
    %dma_start3A_158 = tpu.memref_slice %arg4[%add3A_156, %dma_start3A_157] : memref<819200x128xf32, #tpu.memory_space<hbm>> -> memref<320x64xf32, #tpu.memory_space<hbm>>
    %dma_start3A_159 = arith.constant 0 : i32
    %dma_start3A_160 = tpu.memref_slice %arg4[%add3A_156, %dma_start3A_159] : memref<819200x128xf32, #tpu.memory_space<hbm>> -> memref<320x64xf32, #tpu.memory_space<hbm>>
    tpu.enqueue_dma source(%arg7 : memref<320x64xf32, #tpu.memory_space<vmem>>) target(%dma_start3A_160 : memref<320x64xf32, #tpu.memory_space<hbm>>) target_semaphore(%arg15 : memref<!tpu.dma_semaphore, #tpu.memory_space<semaphore_mem>>)
    %add3A_161 = arith.constant 24000 : i32
    %add3A_162 = arith.addi %mul3A_2, %add3A_161 : i32
    %dma_wait3A_163 = arith.constant 0 : i32
    %dma_wait3A_164 = tpu.memref_slice %arg4[%add3A_162, %dma_wait3A_163] : memref<819200x128xf32, #tpu.memory_space<hbm>> -> memref<320x64xf32, #tpu.memory_space<hbm>>
    %dma_wait3A_165 = arith.constant 0 : i32
    %dma_wait3A_166 = tpu.memref_slice %arg4[%add3A_162, %dma_wait3A_165] : memref<819200x128xf32, #tpu.memory_space<hbm>> -> memref<320x64xf32, #tpu.memory_space<hbm>>
    tpu.wait_dma2 semaphore(%arg17 : memref<!tpu.dma_semaphore, #tpu.memory_space<semaphore_mem>>) src(%arg9 : memref<320x64xf32, #tpu.memory_space<vmem>>) dst(%dma_wait3A_166 : memref<320x64xf32, #tpu.memory_space<hbm>>)
    %dma_start3A_167 = arith.constant 25280 : i32
    %dma_start3A_168 = tpu.memref_slice %arg5[%dma_start3A_167] : memref<25600xi32, #tpu.memory_space<vmem>> -> memref<320xi32, #tpu.memory_space<vmem>>
    %dma_start3A_169 = arith.constant 0 : i32
    %dma_start3A_170 = arith.constant 0 : i32
    %dma_start3A_171 = tpu.memref_slice %arg3[%dma_start3A_169, %dma_start3A_170] : memref<1000000x64xf32, #tpu.memory_space<hbm>> -> memref<1000000x64xf32, #tpu.memory_space<hbm>>
    tpu.enqueue_indirect_dma source(%dma_start3A_171 : memref<1000000x64xf32, #tpu.memory_space<hbm>>) target(%arg9 : memref<320x64xf32, #tpu.memory_space<vmem>>) offsets(%dma_start3A_168 : memref<320xi32, #tpu.memory_space<vmem>>) semaphore(%arg13 : memref<!tpu.dma_semaphore, #tpu.memory_space<semaphore_mem>>)
    %dma_wait3A_172 = arith.constant 24960 : i32
    %dma_wait3A_173 = tpu.memref_slice %arg5[%dma_wait3A_172] : memref<25600xi32, #tpu.memory_space<vmem>> -> memref<320xi32, #tpu.memory_space<vmem>>
    %dma_wait3A_174 = arith.constant 0 : i32
    %dma_wait3A_175 = arith.constant 0 : i32
    %dma_wait3A_176 = tpu.memref_slice %arg3[%dma_wait3A_174, %dma_wait3A_175] : memref<1000000x64xf32, #tpu.memory_space<hbm>> -> memref<1000000x64xf32, #tpu.memory_space<hbm>>
    tpu.wait_indirect_dma semaphore(%arg12 : memref<!tpu.dma_semaphore, #tpu.memory_space<semaphore_mem>>) src(%dma_wait3A_176 : memref<1000000x64xf32, #tpu.memory_space<hbm>>) dst(%arg8 : memref<320x64xf32, #tpu.memory_space<vmem>>)
    %scan3A_177 = arith.constant 0 : i32
    %scan3A_178 = arith.constant 0 : i32
    %scan3A_179 = arith.constant 320 : i32
    %scan3A_180 = arith.addi %scan3A_178, %scan3A_179 : i32
    %scan3A_181 = arith.constant 8 : i32
    scf.for %scan3A_230 = %scan3A_178 to %scan3A_180 step %scan3A_181  : i32 {
      %get3A = arith.index_cast %scan3A_230 : i32 to index
      %get3A_231 = arith.constant 0 : index
      %get3A_232 = tpu.vector_load %arg8[%get3A, %get3A_231] {strides = array<i32>} : memref<320x64xf32, #tpu.memory_space<vmem>>, vector<16xf32>,
      %mul3A_233 = arith.constant 8.000000e+00 : f32
      %mul3A_234 = vector.broadcast %mul3A_233 : f32 to vector<16xf32>
      %mul3A_235 = arith.mulf %get3A_232, %mul3A_234 : vector<16xf32>
      %swap3A = arith.index_cast %scan3A_230 : i32 to index
      %swap3A_236 = arith.constant 0 : index
      %swap3A_237 = tpu.vector_load %arg8[%swap3A, %swap3A_236] {strides = array<i32>} : memref<320x64xf32, #tpu.memory_space<vmem>>, vector<16xf32>,
      tpu.vector_store %arg8[%swap3A, %swap3A_236], %mul3A_235 {strides = array<i32>} : memref<320x64xf32, #tpu.memory_space<vmem>>, vector<16xf32>,
      %get3A_238 = arith.index_cast %scan3A_230 : i32 to index
      %get3A_239 = arith.constant 16 : index
      %get3A_240 = tpu.vector_load %arg8[%get3A_238, %get3A_239] {strides = array<i32>} : memref<320x64xf32, #tpu.memory_space<vmem>>, vector<16xf32>,
      %mul3A_241 = arith.constant 8.000000e+00 : f32
      %mul3A_242 = vector.broadcast %mul3A_241 : f32 to vector<16xf32>
      %mul3A_243 = arith.mulf %get3A_240, %mul3A_242 : vector<16xf32>
      %swap3A_244 = arith.index_cast %scan3A_230 : i32 to index
      %swap3A_245 = arith.constant 16 : index
      %swap3A_246 = tpu.vector_load %arg8[%swap3A_244, %swap3A_245] {strides = array<i32>} : memref<320x64xf32, #tpu.memory_space<vmem>>, vector<16xf32>,
      tpu.vector_store %arg8[%swap3A_244, %swap3A_245], %mul3A_243 {strides = array<i32>} : memref<320x64xf32, #tpu.memory_space<vmem>>, vector<16xf32>,
      %get3A_247 = arith.index_cast %scan3A_230 : i32 to index
      %get3A_248 = arith.constant 32 : index
      %get3A_249 = tpu.vector_load %arg8[%get3A_247, %get3A_248] {strides = array<i32>} : memref<320x64xf32, #tpu.memory_space<vmem>>, vector<16xf32>,
      %mul3A_250 = arith.constant 8.000000e+00 : f32
      %mul3A_251 = vector.broadcast %mul3A_250 : f32 to vector<16xf32>
      %mul3A_252 = arith.mulf %get3A_249, %mul3A_251 : vector<16xf32>
      %swap3A_253 = arith.index_cast %scan3A_230 : i32 to index
      %swap3A_254 = arith.constant 32 : index
      %swap3A_255 = tpu.vector_load %arg8[%swap3A_253, %swap3A_254] {strides = array<i32>} : memref<320x64xf32, #tpu.memory_space<vmem>>, vector<16xf32>,
      tpu.vector_store %arg8[%swap3A_253, %swap3A_254], %mul3A_252 {strides = array<i32>} : memref<320x64xf32, #tpu.memory_space<vmem>>, vector<16xf32>,
      %get3A_256 = arith.index_cast %scan3A_230 : i32 to index
      %get3A_257 = arith.constant 48 : index
      %get3A_258 = tpu.vector_load %arg8[%get3A_256, %get3A_257] {strides = array<i32>} : memref<320x64xf32, #tpu.memory_space<vmem>>, vector<16xf32>,
      %mul3A_259 = arith.constant 8.000000e+00 : f32
      %mul3A_260 = vector.broadcast %mul3A_259 : f32 to vector<16xf32>
      %mul3A_261 = arith.mulf %get3A_258, %mul3A_260 : vector<16xf32>
      %swap3A_262 = arith.index_cast %scan3A_230 : i32 to index
      %swap3A_263 = arith.constant 48 : index
      %swap3A_264 = tpu.vector_load %arg8[%swap3A_262, %swap3A_263] {strides = array<i32>} : memref<320x64xf32, #tpu.memory_space<vmem>>, vector<16xf32>,
      tpu.vector_store %arg8[%swap3A_262, %swap3A_263], %mul3A_261 {strides = array<i32>} : memref<320x64xf32, #tpu.memory_space<vmem>>, vector<16xf32>,
      %scan3A_265 = arith.constant 1 : i32
      %scan3A_266 = arith.addi %scan3A_230, %scan3A_265 : i32
      %get3A_267 = arith.index_cast %scan3A_266 : i32 to index
      %get3A_268 = arith.constant 0 : index
      %get3A_269 = tpu.vector_load %arg8[%get3A_267, %get3A_268] {strides = array<i32>} : memref<320x64xf32, #tpu.memory_space<vmem>>, vector<16xf32>,
      %mul3A_270 = arith.constant 8.000000e+00 : f32
      %mul3A_271 = vector.broadcast %mul3A_270 : f32 to vector<16xf32>
      %mul3A_272 = arith.mulf %get3A_269, %mul3A_271 : vector<16xf32>
      %swap3A_273 = arith.index_cast %scan3A_266 : i32 to index
      %swap3A_274 = arith.constant 0 : index
      %swap3A_275 = tpu.vector_load %arg8[%swap3A_273, %swap3A_274] {strides = array<i32>} : memref<320x64xf32, #tpu.memory_space<vmem>>, vector<16xf32>,
      tpu.vector_store %arg8[%swap3A_273, %swap3A_274], %mul3A_272 {strides = array<i32>} : memref<320x64xf32, #tpu.memory_space<vmem>>, vector<16xf32>,
      %get3A_276 = arith.index_cast %scan3A_266 : i32 to index
      %get3A_277 = arith.constant 16 : index
      %get3A_278 = tpu.vector_load %arg8[%get3A_276, %get3A_277] {strides = array<i32>} : memref<320x64xf32, #tpu.memory_space<vmem>>, vector<16xf32>,
      %mul3A_279 = arith.constant 8.000000e+00 : f32
      %mul3A_280 = vector.broadcast %mul3A_279 : f32 to vector<16xf32>
      %mul3A_281 = arith.mulf %get3A_278, %mul3A_280 : vector<16xf32>
      %swap3A_282 = arith.index_cast %scan3A_266 : i32 to index
      %swap3A_283 = arith.constant 16 : index
      %swap3A_284 = tpu.vector_load %arg8[%swap3A_282, %swap3A_283] {strides = array<i32>} : memref<320x64xf32, #tpu.memory_space<vmem>>, vector<16xf32>,
      tpu.vector_store %arg8[%swap3A_282, %swap3A_283], %mul3A_281 {strides = array<i32>} : memref<320x64xf32, #tpu.memory_space<vmem>>, vector<16xf32>,
      %get3A_285 = arith.index_cast %scan3A_266 : i32 to index
      %get3A_286 = arith.constant 32 : index
      %get3A_287 = tpu.vector_load %arg8[%get3A_285, %get3A_286] {strides = array<i32>} : memref<320x64xf32, #tpu.memory_space<vmem>>, vector<16xf32>,
      %mul3A_288 = arith.constant 8.000000e+00 : f32
      %mul3A_289 = vector.broadcast %mul3A_288 : f32 to vector<16xf32>
      %mul3A_290 = arith.mulf %get3A_287, %mul3A_289 : vector<16xf32>
      %swap3A_291 = arith.index_cast %scan3A_266 : i32 to index
      %swap3A_292 = arith.constant 32 : index
      %swap3A_293 = tpu.vector_load %arg8[%swap3A_291, %swap3A_292] {strides = array<i32>} : memref<320x64xf32, #tpu.memory_space<vmem>>, vector<16xf32>,
      tpu.vector_store %arg8[%swap3A_291, %swap3A_292], %mul3A_290 {strides = array<i32>} : memref<320x64xf32, #tpu.memory_space<vmem>>, vector<16xf32>,
      %get3A_294 = arith.index_cast %scan3A_266 : i32 to index
      %get3A_295 = arith.constant 48 : index
      %get3A_296 = tpu.vector_load %arg8[%get3A_294, %get3A_295] {strides = array<i32>} : memref<320x64xf32, #tpu.memory_space<vmem>>, vector<16xf32>,
      %mul3A_297 = arith.constant 8.000000e+00 : f32
      %mul3A_298 = vector.broadcast %mul3A_297 : f32 to vector<16xf32>
      %mul3A_299 = arith.mulf %get3A_296, %mul3A_298 : vector<16xf32>
      %swap3A_300 = arith.index_cast %scan3A_266 : i32 to index
      %swap3A_301 = arith.constant 48 : index
      %swap3A_302 = tpu.vector_load %arg8[%swap3A_300, %swap3A_301] {strides = array<i32>} : memref<320x64xf32, #tpu.memory_space<vmem>>, vector<16xf32>,
      tpu.vector_store %arg8[%swap3A_300, %swap3A_301], %mul3A_299 {strides = array<i32>} : memref<320x64xf32, #tpu.memory_space<vmem>>, vector<16xf32>,
      %scan3A_303 = arith.constant 2 : i32
      %scan3A_304 = arith.addi %scan3A_230, %scan3A_303 : i32
      %get3A_305 = arith.index_cast %scan3A_304 : i32 to index
      %get3A_306 = arith.constant 0 : index
      %get3A_307 = tpu.vector_load %arg8[%get3A_305, %get3A_306] {strides = array<i32>} : memref<320x64xf32, #tpu.memory_space<vmem>>, vector<16xf32>,
      %mul3A_308 = arith.constant 8.000000e+00 : f32
      %mul3A_309 = vector.broadcast %mul3A_308 : f32 to vector<16xf32>
      %mul3A_310 = arith.mulf %get3A_307, %mul3A_309 : vector<16xf32>
      %swap3A_311 = arith.index_cast %scan3A_304 : i32 to index
      %swap3A_312 = arith.constant 0 : index
      %swap3A_313 = tpu.vector_load %arg8[%swap3A_311, %swap3A_312] {strides = array<i32>} : memref<320x64xf32, #tpu.memory_space<vmem>>, vector<16xf32>,
      tpu.vector_store %arg8[%swap3A_311, %swap3A_312], %mul3A_310 {strides = array<i32>} : memref<320x64xf32, #tpu.memory_space<vmem>>, vector<16xf32>,
      %get3A_314 = arith.index_cast %scan3A_304 : i32 to index
      %get3A_315 = arith.constant 16 : index
      %get3A_316 = tpu.vector_load %arg8[%get3A_314, %get3A_315] {strides = array<i32>} : memref<320x64xf32, #tpu.memory_space<vmem>>, vector<16xf32>,
      %mul3A_317 = arith.constant 8.000000e+00 : f32
      %mul3A_318 = vector.broadcast %mul3A_317 : f32 to vector<16xf32>
      %mul3A_319 = arith.mulf %get3A_316, %mul3A_318 : vector<16xf32>
      %swap3A_320 = arith.index_cast %scan3A_304 : i32 to index
      %swap3A_321 = arith.constant 16 : index
      %swap3A_322 = tpu.vector_load %arg8[%swap3A_320, %swap3A_321] {strides = array<i32>} : memref<320x64xf32, #tpu.memory_space<vmem>>, vector<16xf32>,
      tpu.vector_store %arg8[%swap3A_320, %swap3A_321], %mul3A_319 {strides = array<i32>} : memref<320x64xf32, #tpu.memory_space<vmem>>, vector<16xf32>,
      %get3A_323 = arith.index_cast %scan3A_304 : i32 to index
      %get3A_324 = arith.constant 32 : index
      %get3A_325 = tpu.vector_load %arg8[%get3A_323, %get3A_324] {strides = array<i32>} : memref<320x64xf32, #tpu.memory_space<vmem>>, vector<16xf32>,
      %mul3A_326 = arith.constant 8.000000e+00 : f32
      %mul3A_327 = vector.broadcast %mul3A_326 : f32 to vector<16xf32>
      %mul3A_328 = arith.mulf %get3A_325, %mul3A_327 : vector<16xf32>
      %swap3A_329 = arith.index_cast %scan3A_304 : i32 to index
      %swap3A_330 = arith.constant 32 : index
      %swap3A_331 = tpu.vector_load %arg8[%swap3A_329, %swap3A_330] {strides = array<i32>} : memref<320x64xf32, #tpu.memory_space<vmem>>, vector<16xf32>,
      tpu.vector_store %arg8[%swap3A_329, %swap3A_330], %mul3A_328 {strides = array<i32>} : memref<320x64xf32, #tpu.memory_space<vmem>>, vector<16xf32>,
      %get3A_332 = arith.index_cast %scan3A_304 : i32 to index
      %get3A_333 = arith.constant 48 : index
      %get3A_334 = tpu.vector_load %arg8[%get3A_332, %get3A_333] {strides = array<i32>} : memref<320x64xf32, #tpu.memory_space<vmem>>, vector<16xf32>,
      %mul3A_335 = arith.constant 8.000000e+00 : f32
      %mul3A_336 = vector.broadcast %mul3A_335 : f32 to vector<16xf32>
      %mul3A_337 = arith.mulf %get3A_334, %mul3A_336 : vector<16xf32>
      %swap3A_338 = arith.index_cast %scan3A_304 : i32 to index
      %swap3A_339 = arith.constant 48 : index
      %swap3A_340 = tpu.vector_load %arg8[%swap3A_338, %swap3A_339] {strides = array<i32>} : memref<320x64xf32, #tpu.memory_space<vmem>>, vector<16xf32>,
      tpu.vector_store %arg8[%swap3A_338, %swap3A_339], %mul3A_337 {strides = array<i32>} : memref<320x64xf32, #tpu.memory_space<vmem>>, vector<16xf32>,
      %scan3A_341 = arith.constant 3 : i32
      %scan3A_342 = arith.addi %scan3A_230, %scan3A_341 : i32
      %get3A_343 = arith.index_cast %scan3A_342 : i32 to index
      %get3A_344 = arith.constant 0 : index
      %get3A_345 = tpu.vector_load %arg8[%get3A_343, %get3A_344] {strides = array<i32>} : memref<320x64xf32, #tpu.memory_space<vmem>>, vector<16xf32>,
      %mul3A_346 = arith.constant 8.000000e+00 : f32
      %mul3A_347 = vector.broadcast %mul3A_346 : f32 to vector<16xf32>
      %mul3A_348 = arith.mulf %get3A_345, %mul3A_347 : vector<16xf32>
      %swap3A_349 = arith.index_cast %scan3A_342 : i32 to index
      %swap3A_350 = arith.constant 0 : index
      %swap3A_351 = tpu.vector_load %arg8[%swap3A_349, %swap3A_350] {strides = array<i32>} : memref<320x64xf32, #tpu.memory_space<vmem>>, vector<16xf32>,
      tpu.vector_store %arg8[%swap3A_349, %swap3A_350], %mul3A_348 {strides = array<i32>} : memref<320x64xf32, #tpu.memory_space<vmem>>, vector<16xf32>,
      %get3A_352 = arith.index_cast %scan3A_342 : i32 to index
      %get3A_353 = arith.constant 16 : index
      %get3A_354 = tpu.vector_load %arg8[%get3A_352, %get3A_353] {strides = array<i32>} : memref<320x64xf32, #tpu.memory_space<vmem>>, vector<16xf32>,
      %mul3A_355 = arith.constant 8.000000e+00 : f32
      %mul3A_356 = vector.broadcast %mul3A_355 : f32 to vector<16xf32>
      %mul3A_357 = arith.mulf %get3A_354, %mul3A_356 : vector<16xf32>
      %swap3A_358 = arith.index_cast %scan3A_342 : i32 to index
      %swap3A_359 = arith.constant 16 : index
      %swap3A_360 = tpu.vector_load %arg8[%swap3A_358, %swap3A_359] {strides = array<i32>} : memref<320x64xf32, #tpu.memory_space<vmem>>, vector<16xf32>,
      tpu.vector_store %arg8[%swap3A_358, %swap3A_359], %mul3A_357 {strides = array<i32>} : memref<320x64xf32, #tpu.memory_space<vmem>>, vector<16xf32>,
      %get3A_361 = arith.index_cast %scan3A_342 : i32 to index
      %get3A_362 = arith.constant 32 : index
      %get3A_363 = tpu.vector_load %arg8[%get3A_361, %get3A_362] {strides = array<i32>} : memref<320x64xf32, #tpu.memory_space<vmem>>, vector<16xf32>,
      %mul3A_364 = arith.constant 8.000000e+00 : f32
      %mul3A_365 = vector.broadcast %mul3A_364 : f32 to vector<16xf32>
      %mul3A_366 = arith.mulf %get3A_363, %mul3A_365 : vector<16xf32>
      %swap3A_367 = arith.index_cast %scan3A_342 : i32 to index
      %swap3A_368 = arith.constant 32 : index
      %swap3A_369 = tpu.vector_load %arg8[%swap3A_367, %swap3A_368] {strides = array<i32>} : memref<320x64xf32, #tpu.memory_space<vmem>>, vector<16xf32>,
      tpu.vector_store %arg8[%swap3A_367, %swap3A_368], %mul3A_366 {strides = array<i32>} : memref<320x64xf32, #tpu.memory_space<vmem>>, vector<16xf32>,
      %get3A_370 = arith.index_cast %scan3A_342 : i32 to index
      %get3A_371 = arith.constant 48 : index
      %get3A_372 = tpu.vector_load %arg8[%get3A_370, %get3A_371] {strides = array<i32>} : memref<320x64xf32, #tpu.memory_space<vmem>>, vector<16xf32>,
      %mul3A_373 = arith.constant 8.000000e+00 : f32
      %mul3A_374 = vector.broadcast %mul3A_373 : f32 to vector<16xf32>
      %mul3A_375 = arith.mulf %get3A_372, %mul3A_374 : vector<16xf32>
      %swap3A_376 = arith.index_cast %scan3A_342 : i32 to index
      %swap3A_377 = arith.constant 48 : index
      %swap3A_378 = tpu.vector_load %arg8[%swap3A_376, %swap3A_377] {strides = array<i32>} : memref<320x64xf32, #tpu.memory_space<vmem>>, vector<16xf32>,
      tpu.vector_store %arg8[%swap3A_376, %swap3A_377], %mul3A_375 {strides = array<i32>} : memref<320x64xf32, #tpu.memory_space<vmem>>, vector<16xf32>,
      %scan3A_379 = arith.constant 4 : i32
      %scan3A_380 = arith.addi %scan3A_230, %scan3A_379 : i32
      %get3A_381 = arith.index_cast %scan3A_380 : i32 to index
      %get3A_382 = arith.constant 0 : index
      %get3A_383 = tpu.vector_load %arg8[%get3A_381, %get3A_382] {strides = array<i32>} : memref<320x64xf32, #tpu.memory_space<vmem>>, vector<16xf32>,
      %mul3A_384 = arith.constant 8.000000e+00 : f32
      %mul3A_385 = vector.broadcast %mul3A_384 : f32 to vector<16xf32>
      %mul3A_386 = arith.mulf %get3A_383, %mul3A_385 : vector<16xf32>
      %swap3A_387 = arith.index_cast %scan3A_380 : i32 to index
      %swap3A_388 = arith.constant 0 : index
      %swap3A_389 = tpu.vector_load %arg8[%swap3A_387, %swap3A_388] {strides = array<i32>} : memref<320x64xf32, #tpu.memory_space<vmem>>, vector<16xf32>,
      tpu.vector_store %arg8[%swap3A_387, %swap3A_388], %mul3A_386 {strides = array<i32>} : memref<320x64xf32, #tpu.memory_space<vmem>>, vector<16xf32>,
      %get3A_390 = arith.index_cast %scan3A_380 : i32 to index
      %get3A_391 = arith.constant 16 : index
      %get3A_392 = tpu.vector_load %arg8[%get3A_390, %get3A_391] {strides = array<i32>} : memref<320x64xf32, #tpu.memory_space<vmem>>, vector<16xf32>,
      %mul3A_393 = arith.constant 8.000000e+00 : f32
      %mul3A_394 = vector.broadcast %mul3A_393 : f32 to vector<16xf32>
      %mul3A_395 = arith.mulf %get3A_392, %mul3A_394 : vector<16xf32>
      %swap3A_396 = arith.index_cast %scan3A_380 : i32 to index
      %swap3A_397 = arith.constant 16 : index
      %swap3A_398 = tpu.vector_load %arg8[%swap3A_396, %swap3A_397] {strides = array<i32>} : memref<320x64xf32, #tpu.memory_space<vmem>>, vector<16xf32>,
      tpu.vector_store %arg8[%swap3A_396, %swap3A_397], %mul3A_395 {strides = array<i32>} : memref<320x64xf32, #tpu.memory_space<vmem>>, vector<16xf32>,
      %get3A_399 = arith.index_cast %scan3A_380 : i32 to index
      %get3A_400 = arith.constant 32 : index
      %get3A_401 = tpu.vector_load %arg8[%get3A_399, %get3A_400] {strides = array<i32>} : memref<320x64xf32, #tpu.memory_space<vmem>>, vector<16xf32>,
      %mul3A_402 = arith.constant 8.000000e+00 : f32
      %mul3A_403 = vector.broadcast %mul3A_402 : f32 to vector<16xf32>
      %mul3A_404 = arith.mulf %get3A_401, %mul3A_403 : vector<16xf32>
      %swap3A_405 = arith.index_cast %scan3A_380 : i32 to index
      %swap3A_406 = arith.constant 32 : index
      %swap3A_407 = tpu.vector_load %arg8[%swap3A_405, %swap3A_406] {strides = array<i32>} : memref<320x64xf32, #tpu.memory_space<vmem>>, vector<16xf32>,
      tpu.vector_store %arg8[%swap3A_405, %swap3A_406], %mul3A_404 {strides = array<i32>} : memref<320x64xf32, #tpu.memory_space<vmem>>, vector<16xf32>,
      %get3A_408 = arith.index_cast %scan3A_380 : i32 to index
      %get3A_409 = arith.constant 48 : index
      %get3A_410 = tpu.vector_load %arg8[%get3A_408, %get3A_409] {strides = array<i32>} : memref<320x64xf32, #tpu.memory_space<vmem>>, vector<16xf32>,
      %mul3A_411 = arith.constant 8.000000e+00 : f32
      %mul3A_412 = vector.broadcast %mul3A_411 : f32 to vector<16xf32>
      %mul3A_413 = arith.mulf %get3A_410, %mul3A_412 : vector<16xf32>
      %swap3A_414 = arith.index_cast %scan3A_380 : i32 to index
      %swap3A_415 = arith.constant 48 : index
      %swap3A_416 = tpu.vector_load %arg8[%swap3A_414, %swap3A_415] {strides = array<i32>} : memref<320x64xf32, #tpu.memory_space<vmem>>, vector<16xf32>,
      tpu.vector_store %arg8[%swap3A_414, %swap3A_415], %mul3A_413 {strides = array<i32>} : memref<320x64xf32, #tpu.memory_space<vmem>>, vector<16xf32>,
      %scan3A_417 = arith.constant 5 : i32
      %scan3A_418 = arith.addi %scan3A_230, %scan3A_417 : i32
      %get3A_419 = arith.index_cast %scan3A_418 : i32 to index
      %get3A_420 = arith.constant 0 : index
      %get3A_421 = tpu.vector_load %arg8[%get3A_419, %get3A_420] {strides = array<i32>} : memref<320x64xf32, #tpu.memory_space<vmem>>, vector<16xf32>,
      %mul3A_422 = arith.constant 8.000000e+00 : f32
      %mul3A_423 = vector.broadcast %mul3A_422 : f32 to vector<16xf32>
      %mul3A_424 = arith.mulf %get3A_421, %mul3A_423 : vector<16xf32>
      %swap3A_425 = arith.index_cast %scan3A_418 : i32 to index
      %swap3A_426 = arith.constant 0 : index
      %swap3A_427 = tpu.vector_load %arg8[%swap3A_425, %swap3A_426] {strides = array<i32>} : memref<320x64xf32, #tpu.memory_space<vmem>>, vector<16xf32>,
      tpu.vector_store %arg8[%swap3A_425, %swap3A_426], %mul3A_424 {strides = array<i32>} : memref<320x64xf32, #tpu.memory_space<vmem>>, vector<16xf32>,
      %get3A_428 = arith.index_cast %scan3A_418 : i32 to index
      %get3A_429 = arith.constant 16 : index
      %get3A_430 = tpu.vector_load %arg8[%get3A_428, %get3A_429] {strides = array<i32>} : memref<320x64xf32, #tpu.memory_space<vmem>>, vector<16xf32>,
      %mul3A_431 = arith.constant 8.000000e+00 : f32
      %mul3A_432 = vector.broadcast %mul3A_431 : f32 to vector<16xf32>
      %mul3A_433 = arith.mulf %get3A_430, %mul3A_432 : vector<16xf32>
      %swap3A_434 = arith.index_cast %scan3A_418 : i32 to index
      %swap3A_435 = arith.constant 16 : index
      %swap3A_436 = tpu.vector_load %arg8[%swap3A_434, %swap3A_435] {strides = array<i32>} : memref<320x64xf32, #tpu.memory_space<vmem>>, vector<16xf32>,
      tpu.vector_store %arg8[%swap3A_434, %swap3A_435], %mul3A_433 {strides = array<i32>} : memref<320x64xf32, #tpu.memory_space<vmem>>, vector<16xf32>,
      %get3A_437 = arith.index_cast %scan3A_418 : i32 to index
      %get3A_438 = arith.constant 32 : index
      %get3A_439 = tpu.vector_load %arg8[%get3A_437, %get3A_438] {strides = array<i32>} : memref<320x64xf32, #tpu.memory_space<vmem>>, vector<16xf32>,
      %mul3A_440 = arith.constant 8.000000e+00 : f32
      %mul3A_441 = vector.broadcast %mul3A_440 : f32 to vector<16xf32>
      %mul3A_442 = arith.mulf %get3A_439, %mul3A_441 : vector<16xf32>
      %swap3A_443 = arith.index_cast %scan3A_418 : i32 to index
      %swap3A_444 = arith.constant 32 : index
      %swap3A_445 = tpu.vector_load %arg8[%swap3A_443, %swap3A_444] {strides = array<i32>} : memref<320x64xf32, #tpu.memory_space<vmem>>, vector<16xf32>,
      tpu.vector_store %arg8[%swap3A_443, %swap3A_444], %mul3A_442 {strides = array<i32>} : memref<320x64xf32, #tpu.memory_space<vmem>>, vector<16xf32>,
      %get3A_446 = arith.index_cast %scan3A_418 : i32 to index
      %get3A_447 = arith.constant 48 : index
      %get3A_448 = tpu.vector_load %arg8[%get3A_446, %get3A_447] {strides = array<i32>} : memref<320x64xf32, #tpu.memory_space<vmem>>, vector<16xf32>,
      %mul3A_449 = arith.constant 8.000000e+00 : f32
      %mul3A_450 = vector.broadcast %mul3A_449 : f32 to vector<16xf32>
      %mul3A_451 = arith.mulf %get3A_448, %mul3A_450 : vector<16xf32>
      %swap3A_452 = arith.index_cast %scan3A_418 : i32 to index
      %swap3A_453 = arith.constant 48 : index
      %swap3A_454 = tpu.vector_load %arg8[%swap3A_452, %swap3A_453] {strides = array<i32>} : memref<320x64xf32, #tpu.memory_space<vmem>>, vector<16xf32>,
      tpu.vector_store %arg8[%swap3A_452, %swap3A_453], %mul3A_451 {strides = array<i32>} : memref<320x64xf32, #tpu.memory_space<vmem>>, vector<16xf32>,
      %scan3A_455 = arith.constant 6 : i32
      %scan3A_456 = arith.addi %scan3A_230, %scan3A_455 : i32
      %get3A_457 = arith.index_cast %scan3A_456 : i32 to index
      %get3A_458 = arith.constant 0 : index
      %get3A_459 = tpu.vector_load %arg8[%get3A_457, %get3A_458] {strides = array<i32>} : memref<320x64xf32, #tpu.memory_space<vmem>>, vector<16xf32>,
      %mul3A_460 = arith.constant 8.000000e+00 : f32
      %mul3A_461 = vector.broadcast %mul3A_460 : f32 to vector<16xf32>
      %mul3A_462 = arith.mulf %get3A_459, %mul3A_461 : vector<16xf32>
      %swap3A_463 = arith.index_cast %scan3A_456 : i32 to index
      %swap3A_464 = arith.constant 0 : index
      %swap3A_465 = tpu.vector_load %arg8[%swap3A_463, %swap3A_464] {strides = array<i32>} : memref<320x64xf32, #tpu.memory_space<vmem>>, vector<16xf32>,
      tpu.vector_store %arg8[%swap3A_463, %swap3A_464], %mul3A_462 {strides = array<i32>} : memref<320x64xf32, #tpu.memory_space<vmem>>, vector<16xf32>,
      %get3A_466 = arith.index_cast %scan3A_456 : i32 to index
      %get3A_467 = arith.constant 16 : index
      %get3A_468 = tpu.vector_load %arg8[%get3A_466, %get3A_467] {strides = array<i32>} : memref<320x64xf32, #tpu.memory_space<vmem>>, vector<16xf32>,
      %mul3A_469 = arith.constant 8.000000e+00 : f32
      %mul3A_470 = vector.broadcast %mul3A_469 : f32 to vector<16xf32>
      %mul3A_471 = arith.mulf %get3A_468, %mul3A_470 : vector<16xf32>
      %swap3A_472 = arith.index_cast %scan3A_456 : i32 to index
      %swap3A_473 = arith.constant 16 : index
      %swap3A_474 = tpu.vector_load %arg8[%swap3A_472, %swap3A_473] {strides = array<i32>} : memref<320x64xf32, #tpu.memory_space<vmem>>, vector<16xf32>,
      tpu.vector_store %arg8[%swap3A_472, %swap3A_473], %mul3A_471 {strides = array<i32>} : memref<320x64xf32, #tpu.memory_space<vmem>>, vector<16xf32>,
      %get3A_475 = arith.index_cast %scan3A_456 : i32 to index
      %get3A_476 = arith.constant 32 : index
      %get3A_477 = tpu.vector_load %arg8[%get3A_475, %get3A_476] {strides = array<i32>} : memref<320x64xf32, #tpu.memory_space<vmem>>, vector<16xf32>,
      %mul3A_478 = arith.constant 8.000000e+00 : f32
      %mul3A_479 = vector.broadcast %mul3A_478 : f32 to vector<16xf32>
      %mul3A_480 = arith.mulf %get3A_477, %mul3A_479 : vector<16xf32>
      %swap3A_481 = arith.index_cast %scan3A_456 : i32 to index
      %swap3A_482 = arith.constant 32 : index
      %swap3A_483 = tpu.vector_load %arg8[%swap3A_481, %swap3A_482] {strides = array<i32>} : memref<320x64xf32, #tpu.memory_space<vmem>>, vector<16xf32>,
      tpu.vector_store %arg8[%swap3A_481, %swap3A_482], %mul3A_480 {strides = array<i32>} : memref<320x64xf32, #tpu.memory_space<vmem>>, vector<16xf32>,
      %get3A_484 = arith.index_cast %scan3A_456 : i32 to index
      %get3A_485 = arith.constant 48 : index
      %get3A_486 = tpu.vector_load %arg8[%get3A_484, %get3A_485] {strides = array<i32>} : memref<320x64xf32, #tpu.memory_space<vmem>>, vector<16xf32>,
      %mul3A_487 = arith.constant 8.000000e+00 : f32
      %mul3A_488 = vector.broadcast %mul3A_487 : f32 to vector<16xf32>
      %mul3A_489 = arith.mulf %get3A_486, %mul3A_488 : vector<16xf32>
      %swap3A_490 = arith.index_cast %scan3A_456 : i32 to index
      %swap3A_491 = arith.constant 48 : index
      %swap3A_492 = tpu.vector_load %arg8[%swap3A_490, %swap3A_491] {strides = array<i32>} : memref<320x64xf32, #tpu.memory_space<vmem>>, vector<16xf32>,
      tpu.vector_store %arg8[%swap3A_490, %swap3A_491], %mul3A_489 {strides = array<i32>} : memref<320x64xf32, #tpu.memory_space<vmem>>, vector<16xf32>,
      %scan3A_493 = arith.constant 7 : i32
      %scan3A_494 = arith.addi %scan3A_230, %scan3A_493 : i32
      %get3A_495 = arith.index_cast %scan3A_494 : i32 to index
      %get3A_496 = arith.constant 0 : index
      %get3A_497 = tpu.vector_load %arg8[%get3A_495, %get3A_496] {strides = array<i32>} : memref<320x64xf32, #tpu.memory_space<vmem>>, vector<16xf32>,
      %mul3A_498 = arith.constant 8.000000e+00 : f32
      %mul3A_499 = vector.broadcast %mul3A_498 : f32 to vector<16xf32>
      %mul3A_500 = arith.mulf %get3A_497, %mul3A_499 : vector<16xf32>
      %swap3A_501 = arith.index_cast %scan3A_494 : i32 to index
      %swap3A_502 = arith.constant 0 : index
      %swap3A_503 = tpu.vector_load %arg8[%swap3A_501, %swap3A_502] {strides = array<i32>} : memref<320x64xf32, #tpu.memory_space<vmem>>, vector<16xf32>,
      tpu.vector_store %arg8[%swap3A_501, %swap3A_502], %mul3A_500 {strides = array<i32>} : memref<320x64xf32, #tpu.memory_space<vmem>>, vector<16xf32>,
      %get3A_504 = arith.index_cast %scan3A_494 : i32 to index
      %get3A_505 = arith.constant 16 : index
      %get3A_506 = tpu.vector_load %arg8[%get3A_504, %get3A_505] {strides = array<i32>} : memref<320x64xf32, #tpu.memory_space<vmem>>, vector<16xf32>,
      %mul3A_507 = arith.constant 8.000000e+00 : f32
      %mul3A_508 = vector.broadcast %mul3A_507 : f32 to vector<16xf32>
      %mul3A_509 = arith.mulf %get3A_506, %mul3A_508 : vector<16xf32>
      %swap3A_510 = arith.index_cast %scan3A_494 : i32 to index
      %swap3A_511 = arith.constant 16 : index
      %swap3A_512 = tpu.vector_load %arg8[%swap3A_510, %swap3A_511] {strides = array<i32>} : memref<320x64xf32, #tpu.memory_space<vmem>>, vector<16xf32>,
      tpu.vector_store %arg8[%swap3A_510, %swap3A_511], %mul3A_509 {strides = array<i32>} : memref<320x64xf32, #tpu.memory_space<vmem>>, vector<16xf32>,
      %get3A_513 = arith.index_cast %scan3A_494 : i32 to index
      %get3A_514 = arith.constant 32 : index
      %get3A_515 = tpu.vector_load %arg8[%get3A_513, %get3A_514] {strides = array<i32>} : memref<320x64xf32, #tpu.memory_space<vmem>>, vector<16xf32>,
      %mul3A_516 = arith.constant 8.000000e+00 : f32
      %mul3A_517 = vector.broadcast %mul3A_516 : f32 to vector<16xf32>
      %mul3A_518 = arith.mulf %get3A_515, %mul3A_517 : vector<16xf32>
      %swap3A_519 = arith.index_cast %scan3A_494 : i32 to index
      %swap3A_520 = arith.constant 32 : index
      %swap3A_521 = tpu.vector_load %arg8[%swap3A_519, %swap3A_520] {strides = array<i32>} : memref<320x64xf32, #tpu.memory_space<vmem>>, vector<16xf32>,
      tpu.vector_store %arg8[%swap3A_519, %swap3A_520], %mul3A_518 {strides = array<i32>} : memref<320x64xf32, #tpu.memory_space<vmem>>, vector<16xf32>,
      %get3A_522 = arith.index_cast %scan3A_494 : i32 to index
      %get3A_523 = arith.constant 48 : index
      %get3A_524 = tpu.vector_load %arg8[%get3A_522, %get3A_523] {strides = array<i32>} : memref<320x64xf32, #tpu.memory_space<vmem>>, vector<16xf32>,
      %mul3A_525 = arith.constant 8.000000e+00 : f32
      %mul3A_526 = vector.broadcast %mul3A_525 : f32 to vector<16xf32>
      %mul3A_527 = arith.mulf %get3A_524, %mul3A_526 : vector<16xf32>
      %swap3A_528 = arith.index_cast %scan3A_494 : i32 to index
      %swap3A_529 = arith.constant 48 : index
      %swap3A_530 = tpu.vector_load %arg8[%swap3A_528, %swap3A_529] {strides = array<i32>} : memref<320x64xf32, #tpu.memory_space<vmem>>, vector<16xf32>,
      tpu.vector_store %arg8[%swap3A_528, %swap3A_529], %mul3A_527 {strides = array<i32>} : memref<320x64xf32, #tpu.memory_space<vmem>>, vector<16xf32>,
    }
    %scan3A_182 = arith.constant 320 : i32
    %add3A_183 = arith.constant 24960 : i32
    %add3A_184 = arith.addi %mul3A_2, %add3A_183 : i32
    %dma_start3A_185 = arith.constant 0 : i32
    %dma_start3A_186 = tpu.memref_slice %arg4[%add3A_184, %dma_start3A_185] : memref<819200x128xf32, #tpu.memory_space<hbm>> -> memref<320x64xf32, #tpu.memory_space<hbm>>
    %dma_start3A_187 = arith.constant 0 : i32
    %dma_start3A_188 = tpu.memref_slice %arg4[%add3A_184, %dma_start3A_187] : memref<819200x128xf32, #tpu.memory_space<hbm>> -> memref<320x64xf32, #tpu.memory_space<hbm>>
    tpu.enqueue_dma source(%arg8 : memref<320x64xf32, #tpu.memory_space<vmem>>) target(%dma_start3A_188 : memref<320x64xf32, #tpu.memory_space<hbm>>) target_semaphore(%arg16 : memref<!tpu.dma_semaphore, #tpu.memory_space<semaphore_mem>>)
    %dma_wait3A_189 = arith.constant 25280 : i32
    %dma_wait3A_190 = tpu.memref_slice %arg5[%dma_wait3A_189] : memref<25600xi32, #tpu.memory_space<vmem>> -> memref<320xi32, #tpu.memory_space<vmem>>
    %dma_wait3A_191 = arith.constant 0 : i32
    %dma_wait3A_192 = arith.constant 0 : i32
    %dma_wait3A_193 = tpu.memref_slice %arg3[%dma_wait3A_191, %dma_wait3A_192] : memref<1000000x64xf32, #tpu.memory_space<hbm>> -> memref<1000000x64xf32, #tpu.memory_space<hbm>>
    tpu.wait_indirect_dma semaphore(%arg13 : memref<!tpu.dma_semaphore, #tpu.memory_space<semaphore_mem>>) src(%dma_wait3A_193 : memref<1000000x64xf32, #tpu.memory_space<hbm>>) dst(%arg9 : memref<320x64xf32, #tpu.memory_space<vmem>>)
    %scan3A_194 = arith.constant 0 : i32
    %scan3A_195 = arith.constant 0 : i32
    %scan3A_196 = arith.constant 320 : i32
    %scan3A_197 = arith.addi %scan3A_195, %scan3A_196 : i32
    %scan3A_198 = arith.constant 8 : i32
    scf.for %scan3A_230 = %scan3A_195 to %scan3A_197 step %scan3A_198  : i32 {
      %get3A = arith.index_cast %scan3A_230 : i32 to index
      %get3A_231 = arith.constant 0 : index
      %get3A_232 = tpu.vector_load %arg9[%get3A, %get3A_231] {strides = array<i32>} : memref<320x64xf32, #tpu.memory_space<vmem>>, vector<16xf32>,
      %mul3A_233 = arith.constant 8.000000e+00 : f32
      %mul3A_234 = vector.broadcast %mul3A_233 : f32 to vector<16xf32>
      %mul3A_235 = arith.mulf %get3A_232, %mul3A_234 : vector<16xf32>
      %swap3A = arith.index_cast %scan3A_230 : i32 to index
      %swap3A_236 = arith.constant 0 : index
      %swap3A_237 = tpu.vector_load %arg9[%swap3A, %swap3A_236] {strides = array<i32>} : memref<320x64xf32, #tpu.memory_space<vmem>>, vector<16xf32>,
      tpu.vector_store %arg9[%swap3A, %swap3A_236], %mul3A_235 {strides = array<i32>} : memref<320x64xf32, #tpu.memory_space<vmem>>, vector<16xf32>,
      %get3A_238 = arith.index_cast %scan3A_230 : i32 to index
      %get3A_239 = arith.constant 16 : index
      %get3A_240 = tpu.vector_load %arg9[%get3A_238, %get3A_239] {strides = array<i32>} : memref<320x64xf32, #tpu.memory_space<vmem>>, vector<16xf32>,
      %mul3A_241 = arith.constant 8.000000e+00 : f32
      %mul3A_242 = vector.broadcast %mul3A_241 : f32 to vector<16xf32>
      %mul3A_243 = arith.mulf %get3A_240, %mul3A_242 : vector<16xf32>
      %swap3A_244 = arith.index_cast %scan3A_230 : i32 to index
      %swap3A_245 = arith.constant 16 : index
      %swap3A_246 = tpu.vector_load %arg9[%swap3A_244, %swap3A_245] {strides = array<i32>} : memref<320x64xf32, #tpu.memory_space<vmem>>, vector<16xf32>,
      tpu.vector_store %arg9[%swap3A_244, %swap3A_245], %mul3A_243 {strides = array<i32>} : memref<320x64xf32, #tpu.memory_space<vmem>>, vector<16xf32>,
      %get3A_247 = arith.index_cast %scan3A_230 : i32 to index
      %get3A_248 = arith.constant 32 : index
      %get3A_249 = tpu.vector_load %arg9[%get3A_247, %get3A_248] {strides = array<i32>} : memref<320x64xf32, #tpu.memory_space<vmem>>, vector<16xf32>,
      %mul3A_250 = arith.constant 8.000000e+00 : f32
      %mul3A_251 = vector.broadcast %mul3A_250 : f32 to vector<16xf32>
      %mul3A_252 = arith.mulf %get3A_249, %mul3A_251 : vector<16xf32>
      %swap3A_253 = arith.index_cast %scan3A_230 : i32 to index
      %swap3A_254 = arith.constant 32 : index
      %swap3A_255 = tpu.vector_load %arg9[%swap3A_253, %swap3A_254] {strides = array<i32>} : memref<320x64xf32, #tpu.memory_space<vmem>>, vector<16xf32>,
      tpu.vector_store %arg9[%swap3A_253, %swap3A_254], %mul3A_252 {strides = array<i32>} : memref<320x64xf32, #tpu.memory_space<vmem>>, vector<16xf32>,
      %get3A_256 = arith.index_cast %scan3A_230 : i32 to index
      %get3A_257 = arith.constant 48 : index
      %get3A_258 = tpu.vector_load %arg9[%get3A_256, %get3A_257] {strides = array<i32>} : memref<320x64xf32, #tpu.memory_space<vmem>>, vector<16xf32>,
      %mul3A_259 = arith.constant 8.000000e+00 : f32
      %mul3A_260 = vector.broadcast %mul3A_259 : f32 to vector<16xf32>
      %mul3A_261 = arith.mulf %get3A_258, %mul3A_260 : vector<16xf32>
      %swap3A_262 = arith.index_cast %scan3A_230 : i32 to index
      %swap3A_263 = arith.constant 48 : index
      %swap3A_264 = tpu.vector_load %arg9[%swap3A_262, %swap3A_263] {strides = array<i32>} : memref<320x64xf32, #tpu.memory_space<vmem>>, vector<16xf32>,
      tpu.vector_store %arg9[%swap3A_262, %swap3A_263], %mul3A_261 {strides = array<i32>} : memref<320x64xf32, #tpu.memory_space<vmem>>, vector<16xf32>,
      %scan3A_265 = arith.constant 1 : i32
      %scan3A_266 = arith.addi %scan3A_230, %scan3A_265 : i32
      %get3A_267 = arith.index_cast %scan3A_266 : i32 to index
      %get3A_268 = arith.constant 0 : index
      %get3A_269 = tpu.vector_load %arg9[%get3A_267, %get3A_268] {strides = array<i32>} : memref<320x64xf32, #tpu.memory_space<vmem>>, vector<16xf32>,
      %mul3A_270 = arith.constant 8.000000e+00 : f32
      %mul3A_271 = vector.broadcast %mul3A_270 : f32 to vector<16xf32>
      %mul3A_272 = arith.mulf %get3A_269, %mul3A_271 : vector<16xf32>
      %swap3A_273 = arith.index_cast %scan3A_266 : i32 to index
      %swap3A_274 = arith.constant 0 : index
      %swap3A_275 = tpu.vector_load %arg9[%swap3A_273, %swap3A_274] {strides = array<i32>} : memref<320x64xf32, #tpu.memory_space<vmem>>, vector<16xf32>,
      tpu.vector_store %arg9[%swap3A_273, %swap3A_274], %mul3A_272 {strides = array<i32>} : memref<320x64xf32, #tpu.memory_space<vmem>>, vector<16xf32>,
      %get3A_276 = arith.index_cast %scan3A_266 : i32 to index
      %get3A_277 = arith.constant 16 : index
      %get3A_278 = tpu.vector_load %arg9[%get3A_276, %get3A_277] {strides = array<i32>} : memref<320x64xf32, #tpu.memory_space<vmem>>, vector<16xf32>,
      %mul3A_279 = arith.constant 8.000000e+00 : f32
      %mul3A_280 = vector.broadcast %mul3A_279 : f32 to vector<16xf32>
      %mul3A_281 = arith.mulf %get3A_278, %mul3A_280 : vector<16xf32>
      %swap3A_282 = arith.index_cast %scan3A_266 : i32 to index
      %swap3A_283 = arith.constant 16 : index
      %swap3A_284 = tpu.vector_load %arg9[%swap3A_282, %swap3A_283] {strides = array<i32>} : memref<320x64xf32, #tpu.memory_space<vmem>>, vector<16xf32>,
      tpu.vector_store %arg9[%swap3A_282, %swap3A_283], %mul3A_281 {strides = array<i32>} : memref<320x64xf32, #tpu.memory_space<vmem>>, vector<16xf32>,
      %get3A_285 = arith.index_cast %scan3A_266 : i32 to index
      %get3A_286 = arith.constant 32 : index
      %get3A_287 = tpu.vector_load %arg9[%get3A_285, %get3A_286] {strides = array<i32>} : memref<320x64xf32, #tpu.memory_space<vmem>>, vector<16xf32>,
      %mul3A_288 = arith.constant 8.000000e+00 : f32
      %mul3A_289 = vector.broadcast %mul3A_288 : f32 to vector<16xf32>
      %mul3A_290 = arith.mulf %get3A_287, %mul3A_289 : vector<16xf32>
      %swap3A_291 = arith.index_cast %scan3A_266 : i32 to index
      %swap3A_292 = arith.constant 32 : index
      %swap3A_293 = tpu.vector_load %arg9[%swap3A_291, %swap3A_292] {strides = array<i32>} : memref<320x64xf32, #tpu.memory_space<vmem>>, vector<16xf32>,
      tpu.vector_store %arg9[%swap3A_291, %swap3A_292], %mul3A_290 {strides = array<i32>} : memref<320x64xf32, #tpu.memory_space<vmem>>, vector<16xf32>,
      %get3A_294 = arith.index_cast %scan3A_266 : i32 to index
      %get3A_295 = arith.constant 48 : index
      %get3A_296 = tpu.vector_load %arg9[%get3A_294, %get3A_295] {strides = array<i32>} : memref<320x64xf32, #tpu.memory_space<vmem>>, vector<16xf32>,
      %mul3A_297 = arith.constant 8.000000e+00 : f32
      %mul3A_298 = vector.broadcast %mul3A_297 : f32 to vector<16xf32>
      %mul3A_299 = arith.mulf %get3A_296, %mul3A_298 : vector<16xf32>
      %swap3A_300 = arith.index_cast %scan3A_266 : i32 to index
      %swap3A_301 = arith.constant 48 : index
      %swap3A_302 = tpu.vector_load %arg9[%swap3A_300, %swap3A_301] {strides = array<i32>} : memref<320x64xf32, #tpu.memory_space<vmem>>, vector<16xf32>,
      tpu.vector_store %arg9[%swap3A_300, %swap3A_301], %mul3A_299 {strides = array<i32>} : memref<320x64xf32, #tpu.memory_space<vmem>>, vector<16xf32>,
      %scan3A_303 = arith.constant 2 : i32
      %scan3A_304 = arith.addi %scan3A_230, %scan3A_303 : i32
      %get3A_305 = arith.index_cast %scan3A_304 : i32 to index
      %get3A_306 = arith.constant 0 : index
      %get3A_307 = tpu.vector_load %arg9[%get3A_305, %get3A_306] {strides = array<i32>} : memref<320x64xf32, #tpu.memory_space<vmem>>, vector<16xf32>,
      %mul3A_308 = arith.constant 8.000000e+00 : f32
      %mul3A_309 = vector.broadcast %mul3A_308 : f32 to vector<16xf32>
      %mul3A_310 = arith.mulf %get3A_307, %mul3A_309 : vector<16xf32>
      %swap3A_311 = arith.index_cast %scan3A_304 : i32 to index
      %swap3A_312 = arith.constant 0 : index
      %swap3A_313 = tpu.vector_load %arg9[%swap3A_311, %swap3A_312] {strides = array<i32>} : memref<320x64xf32, #tpu.memory_space<vmem>>, vector<16xf32>,
      tpu.vector_store %arg9[%swap3A_311, %swap3A_312], %mul3A_310 {strides = array<i32>} : memref<320x64xf32, #tpu.memory_space<vmem>>, vector<16xf32>,
      %get3A_314 = arith.index_cast %scan3A_304 : i32 to index
      %get3A_315 = arith.constant 16 : index
      %get3A_316 = tpu.vector_load %arg9[%get3A_314, %get3A_315] {strides = array<i32>} : memref<320x64xf32, #tpu.memory_space<vmem>>, vector<16xf32>,
      %mul3A_317 = arith.constant 8.000000e+00 : f32
      %mul3A_318 = vector.broadcast %mul3A_317 : f32 to vector<16xf32>
      %mul3A_319 = arith.mulf %get3A_316, %mul3A_318 : vector<16xf32>
      %swap3A_320 = arith.index_cast %scan3A_304 : i32 to index
      %swap3A_321 = arith.constant 16 : index
      %swap3A_322 = tpu.vector_load %arg9[%swap3A_320, %swap3A_321] {strides = array<i32>} : memref<320x64xf32, #tpu.memory_space<vmem>>, vector<16xf32>,
      tpu.vector_store %arg9[%swap3A_320, %swap3A_321], %mul3A_319 {strides = array<i32>} : memref<320x64xf32, #tpu.memory_space<vmem>>, vector<16xf32>,
      %get3A_323 = arith.index_cast %scan3A_304 : i32 to index
      %get3A_324 = arith.constant 32 : index
      %get3A_325 = tpu.vector_load %arg9[%get3A_323, %get3A_324] {strides = array<i32>} : memref<320x64xf32, #tpu.memory_space<vmem>>, vector<16xf32>,
      %mul3A_326 = arith.constant 8.000000e+00 : f32
      %mul3A_327 = vector.broadcast %mul3A_326 : f32 to vector<16xf32>
      %mul3A_328 = arith.mulf %get3A_325, %mul3A_327 : vector<16xf32>
      %swap3A_329 = arith.index_cast %scan3A_304 : i32 to index
      %swap3A_330 = arith.constant 32 : index
      %swap3A_331 = tpu.vector_load %arg9[%swap3A_329, %swap3A_330] {strides = array<i32>} : memref<320x64xf32, #tpu.memory_space<vmem>>, vector<16xf32>,
      tpu.vector_store %arg9[%swap3A_329, %swap3A_330], %mul3A_328 {strides = array<i32>} : memref<320x64xf32, #tpu.memory_space<vmem>>, vector<16xf32>,
      %get3A_332 = arith.index_cast %scan3A_304 : i32 to index
      %get3A_333 = arith.constant 48 : index
      %get3A_334 = tpu.vector_load %arg9[%get3A_332, %get3A_333] {strides = array<i32>} : memref<320x64xf32, #tpu.memory_space<vmem>>, vector<16xf32>,
      %mul3A_335 = arith.constant 8.000000e+00 : f32
      %mul3A_336 = vector.broadcast %mul3A_335 : f32 to vector<16xf32>
      %mul3A_337 = arith.mulf %get3A_334, %mul3A_336 : vector<16xf32>
      %swap3A_338 = arith.index_cast %scan3A_304 : i32 to index
      %swap3A_339 = arith.constant 48 : index
      %swap3A_340 = tpu.vector_load %arg9[%swap3A_338, %swap3A_339] {strides = array<i32>} : memref<320x64xf32, #tpu.memory_space<vmem>>, vector<16xf32>,
      tpu.vector_store %arg9[%swap3A_338, %swap3A_339], %mul3A_337 {strides = array<i32>} : memref<320x64xf32, #tpu.memory_space<vmem>>, vector<16xf32>,
      %scan3A_341 = arith.constant 3 : i32
      %scan3A_342 = arith.addi %scan3A_230, %scan3A_341 : i32
      %get3A_343 = arith.index_cast %scan3A_342 : i32 to index
      %get3A_344 = arith.constant 0 : index
      %get3A_345 = tpu.vector_load %arg9[%get3A_343, %get3A_344] {strides = array<i32>} : memref<320x64xf32, #tpu.memory_space<vmem>>, vector<16xf32>,
      %mul3A_346 = arith.constant 8.000000e+00 : f32
      %mul3A_347 = vector.broadcast %mul3A_346 : f32 to vector<16xf32>
      %mul3A_348 = arith.mulf %get3A_345, %mul3A_347 : vector<16xf32>
      %swap3A_349 = arith.index_cast %scan3A_342 : i32 to index
      %swap3A_350 = arith.constant 0 : index
      %swap3A_351 = tpu.vector_load %arg9[%swap3A_349, %swap3A_350] {strides = array<i32>} : memref<320x64xf32, #tpu.memory_space<vmem>>, vector<16xf32>,
      tpu.vector_store %arg9[%swap3A_349, %swap3A_350], %mul3A_348 {strides = array<i32>} : memref<320x64xf32, #tpu.memory_space<vmem>>, vector<16xf32>,
      %get3A_352 = arith.index_cast %scan3A_342 : i32 to index
      %get3A_353 = arith.constant 16 : index
      %get3A_354 = tpu.vector_load %arg9[%get3A_352, %get3A_353] {strides = array<i32>} : memref<320x64xf32, #tpu.memory_space<vmem>>, vector<16xf32>,
      %mul3A_355 = arith.constant 8.000000e+00 : f32
      %mul3A_356 = vector.broadcast %mul3A_355 : f32 to vector<16xf32>
      %mul3A_357 = arith.mulf %get3A_354, %mul3A_356 : vector<16xf32>
      %swap3A_358 = arith.index_cast %scan3A_342 : i32 to index
      %swap3A_359 = arith.constant 16 : index
      %swap3A_360 = tpu.vector_load %arg9[%swap3A_358, %swap3A_359] {strides = array<i32>} : memref<320x64xf32, #tpu.memory_space<vmem>>, vector<16xf32>,
      tpu.vector_store %arg9[%swap3A_358, %swap3A_359], %mul3A_357 {strides = array<i32>} : memref<320x64xf32, #tpu.memory_space<vmem>>, vector<16xf32>,
      %get3A_361 = arith.index_cast %scan3A_342 : i32 to index
      %get3A_362 = arith.constant 32 : index
      %get3A_363 = tpu.vector_load %arg9[%get3A_361, %get3A_362] {strides = array<i32>} : memref<320x64xf32, #tpu.memory_space<vmem>>, vector<16xf32>,
      %mul3A_364 = arith.constant 8.000000e+00 : f32
      %mul3A_365 = vector.broadcast %mul3A_364 : f32 to vector<16xf32>
      %mul3A_366 = arith.mulf %get3A_363, %mul3A_365 : vector<16xf32>
      %swap3A_367 = arith.index_cast %scan3A_342 : i32 to index
      %swap3A_368 = arith.constant 32 : index
      %swap3A_369 = tpu.vector_load %arg9[%swap3A_367, %swap3A_368] {strides = array<i32>} : memref<320x64xf32, #tpu.memory_space<vmem>>, vector<16xf32>,
      tpu.vector_store %arg9[%swap3A_367, %swap3A_368], %mul3A_366 {strides = array<i32>} : memref<320x64xf32, #tpu.memory_space<vmem>>, vector<16xf32>,
      %get3A_370 = arith.index_cast %scan3A_342 : i32 to index
      %get3A_371 = arith.constant 48 : index
      %get3A_372 = tpu.vector_load %arg9[%get3A_370, %get3A_371] {strides = array<i32>} : memref<320x64xf32, #tpu.memory_space<vmem>>, vector<16xf32>,
      %mul3A_373 = arith.constant 8.000000e+00 : f32
      %mul3A_374 = vector.broadcast %mul3A_373 : f32 to vector<16xf32>
      %mul3A_375 = arith.mulf %get3A_372, %mul3A_374 : vector<16xf32>
      %swap3A_376 = arith.index_cast %scan3A_342 : i32 to index
      %swap3A_377 = arith.constant 48 : index
      %swap3A_378 = tpu.vector_load %arg9[%swap3A_376, %swap3A_377] {strides = array<i32>} : memref<320x64xf32, #tpu.memory_space<vmem>>, vector<16xf32>,
      tpu.vector_store %arg9[%swap3A_376, %swap3A_377], %mul3A_375 {strides = array<i32>} : memref<320x64xf32, #tpu.memory_space<vmem>>, vector<16xf32>,
      %scan3A_379 = arith.constant 4 : i32
      %scan3A_380 = arith.addi %scan3A_230, %scan3A_379 : i32
      %get3A_381 = arith.index_cast %scan3A_380 : i32 to index
      %get3A_382 = arith.constant 0 : index
      %get3A_383 = tpu.vector_load %arg9[%get3A_381, %get3A_382] {strides = array<i32>} : memref<320x64xf32, #tpu.memory_space<vmem>>, vector<16xf32>,
      %mul3A_384 = arith.constant 8.000000e+00 : f32
      %mul3A_385 = vector.broadcast %mul3A_384 : f32 to vector<16xf32>
      %mul3A_386 = arith.mulf %get3A_383, %mul3A_385 : vector<16xf32>
      %swap3A_387 = arith.index_cast %scan3A_380 : i32 to index
      %swap3A_388 = arith.constant 0 : index
      %swap3A_389 = tpu.vector_load %arg9[%swap3A_387, %swap3A_388] {strides = array<i32>} : memref<320x64xf32, #tpu.memory_space<vmem>>, vector<16xf32>,
      tpu.vector_store %arg9[%swap3A_387, %swap3A_388], %mul3A_386 {strides = array<i32>} : memref<320x64xf32, #tpu.memory_space<vmem>>, vector<16xf32>,
      %get3A_390 = arith.index_cast %scan3A_380 : i32 to index
      %get3A_391 = arith.constant 16 : index
      %get3A_392 = tpu.vector_load %arg9[%get3A_390, %get3A_391] {strides = array<i32>} : memref<320x64xf32, #tpu.memory_space<vmem>>, vector<16xf32>,
      %mul3A_393 = arith.constant 8.000000e+00 : f32
      %mul3A_394 = vector.broadcast %mul3A_393 : f32 to vector<16xf32>
      %mul3A_395 = arith.mulf %get3A_392, %mul3A_394 : vector<16xf32>
      %swap3A_396 = arith.index_cast %scan3A_380 : i32 to index
      %swap3A_397 = arith.constant 16 : index
      %swap3A_398 = tpu.vector_load %arg9[%swap3A_396, %swap3A_397] {strides = array<i32>} : memref<320x64xf32, #tpu.memory_space<vmem>>, vector<16xf32>,
      tpu.vector_store %arg9[%swap3A_396, %swap3A_397], %mul3A_395 {strides = array<i32>} : memref<320x64xf32, #tpu.memory_space<vmem>>, vector<16xf32>,
      %get3A_399 = arith.index_cast %scan3A_380 : i32 to index
      %get3A_400 = arith.constant 32 : index
      %get3A_401 = tpu.vector_load %arg9[%get3A_399, %get3A_400] {strides = array<i32>} : memref<320x64xf32, #tpu.memory_space<vmem>>, vector<16xf32>,
      %mul3A_402 = arith.constant 8.000000e+00 : f32
      %mul3A_403 = vector.broadcast %mul3A_402 : f32 to vector<16xf32>
      %mul3A_404 = arith.mulf %get3A_401, %mul3A_403 : vector<16xf32>
      %swap3A_405 = arith.index_cast %scan3A_380 : i32 to index
      %swap3A_406 = arith.constant 32 : index
      %swap3A_407 = tpu.vector_load %arg9[%swap3A_405, %swap3A_406] {strides = array<i32>} : memref<320x64xf32, #tpu.memory_space<vmem>>, vector<16xf32>,
      tpu.vector_store %arg9[%swap3A_405, %swap3A_406], %mul3A_404 {strides = array<i32>} : memref<320x64xf32, #tpu.memory_space<vmem>>, vector<16xf32>,
      %get3A_408 = arith.index_cast %scan3A_380 : i32 to index
      %get3A_409 = arith.constant 48 : index
      %get3A_410 = tpu.vector_load %arg9[%get3A_408, %get3A_409] {strides = array<i32>} : memref<320x64xf32, #tpu.memory_space<vmem>>, vector<16xf32>,
      %mul3A_411 = arith.constant 8.000000e+00 : f32
      %mul3A_412 = vector.broadcast %mul3A_411 : f32 to vector<16xf32>
      %mul3A_413 = arith.mulf %get3A_410, %mul3A_412 : vector<16xf32>
      %swap3A_414 = arith.index_cast %scan3A_380 : i32 to index
      %swap3A_415 = arith.constant 48 : index
      %swap3A_416 = tpu.vector_load %arg9[%swap3A_414, %swap3A_415] {strides = array<i32>} : memref<320x64xf32, #tpu.memory_space<vmem>>, vector<16xf32>,
      tpu.vector_store %arg9[%swap3A_414, %swap3A_415], %mul3A_413 {strides = array<i32>} : memref<320x64xf32, #tpu.memory_space<vmem>>, vector<16xf32>,
      %scan3A_417 = arith.constant 5 : i32
      %scan3A_418 = arith.addi %scan3A_230, %scan3A_417 : i32
      %get3A_419 = arith.index_cast %scan3A_418 : i32 to index
      %get3A_420 = arith.constant 0 : index
      %get3A_421 = tpu.vector_load %arg9[%get3A_419, %get3A_420] {strides = array<i32>} : memref<320x64xf32, #tpu.memory_space<vmem>>, vector<16xf32>,
      %mul3A_422 = arith.constant 8.000000e+00 : f32
      %mul3A_423 = vector.broadcast %mul3A_422 : f32 to vector<16xf32>
      %mul3A_424 = arith.mulf %get3A_421, %mul3A_423 : vector<16xf32>
      %swap3A_425 = arith.index_cast %scan3A_418 : i32 to index
      %swap3A_426 = arith.constant 0 : index
      %swap3A_427 = tpu.vector_load %arg9[%swap3A_425, %swap3A_426] {strides = array<i32>} : memref<320x64xf32, #tpu.memory_space<vmem>>, vector<16xf32>,
      tpu.vector_store %arg9[%swap3A_425, %swap3A_426], %mul3A_424 {strides = array<i32>} : memref<320x64xf32, #tpu.memory_space<vmem>>, vector<16xf32>,
      %get3A_428 = arith.index_cast %scan3A_418 : i32 to index
      %get3A_429 = arith.constant 16 : index
      %get3A_430 = tpu.vector_load %arg9[%get3A_428, %get3A_429] {strides = array<i32>} : memref<320x64xf32, #tpu.memory_space<vmem>>, vector<16xf32>,
      %mul3A_431 = arith.constant 8.000000e+00 : f32
      %mul3A_432 = vector.broadcast %mul3A_431 : f32 to vector<16xf32>
      %mul3A_433 = arith.mulf %get3A_430, %mul3A_432 : vector<16xf32>
      %swap3A_434 = arith.index_cast %scan3A_418 : i32 to index
      %swap3A_435 = arith.constant 16 : index
      %swap3A_436 = tpu.vector_load %arg9[%swap3A_434, %swap3A_435] {strides = array<i32>} : memref<320x64xf32, #tpu.memory_space<vmem>>, vector<16xf32>,
      tpu.vector_store %arg9[%swap3A_434, %swap3A_435], %mul3A_433 {strides = array<i32>} : memref<320x64xf32, #tpu.memory_space<vmem>>, vector<16xf32>,
      %get3A_437 = arith.index_cast %scan3A_418 : i32 to index
      %get3A_438 = arith.constant 32 : index
      %get3A_439 = tpu.vector_load %arg9[%get3A_437, %get3A_438] {strides = array<i32>} : memref<320x64xf32, #tpu.memory_space<vmem>>, vector<16xf32>,
      %mul3A_440 = arith.constant 8.000000e+00 : f32
      %mul3A_441 = vector.broadcast %mul3A_440 : f32 to vector<16xf32>
      %mul3A_442 = arith.mulf %get3A_439, %mul3A_441 : vector<16xf32>
      %swap3A_443 = arith.index_cast %scan3A_418 : i32 to index
      %swap3A_444 = arith.constant 32 : index
      %swap3A_445 = tpu.vector_load %arg9[%swap3A_443, %swap3A_444] {strides = array<i32>} : memref<320x64xf32, #tpu.memory_space<vmem>>, vector<16xf32>,
      tpu.vector_store %arg9[%swap3A_443, %swap3A_444], %mul3A_442 {strides = array<i32>} : memref<320x64xf32, #tpu.memory_space<vmem>>, vector<16xf32>,
      %get3A_446 = arith.index_cast %scan3A_418 : i32 to index
      %get3A_447 = arith.constant 48 : index
      %get3A_448 = tpu.vector_load %arg9[%get3A_446, %get3A_447] {strides = array<i32>} : memref<320x64xf32, #tpu.memory_space<vmem>>, vector<16xf32>,
      %mul3A_449 = arith.constant 8.000000e+00 : f32
      %mul3A_450 = vector.broadcast %mul3A_449 : f32 to vector<16xf32>
      %mul3A_451 = arith.mulf %get3A_448, %mul3A_450 : vector<16xf32>
      %swap3A_452 = arith.index_cast %scan3A_418 : i32 to index
      %swap3A_453 = arith.constant 48 : index
      %swap3A_454 = tpu.vector_load %arg9[%swap3A_452, %swap3A_453] {strides = array<i32>} : memref<320x64xf32, #tpu.memory_space<vmem>>, vector<16xf32>,
      tpu.vector_store %arg9[%swap3A_452, %swap3A_453], %mul3A_451 {strides = array<i32>} : memref<320x64xf32, #tpu.memory_space<vmem>>, vector<16xf32>,
      %scan3A_455 = arith.constant 6 : i32
      %scan3A_456 = arith.addi %scan3A_230, %scan3A_455 : i32
      %get3A_457 = arith.index_cast %scan3A_456 : i32 to index
      %get3A_458 = arith.constant 0 : index
      %get3A_459 = tpu.vector_load %arg9[%get3A_457, %get3A_458] {strides = array<i32>} : memref<320x64xf32, #tpu.memory_space<vmem>>, vector<16xf32>,
      %mul3A_460 = arith.constant 8.000000e+00 : f32
      %mul3A_461 = vector.broadcast %mul3A_460 : f32 to vector<16xf32>
      %mul3A_462 = arith.mulf %get3A_459, %mul3A_461 : vector<16xf32>
      %swap3A_463 = arith.index_cast %scan3A_456 : i32 to index
      %swap3A_464 = arith.constant 0 : index
      %swap3A_465 = tpu.vector_load %arg9[%swap3A_463, %swap3A_464] {strides = array<i32>} : memref<320x64xf32, #tpu.memory_space<vmem>>, vector<16xf32>,
      tpu.vector_store %arg9[%swap3A_463, %swap3A_464], %mul3A_462 {strides = array<i32>} : memref<320x64xf32, #tpu.memory_space<vmem>>, vector<16xf32>,
      %get3A_466 = arith.index_cast %scan3A_456 : i32 to index
      %get3A_467 = arith.constant 16 : index
      %get3A_468 = tpu.vector_load %arg9[%get3A_466, %get3A_467] {strides = array<i32>} : memref<320x64xf32, #tpu.memory_space<vmem>>, vector<16xf32>,
      %mul3A_469 = arith.constant 8.000000e+00 : f32
      %mul3A_470 = vector.broadcast %mul3A_469 : f32 to vector<16xf32>
      %mul3A_471 = arith.mulf %get3A_468, %mul3A_470 : vector<16xf32>
      %swap3A_472 = arith.index_cast %scan3A_456 : i32 to index
      %swap3A_473 = arith.constant 16 : index
      %swap3A_474 = tpu.vector_load %arg9[%swap3A_472, %swap3A_473] {strides = array<i32>} : memref<320x64xf32, #tpu.memory_space<vmem>>, vector<16xf32>,
      tpu.vector_store %arg9[%swap3A_472, %swap3A_473], %mul3A_471 {strides = array<i32>} : memref<320x64xf32, #tpu.memory_space<vmem>>, vector<16xf32>,
      %get3A_475 = arith.index_cast %scan3A_456 : i32 to index
      %get3A_476 = arith.constant 32 : index
      %get3A_477 = tpu.vector_load %arg9[%get3A_475, %get3A_476] {strides = array<i32>} : memref<320x64xf32, #tpu.memory_space<vmem>>, vector<16xf32>,
      %mul3A_478 = arith.constant 8.000000e+00 : f32
      %mul3A_479 = vector.broadcast %mul3A_478 : f32 to vector<16xf32>
      %mul3A_480 = arith.mulf %get3A_477, %mul3A_479 : vector<16xf32>
      %swap3A_481 = arith.index_cast %scan3A_456 : i32 to index
      %swap3A_482 = arith.constant 32 : index
      %swap3A_483 = tpu.vector_load %arg9[%swap3A_481, %swap3A_482] {strides = array<i32>} : memref<320x64xf32, #tpu.memory_space<vmem>>, vector<16xf32>,
      tpu.vector_store %arg9[%swap3A_481, %swap3A_482], %mul3A_480 {strides = array<i32>} : memref<320x64xf32, #tpu.memory_space<vmem>>, vector<16xf32>,
      %get3A_484 = arith.index_cast %scan3A_456 : i32 to index
      %get3A_485 = arith.constant 48 : index
      %get3A_486 = tpu.vector_load %arg9[%get3A_484, %get3A_485] {strides = array<i32>} : memref<320x64xf32, #tpu.memory_space<vmem>>, vector<16xf32>,
      %mul3A_487 = arith.constant 8.000000e+00 : f32
      %mul3A_488 = vector.broadcast %mul3A_487 : f32 to vector<16xf32>
      %mul3A_489 = arith.mulf %get3A_486, %mul3A_488 : vector<16xf32>
      %swap3A_490 = arith.index_cast %scan3A_456 : i32 to index
      %swap3A_491 = arith.constant 48 : index
      %swap3A_492 = tpu.vector_load %arg9[%swap3A_490, %swap3A_491] {strides = array<i32>} : memref<320x64xf32, #tpu.memory_space<vmem>>, vector<16xf32>,
      tpu.vector_store %arg9[%swap3A_490, %swap3A_491], %mul3A_489 {strides = array<i32>} : memref<320x64xf32, #tpu.memory_space<vmem>>, vector<16xf32>,
      %scan3A_493 = arith.constant 7 : i32
      %scan3A_494 = arith.addi %scan3A_230, %scan3A_493 : i32
      %get3A_495 = arith.index_cast %scan3A_494 : i32 to index
      %get3A_496 = arith.constant 0 : index
      %get3A_497 = tpu.vector_load %arg9[%get3A_495, %get3A_496] {strides = array<i32>} : memref<320x64xf32, #tpu.memory_space<vmem>>, vector<16xf32>,
      %mul3A_498 = arith.constant 8.000000e+00 : f32
      %mul3A_499 = vector.broadcast %mul3A_498 : f32 to vector<16xf32>
      %mul3A_500 = arith.mulf %get3A_497, %mul3A_499 : vector<16xf32>
      %swap3A_501 = arith.index_cast %scan3A_494 : i32 to index
      %swap3A_502 = arith.constant 0 : index
      %swap3A_503 = tpu.vector_load %arg9[%swap3A_501, %swap3A_502] {strides = array<i32>} : memref<320x64xf32, #tpu.memory_space<vmem>>, vector<16xf32>,
      tpu.vector_store %arg9[%swap3A_501, %swap3A_502], %mul3A_500 {strides = array<i32>} : memref<320x64xf32, #tpu.memory_space<vmem>>, vector<16xf32>,
      %get3A_504 = arith.index_cast %scan3A_494 : i32 to index
      %get3A_505 = arith.constant 16 : index
      %get3A_506 = tpu.vector_load %arg9[%get3A_504, %get3A_505] {strides = array<i32>} : memref<320x64xf32, #tpu.memory_space<vmem>>, vector<16xf32>,
      %mul3A_507 = arith.constant 8.000000e+00 : f32
      %mul3A_508 = vector.broadcast %mul3A_507 : f32 to vector<16xf32>
      %mul3A_509 = arith.mulf %get3A_506, %mul3A_508 : vector<16xf32>
      %swap3A_510 = arith.index_cast %scan3A_494 : i32 to index
      %swap3A_511 = arith.constant 16 : index
      %swap3A_512 = tpu.vector_load %arg9[%swap3A_510, %swap3A_511] {strides = array<i32>} : memref<320x64xf32, #tpu.memory_space<vmem>>, vector<16xf32>,
      tpu.vector_store %arg9[%swap3A_510, %swap3A_511], %mul3A_509 {strides = array<i32>} : memref<320x64xf32, #tpu.memory_space<vmem>>, vector<16xf32>,
      %get3A_513 = arith.index_cast %scan3A_494 : i32 to index
      %get3A_514 = arith.constant 32 : index
      %get3A_515 = tpu.vector_load %arg9[%get3A_513, %get3A_514] {strides = array<i32>} : memref<320x64xf32, #tpu.memory_space<vmem>>, vector<16xf32>,
      %mul3A_516 = arith.constant 8.000000e+00 : f32
      %mul3A_517 = vector.broadcast %mul3A_516 : f32 to vector<16xf32>
      %mul3A_518 = arith.mulf %get3A_515, %mul3A_517 : vector<16xf32>
      %swap3A_519 = arith.index_cast %scan3A_494 : i32 to index
      %swap3A_520 = arith.constant 32 : index
      %swap3A_521 = tpu.vector_load %arg9[%swap3A_519, %swap3A_520] {strides = array<i32>} : memref<320x64xf32, #tpu.memory_space<vmem>>, vector<16xf32>,
      tpu.vector_store %arg9[%swap3A_519, %swap3A_520], %mul3A_518 {strides = array<i32>} : memref<320x64xf32, #tpu.memory_space<vmem>>, vector<16xf32>,
      %get3A_522 = arith.index_cast %scan3A_494 : i32 to index
      %get3A_523 = arith.constant 48 : index
      %get3A_524 = tpu.vector_load %arg9[%get3A_522, %get3A_523] {strides = array<i32>} : memref<320x64xf32, #tpu.memory_space<vmem>>, vector<16xf32>,
      %mul3A_525 = arith.constant 8.000000e+00 : f32
      %mul3A_526 = vector.broadcast %mul3A_525 : f32 to vector<16xf32>
      %mul3A_527 = arith.mulf %get3A_524, %mul3A_526 : vector<16xf32>
      %swap3A_528 = arith.index_cast %scan3A_494 : i32 to index
      %swap3A_529 = arith.constant 48 : index
      %swap3A_530 = tpu.vector_load %arg9[%swap3A_528, %swap3A_529] {strides = array<i32>} : memref<320x64xf32, #tpu.memory_space<vmem>>, vector<16xf32>,
      tpu.vector_store %arg9[%swap3A_528, %swap3A_529], %mul3A_527 {strides = array<i32>} : memref<320x64xf32, #tpu.memory_space<vmem>>, vector<16xf32>,
    }
    %scan3A_199 = arith.constant 320 : i32
    %add3A_200 = arith.constant 25280 : i32
    %add3A_201 = arith.addi %mul3A_2, %add3A_200 : i32
    %dma_start3A_202 = arith.constant 0 : i32
    %dma_start3A_203 = tpu.memref_slice %arg4[%add3A_201, %dma_start3A_202] : memref<819200x128xf32, #tpu.memory_space<hbm>> -> memref<320x64xf32, #tpu.memory_space<hbm>>
    %dma_start3A_204 = arith.constant 0 : i32
    %dma_start3A_205 = tpu.memref_slice %arg4[%add3A_201, %dma_start3A_204] : memref<819200x128xf32, #tpu.memory_space<hbm>> -> memref<320x64xf32, #tpu.memory_space<hbm>>
    tpu.enqueue_dma source(%arg9 : memref<320x64xf32, #tpu.memory_space<vmem>>) target(%dma_start3A_205 : memref<320x64xf32, #tpu.memory_space<hbm>>) target_semaphore(%arg17 : memref<!tpu.dma_semaphore, #tpu.memory_space<semaphore_mem>>)
    %add3A_206 = arith.constant 24320 : i32
    %add3A_207 = arith.addi %mul3A_2, %add3A_206 : i32
    %dma_wait3A_208 = arith.constant 0 : i32
    %dma_wait3A_209 = tpu.memref_slice %arg4[%add3A_207, %dma_wait3A_208] : memref<819200x128xf32, #tpu.memory_space<hbm>> -> memref<320x64xf32, #tpu.memory_space<hbm>>
    %dma_wait3A_210 = arith.constant 0 : i32
    %dma_wait3A_211 = tpu.memref_slice %arg4[%add3A_207, %dma_wait3A_210] : memref<819200x128xf32, #tpu.memory_space<hbm>> -> memref<320x64xf32, #tpu.memory_space<hbm>>
    tpu.wait_dma2 semaphore(%arg14 : memref<!tpu.dma_semaphore, #tpu.memory_space<semaphore_mem>>) src(%arg6 : memref<320x64xf32, #tpu.memory_space<vmem>>) dst(%dma_wait3A_211 : memref<320x64xf32, #tpu.memory_space<hbm>>)
    %add3A_212 = arith.constant 24640 : i32
    %add3A_213 = arith.addi %mul3A_2, %add3A_212 : i32
    %dma_wait3A_214 = arith.constant 0 : i32
    %dma_wait3A_215 = tpu.memref_slice %arg4[%add3A_213, %dma_wait3A_214] : memref<819200x128xf32, #tpu.memory_space<hbm>> -> memref<320x64xf32, #tpu.memory_space<hbm>>
    %dma_wait3A_216 = arith.constant 0 : i32
    %dma_wait3A_217 = tpu.memref_slice %arg4[%add3A_213, %dma_wait3A_216] : memref<819200x128xf32, #tpu.memory_space<hbm>> -> memref<320x64xf32, #tpu.memory_space<hbm>>
    tpu.wait_dma2 semaphore(%arg15 : memref<!tpu.dma_semaphore, #tpu.memory_space<semaphore_mem>>) src(%arg7 : memref<320x64xf32, #tpu.memory_space<vmem>>) dst(%dma_wait3A_217 : memref<320x64xf32, #tpu.memory_space<hbm>>)
    %add3A_218 = arith.constant 24960 : i32
    %add3A_219 = arith.addi %mul3A_2, %add3A_218 : i32
    %dma_wait3A_220 = arith.constant 0 : i32
    %dma_wait3A_221 = tpu.memref_slice %arg4[%add3A_219, %dma_wait3A_220] : memref<819200x128xf32, #tpu.memory_space<hbm>> -> memref<320x64xf32, #tpu.memory_space<hbm>>
    %dma_wait3A_222 = arith.constant 0 : i32
    %dma_wait3A_223 = tpu.memref_slice %arg4[%add3A_219, %dma_wait3A_222] : memref<819200x128xf32, #tpu.memory_space<hbm>> -> memref<320x64xf32, #tpu.memory_space<hbm>>
    tpu.wait_dma2 semaphore(%arg16 : memref<!tpu.dma_semaphore, #tpu.memory_space<semaphore_mem>>) src(%arg8 : memref<320x64xf32, #tpu.memory_space<vmem>>) dst(%dma_wait3A_223 : memref<320x64xf32, #tpu.memory_space<hbm>>)
    %add3A_224 = arith.constant 25280 : i32
    %add3A_225 = arith.addi %mul3A_2, %add3A_224 : i32
    %dma_wait3A_226 = arith.constant 0 : i32
    %dma_wait3A_227 = tpu.memref_slice %arg4[%add3A_225, %dma_wait3A_226] : memref<819200x128xf32, #tpu.memory_space<hbm>> -> memref<320x64xf32, #tpu.memory_space<hbm>>
    %dma_wait3A_228 = arith.constant 0 : i32
    %dma_wait3A_229 = tpu.memref_slice %arg4[%add3A_225, %dma_wait3A_228] : memref<819200x128xf32, #tpu.memory_space<hbm>> -> memref<320x64xf32, #tpu.memory_space<hbm>>
    tpu.wait_dma2 semaphore(%arg17 : memref<!tpu.dma_semaphore, #tpu.memory_space<semaphore_mem>>) src(%arg9 : memref<320x64xf32, #tpu.memory_space<vmem>>) dst(%dma_wait3A_229 : memref<320x64xf32, #tpu.memory_space<hbm>>)
    return
  }
}

</mosaic_0001>

<sc_bundles>
// kernel: kernel.3.cloned.1.call-start
scs
__scs_entry_jumppad:
0x0: {  	(pc) =	sbr.rel $0x88, $3  }
0x1: {  	(tag) =	ssettag $0x0;
	lr =	simm.s32 $0x1  }
0x2: {  	[smem:$0x3F9F] =	sst lr;
	_ =	strace $0xD0000000  }
0x3: {  	_ = 	snop  }
0x4: {  	_ = 	snop  }
0x5: {  	_ = 	snop  }
0x6: {  	_ = 	snop  }
0x7: {  	_ = 	snop  }
__scs_overlays_trampoline_lowered:
0x8: {  	[smem:$0x3FAE] =	sst s0  }
0x9: {  	[smem:$0x3FAF] =	sst s1  }
0xa: {  	[smem:$0x3FB0] =	sst s2  }
0xb: {  	[smem:$0x3FB1] =	sst s3  }
0xc: {  	[smem:$0x3FB2] =	sst s4  }
0xd: {  	[smem:$0x3FB3] =	sst s5  }
0xe: {  	[smem:$0x3FB4] =	sst s6  }
0xf: {  	[smem:$0x3FB5] =	sst s7  }
0x10: {  	[smem:$0x3FB6] =	sst s8  }
0x11: {  	[smem:$0x3FB7] =	sst s9;
	s0 =	simm.s32 @!p0 $0x0  }
0x12: {  	s1 =	sld [smem:$0x3F9D];
	s0 =	simm.s32 @p0 $0x1  }
0x13: {  	[smem:$0x3FB8] =	sst s0;
	s0 =	simm.s32 @!p1 $0x0  }
0x14: {  	s2 =	sld [smem:$0x3F9C];
	s0 =	simm.s32 @p1 $0x1  }
0x15: {  	[smem:$0x3FB9] =	sst s0;
	s0 =	simm.s32 @!p2 $0x0  }
0x16: {  	s3 =	sld [smem:$0x3FDB];
	s0 =	simm.s32 @p2 $0x1  }
0x17: {  	s4 =	simm.s32 $0x1BF5;
	[smem:$0x3FBB] =	sst s0  }
0x18: {  	s0 =	sld [smem:$0x3F9E];
	_ =	swait.ge [sflag:s4], $0x0  }
0x19: {  	s7 =	sld [smem:$0x3F9F]  }
0x1a: {  	s8 =	sadd.s32 $0xFFFFE003, lr  }
0x1b: {  	s9 =	sadd.s32 $0xFFFFFEF7, lr;
	s5 =	simm.s32 $0xFFFFFFFF;
	p2 =	slt.u32 s8, $0xFFFFF086  }
0x1c: {  	p1 =	slt.u32 s9, $0xF7A;
	s5 =	simm.s32 @!p2 $0x0  }
0x1d: {  	s5 =	simm.s32 @p1 $0x1;
	p0 =	seq.s32 s7, s2  }
0x1e: {  	s7 =	smul.u32 @!p0 $0xF7A, s2;
	p2 =	seq.s32 @!p0 s5, $0x0  }
0x1f: {  	s9 =	smul.u32 $0xF7A, s1;
	s8 =	simm.s32 @!p0 $0x1BF5;
	p2 =	por !p2, p0  }
0x20: {  	[sflag:s8] =	ssyncset.s32 @!p0 $0xFFFFF086;
	s6 =	sadd.s32 @!p0 s3, s7;
	s7 =	simm.s32 @!p0 $0x108  }
0x21: {  	s3 =	sadd.s32 s3, s9;
	s6 =	sadd.s32 @!p0 $0x88, s6;
	s7 =	simm.s32 @p2 $0x1082  }
0x22: {  	[simem:s7], [sflag:s8] =	dma.local @!p0 [hbm:s6], $0xF7A  }
0x23: {  	s9 =	sor.u32 $0xD0000000, s2;
	s6 =	simm.s32 $0x108;
	_ =	swait.ge @!p0 [sflag:s8], $0x0  }
0x24: {  	s3 =	sadd.s32 $0x88, s3;
	s6 =	simm.s32 @!p1 $0x1082;
	[sflag:s4] =	ssyncset.s32 $0xFFFFF086  }
0x25: {  	[simem:s6], [sflag:s4] =	dma.local [hbm:s3], $0xF7A  }
0x26: {  	[smem:$0x3F9F] =	sst s1;
	(tag) =	ssettag s2;
	_ =	strace s9  }
0x27: {  	s1 =	sld [smem:$0x3FAF]  }
0x28: {  	s2 =	sld [smem:$0x3FB0]  }
0x29: {  	s4 =	sld [smem:$0x3FB2]  }
0x2a: {  	p0 =	seq.s32 s5, $0x0;
	s5 =	sld [smem:$0x3FB3]  }
0x2b: {  	s6 =	sld [smem:$0x3FB4]  }
0x2c: {  	s7 =	sld [smem:$0x3FB5]  }
0x2d: {  	s3 =	simm.s32 $0x108;
	s8 =	sld [smem:$0x3FB6]  }
0x2e: {  	s3 =	simm.s32 @!p0 $0x1082;
	s9 =	sld [smem:$0x3FB7]  }
0x2f: {  	lr =	sadd.s32 s0, s3;
	s0 =	sld [smem:$0x3FAE]  }
0x30: {  	s3 =	sld [smem:$0x3FB1]  }
0x31: {  	[smem:$0x3FBA] =	sst s10  }
0x32: {  	s10 =	sld [smem:$0x3FB8];
	_ =	sdelay $0x3  }
0x33: {  	p0 =	seq.s32 s10, $0x1;
	s10 =	sld [smem:$0x3FBA];
	_ =	sdelay $0x3  }
0x34: {  	[smem:$0x3FBA] =	sst s10  }
0x35: {  	s10 =	sld [smem:$0x3FB9];
	_ =	sdelay $0x3  }
0x36: {  	p1 =	seq.s32 s10, $0x1;
	s10 =	sld [smem:$0x3FBA];
	_ =	sdelay $0x3  }
0x37: {  	[smem:$0x3FBA] =	sst s10  }
0x38: {  	s10 =	sld [smem:$0x3FBB]  }
0x39: {  	_ = 	snop;
	(pc) =	sbr.ind lr, $3  }
0x3a: {  	_ = 	snop  }
0x3b: {  	_ = 	snop  }
0x3c: {  	p2 =	seq.s32 s10, $0x1;
	s10 =	sld [smem:$0x3FBA]  }
0x3d: {  	_ =	shalt  }
0x3e: {  	_ =	shalt  }
0x3f: {  	_ =	shalt  }
0x40: {  	_ =	shalt  }
0x41: {  	_ =	shalt  }
0x42: {  	_ =	shalt  }
0x43: {  	_ =	shalt  }
0x44: {  	_ =	shalt  }
0x45: {  	_ =	shalt  }
0x46: {  	_ =	shalt  }
0x47: {  	_ =	shalt  }
0x48: {  	_ =	shalt  }
0x49: {  	_ =	shalt  }
0x4a: {  	_ =	shalt  }
0x4b: {  	_ =	shalt  }
0x4c: {  	_ =	shalt  }
0x4d: {  	_ =	shalt  }
0x4e: {  	_ =	shalt  }
0x4f: {  	_ =	shalt  }
0x50: {  	_ =	shalt  }
0x51: {  	_ =	shalt  }
0x52: {  	_ =	shalt  }
0x53: {  	_ =	shalt  }
0x54: {  	_ =	shalt  }
0x55: {  	_ =	shalt  }
0x56: {  	_ =	shalt  }
0x57: {  	_ =	shalt  }
0x58: {  	_ =	shalt  }
0x59: {  	_ =	shalt  }
0x5a: {  	_ =	shalt  }
0x5b: {  	_ =	shalt  }
0x5c: {  	_ =	shalt  }
0x5d: {  	_ =	shalt  }
0x5e: {  	_ =	shalt  }
0x5f: {  	_ =	shalt  }
0x60: {  	_ =	shalt  }
0x61: {  	_ =	shalt  }
0x62: {  	_ =	shalt  }
0x63: {  	_ =	shalt  }
0x64: {  	_ =	shalt  }
0x65: {  	_ =	shalt  }
0x66: {  	_ =	shalt  }
0x67: {  	_ =	shalt  }
0x68: {  	_ =	shalt  }
0x69: {  	_ =	shalt  }
0x6a: {  	_ =	shalt  }
0x6b: {  	_ =	shalt  }
0x6c: {  	_ =	shalt  }
0x6d: {  	_ =	shalt  }
0x6e: {  	_ =	shalt  }
0x6f: {  	_ =	shalt  }
0x70: {  	_ =	shalt  }
0x71: {  	_ =	shalt  }
0x72: {  	_ =	shalt  }
0x73: {  	_ =	shalt  }
0x74: {  	_ =	shalt  }
0x75: {  	_ =	shalt  }
0x76: {  	_ =	shalt  }
0x77: {  	_ =	shalt  }
0x78: {  	_ =	shalt  }
0x79: {  	_ =	shalt  }
0x7a: {  	_ =	shalt  }
0x7b: {  	_ =	shalt  }
0x7c: {  	_ =	shalt  }
0x7d: {  	_ =	shalt  }
0x7e: {  	_ =	shalt  }
0x7f: {  	_ =	shalt  }
0x80: {  	_ =	shalt  }
0x81: {  	_ =	shalt  }
0x82: {  	_ =	shalt  }
0x83: {  	_ =	shalt  }
0x84: {  	_ =	shalt  }
0x85: {  	_ =	shalt  }
0x86: {  	_ =	shalt  }
0x87: {  	_ =	shalt  }
.Lfunc_end0:
.L_simem_size_0:
called_computation.1_lowered:
.L_overlay_start_0:
0x88: {  	s2 =	sld [smem:$0x3FD9]  }
0x89: {  	s3 =	sld [smem:$0x3FFE];
	_ =	sdelay $0x1  }
0x8a: {  	s1 =	srdreg.scid  }
0x8b: {  	s0 =	sand.u32 $0x1, s1  }
0x8c: {  	s17 =	sshll.u32 s0, $0xA;
	s2 =	sadd.s32 s3, s2  }
0x8d: {  	s2 =	sadd.s32 s2, s17  }
0x8e: {  	[smem:$0x3FC6] =	sst s2  }
0x8f: {  	_ = 	snop  }
0x90: {  	s2 =	sld [smem:$0x3FD0];
	(tm) =	ssettm $0x1  }
0x91: {  	s18 =	sld [smem:$0x3FFB];
	_ =	sdelay $0x3  }
0x92: {  	_ =	strace s18  }
0x93: {  	s3 =	sld [smem:$0x3FFC];
	_ =	sdelay $0x3  }
0x94: {  	_ =	strace s3  }
0x95: {  	s3 =	sld [smem:$0x3FFD];
	_ =	sdelay $0x3  }
0x96: {  	_ =	strace s3  }
0x97: {  	_ =	strace $0x8FFFFFFF  }
0x98: {  	s19 =	sld [smem:$0x3FDB];
	_ =	sdelay $0x1  }
0x99: {  	s4 =	simm.s32 $_scs_section_size  }
0x9a: {  	s5 =	simm.s32 $_size__tile_overlayer_lowered;
	s6 =	simm.s32 $_tile_overlayer_lowered  }
0x9b: {  	s22 =	simm.s32 $0x1BFF;
	s21 =	sshll.u32 s6, $0x1;
	s3 =	sadd.s32 s4, s19  }
0x9c: {  	s7 =	simm.s32 $0x0;
	s20 =	sshll.u32 s5, $0x1;
	s5 =	sadd.s32 s21, s3  }
0x9d: {  	[timem:s7], [sflag:s22] =	dma.local [hbm:s5], s20  }
0x9e: {  	_ =	swait.ge [sflag:s22], s20  }
0x9f: {  	s4 =	ssub.s32 $0x0, s20;
	[sflag:s22] =	ssyncset.done $0x0  }
0xa0: {  	[sflag:s22] =	ssyncadd.s32 s4;
	_ =	sdelay $0x1  }
0xa1: {  	s23 =	simm.s32 $0x1B8B  }
0xa2: {  	_ =	swait.ge [sflag:s23], $0x1  }
0xa3: {  	[sflag:s23] =	ssyncset.done $0x0  }
0xa4: {  	s25 =	simm.s32 $0x1B8E;
	s24 =	sld [smem:$0x3FFE];
	[sflag:s23] =	ssyncadd.s32 $0xFFFFFFFF  }
0xa5: {  	s26 =	simm.s32 $execute0_lowered;
	[smem:$0x3FD2] =	sst s25  }
0xa6: {  	s5 =	sshll.u32 s26, $0x1;
	_ =	strace $0x80000046;
	[dreg:$0x1] =	wrdreg $0xFFFFFFFF  }
0xa7: {  	s28 =	simm.s32 $_size_execute0_lowered;
	s3 =	sadd.s32 s3, s5;
	[dreg:$0x0] =	wrdreg $0x0  }
0xa8: {  	s5 =	sshll.u32 s28, $0x1;
	[dreg:$0x2] =	wrdreg s3  }
0xa9: {  	[dreg:$0x3] =	wrdreg s5  }
0xaa: {  	[dreg:$0x4] =	wrdreg $0xC0  }
0xab: {  	_ =	task [dreg:s7], $0x5FFFF  }
0xac: {  	[dreg:$0x1] =	wrdreg $0xFFFFFFFF  }
0xad: {  	[dreg:$0x0] =	wrdreg $0x60  }
0xae: {  	[dreg:$0x2] =	wrdreg s2  }
0xaf: {  	[dreg:$0x3] =	wrdreg s24  }
0xb0: {  	[dreg:$0x4] =	wrdreg $0x9  }
0xb1: {  	_ =	task.clear_ibuf [dreg:s7], $0x5FFFF;
	_ =	strace $0x90000046  }
0xb2: {  	s29 =	simm.s32 $0x9;
	_ =	strace $0x80000048  }
0xb3: {  	_ =	swait.ge [sflag:s29], $0x1  }
0xb4: {  	[sflag:s29] =	ssyncadd.s32 $0xFFFFFFFF  }
0xb5: {  	_ =	strace $0x90000048  }
0xb6: {  	_ =	sfence  }
0xb7: {  	s30 =	sld [smem:$0x0];
	_ =	sdelay $0x2  }
0xb8: {  	s31 =	sshll.u32 s1, $0xD;
	s1 =	sshrl.u32 s1, $0x2  }
0xb9: {  	s3 =	sand.u32 $0x4000, s31;
	s1 =	sadd.s32 s1, s30  }
0xba: {  	s0 =	sor.u32 s3, s0;
	s1 =	sshll.u32 s1, $0x11  }
0xbb: {  	s0 =	sor.u32 s1, s0  }
0xbc: {  	s0 =	sadd.s32 $0x8F2B, s0  }
0xbd: {  	[sflag:s0] =	ssyncadd.remote.s32 $0x1  }
0xbe: {  	_ =	sfence.sel $0xFFFF  }
0xbf: {  	[dreg:$0x0] =	wrdreg $0xFFFFFFFF;
	(pc) =	sbr.abs _section_cstart, $3  }
0xc0: {  	[dreg:$0x1] =	wrdreg $0xFFFFFFFF  }
0xc1: {  	_ =	task.clear_ibuf [dreg:s7], $0x2FFFF;
	_ =	strace $0x9FFFFFFF  }
0xc2: {  	(tm) =	ssettm $0x7FFFFFFF  }
0xc3: {  	_ =	shalt  }
tec
execute0_lowered:
.L_overlay_start_1:
0x0: {  	(tag) =	ssettag $0x1  }
0x1: {  	s0 =	rddreg [dreg:$0x0];
	s1 =	srdreg.scid  }
0x2: {  	s3 =	stileid.u32;
	s2 =	rddreg [dreg:$0x1]  }
0x3: {  	s4 =	simm.s32 $0x0;
	s17 =	simm.s32 $0x9;
	s18 =	simm.s32 $0x140  }
0x4: {  	s19 =	simm.s32 $0x6400;
	s29 =	simm.s32 $0x15400;
	s30 =	simm.s32 $0x3  }
0x5: {  	s31 =	simm.s32 $0x5;
	s1 =	sand.u32 $0x1, s1;
	s3 =	sshll.u32 s3, $0x1  }
0x6: {  	s28 =	simm.s32 $0x8;
	[smem:$0x7FF] =	sst s4;
	s5 =	sor.u32 s1, s3  }
0x7: {  	s4 =	sadd.s32 $0xF42E00, s2;
	s1 =	ssub.s32 $0x2, s1;
	s3 =	smul.u32 $0x6400, s5  }
0x8: {  	_ =	strace $0x80000047;
	s6 =	smul.u32 $0x64000, s5;
	s7 =	sshrl.u32 s1, $0x1  }
0x9: {  	s8 =	smul.u32 $0x320000, s5;
	s5 =	sadd.s32 $0xA00, s2;
	s2 =	simm.s32 $0x0  }
0xa: {  	s1 =	ssub.s32 s1, s7;
	s20 =	sshrl.u32 s3, $0x3;
	s7 =	sadd.s32 s5, s6  }
0xb: {  	s21 =	sshrl.u32 s8, $0x3;
	s11 =	sor.u32 $0x140, s3;
	s0 =	sadd.s32 s0, s20  }
0xc: {  	s16 =	smax.u32 s1, $0x1;
	s22 =	sadd.s32 $0x1400, s7;
	[dreg:$0x3] =	wrdreg s0  }
0xd: {  	s1 =	simm.s32 $0x7;
	s23 =	sadd.s32 $0x2800, s7;
	[dreg:$0x4] =	wrdreg s22  }
0xe: {  	s24 =	sadd.s32 $0x3C00, s7;
	s20 =	simm.s32 $0xB400;
	[dreg:$0x5] =	wrdreg s23  }
0xf: {  	s0 =	sadd.s32 s5, s21;
	[dreg:$0x6] =	wrdreg s24;
	s21 =	simm.s32 $0x1  }
0x10: {  	s22 =	simm.s32 $0x40;
	s23 =	simm.s32 $0x80;
	s24 =	simm.s32 $0x6  }
0x11: {  	s25 =	sadd.s32 $0x5F000, s0;
	s26 =	sadd.s32 $0x60400, s0;
	s14 =	sadd.s32 $0x61800, s0  }
0x12: {  	s15 =	sadd.s32 $0x62C00, s0;
	s0 =	simm.s32 $0x4;
	[dreg:$0x7] =	wrdreg s25  }
0x13: {  	[dreg:$0x8] =	wrdreg s26;
	s25 =	simm.s32 $0x10400;
	s26 =	simm.s32 $0x2  }
.LBB2_1:
0x14: {  	s6 =	simm.s32 $0x0;
	s8 =	rddreg [dreg:$0x3]  }
0x15: {  	[tilespmem:s6], [sflag:$0x9] =	stream.linear.gather [hbm4b:s8+s6], $0x6400, $0x38;
	[tilespmem:$0x1A400] =	vst v63  }
0x16: {  	_ =	swait.ge [sflag:s17], $0x6400  }
0x17: {  	[sflag:s17] =	ssyncset.done $0x0  }
0x18: {  	[sflag:s17] =	ssyncadd.s32 $0xFFFF9C00  }
0x19: {  	[tilespmem:s19], [sflag:$0x1] =	stream.indirect.gather [hbm4b:s4+s18], $0x40, s6, s18, $0xb8;
	[tilespmem:$0x1A400] =	vst v63  }
0x1a: {  	_ = 	snop  }
0x1b: {  	[tilespmem:s20], [sflag:$0x2] =	stream.indirect.gather [hbm4b:s4+s18], $0x40, s18, s18, $0xb8;
	[tilespmem:$0x1A400] =	vst v63  }
0x1c: {  	_ =	swait.ge [sflag:s21], $0x5000  }
0x1d: {  	[sflag:s21] =	ssyncset.done $0x0  }
0x1e: {  	s6 =	simm.s32 $0x6500;
	[sflag:s21] =	ssyncadd.s32 $0xFFFFB000  }
0x1f: {  	v0 =	vld [tilespmem:s6+$0xFFFFFF00]  }
0x20: {  	v1 =	vld [tilespmem:s6+$0xFFFFFF10]  }
0x21: {  	v2 =	vld [tilespmem:s6+$0xFFFFFF20]  }
0x22: {  	v3 =	vld [tilespmem:s6+$0xFFFFFF30]  }
0x23: {  	v4 =	vld [tilespmem:s6+$0xFFFFFF40]  }
0x24: {  	v5 =	vld [tilespmem:s6+$0xFFFFFF50];
	v0 =	vmul.f32 $8.000000000e+00, v0  }
0x25: {  	v6 =	vld [tilespmem:s6+$0xFFFFFF60];
	v1 =	vmul.f32 $8.000000000e+00, v1  }
0x26: {  	[tilespmem:s6+$0xFFFFFF00] =	vst v0;
	v0 =	vmul.f32 $8.000000000e+00, v2;
	v2 =	vld [tilespmem:s6+$0xFFFFFF70]  }
0x27: {  	[tilespmem:s6+$0xFFFFFF10] =	vst v1;
	v1 =	vmul.f32 $8.000000000e+00, v3;
	v3 =	vld [tilespmem:s6+$0xFFFFFF80]  }
0x28: {  	[tilespmem:s6+$0xFFFFFF20] =	vst v0;
	v0 =	vmul.f32 $8.000000000e+00, v4;
	v4 =	vld [tilespmem:s6+$0xFFFFFF90]  }
0x29: {  	[tilespmem:s6+$0xFFFFFF30] =	vst v1;
	v1 =	vmul.f32 $8.000000000e+00, v5;
	v5 =	vld [tilespmem:s6+$0xFFFFFFA0]  }
0x2a: {  	[tilespmem:s6+$0xFFFFFF40] =	vst v0;
	v0 =	vmul.f32 $8.000000000e+00, v6;
	v6 =	vld [tilespmem:s6+$0xFFFFFFB0]  }
0x2b: {  	[tilespmem:s6+$0xFFFFFF50] =	vst v1;
	v1 =	vmul.f32 $8.000000000e+00, v2;
	v2 =	vld [tilespmem:s6+$0xFFFFFFC0]  }
0x2c: {  	[tilespmem:s6+$0xFFFFFF60] =	vst v0;
	v0 =	vmul.f32 $8.000000000e+00, v3;
	v3 =	vld [tilespmem:s6+$0xFFFFFFD0]  }
0x2d: {  	[tilespmem:s6+$0xFFFFFF70] =	vst v1;
	v1 =	vmul.f32 $8.000000000e+00, v4;
	v4 =	vld [tilespmem:s6+$0xFFFFFFE0]  }
0x2e: {  	[tilespmem:s6+$0xFFFFFF80] =	vst v0;
	v0 =	vmul.f32 $8.000000000e+00, v5;
	v5 =	vld [tilespmem:s6+$0x0]  }
0x2f: {  	[tilespmem:s6+$0xFFFFFF90] =	vst v1;
	v1 =	vmul.f32 $8.000000000e+00, v6;
	v6 =	vld [tilespmem:s6+$0x10]  }
0x30: {  	[tilespmem:s6+$0xFFFFFFA0] =	vst v0;
	v0 =	vmul.f32 $8.000000000e+00, v2;
	v2 =	vld [tilespmem:s6+$0x20]  }
0x31: {  	[tilespmem:s6+$0xFFFFFFB0] =	vst v1;
	v1 =	vmul.f32 $8.000000000e+00, v3;
	v3 =	vld [tilespmem:s6+$0x30]  }
0x32: {  	[tilespmem:s6+$0xFFFFFFC0] =	vst v0;
	v0 =	vmul.f32 $8.000000000e+00, v4;
	v4 =	vld [tilespmem:s6+$0x40]  }
0x33: {  	[tilespmem:s6+$0xFFFFFFD0] =	vst v1;
	v1 =	vmul.f32 $8.000000000e+00, v5;
	v5 =	vld [tilespmem:s6+$0x50]  }
0x34: {  	[tilespmem:s6+$0xFFFFFFE0] =	vst v0;
	v0 =	vmul.f32 $8.000000000e+00, v6;
	v6 =	vld [tilespmem:s6+$0x60]  }
0x35: {  	[tilespmem:s6+$0x0] =	vst v1;
	v1 =	vmul.f32 $8.000000000e+00, v2;
	v2 =	vld [tilespmem:s6+$0x70]  }
0x36: {  	[tilespmem:s6+$0x10] =	vst v0;
	v0 =	vmul.f32 $8.000000000e+00, v3;
	v3 =	vld [tilespmem:s6+$0x80]  }
0x37: {  	[tilespmem:s6+$0x20] =	vst v1;
	v1 =	vmul.f32 $8.000000000e+00, v4;
	v4 =	vld [tilespmem:s6+$0x90]  }
0x38: {  	[tilespmem:s6+$0x30] =	vst v0;
	v0 =	vmul.f32 $8.000000000e+00, v5;
	v5 =	vld [tilespmem:s6+$0xA0]  }
0x39: {  	[tilespmem:s6+$0x40] =	vst v1;
	v1 =	vmul.f32 $8.000000000e+00, v6;
	v6 =	vld [tilespmem:s6+$0xB0]  }
0x3a: {  	[tilespmem:s6+$0x50] =	vst v0;
	v2 =	vmul.f32 $8.000000000e+00, v2;
	v0 =	vld [tilespmem:s6+$0xC0]  }
0x3b: {  	[tilespmem:s6+$0x60] =	vst v1;
	v3 =	vmul.f32 $8.000000000e+00, v3;
	v1 =	vld [tilespmem:s6+$0xD0]  }
0x3c: {  	[tilespmem:s6+$0x70] =	vst v2;
	v7 =	vmul.f32 $8.000000000e+00, v4;
	v2 =	vld [tilespmem:s6+$0xE0]  }
0x3d: {  	[tilespmem:s6+$0x80] =	vst v3;
	v3 =	vld [tilespmem:s6+$0xF0];
	v5 =	vmul.f32 $8.000000000e+00, v5  }
0x3e: {  	s9 =	simm.s32 $0x6700;
	s8 =	simm.s32 $0x0;
	v4 =	vld [tilespmem:s6+$0xFFFFFFF0];
	[tilespmem:s6+$0x90] =	vst v7;
	v6 =	vmul.f32 $8.000000000e+00, v6  }
.LBB2_2:
0x3f: {  	v7 =	vld [tilespmem:s9+$0xFFFFFF00];
	[tilespmem:s6+$0xA0] =	vst v5;
	v0 =	vmul.f32 $8.000000000e+00, v0  }
0x40: {  	v5 =	vld [tilespmem:s9+$0xFFFFFF10];
	[tilespmem:s6+$0xB0] =	vst v6;
	v1 =	vmul.f32 $8.000000000e+00, v1  }
0x41: {  	v6 =	vld [tilespmem:s9+$0xFFFFFF20];
	[tilespmem:s6+$0xC0] =	vst v0;
	v0 =	vmul.f32 $8.000000000e+00, v2  }
0x42: {  	v2 =	vld [tilespmem:s9+$0xFFFFFF30];
	[tilespmem:s6+$0xD0] =	vst v1;
	v1 =	vmul.f32 $8.000000000e+00, v3  }
0x43: {  	v3 =	vld [tilespmem:s9+$0xFFFFFF40];
	v4 =	vmul.f32 $8.000000000e+00, v4;
	[tilespmem:s6+$0xE0] =	vst v0  }
0x44: {  	v0 =	vmul.f32 $8.000000000e+00, v7;
	v7 =	vld [tilespmem:s9+$0xFFFFFF50];
	[tilespmem:s6+$0xF0] =	vst v1  }
0x45: {  	v1 =	vmul.f32 $8.000000000e+00, v5;
	v5 =	vld [tilespmem:s9+$0xFFFFFF60];
	[tilespmem:s6+$0xFFFFFFF0] =	vst v4;
	s6 =	smov.u32 s9  }
0x46: {  	[tilespmem:s9+$0xFFFFFF00] =	vst v0;
	v0 =	vmul.f32 $8.000000000e+00, v6;
	v4 =	vld [tilespmem:s9+$0xFFFFFF70]  }
0x47: {  	[tilespmem:s9+$0xFFFFFF10] =	vst v1;
	v1 =	vmul.f32 $8.000000000e+00, v2;
	v2 =	vld [tilespmem:s9+$0xFFFFFF80]  }
0x48: {  	[tilespmem:s9+$0xFFFFFF20] =	vst v0;
	v0 =	vmul.f32 $8.000000000e+00, v3;
	v3 =	vld [tilespmem:s9+$0xFFFFFF90]  }
0x49: {  	[tilespmem:s9+$0xFFFFFF30] =	vst v1;
	v1 =	vmul.f32 $8.000000000e+00, v7;
	v6 =	vld [tilespmem:s9+$0xFFFFFFA0]  }
0x4a: {  	[tilespmem:s9+$0xFFFFFF40] =	vst v0;
	v0 =	vmul.f32 $8.000000000e+00, v5;
	v5 =	vld [tilespmem:s9+$0xFFFFFFB0]  }
0x4b: {  	[tilespmem:s9+$0xFFFFFF50] =	vst v1;
	v1 =	vmul.f32 $8.000000000e+00, v4;
	v4 =	vld [tilespmem:s9+$0xFFFFFFC0]  }
0x4c: {  	[tilespmem:s9+$0xFFFFFF60] =	vst v0;
	v0 =	vmul.f32 $8.000000000e+00, v2;
	v2 =	vld [tilespmem:s9+$0xFFFFFFD0]  }
0x4d: {  	[tilespmem:s9+$0xFFFFFF70] =	vst v1;
	v1 =	vmul.f32 $8.000000000e+00, v3;
	v3 =	vld [tilespmem:s9+$0xFFFFFFE0]  }
0x4e: {  	[tilespmem:s9+$0xFFFFFF80] =	vst v0;
	v0 =	vmul.f32 $8.000000000e+00, v6;
	v6 =	vld [tilespmem:s9+$0x0]  }
0x4f: {  	[tilespmem:s9+$0xFFFFFF90] =	vst v1;
	v1 =	vmul.f32 $8.000000000e+00, v5;
	v5 =	vld [tilespmem:s9+$0x10]  }
0x50: {  	[tilespmem:s9+$0xFFFFFFA0] =	vst v0;
	v0 =	vmul.f32 $8.000000000e+00, v4;
	v4 =	vld [tilespmem:s9+$0x20]  }
0x51: {  	[tilespmem:s9+$0xFFFFFFB0] =	vst v1;
	v1 =	vmul.f32 $8.000000000e+00, v2;
	v2 =	vld [tilespmem:s9+$0x30]  }
0x52: {  	[tilespmem:s9+$0xFFFFFFC0] =	vst v0;
	v0 =	vmul.f32 $8.000000000e+00, v3;
	v3 =	vld [tilespmem:s9+$0x40]  }
0x53: {  	[tilespmem:s9+$0xFFFFFFD0] =	vst v1;
	v1 =	vmul.f32 $8.000000000e+00, v6;
	v6 =	vld [tilespmem:s9+$0x50]  }
0x54: {  	[tilespmem:s9+$0xFFFFFFE0] =	vst v0;
	v0 =	vmul.f32 $8.000000000e+00, v5;
	v5 =	vld [tilespmem:s9+$0x60]  }
0x55: {  	[tilespmem:s9+$0x0] =	vst v1;
	v1 =	vmul.f32 $8.000000000e+00, v4;
	v4 =	vld [tilespmem:s9+$0x70]  }
0x56: {  	[tilespmem:s9+$0x10] =	vst v0;
	v0 =	vmul.f32 $8.000000000e+00, v2;
	v2 =	vld [tilespmem:s9+$0x80]  }
0x57: {  	[tilespmem:s9+$0x20] =	vst v1;
	v1 =	vmul.f32 $8.000000000e+00, v3;
	v3 =	vld [tilespmem:s9+$0x90]  }
0x58: {  	s8 =	sadd.s32 $0x8, s8;
	[tilespmem:s9+$0x30] =	vst v0;
	v0 =	vmul.f32 $8.000000000e+00, v6;
	v6 =	vld [tilespmem:s9+$0xA0]  }
0x59: {  	p0 =	slt.u32 s8, $0x138;
	[tilespmem:s9+$0x40] =	vst v1;
	v1 =	vmul.f32 $8.000000000e+00, v5;
	v7 =	vld [tilespmem:s9+$0xB0]  }
.Ltmp0:
0x5a: {  	[tilespmem:s9+$0x50] =	vst v0;
	v4 =	vmul.f32 $8.000000000e+00, v4;
	v0 =	vld [tilespmem:s9+$0xC0];
	(pc) =	sbr.rel @p0 .LBB2_2-.Ltmp0, $4  }
0x5b: {  	[tilespmem:s9+$0x60] =	vst v1;
	v5 =	vmul.f32 $8.000000000e+00, v2;
	v1 =	vld [tilespmem:s9+$0xD0]  }
0x5c: {  	[tilespmem:s9+$0x70] =	vst v4;
	v8 =	vmul.f32 $8.000000000e+00, v3;
	v2 =	vld [tilespmem:s9+$0xE0]  }
0x5d: {  	[tilespmem:s9+$0x80] =	vst v5;
	v5 =	vmul.f32 $8.000000000e+00, v6;
	v3 =	vld [tilespmem:s9+$0xF0]  }
0x5e: {  	s9 =	sadd.s32 $0x200, s9;
	v4 =	vld [tilespmem:s6+$0xFFFFFFF0];
	[tilespmem:s6+$0x90] =	vst v8;
	v6 =	vmul.f32 $8.000000000e+00, v7  }
0x5f: {  	[tilespmem:s6+$0xA0] =	vst v5;
	v0 =	vmul.f32 $8.000000000e+00, v0  }
0x60: {  	[tilespmem:s6+$0xB0] =	vst v6;
	v1 =	vmul.f32 $8.000000000e+00, v1  }
0x61: {  	[tilespmem:s6+$0xC0] =	vst v0;
	v0 =	vmul.f32 $8.000000000e+00, v2  }
0x62: {  	[tilespmem:s6+$0xD0] =	vst v1;
	v1 =	vmul.f32 $8.000000000e+00, v3  }
0x63: {  	v2 =	vmul.f32 $8.000000000e+00, v4;
	[tilespmem:s6+$0xE0] =	vst v0  }
0x64: {  	[tilespmem:s6+$0xF0] =	vst v1  }
0x65: {  	[tilespmem:s6+$0xFFFFFFF0] =	vst v2  }
0x66: {  	[hbm4b:s7+s22] =	stream.strided.scatter [tilespmem:s19], [sflag:$0x5], $0x5000, s23, s22, $0x38;
	[tilespmem:$0x1A400] =	vst v63  }
0x67: {  	s13 =	simm.s32 $0x280  }
0x68: {  	[tilespmem:s25], [sflag:$0x3] =	stream.indirect.gather [hbm4b:s4+s18], $0x40, s13, s18, $0xb8;
	[tilespmem:$0x1A400] =	vst v63  }
0x69: {  	_ =	swait.ge [sflag:s26], $0x5000  }
0x6a: {  	[sflag:s26] =	ssyncset.done $0x0  }
0x6b: {  	s6 =	simm.s32 $0xB500;
	[sflag:s26] =	ssyncadd.s32 $0xFFFFB000  }
0x6c: {  	v0 =	vld [tilespmem:s6+$0xFFFFFF00]  }
0x6d: {  	v1 =	vld [tilespmem:s6+$0xFFFFFF10]  }
0x6e: {  	v2 =	vld [tilespmem:s6+$0xFFFFFF20]  }
0x6f: {  	v3 =	vld [tilespmem:s6+$0xFFFFFF30]  }
0x70: {  	v4 =	vld [tilespmem:s6+$0xFFFFFF40]  }
0x71: {  	v5 =	vld [tilespmem:s6+$0xFFFFFF50];
	v0 =	vmul.f32 $8.000000000e+00, v0  }
0x72: {  	v6 =	vld [tilespmem:s6+$0xFFFFFF60];
	v1 =	vmul.f32 $8.000000000e+00, v1  }
0x73: {  	[tilespmem:s6+$0xFFFFFF00] =	vst v0;
	v0 =	vmul.f32 $8.000000000e+00, v2;
	v2 =	vld [tilespmem:s6+$0xFFFFFF70]  }
0x74: {  	[tilespmem:s6+$0xFFFFFF10] =	vst v1;
	v1 =	vmul.f32 $8.000000000e+00, v3;
	v3 =	vld [tilespmem:s6+$0xFFFFFF80]  }
0x75: {  	[tilespmem:s6+$0xFFFFFF20] =	vst v0;
	v0 =	vmul.f32 $8.000000000e+00, v4;
	v4 =	vld [tilespmem:s6+$0xFFFFFF90]  }
0x76: {  	[tilespmem:s6+$0xFFFFFF30] =	vst v1;
	v1 =	vmul.f32 $8.000000000e+00, v5;
	v5 =	vld [tilespmem:s6+$0xFFFFFFA0]  }
0x77: {  	[tilespmem:s6+$0xFFFFFF40] =	vst v0;
	v0 =	vmul.f32 $8.000000000e+00, v6;
	v6 =	vld [tilespmem:s6+$0xFFFFFFB0]  }
0x78: {  	[tilespmem:s6+$0xFFFFFF50] =	vst v1;
	v1 =	vmul.f32 $8.000000000e+00, v2;
	v2 =	vld [tilespmem:s6+$0xFFFFFFC0]  }
0x79: {  	[tilespmem:s6+$0xFFFFFF60] =	vst v0;
	v0 =	vmul.f32 $8.000000000e+00, v3;
	v3 =	vld [tilespmem:s6+$0xFFFFFFD0]  }
0x7a: {  	[tilespmem:s6+$0xFFFFFF70] =	vst v1;
	v1 =	vmul.f32 $8.000000000e+00, v4;
	v4 =	vld [tilespmem:s6+$0xFFFFFFE0]  }
0x7b: {  	[tilespmem:s6+$0xFFFFFF80] =	vst v0;
	v0 =	vmul.f32 $8.000000000e+00, v5;
	v5 =	vld [tilespmem:s6+$0x0]  }
0x7c: {  	[tilespmem:s6+$0xFFFFFF90] =	vst v1;
	v1 =	vmul.f32 $8.000000000e+00, v6;
	v6 =	vld [tilespmem:s6+$0x10]  }
0x7d: {  	[tilespmem:s6+$0xFFFFFFA0] =	vst v0;
	v0 =	vmul.f32 $8.000000000e+00, v2;
	v2 =	vld [tilespmem:s6+$0x20]  }
0x7e: {  	[tilespmem:s6+$0xFFFFFFB0] =	vst v1;
	v1 =	vmul.f32 $8.000000000e+00, v3;
	v3 =	vld [tilespmem:s6+$0x30]  }
0x7f: {  	[tilespmem:s6+$0xFFFFFFC0] =	vst v0;
	v0 =	vmul.f32 $8.000000000e+00, v4;
	v4 =	vld [tilespmem:s6+$0x40]  }
0x80: {  	[tilespmem:s6+$0xFFFFFFD0] =	vst v1;
	v1 =	vmul.f32 $8.000000000e+00, v5;
	v5 =	vld [tilespmem:s6+$0x50]  }
0x81: {  	[tilespmem:s6+$0xFFFFFFE0] =	vst v0;
	v0 =	vmul.f32 $8.000000000e+00, v6;
	v6 =	vld [tilespmem:s6+$0x60]  }
0x82: {  	[tilespmem:s6+$0x0] =	vst v1;
	v1 =	vmul.f32 $8.000000000e+00, v2;
	v2 =	vld [tilespmem:s6+$0x70]  }
0x83: {  	[tilespmem:s6+$0x10] =	vst v0;
	v0 =	vmul.f32 $8.000000000e+00, v3;
	v3 =	vld [tilespmem:s6+$0x80]  }
0x84: {  	[tilespmem:s6+$0x20] =	vst v1;
	v1 =	vmul.f32 $8.000000000e+00, v4;
	v4 =	vld [tilespmem:s6+$0x90]  }
0x85: {  	[tilespmem:s6+$0x30] =	vst v0;
	v0 =	vmul.f32 $8.000000000e+00, v5;
	v5 =	vld [tilespmem:s6+$0xA0]  }
0x86: {  	[tilespmem:s6+$0x40] =	vst v1;
	v1 =	vmul.f32 $8.000000000e+00, v6;
	v6 =	vld [tilespmem:s6+$0xB0]  }
0x87: {  	[tilespmem:s6+$0x50] =	vst v0;
	v2 =	vmul.f32 $8.000000000e+00, v2;
	v0 =	vld [tilespmem:s6+$0xC0]  }
0x88: {  	[tilespmem:s6+$0x60] =	vst v1;
	v3 =	vmul.f32 $8.000000000e+00, v3;
	v1 =	vld [tilespmem:s6+$0xD0]  }
0x89: {  	[tilespmem:s6+$0x70] =	vst v2;
	v7 =	vmul.f32 $8.000000000e+00, v4;
	v2 =	vld [tilespmem:s6+$0xE0]  }
0x8a: {  	[tilespmem:s6+$0x80] =	vst v3;
	v3 =	vld [tilespmem:s6+$0xF0];
	v5 =	vmul.f32 $8.000000000e+00, v5  }
0x8b: {  	s8 =	simm.s32 $0x0;
	s9 =	simm.s32 $0xB700;
	v4 =	vld [tilespmem:s6+$0xFFFFFFF0];
	[tilespmem:s6+$0x90] =	vst v7;
	v6 =	vmul.f32 $8.000000000e+00, v6  }
.LBB2_4:
0x8c: {  	v7 =	vld [tilespmem:s9+$0xFFFFFF00];
	[tilespmem:s6+$0xA0] =	vst v5;
	v0 =	vmul.f32 $8.000000000e+00, v0  }
0x8d: {  	v5 =	vld [tilespmem:s9+$0xFFFFFF10];
	[tilespmem:s6+$0xB0] =	vst v6;
	v1 =	vmul.f32 $8.000000000e+00, v1  }
0x8e: {  	v6 =	vld [tilespmem:s9+$0xFFFFFF20];
	[tilespmem:s6+$0xC0] =	vst v0;
	v0 =	vmul.f32 $8.000000000e+00, v2  }
0x8f: {  	v2 =	vld [tilespmem:s9+$0xFFFFFF30];
	[tilespmem:s6+$0xD0] =	vst v1;
	v1 =	vmul.f32 $8.000000000e+00, v3  }
0x90: {  	v3 =	vld [tilespmem:s9+$0xFFFFFF40];
	v4 =	vmul.f32 $8.000000000e+00, v4;
	[tilespmem:s6+$0xE0] =	vst v0  }
0x91: {  	v0 =	vmul.f32 $8.000000000e+00, v7;
	v7 =	vld [tilespmem:s9+$0xFFFFFF50];
	[tilespmem:s6+$0xF0] =	vst v1  }
0x92: {  	v1 =	vmul.f32 $8.000000000e+00, v5;
	v5 =	vld [tilespmem:s9+$0xFFFFFF60];
	[tilespmem:s6+$0xFFFFFFF0] =	vst v4;
	s6 =	smov.u32 s9  }
0x93: {  	[tilespmem:s9+$0xFFFFFF00] =	vst v0;
	v0 =	vmul.f32 $8.000000000e+00, v6;
	v4 =	vld [tilespmem:s9+$0xFFFFFF70]  }
0x94: {  	[tilespmem:s9+$0xFFFFFF10] =	vst v1;
	v1 =	vmul.f32 $8.000000000e+00, v2;
	v2 =	vld [tilespmem:s9+$0xFFFFFF80]  }
0x95: {  	[tilespmem:s9+$0xFFFFFF20] =	vst v0;
	v0 =	vmul.f32 $8.000000000e+00, v3;
	v3 =	vld [tilespmem:s9+$0xFFFFFF90]  }
0x96: {  	[tilespmem:s9+$0xFFFFFF30] =	vst v1;
	v1 =	vmul.f32 $8.000000000e+00, v7;
	v6 =	vld [tilespmem:s9+$0xFFFFFFA0]  }
0x97: {  	[tilespmem:s9+$0xFFFFFF40] =	vst v0;
	v0 =	vmul.f32 $8.000000000e+00, v5;
	v5 =	vld [tilespmem:s9+$0xFFFFFFB0]  }
0x98: {  	[tilespmem:s9+$0xFFFFFF50] =	vst v1;
	v1 =	vmul.f32 $8.000000000e+00, v4;
	v4 =	vld [tilespmem:s9+$0xFFFFFFC0]  }
0x99: {  	[tilespmem:s9+$0xFFFFFF60] =	vst v0;
	v0 =	vmul.f32 $8.000000000e+00, v2;
	v2 =	vld [tilespmem:s9+$0xFFFFFFD0]  }
0x9a: {  	[tilespmem:s9+$0xFFFFFF70] =	vst v1;
	v1 =	vmul.f32 $8.000000000e+00, v3;
	v3 =	vld [tilespmem:s9+$0xFFFFFFE0]  }
0x9b: {  	[tilespmem:s9+$0xFFFFFF80] =	vst v0;
	v0 =	vmul.f32 $8.000000000e+00, v6;
	v6 =	vld [tilespmem:s9+$0x0]  }
0x9c: {  	[tilespmem:s9+$0xFFFFFF90] =	vst v1;
	v1 =	vmul.f32 $8.000000000e+00, v5;
	v5 =	vld [tilespmem:s9+$0x10]  }
0x9d: {  	[tilespmem:s9+$0xFFFFFFA0] =	vst v0;
	v0 =	vmul.f32 $8.000000000e+00, v4;
	v4 =	vld [tilespmem:s9+$0x20]  }
0x9e: {  	[tilespmem:s9+$0xFFFFFFB0] =	vst v1;
	v1 =	vmul.f32 $8.000000000e+00, v2;
	v2 =	vld [tilespmem:s9+$0x30]  }
0x9f: {  	[tilespmem:s9+$0xFFFFFFC0] =	vst v0;
	v0 =	vmul.f32 $8.000000000e+00, v3;
	v3 =	vld [tilespmem:s9+$0x40]  }
0xa0: {  	[tilespmem:s9+$0xFFFFFFD0] =	vst v1;
	v1 =	vmul.f32 $8.000000000e+00, v6;
	v6 =	vld [tilespmem:s9+$0x50]  }
0xa1: {  	[tilespmem:s9+$0xFFFFFFE0] =	vst v0;
	v0 =	vmul.f32 $8.000000000e+00, v5;
	v5 =	vld [tilespmem:s9+$0x60]  }
0xa2: {  	[tilespmem:s9+$0x0] =	vst v1;
	v1 =	vmul.f32 $8.000000000e+00, v4;
	v4 =	vld [tilespmem:s9+$0x70]  }
0xa3: {  	[tilespmem:s9+$0x10] =	vst v0;
	v0 =	vmul.f32 $8.000000000e+00, v2;
	v2 =	vld [tilespmem:s9+$0x80]  }
0xa4: {  	[tilespmem:s9+$0x20] =	vst v1;
	v1 =	vmul.f32 $8.000000000e+00, v3;
	v3 =	vld [tilespmem:s9+$0x90]  }
0xa5: {  	s8 =	sadd.s32 $0x8, s8;
	[tilespmem:s9+$0x30] =	vst v0;
	v0 =	vmul.f32 $8.000000000e+00, v6;
	v6 =	vld [tilespmem:s9+$0xA0]  }
0xa6: {  	p0 =	slt.u32 s8, $0x138;
	[tilespmem:s9+$0x40] =	vst v1;
	v1 =	vmul.f32 $8.000000000e+00, v5;
	v7 =	vld [tilespmem:s9+$0xB0]  }
.Ltmp1:
0xa7: {  	[tilespmem:s9+$0x50] =	vst v0;
	v4 =	vmul.f32 $8.000000000e+00, v4;
	v0 =	vld [tilespmem:s9+$0xC0];
	(pc) =	sbr.rel @p0 .LBB2_4-.Ltmp1, $4  }
0xa8: {  	[tilespmem:s9+$0x60] =	vst v1;
	v5 =	vmul.f32 $8.000000000e+00, v2;
	v1 =	vld [tilespmem:s9+$0xD0]  }
0xa9: {  	[tilespmem:s9+$0x70] =	vst v4;
	v8 =	vmul.f32 $8.000000000e+00, v3;
	v2 =	vld [tilespmem:s9+$0xE0]  }
0xaa: {  	[tilespmem:s9+$0x80] =	vst v5;
	v5 =	vmul.f32 $8.000000000e+00, v6;
	v3 =	vld [tilespmem:s9+$0xF0]  }
0xab: {  	s9 =	sadd.s32 $0x200, s9;
	v4 =	vld [tilespmem:s6+$0xFFFFFFF0];
	[tilespmem:s6+$0x90] =	vst v8;
	v6 =	vmul.f32 $8.000000000e+00, v7  }
0xac: {  	[tilespmem:s6+$0xA0] =	vst v5;
	v0 =	vmul.f32 $8.000000000e+00, v0  }
0xad: {  	[tilespmem:s6+$0xB0] =	vst v6;
	v1 =	vmul.f32 $8.000000000e+00, v1  }
0xae: {  	[tilespmem:s6+$0xC0] =	vst v0;
	v0 =	vmul.f32 $8.000000000e+00, v2  }
0xaf: {  	[tilespmem:s6+$0xD0] =	vst v1;
	v1 =	vmul.f32 $8.000000000e+00, v3  }
0xb0: {  	v2 =	vmul.f32 $8.000000000e+00, v4;
	[tilespmem:s6+$0xE0] =	vst v0  }
0xb1: {  	[tilespmem:s6+$0xF0] =	vst v1  }
0xb2: {  	s12 =	rddreg [dreg:$0x4];
	[tilespmem:s6+$0xFFFFFFF0] =	vst v2  }
0xb3: {  	[hbm4b:s12+s22] =	stream.strided.scatter [tilespmem:s20], [sflag:$0x6], $0x5000, s23, s22, $0x38;
	[tilespmem:$0x1A400] =	vst v63  }
0xb4: {  	s13 =	simm.s32 $0x3C0  }
0xb5: {  	[tilespmem:s29], [sflag:$0x4] =	stream.indirect.gather [hbm4b:s4+s18], $0x40, s13, s18, $0xb8;
	[tilespmem:$0x1A400] =	vst v63  }
0xb6: {  	_ =	swait.ge [sflag:s30], $0x5000  }
0xb7: {  	[sflag:s30] =	ssyncset.done $0x0  }
0xb8: {  	s6 =	simm.s32 $0x10500;
	[sflag:s30] =	ssyncadd.s32 $0xFFFFB000  }
0xb9: {  	v0 =	vld [tilespmem:s6+$0xFFFFFF00]  }
0xba: {  	v1 =	vld [tilespmem:s6+$0xFFFFFF10]  }
0xbb: {  	v2 =	vld [tilespmem:s6+$0xFFFFFF20]  }
0xbc: {  	v3 =	vld [tilespmem:s6+$0xFFFFFF30]  }
0xbd: {  	v4 =	vld [tilespmem:s6+$0xFFFFFF40]  }
0xbe: {  	v5 =	vld [tilespmem:s6+$0xFFFFFF50];
	v0 =	vmul.f32 $8.000000000e+00, v0  }
0xbf: {  	v6 =	vld [tilespmem:s6+$0xFFFFFF60];
	v1 =	vmul.f32 $8.000000000e+00, v1  }
0xc0: {  	[tilespmem:s6+$0xFFFFFF00] =	vst v0;
	v0 =	vmul.f32 $8.000000000e+00, v2;
	v2 =	vld [tilespmem:s6+$0xFFFFFF70]  }
0xc1: {  	[tilespmem:s6+$0xFFFFFF10] =	vst v1;
	v1 =	vmul.f32 $8.000000000e+00, v3;
	v3 =	vld [tilespmem:s6+$0xFFFFFF80]  }
0xc2: {  	[tilespmem:s6+$0xFFFFFF20] =	vst v0;
	v0 =	vmul.f32 $8.000000000e+00, v4;
	v4 =	vld [tilespmem:s6+$0xFFFFFF90]  }
0xc3: {  	[tilespmem:s6+$0xFFFFFF30] =	vst v1;
	v1 =	vmul.f32 $8.000000000e+00, v5;
	v5 =	vld [tilespmem:s6+$0xFFFFFFA0]  }
0xc4: {  	[tilespmem:s6+$0xFFFFFF40] =	vst v0;
	v0 =	vmul.f32 $8.000000000e+00, v6;
	v6 =	vld [tilespmem:s6+$0xFFFFFFB0]  }
0xc5: {  	[tilespmem:s6+$0xFFFFFF50] =	vst v1;
	v1 =	vmul.f32 $8.000000000e+00, v2;
	v2 =	vld [tilespmem:s6+$0xFFFFFFC0]  }
0xc6: {  	[tilespmem:s6+$0xFFFFFF60] =	vst v0;
	v0 =	vmul.f32 $8.000000000e+00, v3;
	v3 =	vld [tilespmem:s6+$0xFFFFFFD0]  }
0xc7: {  	[tilespmem:s6+$0xFFFFFF70] =	vst v1;
	v1 =	vmul.f32 $8.000000000e+00, v4;
	v4 =	vld [tilespmem:s6+$0xFFFFFFE0]  }
0xc8: {  	[tilespmem:s6+$0xFFFFFF80] =	vst v0;
	v0 =	vmul.f32 $8.000000000e+00, v5;
	v5 =	vld [tilespmem:s6+$0x0]  }
0xc9: {  	[tilespmem:s6+$0xFFFFFF90] =	vst v1;
	v1 =	vmul.f32 $8.000000000e+00, v6;
	v6 =	vld [tilespmem:s6+$0x10]  }
0xca: {  	[tilespmem:s6+$0xFFFFFFA0] =	vst v0;
	v0 =	vmul.f32 $8.000000000e+00, v2;
	v2 =	vld [tilespmem:s6+$0x20]  }
0xcb: {  	[tilespmem:s6+$0xFFFFFFB0] =	vst v1;
	v1 =	vmul.f32 $8.000000000e+00, v3;
	v3 =	vld [tilespmem:s6+$0x30]  }
0xcc: {  	[tilespmem:s6+$0xFFFFFFC0] =	vst v0;
	v0 =	vmul.f32 $8.000000000e+00, v4;
	v4 =	vld [tilespmem:s6+$0x40]  }
0xcd: {  	[tilespmem:s6+$0xFFFFFFD0] =	vst v1;
	v1 =	vmul.f32 $8.000000000e+00, v5;
	v5 =	vld [tilespmem:s6+$0x50]  }
0xce: {  	[tilespmem:s6+$0xFFFFFFE0] =	vst v0;
	v0 =	vmul.f32 $8.000000000e+00, v6;
	v6 =	vld [tilespmem:s6+$0x60]  }
0xcf: {  	[tilespmem:s6+$0x0] =	vst v1;
	v1 =	vmul.f32 $8.000000000e+00, v2;
	v2 =	vld [tilespmem:s6+$0x70]  }
0xd0: {  	[tilespmem:s6+$0x10] =	vst v0;
	v0 =	vmul.f32 $8.000000000e+00, v3;
	v3 =	vld [tilespmem:s6+$0x80]  }
0xd1: {  	[tilespmem:s6+$0x20] =	vst v1;
	v1 =	vmul.f32 $8.000000000e+00, v4;
	v4 =	vld [tilespmem:s6+$0x90]  }
0xd2: {  	[tilespmem:s6+$0x30] =	vst v0;
	v0 =	vmul.f32 $8.000000000e+00, v5;
	v5 =	vld [tilespmem:s6+$0xA0]  }
0xd3: {  	[tilespmem:s6+$0x40] =	vst v1;
	v1 =	vmul.f32 $8.000000000e+00, v6;
	v6 =	vld [tilespmem:s6+$0xB0]  }
0xd4: {  	[tilespmem:s6+$0x50] =	vst v0;
	v2 =	vmul.f32 $8.000000000e+00, v2;
	v0 =	vld [tilespmem:s6+$0xC0]  }
0xd5: {  	[tilespmem:s6+$0x60] =	vst v1;
	v3 =	vmul.f32 $8.000000000e+00, v3;
	v1 =	vld [tilespmem:s6+$0xD0]  }
0xd6: {  	[tilespmem:s6+$0x70] =	vst v2;
	v7 =	vmul.f32 $8.000000000e+00, v4;
	v2 =	vld [tilespmem:s6+$0xE0]  }
0xd7: {  	[tilespmem:s6+$0x80] =	vst v3;
	v3 =	vld [tilespmem:s6+$0xF0];
	v5 =	vmul.f32 $8.000000000e+00, v5  }
0xd8: {  	s8 =	simm.s32 $0x0;
	s9 =	simm.s32 $0x10700;
	v4 =	vld [tilespmem:s6+$0xFFFFFFF0];
	[tilespmem:s6+$0x90] =	vst v7;
	v6 =	vmul.f32 $8.000000000e+00, v6  }
.LBB2_6:
0xd9: {  	v7 =	vld [tilespmem:s9+$0xFFFFFF00];
	[tilespmem:s6+$0xA0] =	vst v5;
	v0 =	vmul.f32 $8.000000000e+00, v0  }
0xda: {  	v5 =	vld [tilespmem:s9+$0xFFFFFF10];
	[tilespmem:s6+$0xB0] =	vst v6;
	v1 =	vmul.f32 $8.000000000e+00, v1  }
0xdb: {  	v6 =	vld [tilespmem:s9+$0xFFFFFF20];
	[tilespmem:s6+$0xC0] =	vst v0;
	v0 =	vmul.f32 $8.000000000e+00, v2  }
0xdc: {  	v2 =	vld [tilespmem:s9+$0xFFFFFF30];
	[tilespmem:s6+$0xD0] =	vst v1;
	v1 =	vmul.f32 $8.000000000e+00, v3  }
0xdd: {  	v3 =	vld [tilespmem:s9+$0xFFFFFF40];
	v4 =	vmul.f32 $8.000000000e+00, v4;
	[tilespmem:s6+$0xE0] =	vst v0  }
0xde: {  	v0 =	vmul.f32 $8.000000000e+00, v7;
	v7 =	vld [tilespmem:s9+$0xFFFFFF50];
	[tilespmem:s6+$0xF0] =	vst v1  }
0xdf: {  	v1 =	vmul.f32 $8.000000000e+00, v5;
	v5 =	vld [tilespmem:s9+$0xFFFFFF60];
	[tilespmem:s6+$0xFFFFFFF0] =	vst v4;
	s6 =	smov.u32 s9  }
0xe0: {  	[tilespmem:s9+$0xFFFFFF00] =	vst v0;
	v0 =	vmul.f32 $8.000000000e+00, v6;
	v4 =	vld [tilespmem:s9+$0xFFFFFF70]  }
0xe1: {  	[tilespmem:s9+$0xFFFFFF10] =	vst v1;
	v1 =	vmul.f32 $8.000000000e+00, v2;
	v2 =	vld [tilespmem:s9+$0xFFFFFF80]  }
0xe2: {  	[tilespmem:s9+$0xFFFFFF20] =	vst v0;
	v0 =	vmul.f32 $8.000000000e+00, v3;
	v3 =	vld [tilespmem:s9+$0xFFFFFF90]  }
0xe3: {  	[tilespmem:s9+$0xFFFFFF30] =	vst v1;
	v1 =	vmul.f32 $8.000000000e+00, v7;
	v6 =	vld [tilespmem:s9+$0xFFFFFFA0]  }
0xe4: {  	[tilespmem:s9+$0xFFFFFF40] =	vst v0;
	v0 =	vmul.f32 $8.000000000e+00, v5;
	v5 =	vld [tilespmem:s9+$0xFFFFFFB0]  }
0xe5: {  	[tilespmem:s9+$0xFFFFFF50] =	vst v1;
	v1 =	vmul.f32 $8.000000000e+00, v4;
	v4 =	vld [tilespmem:s9+$0xFFFFFFC0]  }
0xe6: {  	[tilespmem:s9+$0xFFFFFF60] =	vst v0;
	v0 =	vmul.f32 $8.000000000e+00, v2;
	v2 =	vld [tilespmem:s9+$0xFFFFFFD0]  }
0xe7: {  	[tilespmem:s9+$0xFFFFFF70] =	vst v1;
	v1 =	vmul.f32 $8.000000000e+00, v3;
	v3 =	vld [tilespmem:s9+$0xFFFFFFE0]  }
0xe8: {  	[tilespmem:s9+$0xFFFFFF80] =	vst v0;
	v0 =	vmul.f32 $8.000000000e+00, v6;
	v6 =	vld [tilespmem:s9+$0x0]  }
0xe9: {  	[tilespmem:s9+$0xFFFFFF90] =	vst v1;
	v1 =	vmul.f32 $8.000000000e+00, v5;
	v5 =	vld [tilespmem:s9+$0x10]  }
0xea: {  	[tilespmem:s9+$0xFFFFFFA0] =	vst v0;
	v0 =	vmul.f32 $8.000000000e+00, v4;
	v4 =	vld [tilespmem:s9+$0x20]  }
0xeb: {  	[tilespmem:s9+$0xFFFFFFB0] =	vst v1;
	v1 =	vmul.f32 $8.000000000e+00, v2;
	v2 =	vld [tilespmem:s9+$0x30]  }
0xec: {  	[tilespmem:s9+$0xFFFFFFC0] =	vst v0;
	v0 =	vmul.f32 $8.000000000e+00, v3;
	v3 =	vld [tilespmem:s9+$0x40]  }
0xed: {  	[tilespmem:s9+$0xFFFFFFD0] =	vst v1;
	v1 =	vmul.f32 $8.000000000e+00, v6;
	v6 =	vld [tilespmem:s9+$0x50]  }
0xee: {  	[tilespmem:s9+$0xFFFFFFE0] =	vst v0;
	v0 =	vmul.f32 $8.000000000e+00, v5;
	v5 =	vld [tilespmem:s9+$0x60]  }
0xef: {  	[tilespmem:s9+$0x0] =	vst v1;
	v1 =	vmul.f32 $8.000000000e+00, v4;
	v4 =	vld [tilespmem:s9+$0x70]  }
0xf0: {  	[tilespmem:s9+$0x10] =	vst v0;
	v0 =	vmul.f32 $8.000000000e+00, v2;
	v2 =	vld [tilespmem:s9+$0x80]  }
0xf1: {  	[tilespmem:s9+$0x20] =	vst v1;
	v1 =	vmul.f32 $8.000000000e+00, v3;
	v3 =	vld [tilespmem:s9+$0x90]  }
0xf2: {  	s8 =	sadd.s32 $0x8, s8;
	[tilespmem:s9+$0x30] =	vst v0;
	v0 =	vmul.f32 $8.000000000e+00, v6;
	v6 =	vld [tilespmem:s9+$0xA0]  }
0xf3: {  	p0 =	slt.u32 s8, $0x138;
	[tilespmem:s9+$0x40] =	vst v1;
	v1 =	vmul.f32 $8.000000000e+00, v5;
	v7 =	vld [tilespmem:s9+$0xB0]  }
.Ltmp2:
0xf4: {  	[tilespmem:s9+$0x50] =	vst v0;
	v4 =	vmul.f32 $8.000000000e+00, v4;
	v0 =	vld [tilespmem:s9+$0xC0];
	(pc) =	sbr.rel @p0 .LBB2_6-.Ltmp2, $4  }
0xf5: {  	[tilespmem:s9+$0x60] =	vst v1;
	v5 =	vmul.f32 $8.000000000e+00, v2;
	v1 =	vld [tilespmem:s9+$0xD0]  }
0xf6: {  	[tilespmem:s9+$0x70] =	vst v4;
	v8 =	vmul.f32 $8.000000000e+00, v3;
	v2 =	vld [tilespmem:s9+$0xE0]  }
0xf7: {  	[tilespmem:s9+$0x80] =	vst v5;
	v5 =	vmul.f32 $8.000000000e+00, v6;
	v3 =	vld [tilespmem:s9+$0xF0]  }
0xf8: {  	s9 =	sadd.s32 $0x200, s9;
	v4 =	vld [tilespmem:s6+$0xFFFFFFF0];
	[tilespmem:s6+$0x90] =	vst v8;
	v6 =	vmul.f32 $8.000000000e+00, v7  }
0xf9: {  	[tilespmem:s6+$0xA0] =	vst v5;
	v0 =	vmul.f32 $8.000000000e+00, v0  }
0xfa: {  	[tilespmem:s6+$0xB0] =	vst v6;
	v1 =	vmul.f32 $8.000000000e+00, v1  }
0xfb: {  	[tilespmem:s6+$0xC0] =	vst v0;
	v0 =	vmul.f32 $8.000000000e+00, v2  }
0xfc: {  	[tilespmem:s6+$0xD0] =	vst v1;
	v1 =	vmul.f32 $8.000000000e+00, v3  }
0xfd: {  	v2 =	vmul.f32 $8.000000000e+00, v4;
	[tilespmem:s6+$0xE0] =	vst v0  }
0xfe: {  	[tilespmem:s6+$0xF0] =	vst v1  }
0xff: {  	s12 =	rddreg [dreg:$0x5];
	[tilespmem:s6+$0xFFFFFFF0] =	vst v2  }
0x100: {  	[hbm4b:s12+s22] =	stream.strided.scatter [tilespmem:s25], [sflag:$0x7], $0x5000, s23, s22, $0x38;
	[tilespmem:$0x1A400] =	vst v63  }
0x101: {  	_ =	swait.ge [sflag:s31], $0x5000  }
0x102: {  	[sflag:s31] =	ssyncset.done $0x0  }
0x103: {  	s13 =	simm.s32 $0x500;
	[sflag:s31] =	ssyncadd.s32 $0xFFFFB000  }
0x104: {  	[tilespmem:s19], [sflag:$0x1] =	stream.indirect.gather [hbm4b:s4+s18], $0x40, s13, s18, $0xb8;
	[tilespmem:$0x1A400] =	vst v63  }
0x105: {  	_ =	swait.ge [sflag:s0], $0x5000  }
0x106: {  	[sflag:s0] =	ssyncset.done $0x0  }
0x107: {  	s6 =	simm.s32 $0x15500;
	[sflag:s0] =	ssyncadd.s32 $0xFFFFB000  }
0x108: {  	v0 =	vld [tilespmem:s6+$0xFFFFFF00]  }
0x109: {  	v1 =	vld [tilespmem:s6+$0xFFFFFF10]  }
0x10a: {  	v2 =	vld [tilespmem:s6+$0xFFFFFF20]  }
0x10b: {  	v3 =	vld [tilespmem:s6+$0xFFFFFF30]  }
0x10c: {  	v4 =	vld [tilespmem:s6+$0xFFFFFF40]  }
0x10d: {  	v5 =	vld [tilespmem:s6+$0xFFFFFF50];
	v0 =	vmul.f32 $8.000000000e+00, v0  }
0x10e: {  	v6 =	vld [tilespmem:s6+$0xFFFFFF60];
	v1 =	vmul.f32 $8.000000000e+00, v1  }
0x10f: {  	[tilespmem:s6+$0xFFFFFF00] =	vst v0;
	v0 =	vmul.f32 $8.000000000e+00, v2;
	v2 =	vld [tilespmem:s6+$0xFFFFFF70]  }
0x110: {  	[tilespmem:s6+$0xFFFFFF10] =	vst v1;
	v1 =	vmul.f32 $8.000000000e+00, v3;
	v3 =	vld [tilespmem:s6+$0xFFFFFF80]  }
0x111: {  	[tilespmem:s6+$0xFFFFFF20] =	vst v0;
	v0 =	vmul.f32 $8.000000000e+00, v4;
	v4 =	vld [tilespmem:s6+$0xFFFFFF90]  }
0x112: {  	[tilespmem:s6+$0xFFFFFF30] =	vst v1;
	v1 =	vmul.f32 $8.000000000e+00, v5;
	v5 =	vld [tilespmem:s6+$0xFFFFFFA0]  }
0x113: {  	[tilespmem:s6+$0xFFFFFF40] =	vst v0;
	v0 =	vmul.f32 $8.000000000e+00, v6;
	v6 =	vld [tilespmem:s6+$0xFFFFFFB0]  }
0x114: {  	[tilespmem:s6+$0xFFFFFF50] =	vst v1;
	v1 =	vmul.f32 $8.000000000e+00, v2;
	v2 =	vld [tilespmem:s6+$0xFFFFFFC0]  }
0x115: {  	[tilespmem:s6+$0xFFFFFF60] =	vst v0;
	v0 =	vmul.f32 $8.000000000e+00, v3;
	v3 =	vld [tilespmem:s6+$0xFFFFFFD0]  }
0x116: {  	[tilespmem:s6+$0xFFFFFF70] =	vst v1;
	v1 =	vmul.f32 $8.000000000e+00, v4;
	v4 =	vld [tilespmem:s6+$0xFFFFFFE0]  }
0x117: {  	[tilespmem:s6+$0xFFFFFF80] =	vst v0;
	v0 =	vmul.f32 $8.000000000e+00, v5;
	v5 =	vld [tilespmem:s6+$0x0]  }
0x118: {  	[tilespmem:s6+$0xFFFFFF90] =	vst v1;
	v1 =	vmul.f32 $8.000000000e+00, v6;
	v6 =	vld [tilespmem:s6+$0x10]  }
0x119: {  	[tilespmem:s6+$0xFFFFFFA0] =	vst v0;
	v0 =	vmul.f32 $8.000000000e+00, v2;
	v2 =	vld [tilespmem:s6+$0x20]  }
0x11a: {  	[tilespmem:s6+$0xFFFFFFB0] =	vst v1;
	v1 =	vmul.f32 $8.000000000e+00, v3;
	v3 =	vld [tilespmem:s6+$0x30]  }
0x11b: {  	[tilespmem:s6+$0xFFFFFFC0] =	vst v0;
	v0 =	vmul.f32 $8.000000000e+00, v4;
	v4 =	vld [tilespmem:s6+$0x40]  }
0x11c: {  	[tilespmem:s6+$0xFFFFFFD0] =	vst v1;
	v1 =	vmul.f32 $8.000000000e+00, v5;
	v5 =	vld [tilespmem:s6+$0x50]  }
0x11d: {  	[tilespmem:s6+$0xFFFFFFE0] =	vst v0;
	v0 =	vmul.f32 $8.000000000e+00, v6;
	v6 =	vld [tilespmem:s6+$0x60]  }
0x11e: {  	[tilespmem:s6+$0x0] =	vst v1;
	v1 =	vmul.f32 $8.000000000e+00, v2;
	v2 =	vld [tilespmem:s6+$0x70]  }
0x11f: {  	[tilespmem:s6+$0x10] =	vst v0;
	v0 =	vmul.f32 $8.000000000e+00, v3;
	v3 =	vld [tilespmem:s6+$0x80]  }
0x120: {  	[tilespmem:s6+$0x20] =	vst v1;
	v1 =	vmul.f32 $8.000000000e+00, v4;
	v4 =	vld [tilespmem:s6+$0x90]  }
0x121: {  	[tilespmem:s6+$0x30] =	vst v0;
	v0 =	vmul.f32 $8.000000000e+00, v5;
	v5 =	vld [tilespmem:s6+$0xA0]  }
0x122: {  	[tilespmem:s6+$0x40] =	vst v1;
	v1 =	vmul.f32 $8.000000000e+00, v6;
	v6 =	vld [tilespmem:s6+$0xB0]  }
0x123: {  	[tilespmem:s6+$0x50] =	vst v0;
	v2 =	vmul.f32 $8.000000000e+00, v2;
	v0 =	vld [tilespmem:s6+$0xC0]  }
0x124: {  	[tilespmem:s6+$0x60] =	vst v1;
	v3 =	vmul.f32 $8.000000000e+00, v3;
	v1 =	vld [tilespmem:s6+$0xD0]  }
0x125: {  	[tilespmem:s6+$0x70] =	vst v2;
	v7 =	vmul.f32 $8.000000000e+00, v4;
	v2 =	vld [tilespmem:s6+$0xE0]  }
0x126: {  	[tilespmem:s6+$0x80] =	vst v3;
	v3 =	vld [tilespmem:s6+$0xF0];
	v5 =	vmul.f32 $8.000000000e+00, v5  }
0x127: {  	s8 =	simm.s32 $0x0;
	s9 =	simm.s32 $0x15700;
	v4 =	vld [tilespmem:s6+$0xFFFFFFF0];
	[tilespmem:s6+$0x90] =	vst v7;
	v6 =	vmul.f32 $8.000000000e+00, v6  }
.LBB2_8:
0x128: {  	v7 =	vld [tilespmem:s9+$0xFFFFFF00];
	[tilespmem:s6+$0xA0] =	vst v5;
	v0 =	vmul.f32 $8.000000000e+00, v0  }
0x129: {  	v5 =	vld [tilespmem:s9+$0xFFFFFF10];
	[tilespmem:s6+$0xB0] =	vst v6;
	v1 =	vmul.f32 $8.000000000e+00, v1  }
0x12a: {  	v6 =	vld [tilespmem:s9+$0xFFFFFF20];
	[tilespmem:s6+$0xC0] =	vst v0;
	v0 =	vmul.f32 $8.000000000e+00, v2  }
0x12b: {  	v2 =	vld [tilespmem:s9+$0xFFFFFF30];
	[tilespmem:s6+$0xD0] =	vst v1;
	v1 =	vmul.f32 $8.000000000e+00, v3  }
0x12c: {  	v3 =	vld [tilespmem:s9+$0xFFFFFF40];
	v4 =	vmul.f32 $8.000000000e+00, v4;
	[tilespmem:s6+$0xE0] =	vst v0  }
0x12d: {  	v0 =	vmul.f32 $8.000000000e+00, v7;
	v7 =	vld [tilespmem:s9+$0xFFFFFF50];
	[tilespmem:s6+$0xF0] =	vst v1  }
0x12e: {  	v1 =	vmul.f32 $8.000000000e+00, v5;
	v5 =	vld [tilespmem:s9+$0xFFFFFF60];
	[tilespmem:s6+$0xFFFFFFF0] =	vst v4;
	s6 =	smov.u32 s9  }
0x12f: {  	[tilespmem:s9+$0xFFFFFF00] =	vst v0;
	v0 =	vmul.f32 $8.000000000e+00, v6;
	v4 =	vld [tilespmem:s9+$0xFFFFFF70]  }
0x130: {  	[tilespmem:s9+$0xFFFFFF10] =	vst v1;
	v1 =	vmul.f32 $8.000000000e+00, v2;
	v2 =	vld [tilespmem:s9+$0xFFFFFF80]  }
0x131: {  	[tilespmem:s9+$0xFFFFFF20] =	vst v0;
	v0 =	vmul.f32 $8.000000000e+00, v3;
	v3 =	vld [tilespmem:s9+$0xFFFFFF90]  }
0x132: {  	[tilespmem:s9+$0xFFFFFF30] =	vst v1;
	v1 =	vmul.f32 $8.000000000e+00, v7;
	v6 =	vld [tilespmem:s9+$0xFFFFFFA0]  }
0x133: {  	[tilespmem:s9+$0xFFFFFF40] =	vst v0;
	v0 =	vmul.f32 $8.000000000e+00, v5;
	v5 =	vld [tilespmem:s9+$0xFFFFFFB0]  }
0x134: {  	[tilespmem:s9+$0xFFFFFF50] =	vst v1;
	v1 =	vmul.f32 $8.000000000e+00, v4;
	v4 =	vld [tilespmem:s9+$0xFFFFFFC0]  }
0x135: {  	[tilespmem:s9+$0xFFFFFF60] =	vst v0;
	v0 =	vmul.f32 $8.000000000e+00, v2;
	v2 =	vld [tilespmem:s9+$0xFFFFFFD0]  }
0x136: {  	[tilespmem:s9+$0xFFFFFF70] =	vst v1;
	v1 =	vmul.f32 $8.000000000e+00, v3;
	v3 =	vld [tilespmem:s9+$0xFFFFFFE0]  }
0x137: {  	[tilespmem:s9+$0xFFFFFF80] =	vst v0;
	v0 =	vmul.f32 $8.000000000e+00, v6;
	v6 =	vld [tilespmem:s9+$0x0]  }
0x138: {  	[tilespmem:s9+$0xFFFFFF90] =	vst v1;
	v1 =	vmul.f32 $8.000000000e+00, v5;
	v5 =	vld [tilespmem:s9+$0x10]  }
0x139: {  	[tilespmem:s9+$0xFFFFFFA0] =	vst v0;
	v0 =	vmul.f32 $8.000000000e+00, v4;
	v4 =	vld [tilespmem:s9+$0x20]  }
0x13a: {  	[tilespmem:s9+$0xFFFFFFB0] =	vst v1;
	v1 =	vmul.f32 $8.000000000e+00, v2;
	v2 =	vld [tilespmem:s9+$0x30]  }
0x13b: {  	[tilespmem:s9+$0xFFFFFFC0] =	vst v0;
	v0 =	vmul.f32 $8.000000000e+00, v3;
	v3 =	vld [tilespmem:s9+$0x40]  }
0x13c: {  	[tilespmem:s9+$0xFFFFFFD0] =	vst v1;
	v1 =	vmul.f32 $8.000000000e+00, v6;
	v6 =	vld [tilespmem:s9+$0x50]  }
0x13d: {  	[tilespmem:s9+$0xFFFFFFE0] =	vst v0;
	v0 =	vmul.f32 $8.000000000e+00, v5;
	v5 =	vld [tilespmem:s9+$0x60]  }
0x13e: {  	[tilespmem:s9+$0x0] =	vst v1;
	v1 =	vmul.f32 $8.000000000e+00, v4;
	v4 =	vld [tilespmem:s9+$0x70]  }
0x13f: {  	[tilespmem:s9+$0x10] =	vst v0;
	v0 =	vmul.f32 $8.000000000e+00, v2;
	v2 =	vld [tilespmem:s9+$0x80]  }
0x140: {  	[tilespmem:s9+$0x20] =	vst v1;
	v1 =	vmul.f32 $8.000000000e+00, v3;
	v3 =	vld [tilespmem:s9+$0x90]  }
0x141: {  	s8 =	sadd.s32 $0x8, s8;
	[tilespmem:s9+$0x30] =	vst v0;
	v0 =	vmul.f32 $8.000000000e+00, v6;
	v6 =	vld [tilespmem:s9+$0xA0]  }
0x142: {  	p0 =	slt.u32 s8, $0x138;
	[tilespmem:s9+$0x40] =	vst v1;
	v1 =	vmul.f32 $8.000000000e+00, v5;
	v7 =	vld [tilespmem:s9+$0xB0]  }
.Ltmp3:
0x143: {  	[tilespmem:s9+$0x50] =	vst v0;
	v4 =	vmul.f32 $8.000000000e+00, v4;
	v0 =	vld [tilespmem:s9+$0xC0];
	(pc) =	sbr.rel @p0 .LBB2_8-.Ltmp3, $4  }
0x144: {  	[tilespmem:s9+$0x60] =	vst v1;
	v5 =	vmul.f32 $8.000000000e+00, v2;
	v1 =	vld [tilespmem:s9+$0xD0]  }
0x145: {  	[tilespmem:s9+$0x70] =	vst v4;
	v8 =	vmul.f32 $8.000000000e+00, v3;
	v2 =	vld [tilespmem:s9+$0xE0]  }
0x146: {  	[tilespmem:s9+$0x80] =	vst v5;
	v5 =	vmul.f32 $8.000000000e+00, v6;
	v3 =	vld [tilespmem:s9+$0xF0]  }
0x147: {  	s9 =	sadd.s32 $0x200, s9;
	v4 =	vld [tilespmem:s6+$0xFFFFFFF0];
	[tilespmem:s6+$0x90] =	vst v8;
	v6 =	vmul.f32 $8.000000000e+00, v7  }
0x148: {  	[tilespmem:s6+$0xA0] =	vst v5;
	v0 =	vmul.f32 $8.000000000e+00, v0  }
0x149: {  	[tilespmem:s6+$0xB0] =	vst v6;
	v1 =	vmul.f32 $8.000000000e+00, v1  }
0x14a: {  	[tilespmem:s6+$0xC0] =	vst v0;
	v61 =	vmul.f32 $8.000000000e+00, v2  }
0x14b: {  	[tilespmem:s6+$0xD0] =	vst v1;
	v62 =	vmul.f32 $8.000000000e+00, v3  }
0x14c: {  	v63 =	vmul.f32 $8.000000000e+00, v4;
	[tilespmem:s6+$0xE0] =	vst v61  }
0x14d: {  	[tilespmem:s6+$0xF0] =	vst v62  }
0x14e: {  	s12 =	rddreg [dreg:$0x6];
	[tilespmem:s6+$0xFFFFFFF0] =	vst v63  }
0x14f: {  	[hbm4b:s12+s22] =	stream.strided.scatter [tilespmem:s29], [sflag:$0x8], $0x5000, s23, s22, $0x38;
	[tilespmem:$0x1A400] =	vst v63  }
0x150: {  	_ =	swait.ge [sflag:s24], $0x5000  }
0x151: {  	[sflag:s24] =	ssyncset.done $0x0  }
0x152: {  	s13 =	simm.s32 $0x640;
	s6 =	simm.s32 $0x1;
	[sflag:s24] =	ssyncadd.s32 $0xFFFFB000  }
0x153: {  	[tilespmem:s20], [sflag:$0x2] =	stream.indirect.gather [hbm4b:s4+s18], $0x40, s13, s18, $0xb8;
	[tilespmem:$0x1A400] =	vst v63  }
.LBB2_10:
0x154: {  	_ =	swait.ge [sflag:s21], $0x5000  }
0x155: {  	[sflag:s21] =	ssyncset.done $0x0  }
0x156: {  	s9 =	simm.s32 $0x6500;
	[sflag:s21] =	ssyncadd.s32 $0xFFFFB000  }
0x157: {  	v0 =	vld [tilespmem:s9+$0xFFFFFF00]  }
0x158: {  	v1 =	vld [tilespmem:s9+$0xFFFFFF10]  }
0x159: {  	v2 =	vld [tilespmem:s9+$0xFFFFFF20]  }
0x15a: {  	v3 =	vld [tilespmem:s9+$0xFFFFFF30]  }
0x15b: {  	v4 =	vld [tilespmem:s9+$0xFFFFFF40]  }
0x15c: {  	v5 =	vld [tilespmem:s9+$0xFFFFFF50];
	v0 =	vmul.f32 $8.000000000e+00, v0  }
0x15d: {  	v6 =	vld [tilespmem:s9+$0xFFFFFF60];
	v1 =	vmul.f32 $8.000000000e+00, v1  }
0x15e: {  	[tilespmem:s9+$0xFFFFFF00] =	vst v0;
	v0 =	vmul.f32 $8.000000000e+00, v2;
	v2 =	vld [tilespmem:s9+$0xFFFFFF70]  }
0x15f: {  	[tilespmem:s9+$0xFFFFFF10] =	vst v1;
	v1 =	vmul.f32 $8.000000000e+00, v3;
	v3 =	vld [tilespmem:s9+$0xFFFFFF80]  }
0x160: {  	[tilespmem:s9+$0xFFFFFF20] =	vst v0;
	v0 =	vmul.f32 $8.000000000e+00, v4;
	v4 =	vld [tilespmem:s9+$0xFFFFFF90]  }
0x161: {  	[tilespmem:s9+$0xFFFFFF30] =	vst v1;
	v1 =	vmul.f32 $8.000000000e+00, v5;
	v5 =	vld [tilespmem:s9+$0xFFFFFFA0]  }
0x162: {  	[tilespmem:s9+$0xFFFFFF40] =	vst v0;
	v0 =	vmul.f32 $8.000000000e+00, v6;
	v6 =	vld [tilespmem:s9+$0xFFFFFFB0]  }
0x163: {  	[tilespmem:s9+$0xFFFFFF50] =	vst v1;
	v1 =	vmul.f32 $8.000000000e+00, v2;
	v2 =	vld [tilespmem:s9+$0xFFFFFFC0]  }
0x164: {  	[tilespmem:s9+$0xFFFFFF60] =	vst v0;
	v0 =	vmul.f32 $8.000000000e+00, v3;
	v3 =	vld [tilespmem:s9+$0xFFFFFFD0]  }
0x165: {  	[tilespmem:s9+$0xFFFFFF70] =	vst v1;
	v1 =	vmul.f32 $8.000000000e+00, v4;
	v4 =	vld [tilespmem:s9+$0xFFFFFFE0]  }
0x166: {  	[tilespmem:s9+$0xFFFFFF80] =	vst v0;
	v0 =	vmul.f32 $8.000000000e+00, v5;
	v5 =	vld [tilespmem:s9+$0x0]  }
0x167: {  	[tilespmem:s9+$0xFFFFFF90] =	vst v1;
	v1 =	vmul.f32 $8.000000000e+00, v6;
	v6 =	vld [tilespmem:s9+$0x10]  }
0x168: {  	[tilespmem:s9+$0xFFFFFFA0] =	vst v0;
	v0 =	vmul.f32 $8.000000000e+00, v2;
	v2 =	vld [tilespmem:s9+$0x20]  }
0x169: {  	[tilespmem:s9+$0xFFFFFFB0] =	vst v1;
	v1 =	vmul.f32 $8.000000000e+00, v3;
	v3 =	vld [tilespmem:s9+$0x30]  }
0x16a: {  	[tilespmem:s9+$0xFFFFFFC0] =	vst v0;
	v0 =	vmul.f32 $8.000000000e+00, v4;
	v4 =	vld [tilespmem:s9+$0x40]  }
0x16b: {  	[tilespmem:s9+$0xFFFFFFD0] =	vst v1;
	v1 =	vmul.f32 $8.000000000e+00, v5;
	v5 =	vld [tilespmem:s9+$0x50]  }
0x16c: {  	[tilespmem:s9+$0xFFFFFFE0] =	vst v0;
	v0 =	vmul.f32 $8.000000000e+00, v6;
	v6 =	vld [tilespmem:s9+$0x60]  }
0x16d: {  	[tilespmem:s9+$0x0] =	vst v1;
	v1 =	vmul.f32 $8.000000000e+00, v2;
	v2 =	vld [tilespmem:s9+$0x70]  }
0x16e: {  	[tilespmem:s9+$0x10] =	vst v0;
	v0 =	vmul.f32 $8.000000000e+00, v3;
	v3 =	vld [tilespmem:s9+$0x80]  }
0x16f: {  	[tilespmem:s9+$0x20] =	vst v1;
	v1 =	vmul.f32 $8.000000000e+00, v4;
	v4 =	vld [tilespmem:s9+$0x90]  }
0x170: {  	[tilespmem:s9+$0x30] =	vst v0;
	v0 =	vmul.f32 $8.000000000e+00, v5;
	v5 =	vld [tilespmem:s9+$0xA0]  }
0x171: {  	[tilespmem:s9+$0x40] =	vst v1;
	v1 =	vmul.f32 $8.000000000e+00, v6;
	v6 =	vld [tilespmem:s9+$0xB0]  }
0x172: {  	[tilespmem:s9+$0x50] =	vst v0;
	v2 =	vmul.f32 $8.000000000e+00, v2;
	v0 =	vld [tilespmem:s9+$0xC0]  }
0x173: {  	[tilespmem:s9+$0x60] =	vst v1;
	v3 =	vmul.f32 $8.000000000e+00, v3;
	v1 =	vld [tilespmem:s9+$0xD0]  }
0x174: {  	[tilespmem:s9+$0x70] =	vst v2;
	v7 =	vmul.f32 $8.000000000e+00, v4;
	v2 =	vld [tilespmem:s9+$0xE0]  }
0x175: {  	[tilespmem:s9+$0x80] =	vst v3;
	v3 =	vld [tilespmem:s9+$0xF0];
	v5 =	vmul.f32 $8.000000000e+00, v5  }
0x176: {  	s8 =	simm.s32 $0x0;
	s10 =	simm.s32 $0x6700;
	v4 =	vld [tilespmem:s9+$0xFFFFFFF0];
	[tilespmem:s9+$0x90] =	vst v7;
	v6 =	vmul.f32 $8.000000000e+00, v6  }
.LBB2_11:
0x177: {  	v7 =	vld [tilespmem:s10+$0xFFFFFF00];
	[tilespmem:s9+$0xA0] =	vst v5;
	v0 =	vmul.f32 $8.000000000e+00, v0  }
0x178: {  	v5 =	vld [tilespmem:s10+$0xFFFFFF10];
	[tilespmem:s9+$0xB0] =	vst v6;
	v1 =	vmul.f32 $8.000000000e+00, v1  }
0x179: {  	v6 =	vld [tilespmem:s10+$0xFFFFFF20];
	[tilespmem:s9+$0xC0] =	vst v0;
	v0 =	vmul.f32 $8.000000000e+00, v2  }
0x17a: {  	v2 =	vld [tilespmem:s10+$0xFFFFFF30];
	[tilespmem:s9+$0xD0] =	vst v1;
	v1 =	vmul.f32 $8.000000000e+00, v3  }
0x17b: {  	v3 =	vld [tilespmem:s10+$0xFFFFFF40];
	v4 =	vmul.f32 $8.000000000e+00, v4;
	[tilespmem:s9+$0xE0] =	vst v0  }
0x17c: {  	v0 =	vmul.f32 $8.000000000e+00, v7;
	v7 =	vld [tilespmem:s10+$0xFFFFFF50];
	[tilespmem:s9+$0xF0] =	vst v1  }
0x17d: {  	v1 =	vmul.f32 $8.000000000e+00, v5;
	v5 =	vld [tilespmem:s10+$0xFFFFFF60];
	[tilespmem:s9+$0xFFFFFFF0] =	vst v4;
	s9 =	smov.u32 s10  }
0x17e: {  	[tilespmem:s10+$0xFFFFFF00] =	vst v0;
	v0 =	vmul.f32 $8.000000000e+00, v6;
	v4 =	vld [tilespmem:s10+$0xFFFFFF70]  }
0x17f: {  	[tilespmem:s10+$0xFFFFFF10] =	vst v1;
	v1 =	vmul.f32 $8.000000000e+00, v2;
	v2 =	vld [tilespmem:s10+$0xFFFFFF80]  }
0x180: {  	[tilespmem:s10+$0xFFFFFF20] =	vst v0;
	v0 =	vmul.f32 $8.000000000e+00, v3;
	v3 =	vld [tilespmem:s10+$0xFFFFFF90]  }
0x181: {  	[tilespmem:s10+$0xFFFFFF30] =	vst v1;
	v1 =	vmul.f32 $8.000000000e+00, v7;
	v6 =	vld [tilespmem:s10+$0xFFFFFFA0]  }
0x182: {  	[tilespmem:s10+$0xFFFFFF40] =	vst v0;
	v0 =	vmul.f32 $8.000000000e+00, v5;
	v5 =	vld [tilespmem:s10+$0xFFFFFFB0]  }
0x183: {  	[tilespmem:s10+$0xFFFFFF50] =	vst v1;
	v1 =	vmul.f32 $8.000000000e+00, v4;
	v4 =	vld [tilespmem:s10+$0xFFFFFFC0]  }
0x184: {  	[tilespmem:s10+$0xFFFFFF60] =	vst v0;
	v0 =	vmul.f32 $8.000000000e+00, v2;
	v2 =	vld [tilespmem:s10+$0xFFFFFFD0]  }
0x185: {  	[tilespmem:s10+$0xFFFFFF70] =	vst v1;
	v1 =	vmul.f32 $8.000000000e+00, v3;
	v3 =	vld [tilespmem:s10+$0xFFFFFFE0]  }
0x186: {  	[tilespmem:s10+$0xFFFFFF80] =	vst v0;
	v0 =	vmul.f32 $8.000000000e+00, v6;
	v6 =	vld [tilespmem:s10+$0x0]  }
0x187: {  	[tilespmem:s10+$0xFFFFFF90] =	vst v1;
	v1 =	vmul.f32 $8.000000000e+00, v5;
	v5 =	vld [tilespmem:s10+$0x10]  }
0x188: {  	[tilespmem:s10+$0xFFFFFFA0] =	vst v0;
	v0 =	vmul.f32 $8.000000000e+00, v4;
	v4 =	vld [tilespmem:s10+$0x20]  }
0x189: {  	[tilespmem:s10+$0xFFFFFFB0] =	vst v1;
	v1 =	vmul.f32 $8.000000000e+00, v2;
	v2 =	vld [tilespmem:s10+$0x30]  }
0x18a: {  	[tilespmem:s10+$0xFFFFFFC0] =	vst v0;
	v0 =	vmul.f32 $8.000000000e+00, v3;
	v3 =	vld [tilespmem:s10+$0x40]  }
0x18b: {  	[tilespmem:s10+$0xFFFFFFD0] =	vst v1;
	v1 =	vmul.f32 $8.000000000e+00, v6;
	v6 =	vld [tilespmem:s10+$0x50]  }
0x18c: {  	[tilespmem:s10+$0xFFFFFFE0] =	vst v0;
	v0 =	vmul.f32 $8.000000000e+00, v5;
	v5 =	vld [tilespmem:s10+$0x60]  }
0x18d: {  	[tilespmem:s10+$0x0] =	vst v1;
	v1 =	vmul.f32 $8.000000000e+00, v4;
	v4 =	vld [tilespmem:s10+$0x70]  }
0x18e: {  	[tilespmem:s10+$0x10] =	vst v0;
	v0 =	vmul.f32 $8.000000000e+00, v2;
	v2 =	vld [tilespmem:s10+$0x80]  }
0x18f: {  	[tilespmem:s10+$0x20] =	vst v1;
	v1 =	vmul.f32 $8.000000000e+00, v3;
	v3 =	vld [tilespmem:s10+$0x90]  }
0x190: {  	s8 =	sadd.s32 $0x8, s8;
	[tilespmem:s10+$0x30] =	vst v0;
	v0 =	vmul.f32 $8.000000000e+00, v6;
	v6 =	vld [tilespmem:s10+$0xA0]  }
0x191: {  	p0 =	slt.u32 s8, $0x138;
	[tilespmem:s10+$0x40] =	vst v1;
	v1 =	vmul.f32 $8.000000000e+00, v5;
	v7 =	vld [tilespmem:s10+$0xB0]  }
.Ltmp4:
0x192: {  	[tilespmem:s10+$0x50] =	vst v0;
	v4 =	vmul.f32 $8.000000000e+00, v4;
	v0 =	vld [tilespmem:s10+$0xC0];
	(pc) =	sbr.rel @p0 .LBB2_11-.Ltmp4, $4  }
0x193: {  	[tilespmem:s10+$0x60] =	vst v1;
	v5 =	vmul.f32 $8.000000000e+00, v2;
	v1 =	vld [tilespmem:s10+$0xD0]  }
0x194: {  	[tilespmem:s10+$0x70] =	vst v4;
	v8 =	vmul.f32 $8.000000000e+00, v3;
	v2 =	vld [tilespmem:s10+$0xE0]  }
0x195: {  	[tilespmem:s10+$0x80] =	vst v5;
	v5 =	vmul.f32 $8.000000000e+00, v6;
	v3 =	vld [tilespmem:s10+$0xF0]  }
0x196: {  	s10 =	sadd.s32 $0x200, s10;
	v4 =	vld [tilespmem:s9+$0xFFFFFFF0];
	[tilespmem:s9+$0x90] =	vst v8;
	v6 =	vmul.f32 $8.000000000e+00, v7  }
0x197: {  	[tilespmem:s9+$0xA0] =	vst v5;
	v0 =	vmul.f32 $8.000000000e+00, v0  }
0x198: {  	s8 =	smul.u32 $0x500, s6;
	[tilespmem:s9+$0xB0] =	vst v6;
	v1 =	vmul.f32 $8.000000000e+00, v1  }
0x199: {  	[tilespmem:s9+$0xC0] =	vst v0;
	v0 =	vmul.f32 $8.000000000e+00, v2  }
0x19a: {  	s10 =	sadd.s32 s3, s8;
	[tilespmem:s9+$0xD0] =	vst v1;
	v1 =	vmul.f32 $8.000000000e+00, v3  }
0x19b: {  	s10 =	sshll.u32 s10, $0x4;
	v2 =	vmul.f32 $8.000000000e+00, v4;
	[tilespmem:s9+$0xE0] =	vst v0  }
0x19c: {  	s10 =	sand.u32 $0x1FFFF000, s10;
	[tilespmem:s9+$0xF0] =	vst v1  }
0x19d: {  	s13 =	sadd.s32 s5, s10;
	[tilespmem:s9+$0xFFFFFFF0] =	vst v2  }
0x19e: {  	[hbm4b:s13+s22] =	stream.strided.scatter [tilespmem:s19], [sflag:$0x5], $0x5000, s23, s22, $0x38;
	[tilespmem:$0x1A400] =	vst v63  }
0x19f: {  	_ =	swait.ge [sflag:s1], $0x5000  }
0x1a0: {  	[sflag:s1] =	ssyncset.done $0x0  }
0x1a1: {  	s9 =	sadd.s32 $0x280, s8;
	[sflag:s1] =	ssyncadd.s32 $0xFFFFB000  }
0x1a2: {  	[tilespmem:s25], [sflag:$0x3] =	stream.indirect.gather [hbm4b:s4+s18], $0x40, s9, s18, $0xb8;
	[tilespmem:$0x1A400] =	vst v63  }
0x1a3: {  	_ =	swait.ge [sflag:s26], $0x5000  }
0x1a4: {  	[sflag:s26] =	ssyncset.done $0x0  }
0x1a5: {  	s10 =	simm.s32 $0xB500;
	[sflag:s26] =	ssyncadd.s32 $0xFFFFB000  }
0x1a6: {  	v0 =	vld [tilespmem:s10+$0xFFFFFF00]  }
0x1a7: {  	v1 =	vld [tilespmem:s10+$0xFFFFFF10]  }
0x1a8: {  	v2 =	vld [tilespmem:s10+$0xFFFFFF20]  }
0x1a9: {  	v3 =	vld [tilespmem:s10+$0xFFFFFF30]  }
0x1aa: {  	v4 =	vld [tilespmem:s10+$0xFFFFFF40]  }
0x1ab: {  	v5 =	vld [tilespmem:s10+$0xFFFFFF50];
	v0 =	vmul.f32 $8.000000000e+00, v0  }
0x1ac: {  	v6 =	vld [tilespmem:s10+$0xFFFFFF60];
	v1 =	vmul.f32 $8.000000000e+00, v1  }
0x1ad: {  	[tilespmem:s10+$0xFFFFFF00] =	vst v0;
	v0 =	vmul.f32 $8.000000000e+00, v2;
	v2 =	vld [tilespmem:s10+$0xFFFFFF70]  }
0x1ae: {  	[tilespmem:s10+$0xFFFFFF10] =	vst v1;
	v1 =	vmul.f32 $8.000000000e+00, v3;
	v3 =	vld [tilespmem:s10+$0xFFFFFF80]  }
0x1af: {  	[tilespmem:s10+$0xFFFFFF20] =	vst v0;
	v0 =	vmul.f32 $8.000000000e+00, v4;
	v4 =	vld [tilespmem:s10+$0xFFFFFF90]  }
0x1b0: {  	[tilespmem:s10+$0xFFFFFF30] =	vst v1;
	v1 =	vmul.f32 $8.000000000e+00, v5;
	v5 =	vld [tilespmem:s10+$0xFFFFFFA0]  }
0x1b1: {  	[tilespmem:s10+$0xFFFFFF40] =	vst v0;
	v0 =	vmul.f32 $8.000000000e+00, v6;
	v6 =	vld [tilespmem:s10+$0xFFFFFFB0]  }
0x1b2: {  	[tilespmem:s10+$0xFFFFFF50] =	vst v1;
	v1 =	vmul.f32 $8.000000000e+00, v2;
	v2 =	vld [tilespmem:s10+$0xFFFFFFC0]  }
0x1b3: {  	[tilespmem:s10+$0xFFFFFF60] =	vst v0;
	v0 =	vmul.f32 $8.000000000e+00, v3;
	v3 =	vld [tilespmem:s10+$0xFFFFFFD0]  }
0x1b4: {  	[tilespmem:s10+$0xFFFFFF70] =	vst v1;
	v1 =	vmul.f32 $8.000000000e+00, v4;
	v4 =	vld [tilespmem:s10+$0xFFFFFFE0]  }
0x1b5: {  	[tilespmem:s10+$0xFFFFFF80] =	vst v0;
	v0 =	vmul.f32 $8.000000000e+00, v5;
	v5 =	vld [tilespmem:s10+$0x0]  }
0x1b6: {  	[tilespmem:s10+$0xFFFFFF90] =	vst v1;
	v1 =	vmul.f32 $8.000000000e+00, v6;
	v6 =	vld [tilespmem:s10+$0x10]  }
0x1b7: {  	[tilespmem:s10+$0xFFFFFFA0] =	vst v0;
	v0 =	vmul.f32 $8.000000000e+00, v2;
	v2 =	vld [tilespmem:s10+$0x20]  }
0x1b8: {  	[tilespmem:s10+$0xFFFFFFB0] =	vst v1;
	v1 =	vmul.f32 $8.000000000e+00, v3;
	v3 =	vld [tilespmem:s10+$0x30]  }
0x1b9: {  	[tilespmem:s10+$0xFFFFFFC0] =	vst v0;
	v0 =	vmul.f32 $8.000000000e+00, v4;
	v4 =	vld [tilespmem:s10+$0x40]  }
0x1ba: {  	[tilespmem:s10+$0xFFFFFFD0] =	vst v1;
	v1 =	vmul.f32 $8.000000000e+00, v5;
	v5 =	vld [tilespmem:s10+$0x50]  }
0x1bb: {  	[tilespmem:s10+$0xFFFFFFE0] =	vst v0;
	v0 =	vmul.f32 $8.000000000e+00, v6;
	v6 =	vld [tilespmem:s10+$0x60]  }
0x1bc: {  	[tilespmem:s10+$0x0] =	vst v1;
	v1 =	vmul.f32 $8.000000000e+00, v2;
	v2 =	vld [tilespmem:s10+$0x70]  }
0x1bd: {  	[tilespmem:s10+$0x10] =	vst v0;
	v0 =	vmul.f32 $8.000000000e+00, v3;
	v3 =	vld [tilespmem:s10+$0x80]  }
0x1be: {  	[tilespmem:s10+$0x20] =	vst v1;
	v1 =	vmul.f32 $8.000000000e+00, v4;
	v4 =	vld [tilespmem:s10+$0x90]  }
0x1bf: {  	[tilespmem:s10+$0x30] =	vst v0;
	v0 =	vmul.f32 $8.000000000e+00, v5;
	v5 =	vld [tilespmem:s10+$0xA0]  }
0x1c0: {  	[tilespmem:s10+$0x40] =	vst v1;
	v1 =	vmul.f32 $8.000000000e+00, v6;
	v6 =	vld [tilespmem:s10+$0xB0]  }
0x1c1: {  	[tilespmem:s10+$0x50] =	vst v0;
	v2 =	vmul.f32 $8.000000000e+00, v2;
	v0 =	vld [tilespmem:s10+$0xC0]  }
0x1c2: {  	[tilespmem:s10+$0x60] =	vst v1;
	v3 =	vmul.f32 $8.000000000e+00, v3;
	v1 =	vld [tilespmem:s10+$0xD0]  }
0x1c3: {  	[tilespmem:s10+$0x70] =	vst v2;
	v7 =	vmul.f32 $8.000000000e+00, v4;
	v2 =	vld [tilespmem:s10+$0xE0]  }
0x1c4: {  	[tilespmem:s10+$0x80] =	vst v3;
	v3 =	vld [tilespmem:s10+$0xF0];
	v5 =	vmul.f32 $8.000000000e+00, v5  }
0x1c5: {  	s12 =	simm.s32 $0x0;
	s13 =	simm.s32 $0xB700;
	v4 =	vld [tilespmem:s10+$0xFFFFFFF0];
	[tilespmem:s10+$0x90] =	vst v7;
	v6 =	vmul.f32 $8.000000000e+00, v6  }
.LBB2_13:
0x1c6: {  	v7 =	vld [tilespmem:s13+$0xFFFFFF00];
	[tilespmem:s10+$0xA0] =	vst v5;
	v0 =	vmul.f32 $8.000000000e+00, v0  }
0x1c7: {  	v5 =	vld [tilespmem:s13+$0xFFFFFF10];
	[tilespmem:s10+$0xB0] =	vst v6;
	v1 =	vmul.f32 $8.000000000e+00, v1  }
0x1c8: {  	v6 =	vld [tilespmem:s13+$0xFFFFFF20];
	[tilespmem:s10+$0xC0] =	vst v0;
	v0 =	vmul.f32 $8.000000000e+00, v2  }
0x1c9: {  	v2 =	vld [tilespmem:s13+$0xFFFFFF30];
	[tilespmem:s10+$0xD0] =	vst v1;
	v1 =	vmul.f32 $8.000000000e+00, v3  }
0x1ca: {  	v3 =	vld [tilespmem:s13+$0xFFFFFF40];
	v4 =	vmul.f32 $8.000000000e+00, v4;
	[tilespmem:s10+$0xE0] =	vst v0  }
0x1cb: {  	v0 =	vmul.f32 $8.000000000e+00, v7;
	v7 =	vld [tilespmem:s13+$0xFFFFFF50];
	[tilespmem:s10+$0xF0] =	vst v1  }
0x1cc: {  	v1 =	vmul.f32 $8.000000000e+00, v5;
	v5 =	vld [tilespmem:s13+$0xFFFFFF60];
	[tilespmem:s10+$0xFFFFFFF0] =	vst v4;
	s10 =	smov.u32 s13  }
0x1cd: {  	[tilespmem:s13+$0xFFFFFF00] =	vst v0;
	v0 =	vmul.f32 $8.000000000e+00, v6;
	v4 =	vld [tilespmem:s13+$0xFFFFFF70]  }
0x1ce: {  	[tilespmem:s13+$0xFFFFFF10] =	vst v1;
	v1 =	vmul.f32 $8.000000000e+00, v2;
	v2 =	vld [tilespmem:s13+$0xFFFFFF80]  }
0x1cf: {  	[tilespmem:s13+$0xFFFFFF20] =	vst v0;
	v0 =	vmul.f32 $8.000000000e+00, v3;
	v3 =	vld [tilespmem:s13+$0xFFFFFF90]  }
0x1d0: {  	[tilespmem:s13+$0xFFFFFF30] =	vst v1;
	v1 =	vmul.f32 $8.000000000e+00, v7;
	v6 =	vld [tilespmem:s13+$0xFFFFFFA0]  }
0x1d1: {  	[tilespmem:s13+$0xFFFFFF40] =	vst v0;
	v0 =	vmul.f32 $8.000000000e+00, v5;
	v5 =	vld [tilespmem:s13+$0xFFFFFFB0]  }
0x1d2: {  	[tilespmem:s13+$0xFFFFFF50] =	vst v1;
	v1 =	vmul.f32 $8.000000000e+00, v4;
	v4 =	vld [tilespmem:s13+$0xFFFFFFC0]  }
0x1d3: {  	[tilespmem:s13+$0xFFFFFF60] =	vst v0;
	v0 =	vmul.f32 $8.000000000e+00, v2;
	v2 =	vld [tilespmem:s13+$0xFFFFFFD0]  }
0x1d4: {  	[tilespmem:s13+$0xFFFFFF70] =	vst v1;
	v1 =	vmul.f32 $8.000000000e+00, v3;
	v3 =	vld [tilespmem:s13+$0xFFFFFFE0]  }
0x1d5: {  	[tilespmem:s13+$0xFFFFFF80] =	vst v0;
	v0 =	vmul.f32 $8.000000000e+00, v6;
	v6 =	vld [tilespmem:s13+$0x0]  }
0x1d6: {  	[tilespmem:s13+$0xFFFFFF90] =	vst v1;
	v1 =	vmul.f32 $8.000000000e+00, v5;
	v5 =	vld [tilespmem:s13+$0x10]  }
0x1d7: {  	[tilespmem:s13+$0xFFFFFFA0] =	vst v0;
	v0 =	vmul.f32 $8.000000000e+00, v4;
	v4 =	vld [tilespmem:s13+$0x20]  }
0x1d8: {  	[tilespmem:s13+$0xFFFFFFB0] =	vst v1;
	v1 =	vmul.f32 $8.000000000e+00, v2;
	v2 =	vld [tilespmem:s13+$0x30]  }
0x1d9: {  	[tilespmem:s13+$0xFFFFFFC0] =	vst v0;
	v0 =	vmul.f32 $8.000000000e+00, v3;
	v3 =	vld [tilespmem:s13+$0x40]  }
0x1da: {  	[tilespmem:s13+$0xFFFFFFD0] =	vst v1;
	v1 =	vmul.f32 $8.000000000e+00, v6;
	v6 =	vld [tilespmem:s13+$0x50]  }
0x1db: {  	[tilespmem:s13+$0xFFFFFFE0] =	vst v0;
	v0 =	vmul.f32 $8.000000000e+00, v5;
	v5 =	vld [tilespmem:s13+$0x60]  }
0x1dc: {  	[tilespmem:s13+$0x0] =	vst v1;
	v1 =	vmul.f32 $8.000000000e+00, v4;
	v4 =	vld [tilespmem:s13+$0x70]  }
0x1dd: {  	[tilespmem:s13+$0x10] =	vst v0;
	v0 =	vmul.f32 $8.000000000e+00, v2;
	v2 =	vld [tilespmem:s13+$0x80]  }
0x1de: {  	[tilespmem:s13+$0x20] =	vst v1;
	v1 =	vmul.f32 $8.000000000e+00, v3;
	v3 =	vld [tilespmem:s13+$0x90]  }
0x1df: {  	s12 =	sadd.s32 $0x8, s12;
	[tilespmem:s13+$0x30] =	vst v0;
	v0 =	vmul.f32 $8.000000000e+00, v6;
	v6 =	vld [tilespmem:s13+$0xA0]  }
0x1e0: {  	p0 =	slt.u32 s12, $0x138;
	[tilespmem:s13+$0x40] =	vst v1;
	v1 =	vmul.f32 $8.000000000e+00, v5;
	v7 =	vld [tilespmem:s13+$0xB0]  }
.Ltmp5:
0x1e1: {  	[tilespmem:s13+$0x50] =	vst v0;
	v4 =	vmul.f32 $8.000000000e+00, v4;
	v0 =	vld [tilespmem:s13+$0xC0];
	(pc) =	sbr.rel @p0 .LBB2_13-.Ltmp5, $4  }
0x1e2: {  	[tilespmem:s13+$0x60] =	vst v1;
	v5 =	vmul.f32 $8.000000000e+00, v2;
	v1 =	vld [tilespmem:s13+$0xD0]  }
0x1e3: {  	[tilespmem:s13+$0x70] =	vst v4;
	v8 =	vmul.f32 $8.000000000e+00, v3;
	v2 =	vld [tilespmem:s13+$0xE0]  }
0x1e4: {  	[tilespmem:s13+$0x80] =	vst v5;
	v5 =	vmul.f32 $8.000000000e+00, v6;
	v3 =	vld [tilespmem:s13+$0xF0]  }
0x1e5: {  	s13 =	sadd.s32 $0x200, s13;
	v4 =	vld [tilespmem:s10+$0xFFFFFFF0];
	[tilespmem:s10+$0x90] =	vst v8;
	v6 =	vmul.f32 $8.000000000e+00, v7  }
0x1e6: {  	[tilespmem:s10+$0xA0] =	vst v5;
	v0 =	vmul.f32 $8.000000000e+00, v0  }
0x1e7: {  	[tilespmem:s10+$0xB0] =	vst v6;
	v1 =	vmul.f32 $8.000000000e+00, v1  }
0x1e8: {  	[tilespmem:s10+$0xC0] =	vst v0;
	v0 =	vmul.f32 $8.000000000e+00, v2  }
0x1e9: {  	s12 =	sadd.s32 s8, s11;
	[tilespmem:s10+$0xD0] =	vst v1;
	v1 =	vmul.f32 $8.000000000e+00, v3  }
0x1ea: {  	s12 =	sshll.u32 s12, $0x4;
	v2 =	vmul.f32 $8.000000000e+00, v4;
	[tilespmem:s10+$0xE0] =	vst v0  }
0x1eb: {  	s12 =	sand.u32 $0x1FFFF400, s12;
	[tilespmem:s10+$0xF0] =	vst v1  }
0x1ec: {  	s13 =	sadd.s32 s5, s12;
	[tilespmem:s10+$0xFFFFFFF0] =	vst v2  }
0x1ed: {  	[hbm4b:s13+s22] =	stream.strided.scatter [tilespmem:s20], [sflag:$0x6], $0x5000, s23, s22, $0x38;
	[tilespmem:$0x1A400] =	vst v63  }
0x1ee: {  	_ =	swait.ge [sflag:s28], $0x5000  }
0x1ef: {  	[sflag:s28] =	ssyncset.done $0x0  }
0x1f0: {  	s8 =	sadd.s32 $0x3C0, s8;
	[sflag:s28] =	ssyncadd.s32 $0xFFFFB000  }
0x1f1: {  	[tilespmem:s29], [sflag:$0x4] =	stream.indirect.gather [hbm4b:s4+s18], $0x40, s8, s18, $0xb8;
	[tilespmem:$0x1A400] =	vst v63  }
0x1f2: {  	_ =	swait.ge [sflag:s30], $0x5000  }
0x1f3: {  	[sflag:s30] =	ssyncset.done $0x0  }
0x1f4: {  	s10 =	simm.s32 $0x10500;
	[sflag:s30] =	ssyncadd.s32 $0xFFFFB000  }
0x1f5: {  	v0 =	vld [tilespmem:s10+$0xFFFFFF00]  }
0x1f6: {  	v1 =	vld [tilespmem:s10+$0xFFFFFF10]  }
0x1f7: {  	v2 =	vld [tilespmem:s10+$0xFFFFFF20]  }
0x1f8: {  	v3 =	vld [tilespmem:s10+$0xFFFFFF30]  }
0x1f9: {  	v4 =	vld [tilespmem:s10+$0xFFFFFF40]  }
0x1fa: {  	v5 =	vld [tilespmem:s10+$0xFFFFFF50];
	v0 =	vmul.f32 $8.000000000e+00, v0  }
0x1fb: {  	v6 =	vld [tilespmem:s10+$0xFFFFFF60];
	v1 =	vmul.f32 $8.000000000e+00, v1  }
0x1fc: {  	[tilespmem:s10+$0xFFFFFF00] =	vst v0;
	v0 =	vmul.f32 $8.000000000e+00, v2;
	v2 =	vld [tilespmem:s10+$0xFFFFFF70]  }
0x1fd: {  	[tilespmem:s10+$0xFFFFFF10] =	vst v1;
	v1 =	vmul.f32 $8.000000000e+00, v3;
	v3 =	vld [tilespmem:s10+$0xFFFFFF80]  }
0x1fe: {  	[tilespmem:s10+$0xFFFFFF20] =	vst v0;
	v0 =	vmul.f32 $8.000000000e+00, v4;
	v4 =	vld [tilespmem:s10+$0xFFFFFF90]  }
0x1ff: {  	[tilespmem:s10+$0xFFFFFF30] =	vst v1;
	v1 =	vmul.f32 $8.000000000e+00, v5;
	v5 =	vld [tilespmem:s10+$0xFFFFFFA0]  }
0x200: {  	[tilespmem:s10+$0xFFFFFF40] =	vst v0;
	v0 =	vmul.f32 $8.000000000e+00, v6;
	v6 =	vld [tilespmem:s10+$0xFFFFFFB0]  }
0x201: {  	[tilespmem:s10+$0xFFFFFF50] =	vst v1;
	v1 =	vmul.f32 $8.000000000e+00, v2;
	v2 =	vld [tilespmem:s10+$0xFFFFFFC0]  }
0x202: {  	[tilespmem:s10+$0xFFFFFF60] =	vst v0;
	v0 =	vmul.f32 $8.000000000e+00, v3;
	v3 =	vld [tilespmem:s10+$0xFFFFFFD0]  }
0x203: {  	[tilespmem:s10+$0xFFFFFF70] =	vst v1;
	v1 =	vmul.f32 $8.000000000e+00, v4;
	v4 =	vld [tilespmem:s10+$0xFFFFFFE0]  }
0x204: {  	[tilespmem:s10+$0xFFFFFF80] =	vst v0;
	v0 =	vmul.f32 $8.000000000e+00, v5;
	v5 =	vld [tilespmem:s10+$0x0]  }
0x205: {  	[tilespmem:s10+$0xFFFFFF90] =	vst v1;
	v1 =	vmul.f32 $8.000000000e+00, v6;
	v6 =	vld [tilespmem:s10+$0x10]  }
0x206: {  	[tilespmem:s10+$0xFFFFFFA0] =	vst v0;
	v0 =	vmul.f32 $8.000000000e+00, v2;
	v2 =	vld [tilespmem:s10+$0x20]  }
0x207: {  	[tilespmem:s10+$0xFFFFFFB0] =	vst v1;
	v1 =	vmul.f32 $8.000000000e+00, v3;
	v3 =	vld [tilespmem:s10+$0x30]  }
0x208: {  	[tilespmem:s10+$0xFFFFFFC0] =	vst v0;
	v0 =	vmul.f32 $8.000000000e+00, v4;
	v4 =	vld [tilespmem:s10+$0x40]  }
0x209: {  	[tilespmem:s10+$0xFFFFFFD0] =	vst v1;
	v1 =	vmul.f32 $8.000000000e+00, v5;
	v5 =	vld [tilespmem:s10+$0x50]  }
0x20a: {  	[tilespmem:s10+$0xFFFFFFE0] =	vst v0;
	v0 =	vmul.f32 $8.000000000e+00, v6;
	v6 =	vld [tilespmem:s10+$0x60]  }
0x20b: {  	[tilespmem:s10+$0x0] =	vst v1;
	v1 =	vmul.f32 $8.000000000e+00, v2;
	v2 =	vld [tilespmem:s10+$0x70]  }
0x20c: {  	[tilespmem:s10+$0x10] =	vst v0;
	v0 =	vmul.f32 $8.000000000e+00, v3;
	v3 =	vld [tilespmem:s10+$0x80]  }
0x20d: {  	[tilespmem:s10+$0x20] =	vst v1;
	v1 =	vmul.f32 $8.000000000e+00, v4;
	v4 =	vld [tilespmem:s10+$0x90]  }
0x20e: {  	[tilespmem:s10+$0x30] =	vst v0;
	v0 =	vmul.f32 $8.000000000e+00, v5;
	v5 =	vld [tilespmem:s10+$0xA0]  }
0x20f: {  	[tilespmem:s10+$0x40] =	vst v1;
	v1 =	vmul.f32 $8.000000000e+00, v6;
	v6 =	vld [tilespmem:s10+$0xB0]  }
0x210: {  	[tilespmem:s10+$0x50] =	vst v0;
	v2 =	vmul.f32 $8.000000000e+00, v2;
	v0 =	vld [tilespmem:s10+$0xC0]  }
0x211: {  	[tilespmem:s10+$0x60] =	vst v1;
	v3 =	vmul.f32 $8.000000000e+00, v3;
	v1 =	vld [tilespmem:s10+$0xD0]  }
0x212: {  	[tilespmem:s10+$0x70] =	vst v2;
	v7 =	vmul.f32 $8.000000000e+00, v4;
	v2 =	vld [tilespmem:s10+$0xE0]  }
0x213: {  	[tilespmem:s10+$0x80] =	vst v3;
	v3 =	vld [tilespmem:s10+$0xF0];
	v5 =	vmul.f32 $8.000000000e+00, v5  }
0x214: {  	s12 =	simm.s32 $0x0;
	s13 =	simm.s32 $0x10700;
	v4 =	vld [tilespmem:s10+$0xFFFFFFF0];
	[tilespmem:s10+$0x90] =	vst v7;
	v6 =	vmul.f32 $8.000000000e+00, v6  }
.LBB2_15:
0x215: {  	v7 =	vld [tilespmem:s13+$0xFFFFFF00];
	[tilespmem:s10+$0xA0] =	vst v5;
	v0 =	vmul.f32 $8.000000000e+00, v0  }
0x216: {  	v5 =	vld [tilespmem:s13+$0xFFFFFF10];
	[tilespmem:s10+$0xB0] =	vst v6;
	v1 =	vmul.f32 $8.000000000e+00, v1  }
0x217: {  	v6 =	vld [tilespmem:s13+$0xFFFFFF20];
	[tilespmem:s10+$0xC0] =	vst v0;
	v0 =	vmul.f32 $8.000000000e+00, v2  }
0x218: {  	v2 =	vld [tilespmem:s13+$0xFFFFFF30];
	[tilespmem:s10+$0xD0] =	vst v1;
	v1 =	vmul.f32 $8.000000000e+00, v3  }
0x219: {  	v3 =	vld [tilespmem:s13+$0xFFFFFF40];
	v4 =	vmul.f32 $8.000000000e+00, v4;
	[tilespmem:s10+$0xE0] =	vst v0  }
0x21a: {  	v0 =	vmul.f32 $8.000000000e+00, v7;
	v7 =	vld [tilespmem:s13+$0xFFFFFF50];
	[tilespmem:s10+$0xF0] =	vst v1  }
0x21b: {  	v1 =	vmul.f32 $8.000000000e+00, v5;
	v5 =	vld [tilespmem:s13+$0xFFFFFF60];
	[tilespmem:s10+$0xFFFFFFF0] =	vst v4;
	s10 =	smov.u32 s13  }
0x21c: {  	[tilespmem:s13+$0xFFFFFF00] =	vst v0;
	v0 =	vmul.f32 $8.000000000e+00, v6;
	v4 =	vld [tilespmem:s13+$0xFFFFFF70]  }
0x21d: {  	[tilespmem:s13+$0xFFFFFF10] =	vst v1;
	v1 =	vmul.f32 $8.000000000e+00, v2;
	v2 =	vld [tilespmem:s13+$0xFFFFFF80]  }
0x21e: {  	[tilespmem:s13+$0xFFFFFF20] =	vst v0;
	v0 =	vmul.f32 $8.000000000e+00, v3;
	v3 =	vld [tilespmem:s13+$0xFFFFFF90]  }
0x21f: {  	[tilespmem:s13+$0xFFFFFF30] =	vst v1;
	v1 =	vmul.f32 $8.000000000e+00, v7;
	v6 =	vld [tilespmem:s13+$0xFFFFFFA0]  }
0x220: {  	[tilespmem:s13+$0xFFFFFF40] =	vst v0;
	v0 =	vmul.f32 $8.000000000e+00, v5;
	v5 =	vld [tilespmem:s13+$0xFFFFFFB0]  }
0x221: {  	[tilespmem:s13+$0xFFFFFF50] =	vst v1;
	v1 =	vmul.f32 $8.000000000e+00, v4;
	v4 =	vld [tilespmem:s13+$0xFFFFFFC0]  }
0x222: {  	[tilespmem:s13+$0xFFFFFF60] =	vst v0;
	v0 =	vmul.f32 $8.000000000e+00, v2;
	v2 =	vld [tilespmem:s13+$0xFFFFFFD0]  }
0x223: {  	[tilespmem:s13+$0xFFFFFF70] =	vst v1;
	v1 =	vmul.f32 $8.000000000e+00, v3;
	v3 =	vld [tilespmem:s13+$0xFFFFFFE0]  }
0x224: {  	[tilespmem:s13+$0xFFFFFF80] =	vst v0;
	v0 =	vmul.f32 $8.000000000e+00, v6;
	v6 =	vld [tilespmem:s13+$0x0]  }
0x225: {  	[tilespmem:s13+$0xFFFFFF90] =	vst v1;
	v1 =	vmul.f32 $8.000000000e+00, v5;
	v5 =	vld [tilespmem:s13+$0x10]  }
0x226: {  	[tilespmem:s13+$0xFFFFFFA0] =	vst v0;
	v0 =	vmul.f32 $8.000000000e+00, v4;
	v4 =	vld [tilespmem:s13+$0x20]  }
0x227: {  	[tilespmem:s13+$0xFFFFFFB0] =	vst v1;
	v1 =	vmul.f32 $8.000000000e+00, v2;
	v2 =	vld [tilespmem:s13+$0x30]  }
0x228: {  	[tilespmem:s13+$0xFFFFFFC0] =	vst v0;
	v0 =	vmul.f32 $8.000000000e+00, v3;
	v3 =	vld [tilespmem:s13+$0x40]  }
0x229: {  	[tilespmem:s13+$0xFFFFFFD0] =	vst v1;
	v1 =	vmul.f32 $8.000000000e+00, v6;
	v6 =	vld [tilespmem:s13+$0x50]  }
0x22a: {  	[tilespmem:s13+$0xFFFFFFE0] =	vst v0;
	v0 =	vmul.f32 $8.000000000e+00, v5;
	v5 =	vld [tilespmem:s13+$0x60]  }
0x22b: {  	[tilespmem:s13+$0x0] =	vst v1;
	v1 =	vmul.f32 $8.000000000e+00, v4;
	v4 =	vld [tilespmem:s13+$0x70]  }
0x22c: {  	[tilespmem:s13+$0x10] =	vst v0;
	v0 =	vmul.f32 $8.000000000e+00, v2;
	v2 =	vld [tilespmem:s13+$0x80]  }
0x22d: {  	[tilespmem:s13+$0x20] =	vst v1;
	v1 =	vmul.f32 $8.000000000e+00, v3;
	v3 =	vld [tilespmem:s13+$0x90]  }
0x22e: {  	s12 =	sadd.s32 $0x8, s12;
	[tilespmem:s13+$0x30] =	vst v0;
	v0 =	vmul.f32 $8.000000000e+00, v6;
	v6 =	vld [tilespmem:s13+$0xA0]  }
0x22f: {  	p0 =	slt.u32 s12, $0x138;
	[tilespmem:s13+$0x40] =	vst v1;
	v1 =	vmul.f32 $8.000000000e+00, v5;
	v7 =	vld [tilespmem:s13+$0xB0]  }
.Ltmp6:
0x230: {  	[tilespmem:s13+$0x50] =	vst v0;
	v4 =	vmul.f32 $8.000000000e+00, v4;
	v0 =	vld [tilespmem:s13+$0xC0];
	(pc) =	sbr.rel @p0 .LBB2_15-.Ltmp6, $4  }
0x231: {  	[tilespmem:s13+$0x60] =	vst v1;
	v5 =	vmul.f32 $8.000000000e+00, v2;
	v1 =	vld [tilespmem:s13+$0xD0]  }
0x232: {  	[tilespmem:s13+$0x70] =	vst v4;
	v8 =	vmul.f32 $8.000000000e+00, v3;
	v2 =	vld [tilespmem:s13+$0xE0]  }
0x233: {  	[tilespmem:s13+$0x80] =	vst v5;
	v5 =	vmul.f32 $8.000000000e+00, v6;
	v3 =	vld [tilespmem:s13+$0xF0]  }
0x234: {  	s13 =	sadd.s32 $0x200, s13;
	v4 =	vld [tilespmem:s10+$0xFFFFFFF0];
	[tilespmem:s10+$0x90] =	vst v8;
	v6 =	vmul.f32 $8.000000000e+00, v7  }
0x235: {  	[tilespmem:s10+$0xA0] =	vst v5;
	v0 =	vmul.f32 $8.000000000e+00, v0  }
0x236: {  	[tilespmem:s10+$0xB0] =	vst v6;
	v1 =	vmul.f32 $8.000000000e+00, v1  }
0x237: {  	[tilespmem:s10+$0xC0] =	vst v0;
	v0 =	vmul.f32 $8.000000000e+00, v2  }
0x238: {  	s9 =	sadd.s32 s3, s9;
	[tilespmem:s10+$0xD0] =	vst v1;
	v1 =	vmul.f32 $8.000000000e+00, v3  }
0x239: {  	s9 =	sshll.u32 s9, $0x4;
	v2 =	vmul.f32 $8.000000000e+00, v4;
	[tilespmem:s10+$0xE0] =	vst v0  }
0x23a: {  	s9 =	sand.u32 $0x1FFFF800, s9;
	[tilespmem:s10+$0xF0] =	vst v1  }
0x23b: {  	s12 =	smul.u32 $0x1400, s6;
	s9 =	sadd.s32 s5, s9;
	[tilespmem:s10+$0xFFFFFFF0] =	vst v2  }
0x23c: {  	[hbm4b:s9+s22] =	stream.strided.scatter [tilespmem:s25], [sflag:$0x7], $0x5000, s23, s22, $0x38;
	[tilespmem:$0x1A400] =	vst v63  }
0x23d: {  	_ =	swait.ge [sflag:s31], $0x5000  }
0x23e: {  	s9 =	sshra.s32 s12, $0x2;
	[sflag:s31] =	ssyncset.done $0x0  }
0x23f: {  	s13 =	sadd.s32 $0x500, s9;
	[sflag:s31] =	ssyncadd.s32 $0xFFFFB000  }
0x240: {  	[tilespmem:s19], [sflag:$0x1] =	stream.indirect.gather [hbm4b:s4+s18], $0x40, s13, s18, $0xb8;
	[tilespmem:$0x1A400] =	vst v63  }
0x241: {  	_ =	swait.ge [sflag:s0], $0x5000  }
0x242: {  	[sflag:s0] =	ssyncset.done $0x0  }
0x243: {  	s10 =	simm.s32 $0x15500;
	[sflag:s0] =	ssyncadd.s32 $0xFFFFB000  }
0x244: {  	v0 =	vld [tilespmem:s10+$0xFFFFFF00]  }
0x245: {  	v1 =	vld [tilespmem:s10+$0xFFFFFF10]  }
0x246: {  	v2 =	vld [tilespmem:s10+$0xFFFFFF20]  }
0x247: {  	v3 =	vld [tilespmem:s10+$0xFFFFFF30]  }
0x248: {  	v4 =	vld [tilespmem:s10+$0xFFFFFF40]  }
0x249: {  	v5 =	vld [tilespmem:s10+$0xFFFFFF50];
	v0 =	vmul.f32 $8.000000000e+00, v0  }
0x24a: {  	v6 =	vld [tilespmem:s10+$0xFFFFFF60];
	v1 =	vmul.f32 $8.000000000e+00, v1  }
0x24b: {  	[tilespmem:s10+$0xFFFFFF00] =	vst v0;
	v0 =	vmul.f32 $8.000000000e+00, v2;
	v2 =	vld [tilespmem:s10+$0xFFFFFF70]  }
0x24c: {  	[tilespmem:s10+$0xFFFFFF10] =	vst v1;
	v1 =	vmul.f32 $8.000000000e+00, v3;
	v3 =	vld [tilespmem:s10+$0xFFFFFF80]  }
0x24d: {  	[tilespmem:s10+$0xFFFFFF20] =	vst v0;
	v0 =	vmul.f32 $8.000000000e+00, v4;
	v4 =	vld [tilespmem:s10+$0xFFFFFF90]  }
0x24e: {  	[tilespmem:s10+$0xFFFFFF30] =	vst v1;
	v1 =	vmul.f32 $8.000000000e+00, v5;
	v5 =	vld [tilespmem:s10+$0xFFFFFFA0]  }
0x24f: {  	[tilespmem:s10+$0xFFFFFF40] =	vst v0;
	v0 =	vmul.f32 $8.000000000e+00, v6;
	v6 =	vld [tilespmem:s10+$0xFFFFFFB0]  }
0x250: {  	[tilespmem:s10+$0xFFFFFF50] =	vst v1;
	v1 =	vmul.f32 $8.000000000e+00, v2;
	v2 =	vld [tilespmem:s10+$0xFFFFFFC0]  }
0x251: {  	[tilespmem:s10+$0xFFFFFF60] =	vst v0;
	v0 =	vmul.f32 $8.000000000e+00, v3;
	v3 =	vld [tilespmem:s10+$0xFFFFFFD0]  }
0x252: {  	[tilespmem:s10+$0xFFFFFF70] =	vst v1;
	v1 =	vmul.f32 $8.000000000e+00, v4;
	v4 =	vld [tilespmem:s10+$0xFFFFFFE0]  }
0x253: {  	[tilespmem:s10+$0xFFFFFF80] =	vst v0;
	v0 =	vmul.f32 $8.000000000e+00, v5;
	v5 =	vld [tilespmem:s10+$0x0]  }
0x254: {  	[tilespmem:s10+$0xFFFFFF90] =	vst v1;
	v1 =	vmul.f32 $8.000000000e+00, v6;
	v6 =	vld [tilespmem:s10+$0x10]  }
0x255: {  	[tilespmem:s10+$0xFFFFFFA0] =	vst v0;
	v0 =	vmul.f32 $8.000000000e+00, v2;
	v2 =	vld [tilespmem:s10+$0x20]  }
0x256: {  	[tilespmem:s10+$0xFFFFFFB0] =	vst v1;
	v1 =	vmul.f32 $8.000000000e+00, v3;
	v3 =	vld [tilespmem:s10+$0x30]  }
0x257: {  	[tilespmem:s10+$0xFFFFFFC0] =	vst v0;
	v0 =	vmul.f32 $8.000000000e+00, v4;
	v4 =	vld [tilespmem:s10+$0x40]  }
0x258: {  	[tilespmem:s10+$0xFFFFFFD0] =	vst v1;
	v1 =	vmul.f32 $8.000000000e+00, v5;
	v5 =	vld [tilespmem:s10+$0x50]  }
0x259: {  	[tilespmem:s10+$0xFFFFFFE0] =	vst v0;
	v0 =	vmul.f32 $8.000000000e+00, v6;
	v6 =	vld [tilespmem:s10+$0x60]  }
0x25a: {  	[tilespmem:s10+$0x0] =	vst v1;
	v1 =	vmul.f32 $8.000000000e+00, v2;
	v2 =	vld [tilespmem:s10+$0x70]  }
0x25b: {  	[tilespmem:s10+$0x10] =	vst v0;
	v0 =	vmul.f32 $8.000000000e+00, v3;
	v3 =	vld [tilespmem:s10+$0x80]  }
0x25c: {  	[tilespmem:s10+$0x20] =	vst v1;
	v1 =	vmul.f32 $8.000000000e+00, v4;
	v4 =	vld [tilespmem:s10+$0x90]  }
0x25d: {  	[tilespmem:s10+$0x30] =	vst v0;
	v0 =	vmul.f32 $8.000000000e+00, v5;
	v5 =	vld [tilespmem:s10+$0xA0]  }
0x25e: {  	[tilespmem:s10+$0x40] =	vst v1;
	v1 =	vmul.f32 $8.000000000e+00, v6;
	v6 =	vld [tilespmem:s10+$0xB0]  }
0x25f: {  	[tilespmem:s10+$0x50] =	vst v0;
	v2 =	vmul.f32 $8.000000000e+00, v2;
	v0 =	vld [tilespmem:s10+$0xC0]  }
0x260: {  	[tilespmem:s10+$0x60] =	vst v1;
	v3 =	vmul.f32 $8.000000000e+00, v3;
	v1 =	vld [tilespmem:s10+$0xD0]  }
0x261: {  	[tilespmem:s10+$0x70] =	vst v2;
	v7 =	vmul.f32 $8.000000000e+00, v4;
	v2 =	vld [tilespmem:s10+$0xE0]  }
0x262: {  	[tilespmem:s10+$0x80] =	vst v3;
	v3 =	vld [tilespmem:s10+$0xF0];
	v5 =	vmul.f32 $8.000000000e+00, v5  }
0x263: {  	s12 =	simm.s32 $0x0;
	s13 =	simm.s32 $0x15700;
	v4 =	vld [tilespmem:s10+$0xFFFFFFF0];
	[tilespmem:s10+$0x90] =	vst v7;
	v6 =	vmul.f32 $8.000000000e+00, v6  }
.LBB2_17:
0x264: {  	v7 =	vld [tilespmem:s13+$0xFFFFFF00];
	[tilespmem:s10+$0xA0] =	vst v5;
	v0 =	vmul.f32 $8.000000000e+00, v0  }
0x265: {  	v5 =	vld [tilespmem:s13+$0xFFFFFF10];
	[tilespmem:s10+$0xB0] =	vst v6;
	v1 =	vmul.f32 $8.000000000e+00, v1  }
0x266: {  	v6 =	vld [tilespmem:s13+$0xFFFFFF20];
	[tilespmem:s10+$0xC0] =	vst v0;
	v0 =	vmul.f32 $8.000000000e+00, v2  }
0x267: {  	v2 =	vld [tilespmem:s13+$0xFFFFFF30];
	[tilespmem:s10+$0xD0] =	vst v1;
	v1 =	vmul.f32 $8.000000000e+00, v3  }
0x268: {  	v3 =	vld [tilespmem:s13+$0xFFFFFF40];
	v4 =	vmul.f32 $8.000000000e+00, v4;
	[tilespmem:s10+$0xE0] =	vst v0  }
0x269: {  	v0 =	vmul.f32 $8.000000000e+00, v7;
	v7 =	vld [tilespmem:s13+$0xFFFFFF50];
	[tilespmem:s10+$0xF0] =	vst v1  }
0x26a: {  	v1 =	vmul.f32 $8.000000000e+00, v5;
	v5 =	vld [tilespmem:s13+$0xFFFFFF60];
	[tilespmem:s10+$0xFFFFFFF0] =	vst v4;
	s10 =	smov.u32 s13  }
0x26b: {  	[tilespmem:s13+$0xFFFFFF00] =	vst v0;
	v0 =	vmul.f32 $8.000000000e+00, v6;
	v4 =	vld [tilespmem:s13+$0xFFFFFF70]  }
0x26c: {  	[tilespmem:s13+$0xFFFFFF10] =	vst v1;
	v1 =	vmul.f32 $8.000000000e+00, v2;
	v2 =	vld [tilespmem:s13+$0xFFFFFF80]  }
0x26d: {  	[tilespmem:s13+$0xFFFFFF20] =	vst v0;
	v0 =	vmul.f32 $8.000000000e+00, v3;
	v3 =	vld [tilespmem:s13+$0xFFFFFF90]  }
0x26e: {  	[tilespmem:s13+$0xFFFFFF30] =	vst v1;
	v1 =	vmul.f32 $8.000000000e+00, v7;
	v6 =	vld [tilespmem:s13+$0xFFFFFFA0]  }
0x26f: {  	[tilespmem:s13+$0xFFFFFF40] =	vst v0;
	v0 =	vmul.f32 $8.000000000e+00, v5;
	v5 =	vld [tilespmem:s13+$0xFFFFFFB0]  }
0x270: {  	[tilespmem:s13+$0xFFFFFF50] =	vst v1;
	v1 =	vmul.f32 $8.000000000e+00, v4;
	v4 =	vld [tilespmem:s13+$0xFFFFFFC0]  }
0x271: {  	[tilespmem:s13+$0xFFFFFF60] =	vst v0;
	v0 =	vmul.f32 $8.000000000e+00, v2;
	v2 =	vld [tilespmem:s13+$0xFFFFFFD0]  }
0x272: {  	[tilespmem:s13+$0xFFFFFF70] =	vst v1;
	v1 =	vmul.f32 $8.000000000e+00, v3;
	v3 =	vld [tilespmem:s13+$0xFFFFFFE0]  }
0x273: {  	[tilespmem:s13+$0xFFFFFF80] =	vst v0;
	v0 =	vmul.f32 $8.000000000e+00, v6;
	v6 =	vld [tilespmem:s13+$0x0]  }
0x274: {  	[tilespmem:s13+$0xFFFFFF90] =	vst v1;
	v1 =	vmul.f32 $8.000000000e+00, v5;
	v5 =	vld [tilespmem:s13+$0x10]  }
0x275: {  	[tilespmem:s13+$0xFFFFFFA0] =	vst v0;
	v0 =	vmul.f32 $8.000000000e+00, v4;
	v4 =	vld [tilespmem:s13+$0x20]  }
0x276: {  	[tilespmem:s13+$0xFFFFFFB0] =	vst v1;
	v1 =	vmul.f32 $8.000000000e+00, v2;
	v2 =	vld [tilespmem:s13+$0x30]  }
0x277: {  	[tilespmem:s13+$0xFFFFFFC0] =	vst v0;
	v0 =	vmul.f32 $8.000000000e+00, v3;
	v3 =	vld [tilespmem:s13+$0x40]  }
0x278: {  	[tilespmem:s13+$0xFFFFFFD0] =	vst v1;
	v1 =	vmul.f32 $8.000000000e+00, v6;
	v6 =	vld [tilespmem:s13+$0x50]  }
0x279: {  	[tilespmem:s13+$0xFFFFFFE0] =	vst v0;
	v0 =	vmul.f32 $8.000000000e+00, v5;
	v5 =	vld [tilespmem:s13+$0x60]  }
0x27a: {  	[tilespmem:s13+$0x0] =	vst v1;
	v1 =	vmul.f32 $8.000000000e+00, v4;
	v4 =	vld [tilespmem:s13+$0x70]  }
0x27b: {  	[tilespmem:s13+$0x10] =	vst v0;
	v0 =	vmul.f32 $8.000000000e+00, v2;
	v2 =	vld [tilespmem:s13+$0x80]  }
0x27c: {  	[tilespmem:s13+$0x20] =	vst v1;
	v1 =	vmul.f32 $8.000000000e+00, v3;
	v3 =	vld [tilespmem:s13+$0x90]  }
0x27d: {  	s12 =	sadd.s32 $0x8, s12;
	[tilespmem:s13+$0x30] =	vst v0;
	v0 =	vmul.f32 $8.000000000e+00, v6;
	v6 =	vld [tilespmem:s13+$0xA0]  }
0x27e: {  	p0 =	slt.u32 s12, $0x138;
	[tilespmem:s13+$0x40] =	vst v1;
	v1 =	vmul.f32 $8.000000000e+00, v5;
	v7 =	vld [tilespmem:s13+$0xB0]  }
.Ltmp7:
0x27f: {  	[tilespmem:s13+$0x50] =	vst v0;
	v4 =	vmul.f32 $8.000000000e+00, v4;
	v0 =	vld [tilespmem:s13+$0xC0];
	(pc) =	sbr.rel @p0 .LBB2_17-.Ltmp7, $4  }
0x280: {  	[tilespmem:s13+$0x60] =	vst v1;
	v5 =	vmul.f32 $8.000000000e+00, v2;
	v1 =	vld [tilespmem:s13+$0xD0]  }
0x281: {  	[tilespmem:s13+$0x70] =	vst v4;
	v8 =	vmul.f32 $8.000000000e+00, v3;
	v2 =	vld [tilespmem:s13+$0xE0]  }
0x282: {  	[tilespmem:s13+$0x80] =	vst v5;
	v5 =	vmul.f32 $8.000000000e+00, v6;
	v3 =	vld [tilespmem:s13+$0xF0]  }
0x283: {  	s13 =	sadd.s32 $0x200, s13;
	v4 =	vld [tilespmem:s10+$0xFFFFFFF0];
	[tilespmem:s10+$0x90] =	vst v8;
	v6 =	vmul.f32 $8.000000000e+00, v7  }
0x284: {  	[tilespmem:s10+$0xA0] =	vst v5;
	v0 =	vmul.f32 $8.000000000e+00, v0  }
0x285: {  	[tilespmem:s10+$0xB0] =	vst v6;
	v1 =	vmul.f32 $8.000000000e+00, v1  }
0x286: {  	[tilespmem:s10+$0xC0] =	vst v0;
	v61 =	vmul.f32 $8.000000000e+00, v2  }
0x287: {  	s8 =	sadd.s32 s3, s8;
	[tilespmem:s10+$0xD0] =	vst v1;
	v62 =	vmul.f32 $8.000000000e+00, v3  }
0x288: {  	s8 =	sshll.u32 s8, $0x4;
	v63 =	vmul.f32 $8.000000000e+00, v4;
	[tilespmem:s10+$0xE0] =	vst v61  }
0x289: {  	s6 =	sadd.s32 $0x1, s6;
	s8 =	sand.u32 $0x1FFFFC00, s8;
	[tilespmem:s10+$0xF0] =	vst v62  }
0x28a: {  	p0 =	sne.s32 s6, $0x13;
	s8 =	sadd.s32 s5, s8;
	[tilespmem:s10+$0xFFFFFFF0] =	vst v63  }
0x28b: {  	[hbm4b:s8+s22] =	stream.strided.scatter [tilespmem:s29], [sflag:$0x8], $0x5000, s23, s22, $0x38;
	[tilespmem:$0x1A400] =	vst v63  }
.Ltmp8:
0x28c: {  	_ = 	snop;
	(pc) =	sbr.rel @p0 .LBB2_10-.Ltmp8, $4  }
0x28d: {  	_ =	swait.ge [sflag:s24], $0x5000  }
0x28e: {  	[sflag:s24] =	ssyncset.done $0x0  }
0x28f: {  	s13 =	sadd.s32 $0x640, s9;
	[sflag:s24] =	ssyncadd.s32 $0xFFFFB000  }
0x290: {  	[tilespmem:s20], [sflag:$0x2] =	stream.indirect.gather [hbm4b:s4+s18], $0x40, s13, s18, $0xb8;
	[tilespmem:$0x1A400] =	vst v63  }
0x291: {  	_ =	swait.ge [sflag:s21], $0x5000  }
0x292: {  	[sflag:s21] =	ssyncset.done $0x0  }
0x293: {  	s6 =	simm.s32 $0x6500;
	[sflag:s21] =	ssyncadd.s32 $0xFFFFB000  }
0x294: {  	v0 =	vld [tilespmem:s6+$0xFFFFFF00]  }
0x295: {  	v1 =	vld [tilespmem:s6+$0xFFFFFF10]  }
0x296: {  	v2 =	vld [tilespmem:s6+$0xFFFFFF20]  }
0x297: {  	v3 =	vld [tilespmem:s6+$0xFFFFFF30]  }
0x298: {  	v4 =	vld [tilespmem:s6+$0xFFFFFF40]  }
0x299: {  	v5 =	vld [tilespmem:s6+$0xFFFFFF50];
	v0 =	vmul.f32 $8.000000000e+00, v0  }
0x29a: {  	v6 =	vld [tilespmem:s6+$0xFFFFFF60];
	v1 =	vmul.f32 $8.000000000e+00, v1  }
0x29b: {  	[tilespmem:s6+$0xFFFFFF00] =	vst v0;
	v0 =	vmul.f32 $8.000000000e+00, v2;
	v2 =	vld [tilespmem:s6+$0xFFFFFF70]  }
0x29c: {  	[tilespmem:s6+$0xFFFFFF10] =	vst v1;
	v1 =	vmul.f32 $8.000000000e+00, v3;
	v3 =	vld [tilespmem:s6+$0xFFFFFF80]  }
0x29d: {  	[tilespmem:s6+$0xFFFFFF20] =	vst v0;
	v0 =	vmul.f32 $8.000000000e+00, v4;
	v4 =	vld [tilespmem:s6+$0xFFFFFF90]  }
0x29e: {  	[tilespmem:s6+$0xFFFFFF30] =	vst v1;
	v1 =	vmul.f32 $8.000000000e+00, v5;
	v5 =	vld [tilespmem:s6+$0xFFFFFFA0]  }
0x29f: {  	[tilespmem:s6+$0xFFFFFF40] =	vst v0;
	v0 =	vmul.f32 $8.000000000e+00, v6;
	v6 =	vld [tilespmem:s6+$0xFFFFFFB0]  }
0x2a0: {  	[tilespmem:s6+$0xFFFFFF50] =	vst v1;
	v1 =	vmul.f32 $8.000000000e+00, v2;
	v2 =	vld [tilespmem:s6+$0xFFFFFFC0]  }
0x2a1: {  	[tilespmem:s6+$0xFFFFFF60] =	vst v0;
	v0 =	vmul.f32 $8.000000000e+00, v3;
	v3 =	vld [tilespmem:s6+$0xFFFFFFD0]  }
0x2a2: {  	[tilespmem:s6+$0xFFFFFF70] =	vst v1;
	v1 =	vmul.f32 $8.000000000e+00, v4;
	v4 =	vld [tilespmem:s6+$0xFFFFFFE0]  }
0x2a3: {  	[tilespmem:s6+$0xFFFFFF80] =	vst v0;
	v0 =	vmul.f32 $8.000000000e+00, v5;
	v5 =	vld [tilespmem:s6+$0x0]  }
0x2a4: {  	[tilespmem:s6+$0xFFFFFF90] =	vst v1;
	v1 =	vmul.f32 $8.000000000e+00, v6;
	v6 =	vld [tilespmem:s6+$0x10]  }
0x2a5: {  	[tilespmem:s6+$0xFFFFFFA0] =	vst v0;
	v0 =	vmul.f32 $8.000000000e+00, v2;
	v2 =	vld [tilespmem:s6+$0x20]  }
0x2a6: {  	[tilespmem:s6+$0xFFFFFFB0] =	vst v1;
	v1 =	vmul.f32 $8.000000000e+00, v3;
	v3 =	vld [tilespmem:s6+$0x30]  }
0x2a7: {  	[tilespmem:s6+$0xFFFFFFC0] =	vst v0;
	v0 =	vmul.f32 $8.000000000e+00, v4;
	v4 =	vld [tilespmem:s6+$0x40]  }
0x2a8: {  	[tilespmem:s6+$0xFFFFFFD0] =	vst v1;
	v1 =	vmul.f32 $8.000000000e+00, v5;
	v5 =	vld [tilespmem:s6+$0x50]  }
0x2a9: {  	[tilespmem:s6+$0xFFFFFFE0] =	vst v0;
	v0 =	vmul.f32 $8.000000000e+00, v6;
	v6 =	vld [tilespmem:s6+$0x60]  }
0x2aa: {  	[tilespmem:s6+$0x0] =	vst v1;
	v1 =	vmul.f32 $8.000000000e+00, v2;
	v2 =	vld [tilespmem:s6+$0x70]  }
0x2ab: {  	[tilespmem:s6+$0x10] =	vst v0;
	v0 =	vmul.f32 $8.000000000e+00, v3;
	v3 =	vld [tilespmem:s6+$0x80]  }
0x2ac: {  	[tilespmem:s6+$0x20] =	vst v1;
	v1 =	vmul.f32 $8.000000000e+00, v4;
	v4 =	vld [tilespmem:s6+$0x90]  }
0x2ad: {  	[tilespmem:s6+$0x30] =	vst v0;
	v0 =	vmul.f32 $8.000000000e+00, v5;
	v5 =	vld [tilespmem:s6+$0xA0]  }
0x2ae: {  	[tilespmem:s6+$0x40] =	vst v1;
	v1 =	vmul.f32 $8.000000000e+00, v6;
	v6 =	vld [tilespmem:s6+$0xB0]  }
0x2af: {  	[tilespmem:s6+$0x50] =	vst v0;
	v2 =	vmul.f32 $8.000000000e+00, v2;
	v0 =	vld [tilespmem:s6+$0xC0]  }
0x2b0: {  	[tilespmem:s6+$0x60] =	vst v1;
	v3 =	vmul.f32 $8.000000000e+00, v3;
	v1 =	vld [tilespmem:s6+$0xD0]  }
0x2b1: {  	[tilespmem:s6+$0x70] =	vst v2;
	v7 =	vmul.f32 $8.000000000e+00, v4;
	v2 =	vld [tilespmem:s6+$0xE0]  }
0x2b2: {  	[tilespmem:s6+$0x80] =	vst v3;
	v3 =	vld [tilespmem:s6+$0xF0];
	v5 =	vmul.f32 $8.000000000e+00, v5  }
0x2b3: {  	s8 =	simm.s32 $0x0;
	s9 =	simm.s32 $0x6700;
	v4 =	vld [tilespmem:s6+$0xFFFFFFF0];
	[tilespmem:s6+$0x90] =	vst v7;
	v6 =	vmul.f32 $8.000000000e+00, v6  }
.LBB2_20:
0x2b4: {  	v7 =	vld [tilespmem:s9+$0xFFFFFF00];
	[tilespmem:s6+$0xA0] =	vst v5;
	v0 =	vmul.f32 $8.000000000e+00, v0  }
0x2b5: {  	v5 =	vld [tilespmem:s9+$0xFFFFFF10];
	[tilespmem:s6+$0xB0] =	vst v6;
	v1 =	vmul.f32 $8.000000000e+00, v1  }
0x2b6: {  	v6 =	vld [tilespmem:s9+$0xFFFFFF20];
	[tilespmem:s6+$0xC0] =	vst v0;
	v0 =	vmul.f32 $8.000000000e+00, v2  }
0x2b7: {  	v2 =	vld [tilespmem:s9+$0xFFFFFF30];
	[tilespmem:s6+$0xD0] =	vst v1;
	v1 =	vmul.f32 $8.000000000e+00, v3  }
0x2b8: {  	v3 =	vld [tilespmem:s9+$0xFFFFFF40];
	v4 =	vmul.f32 $8.000000000e+00, v4;
	[tilespmem:s6+$0xE0] =	vst v0  }
0x2b9: {  	v0 =	vmul.f32 $8.000000000e+00, v7;
	v7 =	vld [tilespmem:s9+$0xFFFFFF50];
	[tilespmem:s6+$0xF0] =	vst v1  }
0x2ba: {  	v1 =	vmul.f32 $8.000000000e+00, v5;
	v5 =	vld [tilespmem:s9+$0xFFFFFF60];
	[tilespmem:s6+$0xFFFFFFF0] =	vst v4;
	s6 =	smov.u32 s9  }
0x2bb: {  	[tilespmem:s9+$0xFFFFFF00] =	vst v0;
	v0 =	vmul.f32 $8.000000000e+00, v6;
	v4 =	vld [tilespmem:s9+$0xFFFFFF70]  }
0x2bc: {  	[tilespmem:s9+$0xFFFFFF10] =	vst v1;
	v1 =	vmul.f32 $8.000000000e+00, v2;
	v2 =	vld [tilespmem:s9+$0xFFFFFF80]  }
0x2bd: {  	[tilespmem:s9+$0xFFFFFF20] =	vst v0;
	v0 =	vmul.f32 $8.000000000e+00, v3;
	v3 =	vld [tilespmem:s9+$0xFFFFFF90]  }
0x2be: {  	[tilespmem:s9+$0xFFFFFF30] =	vst v1;
	v1 =	vmul.f32 $8.000000000e+00, v7;
	v6 =	vld [tilespmem:s9+$0xFFFFFFA0]  }
0x2bf: {  	[tilespmem:s9+$0xFFFFFF40] =	vst v0;
	v0 =	vmul.f32 $8.000000000e+00, v5;
	v5 =	vld [tilespmem:s9+$0xFFFFFFB0]  }
0x2c0: {  	[tilespmem:s9+$0xFFFFFF50] =	vst v1;
	v1 =	vmul.f32 $8.000000000e+00, v4;
	v4 =	vld [tilespmem:s9+$0xFFFFFFC0]  }
0x2c1: {  	[tilespmem:s9+$0xFFFFFF60] =	vst v0;
	v0 =	vmul.f32 $8.000000000e+00, v2;
	v2 =	vld [tilespmem:s9+$0xFFFFFFD0]  }
0x2c2: {  	[tilespmem:s9+$0xFFFFFF70] =	vst v1;
	v1 =	vmul.f32 $8.000000000e+00, v3;
	v3 =	vld [tilespmem:s9+$0xFFFFFFE0]  }
0x2c3: {  	[tilespmem:s9+$0xFFFFFF80] =	vst v0;
	v0 =	vmul.f32 $8.000000000e+00, v6;
	v6 =	vld [tilespmem:s9+$0x0]  }
0x2c4: {  	[tilespmem:s9+$0xFFFFFF90] =	vst v1;
	v1 =	vmul.f32 $8.000000000e+00, v5;
	v5 =	vld [tilespmem:s9+$0x10]  }
0x2c5: {  	[tilespmem:s9+$0xFFFFFFA0] =	vst v0;
	v0 =	vmul.f32 $8.000000000e+00, v4;
	v4 =	vld [tilespmem:s9+$0x20]  }
0x2c6: {  	[tilespmem:s9+$0xFFFFFFB0] =	vst v1;
	v1 =	vmul.f32 $8.000000000e+00, v2;
	v2 =	vld [tilespmem:s9+$0x30]  }
0x2c7: {  	[tilespmem:s9+$0xFFFFFFC0] =	vst v0;
	v0 =	vmul.f32 $8.000000000e+00, v3;
	v3 =	vld [tilespmem:s9+$0x40]  }
0x2c8: {  	[tilespmem:s9+$0xFFFFFFD0] =	vst v1;
	v1 =	vmul.f32 $8.000000000e+00, v6;
	v6 =	vld [tilespmem:s9+$0x50]  }
0x2c9: {  	[tilespmem:s9+$0xFFFFFFE0] =	vst v0;
	v0 =	vmul.f32 $8.000000000e+00, v5;
	v5 =	vld [tilespmem:s9+$0x60]  }
0x2ca: {  	[tilespmem:s9+$0x0] =	vst v1;
	v1 =	vmul.f32 $8.000000000e+00, v4;
	v4 =	vld [tilespmem:s9+$0x70]  }
0x2cb: {  	[tilespmem:s9+$0x10] =	vst v0;
	v0 =	vmul.f32 $8.000000000e+00, v2;
	v2 =	vld [tilespmem:s9+$0x80]  }
0x2cc: {  	[tilespmem:s9+$0x20] =	vst v1;
	v1 =	vmul.f32 $8.000000000e+00, v3;
	v3 =	vld [tilespmem:s9+$0x90]  }
0x2cd: {  	s8 =	sadd.s32 $0x8, s8;
	[tilespmem:s9+$0x30] =	vst v0;
	v0 =	vmul.f32 $8.000000000e+00, v6;
	v6 =	vld [tilespmem:s9+$0xA0]  }
0x2ce: {  	p0 =	slt.u32 s8, $0x138;
	[tilespmem:s9+$0x40] =	vst v1;
	v1 =	vmul.f32 $8.000000000e+00, v5;
	v7 =	vld [tilespmem:s9+$0xB0]  }
.Ltmp9:
0x2cf: {  	[tilespmem:s9+$0x50] =	vst v0;
	v4 =	vmul.f32 $8.000000000e+00, v4;
	v0 =	vld [tilespmem:s9+$0xC0];
	(pc) =	sbr.rel @p0 .LBB2_20-.Ltmp9, $4  }
0x2d0: {  	[tilespmem:s9+$0x60] =	vst v1;
	v5 =	vmul.f32 $8.000000000e+00, v2;
	v1 =	vld [tilespmem:s9+$0xD0]  }
0x2d1: {  	[tilespmem:s9+$0x70] =	vst v4;
	v8 =	vmul.f32 $8.000000000e+00, v3;
	v2 =	vld [tilespmem:s9+$0xE0]  }
0x2d2: {  	[tilespmem:s9+$0x80] =	vst v5;
	v5 =	vmul.f32 $8.000000000e+00, v6;
	v3 =	vld [tilespmem:s9+$0xF0]  }
0x2d3: {  	s9 =	sadd.s32 $0x200, s9;
	v4 =	vld [tilespmem:s6+$0xFFFFFFF0];
	[tilespmem:s6+$0x90] =	vst v8;
	v6 =	vmul.f32 $8.000000000e+00, v7  }
0x2d4: {  	[tilespmem:s6+$0xA0] =	vst v5;
	v0 =	vmul.f32 $8.000000000e+00, v0  }
0x2d5: {  	[tilespmem:s6+$0xB0] =	vst v6;
	v1 =	vmul.f32 $8.000000000e+00, v1  }
0x2d6: {  	[tilespmem:s6+$0xC0] =	vst v0;
	v0 =	vmul.f32 $8.000000000e+00, v2  }
0x2d7: {  	[tilespmem:s6+$0xD0] =	vst v1;
	v1 =	vmul.f32 $8.000000000e+00, v3  }
0x2d8: {  	v2 =	vmul.f32 $8.000000000e+00, v4;
	[tilespmem:s6+$0xE0] =	vst v0  }
0x2d9: {  	[tilespmem:s6+$0xF0] =	vst v1  }
0x2da: {  	s12 =	rddreg [dreg:$0x7];
	[tilespmem:s6+$0xFFFFFFF0] =	vst v2  }
0x2db: {  	[hbm4b:s12+s22] =	stream.strided.scatter [tilespmem:s19], [sflag:$0x5], $0x5000, s23, s22, $0x38;
	[tilespmem:$0x1A400] =	vst v63  }
0x2dc: {  	_ =	swait.ge [sflag:s1], $0x5000  }
0x2dd: {  	[sflag:s1] =	ssyncset.done $0x0  }
0x2de: {  	s13 =	simm.s32 $0x6180;
	[sflag:s1] =	ssyncadd.s32 $0xFFFFB000  }
0x2df: {  	[tilespmem:s25], [sflag:$0x3] =	stream.indirect.gather [hbm4b:s4+s18], $0x40, s13, s18, $0xb8;
	[tilespmem:$0x1A400] =	vst v63  }
0x2e0: {  	_ =	swait.ge [sflag:s26], $0x5000  }
0x2e1: {  	[sflag:s26] =	ssyncset.done $0x0  }
0x2e2: {  	s6 =	simm.s32 $0xB500;
	[sflag:s26] =	ssyncadd.s32 $0xFFFFB000  }
0x2e3: {  	v0 =	vld [tilespmem:s6+$0xFFFFFF00]  }
0x2e4: {  	v1 =	vld [tilespmem:s6+$0xFFFFFF10]  }
0x2e5: {  	v2 =	vld [tilespmem:s6+$0xFFFFFF20]  }
0x2e6: {  	v3 =	vld [tilespmem:s6+$0xFFFFFF30]  }
0x2e7: {  	v4 =	vld [tilespmem:s6+$0xFFFFFF40]  }
0x2e8: {  	v5 =	vld [tilespmem:s6+$0xFFFFFF50];
	v0 =	vmul.f32 $8.000000000e+00, v0  }
0x2e9: {  	v6 =	vld [tilespmem:s6+$0xFFFFFF60];
	v1 =	vmul.f32 $8.000000000e+00, v1  }
0x2ea: {  	[tilespmem:s6+$0xFFFFFF00] =	vst v0;
	v0 =	vmul.f32 $8.000000000e+00, v2;
	v2 =	vld [tilespmem:s6+$0xFFFFFF70]  }
0x2eb: {  	[tilespmem:s6+$0xFFFFFF10] =	vst v1;
	v1 =	vmul.f32 $8.000000000e+00, v3;
	v3 =	vld [tilespmem:s6+$0xFFFFFF80]  }
0x2ec: {  	[tilespmem:s6+$0xFFFFFF20] =	vst v0;
	v0 =	vmul.f32 $8.000000000e+00, v4;
	v4 =	vld [tilespmem:s6+$0xFFFFFF90]  }
0x2ed: {  	[tilespmem:s6+$0xFFFFFF30] =	vst v1;
	v1 =	vmul.f32 $8.000000000e+00, v5;
	v5 =	vld [tilespmem:s6+$0xFFFFFFA0]  }
0x2ee: {  	[tilespmem:s6+$0xFFFFFF40] =	vst v0;
	v0 =	vmul.f32 $8.000000000e+00, v6;
	v6 =	vld [tilespmem:s6+$0xFFFFFFB0]  }
0x2ef: {  	[tilespmem:s6+$0xFFFFFF50] =	vst v1;
	v1 =	vmul.f32 $8.000000000e+00, v2;
	v2 =	vld [tilespmem:s6+$0xFFFFFFC0]  }
0x2f0: {  	[tilespmem:s6+$0xFFFFFF60] =	vst v0;
	v0 =	vmul.f32 $8.000000000e+00, v3;
	v3 =	vld [tilespmem:s6+$0xFFFFFFD0]  }
0x2f1: {  	[tilespmem:s6+$0xFFFFFF70] =	vst v1;
	v1 =	vmul.f32 $8.000000000e+00, v4;
	v4 =	vld [tilespmem:s6+$0xFFFFFFE0]  }
0x2f2: {  	[tilespmem:s6+$0xFFFFFF80] =	vst v0;
	v0 =	vmul.f32 $8.000000000e+00, v5;
	v5 =	vld [tilespmem:s6+$0x0]  }
0x2f3: {  	[tilespmem:s6+$0xFFFFFF90] =	vst v1;
	v1 =	vmul.f32 $8.000000000e+00, v6;
	v6 =	vld [tilespmem:s6+$0x10]  }
0x2f4: {  	[tilespmem:s6+$0xFFFFFFA0] =	vst v0;
	v0 =	vmul.f32 $8.000000000e+00, v2;
	v2 =	vld [tilespmem:s6+$0x20]  }
0x2f5: {  	[tilespmem:s6+$0xFFFFFFB0] =	vst v1;
	v1 =	vmul.f32 $8.000000000e+00, v3;
	v3 =	vld [tilespmem:s6+$0x30]  }
0x2f6: {  	[tilespmem:s6+$0xFFFFFFC0] =	vst v0;
	v0 =	vmul.f32 $8.000000000e+00, v4;
	v4 =	vld [tilespmem:s6+$0x40]  }
0x2f7: {  	[tilespmem:s6+$0xFFFFFFD0] =	vst v1;
	v1 =	vmul.f32 $8.000000000e+00, v5;
	v5 =	vld [tilespmem:s6+$0x50]  }
0x2f8: {  	[tilespmem:s6+$0xFFFFFFE0] =	vst v0;
	v0 =	vmul.f32 $8.000000000e+00, v6;
	v6 =	vld [tilespmem:s6+$0x60]  }
0x2f9: {  	[tilespmem:s6+$0x0] =	vst v1;
	v1 =	vmul.f32 $8.000000000e+00, v2;
	v2 =	vld [tilespmem:s6+$0x70]  }
0x2fa: {  	[tilespmem:s6+$0x10] =	vst v0;
	v0 =	vmul.f32 $8.000000000e+00, v3;
	v3 =	vld [tilespmem:s6+$0x80]  }
0x2fb: {  	[tilespmem:s6+$0x20] =	vst v1;
	v1 =	vmul.f32 $8.000000000e+00, v4;
	v4 =	vld [tilespmem:s6+$0x90]  }
0x2fc: {  	[tilespmem:s6+$0x30] =	vst v0;
	v0 =	vmul.f32 $8.000000000e+00, v5;
	v5 =	vld [tilespmem:s6+$0xA0]  }
0x2fd: {  	[tilespmem:s6+$0x40] =	vst v1;
	v1 =	vmul.f32 $8.000000000e+00, v6;
	v6 =	vld [tilespmem:s6+$0xB0]  }
0x2fe: {  	[tilespmem:s6+$0x50] =	vst v0;
	v2 =	vmul.f32 $8.000000000e+00, v2;
	v0 =	vld [tilespmem:s6+$0xC0]  }
0x2ff: {  	[tilespmem:s6+$0x60] =	vst v1;
	v3 =	vmul.f32 $8.000000000e+00, v3;
	v1 =	vld [tilespmem:s6+$0xD0]  }
0x300: {  	[tilespmem:s6+$0x70] =	vst v2;
	v7 =	vmul.f32 $8.000000000e+00, v4;
	v2 =	vld [tilespmem:s6+$0xE0]  }
0x301: {  	[tilespmem:s6+$0x80] =	vst v3;
	v3 =	vld [tilespmem:s6+$0xF0];
	v5 =	vmul.f32 $8.000000000e+00, v5  }
0x302: {  	s8 =	simm.s32 $0x0;
	s9 =	simm.s32 $0xB700;
	v4 =	vld [tilespmem:s6+$0xFFFFFFF0];
	[tilespmem:s6+$0x90] =	vst v7;
	v6 =	vmul.f32 $8.000000000e+00, v6  }
.LBB2_22:
0x303: {  	v7 =	vld [tilespmem:s9+$0xFFFFFF00];
	[tilespmem:s6+$0xA0] =	vst v5;
	v0 =	vmul.f32 $8.000000000e+00, v0  }
0x304: {  	v5 =	vld [tilespmem:s9+$0xFFFFFF10];
	[tilespmem:s6+$0xB0] =	vst v6;
	v1 =	vmul.f32 $8.000000000e+00, v1  }
0x305: {  	v6 =	vld [tilespmem:s9+$0xFFFFFF20];
	[tilespmem:s6+$0xC0] =	vst v0;
	v0 =	vmul.f32 $8.000000000e+00, v2  }
0x306: {  	v2 =	vld [tilespmem:s9+$0xFFFFFF30];
	[tilespmem:s6+$0xD0] =	vst v1;
	v1 =	vmul.f32 $8.000000000e+00, v3  }
0x307: {  	v3 =	vld [tilespmem:s9+$0xFFFFFF40];
	v4 =	vmul.f32 $8.000000000e+00, v4;
	[tilespmem:s6+$0xE0] =	vst v0  }
0x308: {  	v0 =	vmul.f32 $8.000000000e+00, v7;
	v7 =	vld [tilespmem:s9+$0xFFFFFF50];
	[tilespmem:s6+$0xF0] =	vst v1  }
0x309: {  	v1 =	vmul.f32 $8.000000000e+00, v5;
	v5 =	vld [tilespmem:s9+$0xFFFFFF60];
	[tilespmem:s6+$0xFFFFFFF0] =	vst v4;
	s6 =	smov.u32 s9  }
0x30a: {  	[tilespmem:s9+$0xFFFFFF00] =	vst v0;
	v0 =	vmul.f32 $8.000000000e+00, v6;
	v4 =	vld [tilespmem:s9+$0xFFFFFF70]  }
0x30b: {  	[tilespmem:s9+$0xFFFFFF10] =	vst v1;
	v1 =	vmul.f32 $8.000000000e+00, v2;
	v2 =	vld [tilespmem:s9+$0xFFFFFF80]  }
0x30c: {  	[tilespmem:s9+$0xFFFFFF20] =	vst v0;
	v0 =	vmul.f32 $8.000000000e+00, v3;
	v3 =	vld [tilespmem:s9+$0xFFFFFF90]  }
0x30d: {  	[tilespmem:s9+$0xFFFFFF30] =	vst v1;
	v1 =	vmul.f32 $8.000000000e+00, v7;
	v6 =	vld [tilespmem:s9+$0xFFFFFFA0]  }
0x30e: {  	[tilespmem:s9+$0xFFFFFF40] =	vst v0;
	v0 =	vmul.f32 $8.000000000e+00, v5;
	v5 =	vld [tilespmem:s9+$0xFFFFFFB0]  }
0x30f: {  	[tilespmem:s9+$0xFFFFFF50] =	vst v1;
	v1 =	vmul.f32 $8.000000000e+00, v4;
	v4 =	vld [tilespmem:s9+$0xFFFFFFC0]  }
0x310: {  	[tilespmem:s9+$0xFFFFFF60] =	vst v0;
	v0 =	vmul.f32 $8.000000000e+00, v2;
	v2 =	vld [tilespmem:s9+$0xFFFFFFD0]  }
0x311: {  	[tilespmem:s9+$0xFFFFFF70] =	vst v1;
	v1 =	vmul.f32 $8.000000000e+00, v3;
	v3 =	vld [tilespmem:s9+$0xFFFFFFE0]  }
0x312: {  	[tilespmem:s9+$0xFFFFFF80] =	vst v0;
	v0 =	vmul.f32 $8.000000000e+00, v6;
	v6 =	vld [tilespmem:s9+$0x0]  }
0x313: {  	[tilespmem:s9+$0xFFFFFF90] =	vst v1;
	v1 =	vmul.f32 $8.000000000e+00, v5;
	v5 =	vld [tilespmem:s9+$0x10]  }
0x314: {  	[tilespmem:s9+$0xFFFFFFA0] =	vst v0;
	v0 =	vmul.f32 $8.000000000e+00, v4;
	v4 =	vld [tilespmem:s9+$0x20]  }
0x315: {  	[tilespmem:s9+$0xFFFFFFB0] =	vst v1;
	v1 =	vmul.f32 $8.000000000e+00, v2;
	v2 =	vld [tilespmem:s9+$0x30]  }
0x316: {  	[tilespmem:s9+$0xFFFFFFC0] =	vst v0;
	v0 =	vmul.f32 $8.000000000e+00, v3;
	v3 =	vld [tilespmem:s9+$0x40]  }
0x317: {  	[tilespmem:s9+$0xFFFFFFD0] =	vst v1;
	v1 =	vmul.f32 $8.000000000e+00, v6;
	v6 =	vld [tilespmem:s9+$0x50]  }
0x318: {  	[tilespmem:s9+$0xFFFFFFE0] =	vst v0;
	v0 =	vmul.f32 $8.000000000e+00, v5;
	v5 =	vld [tilespmem:s9+$0x60]  }
0x319: {  	[tilespmem:s9+$0x0] =	vst v1;
	v1 =	vmul.f32 $8.000000000e+00, v4;
	v4 =	vld [tilespmem:s9+$0x70]  }
0x31a: {  	[tilespmem:s9+$0x10] =	vst v0;
	v0 =	vmul.f32 $8.000000000e+00, v2;
	v2 =	vld [tilespmem:s9+$0x80]  }
0x31b: {  	[tilespmem:s9+$0x20] =	vst v1;
	v1 =	vmul.f32 $8.000000000e+00, v3;
	v3 =	vld [tilespmem:s9+$0x90]  }
0x31c: {  	s8 =	sadd.s32 $0x8, s8;
	[tilespmem:s9+$0x30] =	vst v0;
	v0 =	vmul.f32 $8.000000000e+00, v6;
	v6 =	vld [tilespmem:s9+$0xA0]  }
0x31d: {  	p0 =	slt.u32 s8, $0x138;
	[tilespmem:s9+$0x40] =	vst v1;
	v1 =	vmul.f32 $8.000000000e+00, v5;
	v7 =	vld [tilespmem:s9+$0xB0]  }
.Ltmp10:
0x31e: {  	[tilespmem:s9+$0x50] =	vst v0;
	v4 =	vmul.f32 $8.000000000e+00, v4;
	v0 =	vld [tilespmem:s9+$0xC0];
	(pc) =	sbr.rel @p0 .LBB2_22-.Ltmp10, $4  }
0x31f: {  	[tilespmem:s9+$0x60] =	vst v1;
	v5 =	vmul.f32 $8.000000000e+00, v2;
	v1 =	vld [tilespmem:s9+$0xD0]  }
0x320: {  	[tilespmem:s9+$0x70] =	vst v4;
	v8 =	vmul.f32 $8.000000000e+00, v3;
	v2 =	vld [tilespmem:s9+$0xE0]  }
0x321: {  	[tilespmem:s9+$0x80] =	vst v5;
	v5 =	vmul.f32 $8.000000000e+00, v6;
	v3 =	vld [tilespmem:s9+$0xF0]  }
0x322: {  	s9 =	sadd.s32 $0x200, s9;
	v4 =	vld [tilespmem:s6+$0xFFFFFFF0];
	[tilespmem:s6+$0x90] =	vst v8;
	v6 =	vmul.f32 $8.000000000e+00, v7  }
0x323: {  	[tilespmem:s6+$0xA0] =	vst v5;
	v0 =	vmul.f32 $8.000000000e+00, v0  }
0x324: {  	[tilespmem:s6+$0xB0] =	vst v6;
	v1 =	vmul.f32 $8.000000000e+00, v1  }
0x325: {  	[tilespmem:s6+$0xC0] =	vst v0;
	v0 =	vmul.f32 $8.000000000e+00, v2  }
0x326: {  	[tilespmem:s6+$0xD0] =	vst v1;
	v1 =	vmul.f32 $8.000000000e+00, v3  }
0x327: {  	v2 =	vmul.f32 $8.000000000e+00, v4;
	[tilespmem:s6+$0xE0] =	vst v0  }
0x328: {  	[tilespmem:s6+$0xF0] =	vst v1  }
0x329: {  	s12 =	rddreg [dreg:$0x8];
	[tilespmem:s6+$0xFFFFFFF0] =	vst v2  }
0x32a: {  	[hbm4b:s12+s22] =	stream.strided.scatter [tilespmem:s20], [sflag:$0x6], $0x5000, s23, s22, $0x38;
	[tilespmem:$0x1A400] =	vst v63  }
0x32b: {  	_ =	swait.ge [sflag:s28], $0x5000  }
0x32c: {  	[sflag:s28] =	ssyncset.done $0x0  }
0x32d: {  	s13 =	simm.s32 $0x62C0;
	[sflag:s28] =	ssyncadd.s32 $0xFFFFB000  }
0x32e: {  	[tilespmem:s29], [sflag:$0x4] =	stream.indirect.gather [hbm4b:s4+s18], $0x40, s13, s18, $0xb8;
	[tilespmem:$0x1A400] =	vst v63  }
0x32f: {  	_ =	swait.ge [sflag:s30], $0x5000  }
0x330: {  	[sflag:s30] =	ssyncset.done $0x0  }
0x331: {  	s6 =	simm.s32 $0x10500;
	[sflag:s30] =	ssyncadd.s32 $0xFFFFB000  }
0x332: {  	v0 =	vld [tilespmem:s6+$0xFFFFFF00]  }
0x333: {  	v1 =	vld [tilespmem:s6+$0xFFFFFF10]  }
0x334: {  	v2 =	vld [tilespmem:s6+$0xFFFFFF20]  }
0x335: {  	v3 =	vld [tilespmem:s6+$0xFFFFFF30]  }
0x336: {  	v4 =	vld [tilespmem:s6+$0xFFFFFF40]  }
0x337: {  	v5 =	vld [tilespmem:s6+$0xFFFFFF50];
	v0 =	vmul.f32 $8.000000000e+00, v0  }
0x338: {  	v6 =	vld [tilespmem:s6+$0xFFFFFF60];
	v1 =	vmul.f32 $8.000000000e+00, v1  }
0x339: {  	[tilespmem:s6+$0xFFFFFF00] =	vst v0;
	v0 =	vmul.f32 $8.000000000e+00, v2;
	v2 =	vld [tilespmem:s6+$0xFFFFFF70]  }
0x33a: {  	[tilespmem:s6+$0xFFFFFF10] =	vst v1;
	v1 =	vmul.f32 $8.000000000e+00, v3;
	v3 =	vld [tilespmem:s6+$0xFFFFFF80]  }
0x33b: {  	[tilespmem:s6+$0xFFFFFF20] =	vst v0;
	v0 =	vmul.f32 $8.000000000e+00, v4;
	v4 =	vld [tilespmem:s6+$0xFFFFFF90]  }
0x33c: {  	[tilespmem:s6+$0xFFFFFF30] =	vst v1;
	v1 =	vmul.f32 $8.000000000e+00, v5;
	v5 =	vld [tilespmem:s6+$0xFFFFFFA0]  }
0x33d: {  	[tilespmem:s6+$0xFFFFFF40] =	vst v0;
	v0 =	vmul.f32 $8.000000000e+00, v6;
	v6 =	vld [tilespmem:s6+$0xFFFFFFB0]  }
0x33e: {  	[tilespmem:s6+$0xFFFFFF50] =	vst v1;
	v1 =	vmul.f32 $8.000000000e+00, v2;
	v2 =	vld [tilespmem:s6+$0xFFFFFFC0]  }
0x33f: {  	[tilespmem:s6+$0xFFFFFF60] =	vst v0;
	v0 =	vmul.f32 $8.000000000e+00, v3;
	v3 =	vld [tilespmem:s6+$0xFFFFFFD0]  }
0x340: {  	[tilespmem:s6+$0xFFFFFF70] =	vst v1;
	v1 =	vmul.f32 $8.000000000e+00, v4;
	v4 =	vld [tilespmem:s6+$0xFFFFFFE0]  }
0x341: {  	[tilespmem:s6+$0xFFFFFF80] =	vst v0;
	v0 =	vmul.f32 $8.000000000e+00, v5;
	v5 =	vld [tilespmem:s6+$0x0]  }
0x342: {  	[tilespmem:s6+$0xFFFFFF90] =	vst v1;
	v1 =	vmul.f32 $8.000000000e+00, v6;
	v6 =	vld [tilespmem:s6+$0x10]  }
0x343: {  	[tilespmem:s6+$0xFFFFFFA0] =	vst v0;
	v0 =	vmul.f32 $8.000000000e+00, v2;
	v2 =	vld [tilespmem:s6+$0x20]  }
0x344: {  	[tilespmem:s6+$0xFFFFFFB0] =	vst v1;
	v1 =	vmul.f32 $8.000000000e+00, v3;
	v3 =	vld [tilespmem:s6+$0x30]  }
0x345: {  	[tilespmem:s6+$0xFFFFFFC0] =	vst v0;
	v0 =	vmul.f32 $8.000000000e+00, v4;
	v4 =	vld [tilespmem:s6+$0x40]  }
0x346: {  	[tilespmem:s6+$0xFFFFFFD0] =	vst v1;
	v1 =	vmul.f32 $8.000000000e+00, v5;
	v5 =	vld [tilespmem:s6+$0x50]  }
0x347: {  	[tilespmem:s6+$0xFFFFFFE0] =	vst v0;
	v0 =	vmul.f32 $8.000000000e+00, v6;
	v6 =	vld [tilespmem:s6+$0x60]  }
0x348: {  	[tilespmem:s6+$0x0] =	vst v1;
	v1 =	vmul.f32 $8.000000000e+00, v2;
	v2 =	vld [tilespmem:s6+$0x70]  }
0x349: {  	[tilespmem:s6+$0x10] =	vst v0;
	v0 =	vmul.f32 $8.000000000e+00, v3;
	v3 =	vld [tilespmem:s6+$0x80]  }
0x34a: {  	[tilespmem:s6+$0x20] =	vst v1;
	v1 =	vmul.f32 $8.000000000e+00, v4;
	v4 =	vld [tilespmem:s6+$0x90]  }
0x34b: {  	[tilespmem:s6+$0x30] =	vst v0;
	v0 =	vmul.f32 $8.000000000e+00, v5;
	v5 =	vld [tilespmem:s6+$0xA0]  }
0x34c: {  	[tilespmem:s6+$0x40] =	vst v1;
	v1 =	vmul.f32 $8.000000000e+00, v6;
	v6 =	vld [tilespmem:s6+$0xB0]  }
0x34d: {  	[tilespmem:s6+$0x50] =	vst v0;
	v2 =	vmul.f32 $8.000000000e+00, v2;
	v0 =	vld [tilespmem:s6+$0xC0]  }
0x34e: {  	[tilespmem:s6+$0x60] =	vst v1;
	v3 =	vmul.f32 $8.000000000e+00, v3;
	v1 =	vld [tilespmem:s6+$0xD0]  }
0x34f: {  	[tilespmem:s6+$0x70] =	vst v2;
	v7 =	vmul.f32 $8.000000000e+00, v4;
	v2 =	vld [tilespmem:s6+$0xE0]  }
0x350: {  	[tilespmem:s6+$0x80] =	vst v3;
	v3 =	vld [tilespmem:s6+$0xF0];
	v5 =	vmul.f32 $8.000000000e+00, v5  }
0x351: {  	s8 =	simm.s32 $0x0;
	s9 =	simm.s32 $0x10700;
	v4 =	vld [tilespmem:s6+$0xFFFFFFF0];
	[tilespmem:s6+$0x90] =	vst v7;
	v6 =	vmul.f32 $8.000000000e+00, v6  }
.LBB2_24:
0x352: {  	v7 =	vld [tilespmem:s9+$0xFFFFFF00];
	[tilespmem:s6+$0xA0] =	vst v5;
	v0 =	vmul.f32 $8.000000000e+00, v0  }
0x353: {  	v5 =	vld [tilespmem:s9+$0xFFFFFF10];
	[tilespmem:s6+$0xB0] =	vst v6;
	v1 =	vmul.f32 $8.000000000e+00, v1  }
0x354: {  	v6 =	vld [tilespmem:s9+$0xFFFFFF20];
	[tilespmem:s6+$0xC0] =	vst v0;
	v0 =	vmul.f32 $8.000000000e+00, v2  }
0x355: {  	v2 =	vld [tilespmem:s9+$0xFFFFFF30];
	[tilespmem:s6+$0xD0] =	vst v1;
	v1 =	vmul.f32 $8.000000000e+00, v3  }
0x356: {  	v3 =	vld [tilespmem:s9+$0xFFFFFF40];
	v4 =	vmul.f32 $8.000000000e+00, v4;
	[tilespmem:s6+$0xE0] =	vst v0  }
0x357: {  	v0 =	vmul.f32 $8.000000000e+00, v7;
	v7 =	vld [tilespmem:s9+$0xFFFFFF50];
	[tilespmem:s6+$0xF0] =	vst v1  }
0x358: {  	v1 =	vmul.f32 $8.000000000e+00, v5;
	v5 =	vld [tilespmem:s9+$0xFFFFFF60];
	[tilespmem:s6+$0xFFFFFFF0] =	vst v4;
	s6 =	smov.u32 s9  }
0x359: {  	[tilespmem:s9+$0xFFFFFF00] =	vst v0;
	v0 =	vmul.f32 $8.000000000e+00, v6;
	v4 =	vld [tilespmem:s9+$0xFFFFFF70]  }
0x35a: {  	[tilespmem:s9+$0xFFFFFF10] =	vst v1;
	v1 =	vmul.f32 $8.000000000e+00, v2;
	v2 =	vld [tilespmem:s9+$0xFFFFFF80]  }
0x35b: {  	[tilespmem:s9+$0xFFFFFF20] =	vst v0;
	v0 =	vmul.f32 $8.000000000e+00, v3;
	v3 =	vld [tilespmem:s9+$0xFFFFFF90]  }
0x35c: {  	[tilespmem:s9+$0xFFFFFF30] =	vst v1;
	v1 =	vmul.f32 $8.000000000e+00, v7;
	v6 =	vld [tilespmem:s9+$0xFFFFFFA0]  }
0x35d: {  	[tilespmem:s9+$0xFFFFFF40] =	vst v0;
	v0 =	vmul.f32 $8.000000000e+00, v5;
	v5 =	vld [tilespmem:s9+$0xFFFFFFB0]  }
0x35e: {  	[tilespmem:s9+$0xFFFFFF50] =	vst v1;
	v1 =	vmul.f32 $8.000000000e+00, v4;
	v4 =	vld [tilespmem:s9+$0xFFFFFFC0]  }
0x35f: {  	[tilespmem:s9+$0xFFFFFF60] =	vst v0;
	v0 =	vmul.f32 $8.000000000e+00, v2;
	v2 =	vld [tilespmem:s9+$0xFFFFFFD0]  }
0x360: {  	[tilespmem:s9+$0xFFFFFF70] =	vst v1;
	v1 =	vmul.f32 $8.000000000e+00, v3;
	v3 =	vld [tilespmem:s9+$0xFFFFFFE0]  }
0x361: {  	[tilespmem:s9+$0xFFFFFF80] =	vst v0;
	v0 =	vmul.f32 $8.000000000e+00, v6;
	v6 =	vld [tilespmem:s9+$0x0]  }
0x362: {  	[tilespmem:s9+$0xFFFFFF90] =	vst v1;
	v1 =	vmul.f32 $8.000000000e+00, v5;
	v5 =	vld [tilespmem:s9+$0x10]  }
0x363: {  	[tilespmem:s9+$0xFFFFFFA0] =	vst v0;
	v0 =	vmul.f32 $8.000000000e+00, v4;
	v4 =	vld [tilespmem:s9+$0x20]  }
0x364: {  	[tilespmem:s9+$0xFFFFFFB0] =	vst v1;
	v1 =	vmul.f32 $8.000000000e+00, v2;
	v2 =	vld [tilespmem:s9+$0x30]  }
0x365: {  	[tilespmem:s9+$0xFFFFFFC0] =	vst v0;
	v0 =	vmul.f32 $8.000000000e+00, v3;
	v3 =	vld [tilespmem:s9+$0x40]  }
0x366: {  	[tilespmem:s9+$0xFFFFFFD0] =	vst v1;
	v1 =	vmul.f32 $8.000000000e+00, v6;
	v6 =	vld [tilespmem:s9+$0x50]  }
0x367: {  	[tilespmem:s9+$0xFFFFFFE0] =	vst v0;
	v0 =	vmul.f32 $8.000000000e+00, v5;
	v5 =	vld [tilespmem:s9+$0x60]  }
0x368: {  	[tilespmem:s9+$0x0] =	vst v1;
	v1 =	vmul.f32 $8.000000000e+00, v4;
	v4 =	vld [tilespmem:s9+$0x70]  }
0x369: {  	[tilespmem:s9+$0x10] =	vst v0;
	v0 =	vmul.f32 $8.000000000e+00, v2;
	v2 =	vld [tilespmem:s9+$0x80]  }
0x36a: {  	[tilespmem:s9+$0x20] =	vst v1;
	v1 =	vmul.f32 $8.000000000e+00, v3;
	v3 =	vld [tilespmem:s9+$0x90]  }
0x36b: {  	s8 =	sadd.s32 $0x8, s8;
	[tilespmem:s9+$0x30] =	vst v0;
	v0 =	vmul.f32 $8.000000000e+00, v6;
	v6 =	vld [tilespmem:s9+$0xA0]  }
0x36c: {  	p0 =	slt.u32 s8, $0x138;
	[tilespmem:s9+$0x40] =	vst v1;
	v1 =	vmul.f32 $8.000000000e+00, v5;
	v7 =	vld [tilespmem:s9+$0xB0]  }
.Ltmp11:
0x36d: {  	[tilespmem:s9+$0x50] =	vst v0;
	v4 =	vmul.f32 $8.000000000e+00, v4;
	v0 =	vld [tilespmem:s9+$0xC0];
	(pc) =	sbr.rel @p0 .LBB2_24-.Ltmp11, $4  }
0x36e: {  	[tilespmem:s9+$0x60] =	vst v1;
	v5 =	vmul.f32 $8.000000000e+00, v2;
	v1 =	vld [tilespmem:s9+$0xD0]  }
0x36f: {  	[tilespmem:s9+$0x70] =	vst v4;
	v8 =	vmul.f32 $8.000000000e+00, v3;
	v2 =	vld [tilespmem:s9+$0xE0]  }
0x370: {  	[tilespmem:s9+$0x80] =	vst v5;
	v5 =	vmul.f32 $8.000000000e+00, v6;
	v3 =	vld [tilespmem:s9+$0xF0]  }
0x371: {  	s9 =	sadd.s32 $0x200, s9;
	v4 =	vld [tilespmem:s6+$0xFFFFFFF0];
	[tilespmem:s6+$0x90] =	vst v8;
	v6 =	vmul.f32 $8.000000000e+00, v7  }
0x372: {  	[tilespmem:s6+$0xA0] =	vst v5;
	v0 =	vmul.f32 $8.000000000e+00, v0  }
0x373: {  	[tilespmem:s6+$0xB0] =	vst v6;
	v1 =	vmul.f32 $8.000000000e+00, v1  }
0x374: {  	[tilespmem:s6+$0xC0] =	vst v0;
	v0 =	vmul.f32 $8.000000000e+00, v2  }
0x375: {  	[tilespmem:s6+$0xD0] =	vst v1;
	v1 =	vmul.f32 $8.000000000e+00, v3  }
0x376: {  	v2 =	vmul.f32 $8.000000000e+00, v4;
	[tilespmem:s6+$0xE0] =	vst v0  }
0x377: {  	[tilespmem:s6+$0xF0] =	vst v1  }
0x378: {  	[tilespmem:s6+$0xFFFFFFF0] =	vst v2  }
0x379: {  	[hbm4b:s14+s22] =	stream.strided.scatter [tilespmem:s25], [sflag:$0x7], $0x5000, s23, s22, $0x38;
	[tilespmem:$0x1A400] =	vst v63  }
0x37a: {  	_ =	swait.ge [sflag:s0], $0x5000  }
0x37b: {  	[sflag:s0] =	ssyncset.done $0x0  }
0x37c: {  	s6 =	simm.s32 $0x15500;
	[sflag:s0] =	ssyncadd.s32 $0xFFFFB000  }
0x37d: {  	v0 =	vld [tilespmem:s6+$0xFFFFFF00]  }
0x37e: {  	v1 =	vld [tilespmem:s6+$0xFFFFFF10]  }
0x37f: {  	v2 =	vld [tilespmem:s6+$0xFFFFFF20]  }
0x380: {  	v3 =	vld [tilespmem:s6+$0xFFFFFF30]  }
0x381: {  	v4 =	vld [tilespmem:s6+$0xFFFFFF40]  }
0x382: {  	v5 =	vld [tilespmem:s6+$0xFFFFFF50];
	v0 =	vmul.f32 $8.000000000e+00, v0  }
0x383: {  	v6 =	vld [tilespmem:s6+$0xFFFFFF60];
	v1 =	vmul.f32 $8.000000000e+00, v1  }
0x384: {  	[tilespmem:s6+$0xFFFFFF00] =	vst v0;
	v0 =	vmul.f32 $8.000000000e+00, v2;
	v2 =	vld [tilespmem:s6+$0xFFFFFF70]  }
0x385: {  	[tilespmem:s6+$0xFFFFFF10] =	vst v1;
	v1 =	vmul.f32 $8.000000000e+00, v3;
	v3 =	vld [tilespmem:s6+$0xFFFFFF80]  }
0x386: {  	[tilespmem:s6+$0xFFFFFF20] =	vst v0;
	v0 =	vmul.f32 $8.000000000e+00, v4;
	v4 =	vld [tilespmem:s6+$0xFFFFFF90]  }
0x387: {  	[tilespmem:s6+$0xFFFFFF30] =	vst v1;
	v1 =	vmul.f32 $8.000000000e+00, v5;
	v5 =	vld [tilespmem:s6+$0xFFFFFFA0]  }
0x388: {  	[tilespmem:s6+$0xFFFFFF40] =	vst v0;
	v0 =	vmul.f32 $8.000000000e+00, v6;
	v6 =	vld [tilespmem:s6+$0xFFFFFFB0]  }
0x389: {  	[tilespmem:s6+$0xFFFFFF50] =	vst v1;
	v1 =	vmul.f32 $8.000000000e+00, v2;
	v2 =	vld [tilespmem:s6+$0xFFFFFFC0]  }
0x38a: {  	[tilespmem:s6+$0xFFFFFF60] =	vst v0;
	v0 =	vmul.f32 $8.000000000e+00, v3;
	v3 =	vld [tilespmem:s6+$0xFFFFFFD0]  }
0x38b: {  	[tilespmem:s6+$0xFFFFFF70] =	vst v1;
	v1 =	vmul.f32 $8.000000000e+00, v4;
	v4 =	vld [tilespmem:s6+$0xFFFFFFE0]  }
0x38c: {  	[tilespmem:s6+$0xFFFFFF80] =	vst v0;
	v0 =	vmul.f32 $8.000000000e+00, v5;
	v5 =	vld [tilespmem:s6+$0x0]  }
0x38d: {  	[tilespmem:s6+$0xFFFFFF90] =	vst v1;
	v1 =	vmul.f32 $8.000000000e+00, v6;
	v6 =	vld [tilespmem:s6+$0x10]  }
0x38e: {  	[tilespmem:s6+$0xFFFFFFA0] =	vst v0;
	v0 =	vmul.f32 $8.000000000e+00, v2;
	v2 =	vld [tilespmem:s6+$0x20]  }
0x38f: {  	[tilespmem:s6+$0xFFFFFFB0] =	vst v1;
	v1 =	vmul.f32 $8.000000000e+00, v3;
	v3 =	vld [tilespmem:s6+$0x30]  }
0x390: {  	[tilespmem:s6+$0xFFFFFFC0] =	vst v0;
	v0 =	vmul.f32 $8.000000000e+00, v4;
	v4 =	vld [tilespmem:s6+$0x40]  }
0x391: {  	[tilespmem:s6+$0xFFFFFFD0] =	vst v1;
	v1 =	vmul.f32 $8.000000000e+00, v5;
	v5 =	vld [tilespmem:s6+$0x50]  }
0x392: {  	[tilespmem:s6+$0xFFFFFFE0] =	vst v0;
	v0 =	vmul.f32 $8.000000000e+00, v6;
	v6 =	vld [tilespmem:s6+$0x60]  }
0x393: {  	[tilespmem:s6+$0x0] =	vst v1;
	v1 =	vmul.f32 $8.000000000e+00, v2;
	v2 =	vld [tilespmem:s6+$0x70]  }
0x394: {  	[tilespmem:s6+$0x10] =	vst v0;
	v0 =	vmul.f32 $8.000000000e+00, v3;
	v3 =	vld [tilespmem:s6+$0x80]  }
0x395: {  	[tilespmem:s6+$0x20] =	vst v1;
	v1 =	vmul.f32 $8.000000000e+00, v4;
	v4 =	vld [tilespmem:s6+$0x90]  }
0x396: {  	[tilespmem:s6+$0x30] =	vst v0;
	v0 =	vmul.f32 $8.000000000e+00, v5;
	v5 =	vld [tilespmem:s6+$0xA0]  }
0x397: {  	[tilespmem:s6+$0x40] =	vst v1;
	v1 =	vmul.f32 $8.000000000e+00, v6;
	v6 =	vld [tilespmem:s6+$0xB0]  }
0x398: {  	[tilespmem:s6+$0x50] =	vst v0;
	v2 =	vmul.f32 $8.000000000e+00, v2;
	v0 =	vld [tilespmem:s6+$0xC0]  }
0x399: {  	[tilespmem:s6+$0x60] =	vst v1;
	v3 =	vmul.f32 $8.000000000e+00, v3;
	v1 =	vld [tilespmem:s6+$0xD0]  }
0x39a: {  	[tilespmem:s6+$0x70] =	vst v2;
	v7 =	vmul.f32 $8.000000000e+00, v4;
	v2 =	vld [tilespmem:s6+$0xE0]  }
0x39b: {  	[tilespmem:s6+$0x80] =	vst v3;
	v3 =	vld [tilespmem:s6+$0xF0];
	v5 =	vmul.f32 $8.000000000e+00, v5  }
0x39c: {  	s8 =	simm.s32 $0x0;
	s9 =	simm.s32 $0x15700;
	v4 =	vld [tilespmem:s6+$0xFFFFFFF0];
	[tilespmem:s6+$0x90] =	vst v7;
	v6 =	vmul.f32 $8.000000000e+00, v6  }
.LBB2_26:
0x39d: {  	v7 =	vld [tilespmem:s9+$0xFFFFFF00];
	[tilespmem:s6+$0xA0] =	vst v5;
	v0 =	vmul.f32 $8.000000000e+00, v0  }
0x39e: {  	v5 =	vld [tilespmem:s9+$0xFFFFFF10];
	[tilespmem:s6+$0xB0] =	vst v6;
	v1 =	vmul.f32 $8.000000000e+00, v1  }
0x39f: {  	v6 =	vld [tilespmem:s9+$0xFFFFFF20];
	[tilespmem:s6+$0xC0] =	vst v0;
	v0 =	vmul.f32 $8.000000000e+00, v2  }
0x3a0: {  	v2 =	vld [tilespmem:s9+$0xFFFFFF30];
	[tilespmem:s6+$0xD0] =	vst v1;
	v1 =	vmul.f32 $8.000000000e+00, v3  }
0x3a1: {  	v3 =	vld [tilespmem:s9+$0xFFFFFF40];
	v4 =	vmul.f32 $8.000000000e+00, v4;
	[tilespmem:s6+$0xE0] =	vst v0  }
0x3a2: {  	v0 =	vmul.f32 $8.000000000e+00, v7;
	v7 =	vld [tilespmem:s9+$0xFFFFFF50];
	[tilespmem:s6+$0xF0] =	vst v1  }
0x3a3: {  	v1 =	vmul.f32 $8.000000000e+00, v5;
	v5 =	vld [tilespmem:s9+$0xFFFFFF60];
	[tilespmem:s6+$0xFFFFFFF0] =	vst v4;
	s6 =	smov.u32 s9  }
0x3a4: {  	[tilespmem:s9+$0xFFFFFF00] =	vst v0;
	v0 =	vmul.f32 $8.000000000e+00, v6;
	v4 =	vld [tilespmem:s9+$0xFFFFFF70]  }
0x3a5: {  	[tilespmem:s9+$0xFFFFFF10] =	vst v1;
	v1 =	vmul.f32 $8.000000000e+00, v2;
	v2 =	vld [tilespmem:s9+$0xFFFFFF80]  }
0x3a6: {  	[tilespmem:s9+$0xFFFFFF20] =	vst v0;
	v0 =	vmul.f32 $8.000000000e+00, v3;
	v3 =	vld [tilespmem:s9+$0xFFFFFF90]  }
0x3a7: {  	[tilespmem:s9+$0xFFFFFF30] =	vst v1;
	v1 =	vmul.f32 $8.000000000e+00, v7;
	v6 =	vld [tilespmem:s9+$0xFFFFFFA0]  }
0x3a8: {  	[tilespmem:s9+$0xFFFFFF40] =	vst v0;
	v0 =	vmul.f32 $8.000000000e+00, v5;
	v5 =	vld [tilespmem:s9+$0xFFFFFFB0]  }
0x3a9: {  	[tilespmem:s9+$0xFFFFFF50] =	vst v1;
	v1 =	vmul.f32 $8.000000000e+00, v4;
	v4 =	vld [tilespmem:s9+$0xFFFFFFC0]  }
0x3aa: {  	[tilespmem:s9+$0xFFFFFF60] =	vst v0;
	v0 =	vmul.f32 $8.000000000e+00, v2;
	v2 =	vld [tilespmem:s9+$0xFFFFFFD0]  }
0x3ab: {  	[tilespmem:s9+$0xFFFFFF70] =	vst v1;
	v1 =	vmul.f32 $8.000000000e+00, v3;
	v3 =	vld [tilespmem:s9+$0xFFFFFFE0]  }
0x3ac: {  	[tilespmem:s9+$0xFFFFFF80] =	vst v0;
	v0 =	vmul.f32 $8.000000000e+00, v6;
	v6 =	vld [tilespmem:s9+$0x0]  }
0x3ad: {  	[tilespmem:s9+$0xFFFFFF90] =	vst v1;
	v1 =	vmul.f32 $8.000000000e+00, v5;
	v5 =	vld [tilespmem:s9+$0x10]  }
0x3ae: {  	[tilespmem:s9+$0xFFFFFFA0] =	vst v0;
	v0 =	vmul.f32 $8.000000000e+00, v4;
	v4 =	vld [tilespmem:s9+$0x20]  }
0x3af: {  	[tilespmem:s9+$0xFFFFFFB0] =	vst v1;
	v1 =	vmul.f32 $8.000000000e+00, v2;
	v2 =	vld [tilespmem:s9+$0x30]  }
0x3b0: {  	[tilespmem:s9+$0xFFFFFFC0] =	vst v0;
	v0 =	vmul.f32 $8.000000000e+00, v3;
	v3 =	vld [tilespmem:s9+$0x40]  }
0x3b1: {  	[tilespmem:s9+$0xFFFFFFD0] =	vst v1;
	v1 =	vmul.f32 $8.000000000e+00, v6;
	v6 =	vld [tilespmem:s9+$0x50]  }
0x3b2: {  	[tilespmem:s9+$0xFFFFFFE0] =	vst v0;
	v0 =	vmul.f32 $8.000000000e+00, v5;
	v5 =	vld [tilespmem:s9+$0x60]  }
0x3b3: {  	[tilespmem:s9+$0x0] =	vst v1;
	v1 =	vmul.f32 $8.000000000e+00, v4;
	v4 =	vld [tilespmem:s9+$0x70]  }
0x3b4: {  	[tilespmem:s9+$0x10] =	vst v0;
	v0 =	vmul.f32 $8.000000000e+00, v2;
	v2 =	vld [tilespmem:s9+$0x80]  }
0x3b5: {  	[tilespmem:s9+$0x20] =	vst v1;
	v1 =	vmul.f32 $8.000000000e+00, v3;
	v3 =	vld [tilespmem:s9+$0x90]  }
0x3b6: {  	s8 =	sadd.s32 $0x8, s8;
	[tilespmem:s9+$0x30] =	vst v0;
	v0 =	vmul.f32 $8.000000000e+00, v6;
	v6 =	vld [tilespmem:s9+$0xA0]  }
0x3b7: {  	p0 =	slt.u32 s8, $0x138;
	[tilespmem:s9+$0x40] =	vst v1;
	v1 =	vmul.f32 $8.000000000e+00, v5;
	v7 =	vld [tilespmem:s9+$0xB0]  }
.Ltmp12:
0x3b8: {  	[tilespmem:s9+$0x50] =	vst v0;
	v4 =	vmul.f32 $8.000000000e+00, v4;
	v0 =	vld [tilespmem:s9+$0xC0];
	(pc) =	sbr.rel @p0 .LBB2_26-.Ltmp12, $4  }
0x3b9: {  	[tilespmem:s9+$0x60] =	vst v1;
	v5 =	vmul.f32 $8.000000000e+00, v2;
	v1 =	vld [tilespmem:s9+$0xD0]  }
0x3ba: {  	[tilespmem:s9+$0x70] =	vst v4;
	v8 =	vmul.f32 $8.000000000e+00, v3;
	v2 =	vld [tilespmem:s9+$0xE0]  }
0x3bb: {  	[tilespmem:s9+$0x80] =	vst v5;
	v5 =	vmul.f32 $8.000000000e+00, v6;
	v3 =	vld [tilespmem:s9+$0xF0]  }
0x3bc: {  	s9 =	sadd.s32 $0x200, s9;
	v4 =	vld [tilespmem:s6+$0xFFFFFFF0];
	[tilespmem:s6+$0x90] =	vst v8;
	v6 =	vmul.f32 $8.000000000e+00, v7  }
0x3bd: {  	[tilespmem:s6+$0xA0] =	vst v5;
	v0 =	vmul.f32 $8.000000000e+00, v0  }
0x3be: {  	[tilespmem:s6+$0xB0] =	vst v6;
	v1 =	vmul.f32 $8.000000000e+00, v1  }
0x3bf: {  	[tilespmem:s6+$0xC0] =	vst v0;
	v61 =	vmul.f32 $8.000000000e+00, v2  }
0x3c0: {  	[tilespmem:s6+$0xD0] =	vst v1;
	v62 =	vmul.f32 $8.000000000e+00, v3  }
0x3c1: {  	v63 =	vmul.f32 $8.000000000e+00, v4;
	[tilespmem:s6+$0xE0] =	vst v61  }
0x3c2: {  	[tilespmem:s6+$0xF0] =	vst v62  }
0x3c3: {  	[tilespmem:s6+$0xFFFFFFF0] =	vst v63  }
0x3c4: {  	[hbm4b:s15+s22] =	stream.strided.scatter [tilespmem:s29], [sflag:$0x8], $0x5000, s23, s22, $0x38;
	[tilespmem:$0x1A400] =	vst v63  }
0x3c5: {  	_ =	swait.ge [sflag:s31], $0x5000  }
0x3c6: {  	[sflag:s31] =	ssyncset.done $0x0  }
0x3c7: {  	[sflag:s31] =	ssyncadd.s32 $0xFFFFB000  }
0x3c8: {  	_ =	swait.ge [sflag:s24], $0x5000  }
0x3c9: {  	[sflag:s24] =	ssyncset.done $0x0  }
0x3ca: {  	s2 =	sadd.s32 $0x1, s2;
	[sflag:s24] =	ssyncadd.s32 $0xFFFFB000  }
0x3cb: {  	p0 =	sne.s32 s2, s16;
	_ =	swait.ge [sflag:s1], $0x5000  }
.Ltmp13:
0x3cc: {  	[sflag:s1] =	ssyncset.done $0x0;
	(pc) =	sbr.rel @p0 .LBB2_1-.Ltmp13, $4  }
0x3cd: {  	[sflag:s1] =	ssyncadd.s32 $0xFFFFB000  }
0x3ce: {  	_ =	swait.ge [sflag:s28], $0x5000  }
0x3cf: {  	[sflag:s28] =	ssyncset.done $0x0  }
0x3d0: {  	[sflag:s28] =	ssyncadd.s32 $0xFFFFB000  }
0x3d1: {  	_ =	sfence.sel $0x180000  }
0x3d2: {  	[bflag:$0x0] =	sbarrier.arrive $0xFFFF  }
0x3d3: {  	_ =	strace $0x90000047  }
0x3d4: {  	s0 =	stileid.u32;
	[bflag:$0x2] =	sbarrier.arrive $0xFFFF  }
0x3d5: {  	p0 =	sne.s32 s0, $0x0;
	s0 =	rddreg [dreg:$0x2]  }
0x3d6: {  	s0 =	sadd.s32 @!p0 $0x100000, s0  }
0x3d7: {  	[sflag:s0] =	ssyncadd.tile.s32 @!p0 $0x1;
	_ =	shalt  }
.Lfunc_end2:
_tile_overlayer_lowered:
.L_overlay_start_2:
0x3d8: {  	(tag) =	ssettag $0x2  }
0x3d9: {  	s0 =	rddreg [dreg:$0x0];
	s2 =	stileid.u32  }
0x3da: {  	s1 =	rddreg [dreg:$0x1];
	p0 =	sne.s32 s2, $0x0  }
0x3db: {  	s3 =	rddreg [dreg:$0x2];
	[bflag:$0x3] =	sbarrier.arrive $0xFFFF;
	s2 =	simm.s32 @!p0 $0x1C09  }
0x3dc: {  	[timem:s3], [sflag:s2] =	dma.local @!p0 [hbm:s0], s1  }
0x3dd: {  	s0 =	simm.s32 @!p0 $0x9  }
0x3de: {  	_ =	swait.ge @!p0 [sflag:s0], s1  }
0x3df: {  	s1 =	ssub.s32 @!p0 $0x0, s1;
	[sflag:s0] =	ssyncset.done @!p0 $0x0  }
0x3e0: {  	[sflag:s0] =	ssyncadd.s32 @!p0 s1  }
0x3e1: {  	[bflag:$0x3] =	sbarrier.arrive $0xFFFF  }
0x3e2: {  	_ =	shalt  }

// kernel: sparse-core-data-format-call.cloned.1.call-start
scs
called_computation_lowered:
.L_overlay_start_0:
0x0: {  	s2 =	sld [smem:$0x3FD9]  }
0x1: {  	s3 =	sld [smem:$0x3FFE];
	_ =	sdelay $0x1  }
0x2: {  	s1 =	srdreg.scid  }
0x3: {  	s0 =	sand.u32 $0x1, s1  }
0x4: {  	s18 =	sshll.u32 s0, $0xA;
	s2 =	sadd.s32 s3, s2  }
0x5: {  	s2 =	sadd.s32 s2, s18  }
0x6: {  	[smem:$0x3FC6] =	sst s2  }
0x7: {  	_ = 	snop  }
0x8: {  	s2 =	sld [smem:$0x3FD0];
	(tm) =	ssettm $0x1  }
0x9: {  	s19 =	sld [smem:$0x3FFB];
	_ =	sdelay $0x3  }
0xa: {  	_ =	strace s19  }
0xb: {  	s3 =	sld [smem:$0x3FFC];
	_ =	sdelay $0x3  }
0xc: {  	_ =	strace s3  }
0xd: {  	s3 =	sld [smem:$0x3FFD];
	_ =	sdelay $0x3  }
0xe: {  	_ =	strace s3  }
0xf: {  	_ =	strace $0x8FFFFFFF  }
0x10: {  	s20 =	sld [smem:$0x3FDB];
	_ =	sdelay $0x1  }
0x11: {  	s4 =	simm.s32 $_scs_section_size  }
0x12: {  	s5 =	simm.s32 $_size__tile_overlayer_lowered;
	s6 =	simm.s32 $_tile_overlayer_lowered  }
0x13: {  	s23 =	simm.s32 $0x1BFF;
	s22 =	sshll.u32 s6, $0x1;
	s3 =	sadd.s32 s4, s20  }
0x14: {  	s7 =	simm.s32 $0x0;
	s21 =	sshll.u32 s5, $0x1;
	s5 =	sadd.s32 s22, s3  }
0x15: {  	[timem:s7], [sflag:s23] =	dma.local [hbm:s5], s21  }
0x16: {  	_ =	swait.ge [sflag:s23], s21  }
0x17: {  	s4 =	ssub.s32 $0x0, s21;
	[sflag:s23] =	ssyncset.done $0x0  }
0x18: {  	[sflag:s23] =	ssyncadd.s32 s4;
	_ =	sdelay $0x1  }
0x19: {  	s24 =	simm.s32 $0x1B8B  }
0x1a: {  	_ =	swait.ge [sflag:s24], $0x1  }
0x1b: {  	[sflag:s24] =	ssyncset.done $0x0  }
0x1c: {  	s26 =	simm.s32 $0x1B8E;
	s25 =	sld [smem:$0x3FFE];
	[sflag:s24] =	ssyncadd.s32 $0xFFFFFFFF  }
0x1d: {  	s27 =	simm.s32 $execute0_lowered;
	[smem:$0x3FD2] =	sst s26  }
0x1e: {  	s5 =	sshll.u32 s27, $0x1;
	_ =	strace $0x80000049;
	[dreg:$0x1] =	wrdreg $0xFFFFFFFF  }
0x1f: {  	s28 =	simm.s32 $_size_execute0_lowered;
	s3 =	sadd.s32 s3, s5;
	[dreg:$0x0] =	wrdreg $0x0  }
0x20: {  	s5 =	sshll.u32 s28, $0x1;
	[dreg:$0x2] =	wrdreg s3  }
0x21: {  	[dreg:$0x3] =	wrdreg s5  }
0x22: {  	[dreg:$0x4] =	wrdreg $0xC0  }
0x23: {  	_ =	task [dreg:s7], $0x5FFFF  }
0x24: {  	[dreg:$0x1] =	wrdreg $0xFFFFFFFF  }
0x25: {  	[dreg:$0x0] =	wrdreg $0x60  }
0x26: {  	[dreg:$0x2] =	wrdreg s25  }
0x27: {  	[dreg:$0x3] =	wrdreg s2  }
0x28: {  	[dreg:$0x4] =	wrdreg $0x9  }
0x29: {  	_ =	task.clear_ibuf [dreg:s7], $0x5FFFF;
	_ =	strace $0x90000049  }
0x2a: {  	s29 =	simm.s32 $0x9;
	_ =	strace $0x8000004B  }
0x2b: {  	_ =	swait.ge [sflag:s29], $0x1  }
0x2c: {  	[sflag:s29] =	ssyncadd.s32 $0xFFFFFFFF  }
0x2d: {  	_ =	strace $0x9000004B  }
0x2e: {  	_ =	sfence  }
0x2f: {  	s30 =	sld [smem:$0x0];
	_ =	sdelay $0x2  }
0x30: {  	s31 =	sshll.u32 s1, $0xD;
	s1 =	sshrl.u32 s1, $0x2  }
0x31: {  	s3 =	sand.u32 $0x4000, s31;
	s1 =	sadd.s32 s1, s30  }
0x32: {  	s0 =	sor.u32 s3, s0;
	s1 =	sshll.u32 s1, $0x11  }
0x33: {  	s0 =	sor.u32 s1, s0  }
0x34: {  	s0 =	sadd.s32 $0x8F2B, s0  }
0x35: {  	[sflag:s0] =	ssyncadd.remote.s32 $0x1  }
0x36: {  	_ =	sfence.sel $0xFFFF  }
0x37: {  	[dreg:$0x0] =	wrdreg $0xFFFFFFFF;
	(pc) =	sbr.abs _section_cstart, $3  }
0x38: {  	[dreg:$0x1] =	wrdreg $0xFFFFFFFF  }
0x39: {  	_ =	task.clear_ibuf [dreg:s7], $0x2FFFF;
	_ =	strace $0x9FFFFFFF  }
0x3a: {  	(tm) =	ssettm $0x7FFFFFFF  }
0x3b: {  	_ =	shalt  }
tec
execute0_lowered:
.L_overlay_start_1:
0x0: {  	(tag) =	ssettag $0x1  }
0x1: {  	s0 =	srdreg.scid  }
0x2: {  	s1 =	sshll.u32 s0, $0x4  }
0x3: {  	s0 =	stileid.u32;
	s1 =	sand.u32 $0x10, s1  }
0x4: {  	s1 =	sor.u32 s0, s1  }
0x5: {  	s6 =	rddreg [dreg:$0x0];
	s4 =	simm.s32 $0x1;
	s2 =	sshll.u32 s1, $0x7  }
0x6: {  	s7 =	simm.s32 $0x2;
	s12 =	simm.s32 $0x0;
	s1 =	ssub.s32 $0x1000, s2  }
0x7: {  	s8 =	simm.s32 $0x8000;
	s13 =	simm.s32 $0x0;
	s3 =	sand.u32 $0xF80, s1  }
0x8: {  	s9 =	simm.s32 $0x0;
	s5 =	sshrl.u32 s1, $0xC;
	p0 =	sne.s32 s3, $0x0  }
.Ltmp0:
0x9: {  	s1 =	rddreg [dreg:$0x2];
	s4 =	simm.s32 @!p0 $0x0;
	(pc) =	sbr.rel .LBB1_1-.Ltmp0, $4  }
0xa: {  	s11 =	simm.s32 $0x0;
	s3 =	rddreg [dreg:$0x1];
	s5 =	sadd.s32 s4, s5  }
0xb: {  	_ =	strace $0x8000004A;
	s4 =	simm.s32 $0x1;
	s5 =	smul.u32 $0xC8, s5  }
0xc: {  	s6 =	sadd.s32 $0xA00, s6;
	s10 =	smov.u32 s2;
	[sflag:s4] =	ssyncpa.u1 $0x0  }
0xd: {  	p0 =	por $0x0, $0x0;
	[sflag:s7] =	ssyncpa.u1 $0x0;
	s7 =	sor.u32 $0x1, s5  }
.LBB1_4:
0xe: {  	s16 =	sshll.u32 s13, $0x3;
	s17 =	sand.u32 $0x78, s13  }
0xf: {  	s30 =	sand.u32 $0x7E00, s13;
	s12 =	sshll.u32 s12, $0xF;
	s16 =	sand.u32 $0xC00, s16  }
0x10: {  	[tilespmem:s15+$0x810 ss:$0x81] =	vst.msk $0xffff, v2;
	s31 =	sand.u32 $0x7, s13;
	s16 =	sor.u32 s17, s16;
	s17 =	sadd.s32 s3, s30  }
0x11: {  	[tilespmem:s15+$0x1020 ss:$0x81] =	vst.msk $0xffff, v0;
	s13 =	sshll.u32 s31, $0x12;
	s12 =	sadd.s32 s12, s17;
	s16 =	sshrl.u32 s16, $0x3  }
0x12: {  	[tilespmem:s15+$0x0 ss:$0x81] =	vst.msk $0xffff, v1;
	s13 =	sor.u32 $0x400, s13;
	s12 =	sadd.s32 s16, s12  }
0x13: {  	[hbm4b:s12+s13] =	stream.strided.scatter [tilespmem:s14], [sflag:$0x2], $0x2000, s8, s13, $0x20;
	[tilespmem:$0x8080] =	vst v63  }
.LBB1_5:
0x14: {  	s14 =	sadd.s32 $0x1, s9  }
0x15: {  	s12 =	sadd.s32 $0x1000, s10;
	s16 =	smov.u32 s10;
	p2 =	sgt.s32 s14, $0xC7  }
0x16: {  	s16 =	smov.u32 @p2 s12  }
0x17: {  	s14 =	simm.s32 @p2 $0x0;
	p2 =	sgt.s32 s16, $0xFFF  }
0x18: {  	s16 =	smov.u32 @p2 s2;
	p2 =	sne.s32 s11, s7  }
.Ltmp1:
0x19: {  	p1 =	slt.u32 s11, $0x2;
	(pc) =	sbr.rel @!p2 .LBB1_6-.Ltmp1, $4  }
0x1a: {  	s15 =	simm.s32 @!p1 $0x2  }
0x1b: {  	s13 =	smov.u32 s10;
	p0 =	por !p0, !p0;
	_ =	swait.ge @!p1 [sflag:s15], $0x2000  }
0x1c: {  	s12 =	smov.u32 s9;
	[sflag:s15] =	ssyncset.done @!p1 $0x0;
	s9 =	smov.u32 s14  }
0x1d: {  	s11 =	sadd.s32 $0x1, s11;
	[sflag:s15] =	ssyncadd.s32 @!p1 $0xFFFFE000;
	s10 =	smov.u32 s16  }
.LBB1_1:
0x1e: {  	p1 =	sge.u32 s11, s5  }
0x1f: {  	s14 =	sand.u32 @!p1 $0x1FFFFFF, s9  }
0x20: {  	s15 =	smulhi.u32 @!p1 $0x147AE15, s14;
	_ =	sdelay $0x1  }
0x21: {  	s15 =	smul.u32 @!p1 $0xC8, s15  }
0x22: {  	s16 =	sxor.u32 @!p1 $0xFFFFFFFF, s11;
	s17 =	smul.u32 @!p1 $0xC80, s10  }
0x23: {  	s31 =	sadd.s32 $0xFFFFFFFF, s11;
	s16 =	sshll.u32 @!p1 s16, $0xD;
	s14 =	ssub.s32 @!p1 s14, s15  }
0x24: {  	s15 =	sand.u32 @!p1 $0x2000, s16;
	s16 =	sadd.s32 @!p1 s6, s17;
	s14 =	sshll.u32 @!p1 s14, $0x4  }
0x25: {  	s17 =	simm.s32 @!p1 $0x6400;
	s14 =	sadd.s32 @!p1 s14, s16;
	s16 =	simm.s32 @!p1 $0x40  }
0x26: {  	[tilespmem:s15], [sflag:$0x1] =	stream.strided.gather @!p1 [hbm4b:s14+s16], $0x2000, s17, s16, $0x38;
	[tilespmem:$0x8080] =	vst v63  }
0x27: {  	p1 =	sge.u32 s31, s5  }
.Ltmp2:
0x28: {  	_ = 	snop;
	(pc) =	sbr.rel @p1 .LBB1_5-.Ltmp2, $1  }
0x29: {  	_ =	sdelay $0x3  }
0x2a: {  	s14 =	simm.s32 $0x1  }
0x2b: {  	_ =	swait.ge [sflag:s4], $0x2000;
	s14 =	simm.s32 @!p0 $0x0  }
0x2c: {  	[sflag:s4] =	ssyncset.done $0x0;
	s15 =	sshll.u32 s14, $0xD  }
0x2d: {  	[sflag:s4] =	ssyncadd.s32 $0xFFFFE000;
	s18 =	sor.u32 $0x20, s15  }
0x2e: {  	s14 =	smul.u32 $0x8100, s14;
	v3 =	vld [tilespmem:s18+$0x10]  }
0x2f: {  	s30 =	sand.u32 $0x1, s11;
	v2 =	vld [tilespmem:s18+$0xFFFFFFF0]  }
0x30: {  	s15 =	smul.u32 $0x8100, s30;
	s14 =	sshrl.u32 s14, $0x2;
	v0 =	vld [tilespmem:s18+$0x0]  }
0x31: {  	v1 =	vld [tilespmem:s18+$0xFFFFFFE0];
	s16 =	sor.u32 $0x4000, s14  }
0x32: {  	s31 =	sshrl.u32 s15, $0x2;
	s15 =	sadd.s32 $0x0, s16  }
0x33: {  	s17 =	simm.s32 $0x4;
	s18 =	sadd.s32 $0x40, s18;
	s14 =	sor.u32 $0x4000, s31;
	[tilespmem:s15+$0x1830 ss:$0x81] =	vst.msk $0xffff, v3  }
.LBB1_3:
0x34: {  	v3 =	vld [tilespmem:s18+$0x10];
	p1 =	sne.s32 s17, $0x1FC;
	[tilespmem:s15+$0x810 ss:$0x81] =	vst.msk $0xffff, v2;
	s19 =	smov.u32 s17;
	s17 =	sadd.s32 $0x4, s17  }
.Ltmp3:
0x35: {  	v2 =	vld [tilespmem:s18+$0xFFFFFFF0];
	[tilespmem:s15+$0x1020 ss:$0x81] =	vst.msk $0xffff, v0;
	(pc) =	sbr.rel @p1 .LBB1_3-.Ltmp3, $4  }
0x36: {  	v0 =	vld [tilespmem:s18+$0x0];
	[tilespmem:s15+$0x0 ss:$0x81] =	vst.msk $0xffff, v1  }
0x37: {  	s15 =	sshra.s32 s19, $0x2;
	v1 =	vld [tilespmem:s18+$0xFFFFFFE0]  }
0x38: {  	s15 =	sadd.s32 s15, s16  }
0x39: {  	s18 =	sadd.s32 $0x40, s18;
	[tilespmem:s15+$0x1830 ss:$0x81] =	vst.msk $0xffff, v3  }
.Ltmp4:
0x3a: {  	_ = 	snop;
	(pc) =	sbr.rel .LBB1_4-.Ltmp4, $1  }
0x3b: {  	_ =	sdelay $0x3  }
.LBB1_6:
0x3c: {  	_ =	sfence.sel $0x180000  }
0x3d: {  	s2 =	simm.s32 $0x1;
	[bflag:$0x0] =	sbarrier.arrive $0xFFFF  }
0x3e: {  	s31 =	simm.s32 $0x2;
	[sflag:s2] =	ssyncpa.u1 $0x1  }
0x3f: {  	[sflag:s31] =	ssyncpa.u1 $0x1  }
0x40: {  	p0 =	sne.s32 s0, $0x0;
	_ =	strace $0x9000004A  }
0x41: {  	s0 =	sadd.s32 @!p0 $0x100000, s1;
	[bflag:$0x2] =	sbarrier.arrive $0xFFFF  }
0x42: {  	[sflag:s0] =	ssyncadd.tile.s32 @!p0 $0x1;
	_ =	shalt  }
.Lfunc_end1:
_tile_overlayer_lowered:
.L_overlay_start_2:
0x43: {  	(tag) =	ssettag $0x2  }
0x44: {  	s0 =	rddreg [dreg:$0x0];
	s2 =	stileid.u32  }
0x45: {  	s1 =	rddreg [dreg:$0x1];
	p0 =	sne.s32 s2, $0x0  }
0x46: {  	s3 =	rddreg [dreg:$0x2];
	[bflag:$0x3] =	sbarrier.arrive $0xFFFF;
	s2 =	simm.s32 @!p0 $0x1C01  }
0x47: {  	[timem:s3], [sflag:s2] =	dma.local @!p0 [hbm:s0], s1  }
0x48: {  	s0 =	simm.s32 @!p0 $0x1  }
0x49: {  	_ =	swait.ge @!p0 [sflag:s0], s1  }
0x4a: {  	s1 =	ssub.s32 @!p0 $0x0, s1;
	[sflag:s0] =	ssyncset.done @!p0 $0x0  }
0x4b: {  	[sflag:s0] =	ssyncadd.s32 @!p0 s1  }
0x4c: {  	[bflag:$0x3] =	sbarrier.arrive $0xFFFF  }
0x4d: {  	_ =	shalt  }

</sc_bundles>
